<compile_context>
chip_gen: v7x
topology: tpu7x:2x2x1
jax: 0.10.2.dev20260603
libtpu: 0.0.44.dev20260713+nightly
codegen_flags: <defaults>
</compile_context>

<pallas_src>
import functools

import jax
import jax.numpy as jnp
from jax import lax
from jax.experimental import pallas as pl
from jax.experimental.pallas import tpu as pltpu
from jax.experimental.pallas import tpu_sc as plsc

E = 8
N = 4096
D = 1024
P = 4

BA = 2048
BC = 256


def _logits_body(x_ref, w_ref, b_ref, perm_ref, lt_ref, permw_ref):
    lt = lax.dot_general(
        w_ref[...], x_ref[...],
        dimension_numbers=(((1,), (1,)), ((), ())),
        preferred_element_type=jnp.float32,
    )
    lt_ref[...] = lt + b_ref[...]
    permw_ref[...] = jnp.mean(perm_ref[...], axis=0)


def _gate_sc_body(lt_hbm, gates_hbm, lg_v, gates_v):
    info = plsc.get_sparse_core_info()
    nc, ns, nl = info.num_cores, info.num_subcores, info.num_lanes
    tpw = N // (nc * ns)
    wid = lax.axis_index("s") * nc + lax.axis_index("c")
    base = wid * tpw
    pltpu.sync_copy(lt_hbm.at[:, pl.ds(base, tpw)], lg_v)
    lane = lax.iota(jnp.int32, nl)
    for g in range(tpw // nl):
        l = [lg_v[e, pl.ds(g * nl, nl)] for e in range(E)]
        best = l[0]
        i1 = jnp.zeros((nl,), jnp.int32)
        for e in range(1, E):
            c = l[e] > best
            best = jnp.where(c, l[e], best)
            i1 = jnp.where(c, e, i1)
        best2 = jnp.full((nl,), -jnp.inf, jnp.float32)
        i2 = jnp.zeros((nl,), jnp.int32)
        for e in range(E):
            c = (i1 != e) & (l[e] > best2)
            best2 = jnp.where(c, l[e], best2)
            i2 = jnp.where(c, e, i2)
        p = []
        for e in range(E):
            sel = ((i1 == e) | (i2 == e)) & (l[e] != 0.0)
            p.append(jnp.where(sel, jnp.exp(l[e] - best), 0.0))
        denom = p[0]
        for e in range(1, E):
            denom = denom + p[e]
        inv = 1.0 / denom
        for e in range(E):
            gates_v[e, pl.ds(g * nl, nl)] = p[e] * inv
    pltpu.sync_copy(gates_v, gates_hbm.at[:, pl.ds(base, tpw)])


def _combine_body(gates_ref, h_ref, permw_ref, y_ref, soft_ref, hard_ref):
    pid = pl.program_id(0)
    nblk = pl.num_programs(0)
    g = jnp.transpose(gates_ref[...])
    gp = lax.dot_general(
        g, permw_ref[...],
        dimension_numbers=(((1,), (0,)), ((), ())),
        preferred_element_type=jnp.float32,
    )
    gpn = gp / jnp.sum(gp, axis=1, keepdims=True)
    acc = gpn[:, 0:1] * h_ref[0]
    for e in range(1, E):
        acc = acc + gpn[:, e:e + 1] * h_ref[e]
    y_ref[...] = acc
    psoft = jnp.sum(gpn, axis=0, keepdims=True)
    phard = jnp.sum(jnp.where(gpn < 1e-5, 0.0, 1.0), axis=0, keepdims=True)

    @pl.when(pid == 0)
    def _init():
        soft_ref[...] = psoft
        hard_ref[...] = phard

    @pl.when(pid != 0)
    def _acc():
        soft_ref[...] += psoft
        hard_ref[...] += phard

    @pl.when(pid == nblk - 1)
    def _fin():
        soft_ref[...] = soft_ref[...] * (1.0 / N)
        hard_ref[...] = hard_ref[...] * (1.0 / N)


def kernel(h, x, permutation_weights, W, b):
    b2 = b.reshape(E, 1)

    logits_t, permw = pl.pallas_call(
        _logits_body,
        grid=(N // BA,),
        in_specs=[
            pl.BlockSpec((BA, D), lambda i: (i, 0)),
            pl.BlockSpec((E, D), lambda i: (0, 0)),
            pl.BlockSpec((E, 1), lambda i: (0, 0)),
            pl.BlockSpec((P, E, E), lambda i: (0, 0, 0)),
        ],
        out_specs=[
            pl.BlockSpec((E, BA), lambda i: (0, i)),
            pl.BlockSpec((E, E), lambda i: (0, 0)),
        ],
        out_shape=[
            jax.ShapeDtypeStruct((E, N), jnp.float32),
            jax.ShapeDtypeStruct((E, E), jnp.float32),
        ],
    )(x, W, b2, permutation_weights)

    info = plsc.get_sparse_core_info()
    tpw = N // (info.num_cores * info.num_subcores)
    gates = pl.kernel(
        _gate_sc_body,
        out_type=jax.ShapeDtypeStruct((E, N), jnp.float32),
        mesh=plsc.VectorSubcoreMesh(core_axis_name="c", subcore_axis_name="s"),
        scratch_types=[
            pltpu.VMEM((E, tpw), jnp.float32),
            pltpu.VMEM((E, tpw), jnp.float32),
        ],
    )(logits_t)

    y, soft, hard = pl.pallas_call(
        _combine_body,
        grid=(N // BC,),
        in_specs=[
            pl.BlockSpec((E, BC), lambda i: (0, i)),
            pl.BlockSpec((E, BC, D), lambda i: (0, i, 0)),
            pl.BlockSpec((E, E), lambda i: (0, 0)),
        ],
        out_specs=[
            pl.BlockSpec((BC, D), lambda i: (i, 0)),
            pl.BlockSpec((1, E), lambda i: (0, 0)),
            pl.BlockSpec((1, E), lambda i: (0, 0)),
        ],
        out_shape=[
            jax.ShapeDtypeStruct((N, D), jnp.float32),
            jax.ShapeDtypeStruct((1, E), jnp.float32),
            jax.ShapeDtypeStruct((1, E), jnp.float32),
        ],
    )(gates, h, permw)

    return (y, soft.reshape(E, 1), hard.reshape(E, 1))

# --- scband reference (transcript-rebuilt; emitter-appended) ---
"""Pipeline reference for scband-top-ksoftmax-gate-89008902242849 (READ-ONLY COPY).

The authoritative reference and input builder live on the scoring server;
editing this copy changes nothing except your own understanding.
"""

import jax, jax.numpy as jnp
import numpy as np

E = 8
N = 4096
D = 1024
K = 2
P = 4


def setup_inputs(seed: int = 0) -> dict:
    key = jax.random.key(seed)
    k1, k2, k3, k4, k5 = jax.random.split(key, 5)
    return {
        "h": jax.random.normal(k1, (E, N, D), dtype=jnp.float32),
        "x": jax.random.normal(k2, (N, D), dtype=jnp.float32),
        "permutation_weights": jax.random.uniform(k3, (P, E, E), dtype=jnp.float32),
        "W": jax.random.normal(k4, (E, D), dtype=jnp.float32) * 0.02,
        "b": jnp.zeros((E,), dtype=jnp.float32),
    }


def reference(h, x, permutation_weights, W, b):
    # h: stacked list of per-expert outputs [E, N, D]
    # original: h = [expand_dims(t,-1) for t in h]; concat axis=2 -> [N, D, E]
    h_cat = jnp.transpose(h, (1, 2, 0))  # [N, D, E]

    # expert_weights = x @ W^T + bias -> [N, E]
    logits = jnp.matmul(x, W.T) + b[None, :]

    # top-k per row, scatter back to dense [N, E]
    vals, idx = jax.lax.top_k(logits, K)
    rows = jnp.arange(logits.shape[0])[:, None]
    topk_scattered = jnp.zeros_like(logits).at[rows, idx].set(vals)

    # mask zeros with -inf, softmax over experts
    masked = jnp.where(topk_scattered == 0.0, -jnp.inf * jnp.ones_like(topk_scattered), topk_scattered)
    softmaxes = jax.nn.softmax(masked, axis=1)[..., None]  # [N, E, 1]

    # permutation: mean over leading axis -> [E, E]
    permW = jnp.mean(permutation_weights, axis=0)
    softmaxes_permuted = jnp.einsum('bik,ij->bjk', softmaxes, permW)
    softmaxes_permuted = softmaxes_permuted / jnp.sum(softmaxes_permuted, axis=1, keepdims=True)

    # y = h_cat @ gates -> [N, D]
    y = jnp.matmul(h_cat, softmaxes_permuted).reshape(-1, h_cat.shape[1])

    s_concat = jnp.where(softmaxes_permuted < 1e-05,
                         jnp.ones_like(softmaxes_permuted),
                         jnp.zeros_like(softmaxes_permuted))
    soft_averages = jnp.mean(softmaxes_permuted, axis=0)  # [E, 1]
    hard_averages = jnp.mean(jnp.ones_like(s_concat) - s_concat, axis=0)  # [E, 1]
    return (y, soft_averages, hard_averages)

if __name__ == "__main__":
    import jax
    _d = setup_inputs()
    print(jax.jit(kernel)(*tuple(_d.values())))

</pallas_src>

<mosaic_0001>
#map = affine_map<(d0, d1) -> (0, 0)>
module attributes {stable_mosaic.version = 14 : i64} {
  func.func @_gate_sc_body(%arg0: i32, %arg1: i32, %arg2: memref<8x4096xf32, #tpu.memory_space<hbm>>, %arg3: memref<8x4096xf32, #tpu.memory_space<hbm>>, %arg4: memref<8x128xf32, #tpu.memory_space<vmem>>, %arg5: memref<8x128xf32, #tpu.memory_space<vmem>>) attributes {dimension_semantics = [#tpu.dimension_semantics<core_parallel>, #tpu.dimension_semantics<subcore_parallel>], iteration_bounds = array<i64: 2, 16>, scalar_prefetch = 0 : i64, scratch_operands = 2 : i64, tpu.core_type = #tpu.core_type<sc_vector_subcore>, window_params = [{transform_indices = #map}, {transform_indices = #map}]} {
    %mul3A = arith.constant 2 : i32
    %mul3A_0 = arith.muli %arg1, %mul3A : i32
    %add3A = arith.addi %mul3A_0, %arg0 : i32
    %mul3A_1 = arith.constant 128 : i32
    %mul3A_2 = arith.muli %add3A, %mul3A_1 : i32
    "tpu.region"() ({
      %run_scoped3A = tpu.sem_alloc : memref<!tpu.dma_semaphore, #tpu.memory_space<semaphore_mem>>
      %dma_start3A = arith.constant 0 : i32
      %dma_start3A_2766 = tpu.memref_slice %arg2[%dma_start3A, %mul3A_2] : memref<8x4096xf32, #tpu.memory_space<hbm>> -> memref<8x128xf32, #tpu.memory_space<hbm>>
      %dma_start3A_2767 = arith.constant 0 : i32
      %dma_start3A_2768 = tpu.memref_slice %arg2[%dma_start3A_2767, %mul3A_2] : memref<8x4096xf32, #tpu.memory_space<hbm>> -> memref<8x128xf32, #tpu.memory_space<hbm>>
      tpu.enqueue_dma source(%dma_start3A_2768 : memref<8x128xf32, #tpu.memory_space<hbm>>) target(%arg4 : memref<8x128xf32, #tpu.memory_space<vmem>>) target_semaphore(%run_scoped3A : memref<!tpu.dma_semaphore, #tpu.memory_space<semaphore_mem>>)
      %dma_wait3A = arith.constant 0 : i32
      %dma_wait3A_2769 = tpu.memref_slice %arg2[%dma_wait3A, %mul3A_2] : memref<8x4096xf32, #tpu.memory_space<hbm>> -> memref<8x128xf32, #tpu.memory_space<hbm>>
      %dma_wait3A_2770 = arith.constant 0 : i32
      %dma_wait3A_2771 = tpu.memref_slice %arg2[%dma_wait3A_2770, %mul3A_2] : memref<8x4096xf32, #tpu.memory_space<hbm>> -> memref<8x128xf32, #tpu.memory_space<hbm>>
      tpu.wait_dma2 semaphore(%run_scoped3A : memref<!tpu.dma_semaphore, #tpu.memory_space<semaphore_mem>>) src(%dma_wait3A_2771 : memref<8x128xf32, #tpu.memory_space<hbm>>) dst(%arg4 : memref<8x128xf32, #tpu.memory_space<vmem>>)
      tpu.yield
    }) : () -> ()
    %iota3A = tpu.iota {dimensions = array<i32: 0>} : vector<16xi32>
    %get3A = arith.constant 0 : i32
    %get3A_3 = arith.index_cast %get3A : i32 to index
    %get3A_4 = arith.constant 0 : index
    %get3A_5 = tpu.vector_load %arg4[%get3A_3, %get3A_4] {strides = array<i32>} : memref<8x128xf32, #tpu.memory_space<vmem>>, vector<1x16xf32>,
    %get3A_6 = vector.shape_cast %get3A_5 : vector<1x16xf32> to vector<16xf32>
    %get3A_7 = arith.constant 1 : i32
    %get3A_8 = arith.index_cast %get3A_7 : i32 to index
    %get3A_9 = arith.constant 0 : index
    %get3A_10 = tpu.vector_load %arg4[%get3A_8, %get3A_9] {strides = array<i32>} : memref<8x128xf32, #tpu.memory_space<vmem>>, vector<1x16xf32>,
    %get3A_11 = vector.shape_cast %get3A_10 : vector<1x16xf32> to vector<16xf32>
    %get3A_12 = arith.constant 2 : i32
    %get3A_13 = arith.index_cast %get3A_12 : i32 to index
    %get3A_14 = arith.constant 0 : index
    %get3A_15 = tpu.vector_load %arg4[%get3A_13, %get3A_14] {strides = array<i32>} : memref<8x128xf32, #tpu.memory_space<vmem>>, vector<1x16xf32>,
    %get3A_16 = vector.shape_cast %get3A_15 : vector<1x16xf32> to vector<16xf32>
    %get3A_17 = arith.constant 3 : i32
    %get3A_18 = arith.index_cast %get3A_17 : i32 to index
    %get3A_19 = arith.constant 0 : index
    %get3A_20 = tpu.vector_load %arg4[%get3A_18, %get3A_19] {strides = array<i32>} : memref<8x128xf32, #tpu.memory_space<vmem>>, vector<1x16xf32>,
    %get3A_21 = vector.shape_cast %get3A_20 : vector<1x16xf32> to vector<16xf32>
    %get3A_22 = arith.constant 4 : i32
    %get3A_23 = arith.index_cast %get3A_22 : i32 to index
    %get3A_24 = arith.constant 0 : index
    %get3A_25 = tpu.vector_load %arg4[%get3A_23, %get3A_24] {strides = array<i32>} : memref<8x128xf32, #tpu.memory_space<vmem>>, vector<1x16xf32>,
    %get3A_26 = vector.shape_cast %get3A_25 : vector<1x16xf32> to vector<16xf32>
    %get3A_27 = arith.constant 5 : i32
    %get3A_28 = arith.index_cast %get3A_27 : i32 to index
    %get3A_29 = arith.constant 0 : index
    %get3A_30 = tpu.vector_load %arg4[%get3A_28, %get3A_29] {strides = array<i32>} : memref<8x128xf32, #tpu.memory_space<vmem>>, vector<1x16xf32>,
    %get3A_31 = vector.shape_cast %get3A_30 : vector<1x16xf32> to vector<16xf32>
    %get3A_32 = arith.constant 6 : i32
    %get3A_33 = arith.index_cast %get3A_32 : i32 to index
    %get3A_34 = arith.constant 0 : index
    %get3A_35 = tpu.vector_load %arg4[%get3A_33, %get3A_34] {strides = array<i32>} : memref<8x128xf32, #tpu.memory_space<vmem>>, vector<1x16xf32>,
    %get3A_36 = vector.shape_cast %get3A_35 : vector<1x16xf32> to vector<16xf32>
    %get3A_37 = arith.constant 7 : i32
    %get3A_38 = arith.index_cast %get3A_37 : i32 to index
    %get3A_39 = arith.constant 0 : index
    %get3A_40 = tpu.vector_load %arg4[%get3A_38, %get3A_39] {strides = array<i32>} : memref<8x128xf32, #tpu.memory_space<vmem>>, vector<1x16xf32>,
    %get3A_41 = vector.shape_cast %get3A_40 : vector<1x16xf32> to vector<16xf32>
    %broadcast_in_dim3A = arith.constant 0 : i32
    %broadcast_in_dim3A_42 = vector.broadcast %broadcast_in_dim3A : i32 to vector<16xi32>
    %gt3A = arith.cmpf ogt, %get3A_11, %get3A_6 : vector<16xf32>
    %select_n3A = arith.select %gt3A, %get3A_11, %get3A_6 : vector<16xi1>, vector<16xf32>
    %jit3A = arith.constant 1 : i32
    %broadcast_in_dim3A_43 = vector.broadcast %jit3A : i32 to vector<16xi32>
    %select_n3A_44 = arith.select %gt3A, %broadcast_in_dim3A_43, %broadcast_in_dim3A_42 : vector<16xi1>, vector<16xi32>
    %gt3A_45 = arith.cmpf ogt, %get3A_16, %select_n3A : vector<16xf32>
    %select_n3A_46 = arith.select %gt3A_45, %get3A_16, %select_n3A : vector<16xi1>, vector<16xf32>
    %jit3A_47 = arith.constant 2 : i32
    %broadcast_in_dim3A_48 = vector.broadcast %jit3A_47 : i32 to vector<16xi32>
    %select_n3A_49 = arith.select %gt3A_45, %broadcast_in_dim3A_48, %select_n3A_44 : vector<16xi1>, vector<16xi32>
    %gt3A_50 = arith.cmpf ogt, %get3A_21, %select_n3A_46 : vector<16xf32>
    %select_n3A_51 = arith.select %gt3A_50, %get3A_21, %select_n3A_46 : vector<16xi1>, vector<16xf32>
    %jit3A_52 = arith.constant 3 : i32
    %broadcast_in_dim3A_53 = vector.broadcast %jit3A_52 : i32 to vector<16xi32>
    %select_n3A_54 = arith.select %gt3A_50, %broadcast_in_dim3A_53, %select_n3A_49 : vector<16xi1>, vector<16xi32>
    %gt3A_55 = arith.cmpf ogt, %get3A_26, %select_n3A_51 : vector<16xf32>
    %select_n3A_56 = arith.select %gt3A_55, %get3A_26, %select_n3A_51 : vector<16xi1>, vector<16xf32>
    %jit3A_57 = arith.constant 4 : i32
    %broadcast_in_dim3A_58 = vector.broadcast %jit3A_57 : i32 to vector<16xi32>
    %select_n3A_59 = arith.select %gt3A_55, %broadcast_in_dim3A_58, %select_n3A_54 : vector<16xi1>, vector<16xi32>
    %gt3A_60 = arith.cmpf ogt, %get3A_31, %select_n3A_56 : vector<16xf32>
    %select_n3A_61 = arith.select %gt3A_60, %get3A_31, %select_n3A_56 : vector<16xi1>, vector<16xf32>
    %jit3A_62 = arith.constant 5 : i32
    %broadcast_in_dim3A_63 = vector.broadcast %jit3A_62 : i32 to vector<16xi32>
    %select_n3A_64 = arith.select %gt3A_60, %broadcast_in_dim3A_63, %select_n3A_59 : vector<16xi1>, vector<16xi32>
    %gt3A_65 = arith.cmpf ogt, %get3A_36, %select_n3A_61 : vector<16xf32>
    %select_n3A_66 = arith.select %gt3A_65, %get3A_36, %select_n3A_61 : vector<16xi1>, vector<16xf32>
    %jit3A_67 = arith.constant 6 : i32
    %broadcast_in_dim3A_68 = vector.broadcast %jit3A_67 : i32 to vector<16xi32>
    %select_n3A_69 = arith.select %gt3A_65, %broadcast_in_dim3A_68, %select_n3A_64 : vector<16xi1>, vector<16xi32>
    %gt3A_70 = arith.cmpf ogt, %get3A_41, %select_n3A_66 : vector<16xf32>
    %select_n3A_71 = arith.select %gt3A_70, %get3A_41, %select_n3A_66 : vector<16xi1>, vector<16xf32>
    %jit3A_72 = arith.constant 7 : i32
    %broadcast_in_dim3A_73 = vector.broadcast %jit3A_72 : i32 to vector<16xi32>
    %select_n3A_74 = arith.select %gt3A_70, %broadcast_in_dim3A_73, %select_n3A_69 : vector<16xi1>, vector<16xi32>
    %broadcast_in_dim3A_75 = arith.constant 0xFF800000 : f32
    %broadcast_in_dim3A_76 = vector.broadcast %broadcast_in_dim3A_75 : f32 to vector<16xf32>
    %broadcast_in_dim3A_77 = arith.constant 0 : i32
    %broadcast_in_dim3A_78 = vector.broadcast %broadcast_in_dim3A_77 : i32 to vector<16xi32>
    %ne3A = arith.constant 0 : i32
    %ne3A_79 = vector.broadcast %ne3A : i32 to vector<16xi32>
    %ne3A_80 = arith.cmpi ne, %select_n3A_74, %ne3A_79 : vector<16xi32>
    %gt3A_81 = arith.cmpf ogt, %get3A_6, %broadcast_in_dim3A_76 : vector<16xf32>
    %and3A = arith.andi %ne3A_80, %gt3A_81 : vector<16xi1>
    %select_n3A_82 = arith.select %and3A, %get3A_6, %broadcast_in_dim3A_76 : vector<16xi1>, vector<16xf32>
    %jit3A_83 = arith.constant 0 : i32
    %broadcast_in_dim3A_84 = vector.broadcast %jit3A_83 : i32 to vector<16xi32>
    %select_n3A_85 = arith.select %and3A, %broadcast_in_dim3A_84, %broadcast_in_dim3A_78 : vector<16xi1>, vector<16xi32>
    %ne3A_86 = arith.constant 1 : i32
    %ne3A_87 = vector.broadcast %ne3A_86 : i32 to vector<16xi32>
    %ne3A_88 = arith.cmpi ne, %select_n3A_74, %ne3A_87 : vector<16xi32>
    %gt3A_89 = arith.cmpf ogt, %get3A_11, %select_n3A_82 : vector<16xf32>
    %and3A_90 = arith.andi %ne3A_88, %gt3A_89 : vector<16xi1>
    %select_n3A_91 = arith.select %and3A_90, %get3A_11, %select_n3A_82 : vector<16xi1>, vector<16xf32>
    %jit3A_92 = arith.constant 1 : i32
    %broadcast_in_dim3A_93 = vector.broadcast %jit3A_92 : i32 to vector<16xi32>
    %select_n3A_94 = arith.select %and3A_90, %broadcast_in_dim3A_93, %select_n3A_85 : vector<16xi1>, vector<16xi32>
    %ne3A_95 = arith.constant 2 : i32
    %ne3A_96 = vector.broadcast %ne3A_95 : i32 to vector<16xi32>
    %ne3A_97 = arith.cmpi ne, %select_n3A_74, %ne3A_96 : vector<16xi32>
    %gt3A_98 = arith.cmpf ogt, %get3A_16, %select_n3A_91 : vector<16xf32>
    %and3A_99 = arith.andi %ne3A_97, %gt3A_98 : vector<16xi1>
    %select_n3A_100 = arith.select %and3A_99, %get3A_16, %select_n3A_91 : vector<16xi1>, vector<16xf32>
    %jit3A_101 = arith.constant 2 : i32
    %broadcast_in_dim3A_102 = vector.broadcast %jit3A_101 : i32 to vector<16xi32>
    %select_n3A_103 = arith.select %and3A_99, %broadcast_in_dim3A_102, %select_n3A_94 : vector<16xi1>, vector<16xi32>
    %ne3A_104 = arith.constant 3 : i32
    %ne3A_105 = vector.broadcast %ne3A_104 : i32 to vector<16xi32>
    %ne3A_106 = arith.cmpi ne, %select_n3A_74, %ne3A_105 : vector<16xi32>
    %gt3A_107 = arith.cmpf ogt, %get3A_21, %select_n3A_100 : vector<16xf32>
    %and3A_108 = arith.andi %ne3A_106, %gt3A_107 : vector<16xi1>
    %select_n3A_109 = arith.select %and3A_108, %get3A_21, %select_n3A_100 : vector<16xi1>, vector<16xf32>
    %jit3A_110 = arith.constant 3 : i32
    %broadcast_in_dim3A_111 = vector.broadcast %jit3A_110 : i32 to vector<16xi32>
    %select_n3A_112 = arith.select %and3A_108, %broadcast_in_dim3A_111, %select_n3A_103 : vector<16xi1>, vector<16xi32>
    %ne3A_113 = arith.constant 4 : i32
    %ne3A_114 = vector.broadcast %ne3A_113 : i32 to vector<16xi32>
    %ne3A_115 = arith.cmpi ne, %select_n3A_74, %ne3A_114 : vector<16xi32>
    %gt3A_116 = arith.cmpf ogt, %get3A_26, %select_n3A_109 : vector<16xf32>
    %and3A_117 = arith.andi %ne3A_115, %gt3A_116 : vector<16xi1>
    %select_n3A_118 = arith.select %and3A_117, %get3A_26, %select_n3A_109 : vector<16xi1>, vector<16xf32>
    %jit3A_119 = arith.constant 4 : i32
    %broadcast_in_dim3A_120 = vector.broadcast %jit3A_119 : i32 to vector<16xi32>
    %select_n3A_121 = arith.select %and3A_117, %broadcast_in_dim3A_120, %select_n3A_112 : vector<16xi1>, vector<16xi32>
    %ne3A_122 = arith.constant 5 : i32
    %ne3A_123 = vector.broadcast %ne3A_122 : i32 to vector<16xi32>
    %ne3A_124 = arith.cmpi ne, %select_n3A_74, %ne3A_123 : vector<16xi32>
    %gt3A_125 = arith.cmpf ogt, %get3A_31, %select_n3A_118 : vector<16xf32>
    %and3A_126 = arith.andi %ne3A_124, %gt3A_125 : vector<16xi1>
    %select_n3A_127 = arith.select %and3A_126, %get3A_31, %select_n3A_118 : vector<16xi1>, vector<16xf32>
    %jit3A_128 = arith.constant 5 : i32
    %broadcast_in_dim3A_129 = vector.broadcast %jit3A_128 : i32 to vector<16xi32>
    %select_n3A_130 = arith.select %and3A_126, %broadcast_in_dim3A_129, %select_n3A_121 : vector<16xi1>, vector<16xi32>
    %ne3A_131 = arith.constant 6 : i32
    %ne3A_132 = vector.broadcast %ne3A_131 : i32 to vector<16xi32>
    %ne3A_133 = arith.cmpi ne, %select_n3A_74, %ne3A_132 : vector<16xi32>
    %gt3A_134 = arith.cmpf ogt, %get3A_36, %select_n3A_127 : vector<16xf32>
    %and3A_135 = arith.andi %ne3A_133, %gt3A_134 : vector<16xi1>
    %select_n3A_136 = arith.select %and3A_135, %get3A_36, %select_n3A_127 : vector<16xi1>, vector<16xf32>
    %jit3A_137 = arith.constant 6 : i32
    %broadcast_in_dim3A_138 = vector.broadcast %jit3A_137 : i32 to vector<16xi32>
    %select_n3A_139 = arith.select %and3A_135, %broadcast_in_dim3A_138, %select_n3A_130 : vector<16xi1>, vector<16xi32>
    %ne3A_140 = arith.constant 7 : i32
    %ne3A_141 = vector.broadcast %ne3A_140 : i32 to vector<16xi32>
    %ne3A_142 = arith.cmpi ne, %select_n3A_74, %ne3A_141 : vector<16xi32>
    %gt3A_143 = arith.cmpf ogt, %get3A_41, %select_n3A_136 : vector<16xf32>
    %and3A_144 = arith.andi %ne3A_142, %gt3A_143 : vector<16xi1>
    %select_n3A_145 = arith.select %and3A_144, %get3A_41, %select_n3A_136 : vector<16xi1>, vector<16xf32>
    %jit3A_146 = arith.constant 7 : i32
    %broadcast_in_dim3A_147 = vector.broadcast %jit3A_146 : i32 to vector<16xi32>
    %select_n3A_148 = arith.select %and3A_144, %broadcast_in_dim3A_147, %select_n3A_139 : vector<16xi1>, vector<16xi32>
    %eq3A = arith.constant 0 : i32
    %eq3A_149 = vector.broadcast %eq3A : i32 to vector<16xi32>
    %eq3A_150 = arith.cmpi eq, %select_n3A_74, %eq3A_149 : vector<16xi32>
    %eq3A_151 = arith.constant 0 : i32
    %eq3A_152 = vector.broadcast %eq3A_151 : i32 to vector<16xi32>
    %eq3A_153 = arith.cmpi eq, %select_n3A_148, %eq3A_152 : vector<16xi32>
    %or3A = arith.ori %eq3A_150, %eq3A_153 : vector<16xi1>
    %ne3A_154 = arith.constant 0.000000e+00 : f32
    %ne3A_155 = vector.broadcast %ne3A_154 : f32 to vector<16xf32>
    %ne3A_156 = arith.cmpf one, %get3A_6, %ne3A_155 : vector<16xf32>
    %and3A_157 = arith.andi %or3A, %ne3A_156 : vector<16xi1>
    %sub3A = arith.subf %get3A_6, %select_n3A_71 : vector<16xf32>
    %exp3A = math.exp %sub3A : vector<16xf32>
    %jit3A_158 = arith.constant 0.000000e+00 : f32
    %broadcast_in_dim3A_159 = vector.broadcast %jit3A_158 : f32 to vector<16xf32>
    %select_n3A_160 = arith.select %and3A_157, %exp3A, %broadcast_in_dim3A_159 : vector<16xi1>, vector<16xf32>
    %eq3A_161 = arith.constant 1 : i32
    %eq3A_162 = vector.broadcast %eq3A_161 : i32 to vector<16xi32>
    %eq3A_163 = arith.cmpi eq, %select_n3A_74, %eq3A_162 : vector<16xi32>
    %eq3A_164 = arith.constant 1 : i32
    %eq3A_165 = vector.broadcast %eq3A_164 : i32 to vector<16xi32>
    %eq3A_166 = arith.cmpi eq, %select_n3A_148, %eq3A_165 : vector<16xi32>
    %or3A_167 = arith.ori %eq3A_163, %eq3A_166 : vector<16xi1>
    %ne3A_168 = arith.constant 0.000000e+00 : f32
    %ne3A_169 = vector.broadcast %ne3A_168 : f32 to vector<16xf32>
    %ne3A_170 = arith.cmpf one, %get3A_11, %ne3A_169 : vector<16xf32>
    %and3A_171 = arith.andi %or3A_167, %ne3A_170 : vector<16xi1>
    %sub3A_172 = arith.subf %get3A_11, %select_n3A_71 : vector<16xf32>
    %exp3A_173 = math.exp %sub3A_172 : vector<16xf32>
    %jit3A_174 = arith.constant 0.000000e+00 : f32
    %broadcast_in_dim3A_175 = vector.broadcast %jit3A_174 : f32 to vector<16xf32>
    %select_n3A_176 = arith.select %and3A_171, %exp3A_173, %broadcast_in_dim3A_175 : vector<16xi1>, vector<16xf32>
    %eq3A_177 = arith.constant 2 : i32
    %eq3A_178 = vector.broadcast %eq3A_177 : i32 to vector<16xi32>
    %eq3A_179 = arith.cmpi eq, %select_n3A_74, %eq3A_178 : vector<16xi32>
    %eq3A_180 = arith.constant 2 : i32
    %eq3A_181 = vector.broadcast %eq3A_180 : i32 to vector<16xi32>
    %eq3A_182 = arith.cmpi eq, %select_n3A_148, %eq3A_181 : vector<16xi32>
    %or3A_183 = arith.ori %eq3A_179, %eq3A_182 : vector<16xi1>
    %ne3A_184 = arith.constant 0.000000e+00 : f32
    %ne3A_185 = vector.broadcast %ne3A_184 : f32 to vector<16xf32>
    %ne3A_186 = arith.cmpf one, %get3A_16, %ne3A_185 : vector<16xf32>
    %and3A_187 = arith.andi %or3A_183, %ne3A_186 : vector<16xi1>
    %sub3A_188 = arith.subf %get3A_16, %select_n3A_71 : vector<16xf32>
    %exp3A_189 = math.exp %sub3A_188 : vector<16xf32>
    %jit3A_190 = arith.constant 0.000000e+00 : f32
    %broadcast_in_dim3A_191 = vector.broadcast %jit3A_190 : f32 to vector<16xf32>
    %select_n3A_192 = arith.select %and3A_187, %exp3A_189, %broadcast_in_dim3A_191 : vector<16xi1>, vector<16xf32>
    %eq3A_193 = arith.constant 3 : i32
    %eq3A_194 = vector.broadcast %eq3A_193 : i32 to vector<16xi32>
    %eq3A_195 = arith.cmpi eq, %select_n3A_74, %eq3A_194 : vector<16xi32>
    %eq3A_196 = arith.constant 3 : i32
    %eq3A_197 = vector.broadcast %eq3A_196 : i32 to vector<16xi32>
    %eq3A_198 = arith.cmpi eq, %select_n3A_148, %eq3A_197 : vector<16xi32>
    %or3A_199 = arith.ori %eq3A_195, %eq3A_198 : vector<16xi1>
    %ne3A_200 = arith.constant 0.000000e+00 : f32
    %ne3A_201 = vector.broadcast %ne3A_200 : f32 to vector<16xf32>
    %ne3A_202 = arith.cmpf one, %get3A_21, %ne3A_201 : vector<16xf32>
    %and3A_203 = arith.andi %or3A_199, %ne3A_202 : vector<16xi1>
    %sub3A_204 = arith.subf %get3A_21, %select_n3A_71 : vector<16xf32>
    %exp3A_205 = math.exp %sub3A_204 : vector<16xf32>
    %jit3A_206 = arith.constant 0.000000e+00 : f32
    %broadcast_in_dim3A_207 = vector.broadcast %jit3A_206 : f32 to vector<16xf32>
    %select_n3A_208 = arith.select %and3A_203, %exp3A_205, %broadcast_in_dim3A_207 : vector<16xi1>, vector<16xf32>
    %eq3A_209 = arith.constant 4 : i32
    %eq3A_210 = vector.broadcast %eq3A_209 : i32 to vector<16xi32>
    %eq3A_211 = arith.cmpi eq, %select_n3A_74, %eq3A_210 : vector<16xi32>
    %eq3A_212 = arith.constant 4 : i32
    %eq3A_213 = vector.broadcast %eq3A_212 : i32 to vector<16xi32>
    %eq3A_214 = arith.cmpi eq, %select_n3A_148, %eq3A_213 : vector<16xi32>
    %or3A_215 = arith.ori %eq3A_211, %eq3A_214 : vector<16xi1>
    %ne3A_216 = arith.constant 0.000000e+00 : f32
    %ne3A_217 = vector.broadcast %ne3A_216 : f32 to vector<16xf32>
    %ne3A_218 = arith.cmpf one, %get3A_26, %ne3A_217 : vector<16xf32>
    %and3A_219 = arith.andi %or3A_215, %ne3A_218 : vector<16xi1>
    %sub3A_220 = arith.subf %get3A_26, %select_n3A_71 : vector<16xf32>
    %exp3A_221 = math.exp %sub3A_220 : vector<16xf32>
    %jit3A_222 = arith.constant 0.000000e+00 : f32
    %broadcast_in_dim3A_223 = vector.broadcast %jit3A_222 : f32 to vector<16xf32>
    %select_n3A_224 = arith.select %and3A_219, %exp3A_221, %broadcast_in_dim3A_223 : vector<16xi1>, vector<16xf32>
    %eq3A_225 = arith.constant 5 : i32
    %eq3A_226 = vector.broadcast %eq3A_225 : i32 to vector<16xi32>
    %eq3A_227 = arith.cmpi eq, %select_n3A_74, %eq3A_226 : vector<16xi32>
    %eq3A_228 = arith.constant 5 : i32
    %eq3A_229 = vector.broadcast %eq3A_228 : i32 to vector<16xi32>
    %eq3A_230 = arith.cmpi eq, %select_n3A_148, %eq3A_229 : vector<16xi32>
    %or3A_231 = arith.ori %eq3A_227, %eq3A_230 : vector<16xi1>
    %ne3A_232 = arith.constant 0.000000e+00 : f32
    %ne3A_233 = vector.broadcast %ne3A_232 : f32 to vector<16xf32>
    %ne3A_234 = arith.cmpf one, %get3A_31, %ne3A_233 : vector<16xf32>
    %and3A_235 = arith.andi %or3A_231, %ne3A_234 : vector<16xi1>
    %sub3A_236 = arith.subf %get3A_31, %select_n3A_71 : vector<16xf32>
    %exp3A_237 = math.exp %sub3A_236 : vector<16xf32>
    %jit3A_238 = arith.constant 0.000000e+00 : f32
    %broadcast_in_dim3A_239 = vector.broadcast %jit3A_238 : f32 to vector<16xf32>
    %select_n3A_240 = arith.select %and3A_235, %exp3A_237, %broadcast_in_dim3A_239 : vector<16xi1>, vector<16xf32>
    %eq3A_241 = arith.constant 6 : i32
    %eq3A_242 = vector.broadcast %eq3A_241 : i32 to vector<16xi32>
    %eq3A_243 = arith.cmpi eq, %select_n3A_74, %eq3A_242 : vector<16xi32>
    %eq3A_244 = arith.constant 6 : i32
    %eq3A_245 = vector.broadcast %eq3A_244 : i32 to vector<16xi32>
    %eq3A_246 = arith.cmpi eq, %select_n3A_148, %eq3A_245 : vector<16xi32>
    %or3A_247 = arith.ori %eq3A_243, %eq3A_246 : vector<16xi1>
    %ne3A_248 = arith.constant 0.000000e+00 : f32
    %ne3A_249 = vector.broadcast %ne3A_248 : f32 to vector<16xf32>
    %ne3A_250 = arith.cmpf one, %get3A_36, %ne3A_249 : vector<16xf32>
    %and3A_251 = arith.andi %or3A_247, %ne3A_250 : vector<16xi1>
    %sub3A_252 = arith.subf %get3A_36, %select_n3A_71 : vector<16xf32>
    %exp3A_253 = math.exp %sub3A_252 : vector<16xf32>
    %jit3A_254 = arith.constant 0.000000e+00 : f32
    %broadcast_in_dim3A_255 = vector.broadcast %jit3A_254 : f32 to vector<16xf32>
    %select_n3A_256 = arith.select %and3A_251, %exp3A_253, %broadcast_in_dim3A_255 : vector<16xi1>, vector<16xf32>
    %eq3A_257 = arith.constant 7 : i32
    %eq3A_258 = vector.broadcast %eq3A_257 : i32 to vector<16xi32>
    %eq3A_259 = arith.cmpi eq, %select_n3A_74, %eq3A_258 : vector<16xi32>
    %eq3A_260 = arith.constant 7 : i32
    %eq3A_261 = vector.broadcast %eq3A_260 : i32 to vector<16xi32>
    %eq3A_262 = arith.cmpi eq, %select_n3A_148, %eq3A_261 : vector<16xi32>
    %or3A_263 = arith.ori %eq3A_259, %eq3A_262 : vector<16xi1>
    %ne3A_264 = arith.constant 0.000000e+00 : f32
    %ne3A_265 = vector.broadcast %ne3A_264 : f32 to vector<16xf32>
    %ne3A_266 = arith.cmpf one, %get3A_41, %ne3A_265 : vector<16xf32>
    %and3A_267 = arith.andi %or3A_263, %ne3A_266 : vector<16xi1>
    %sub3A_268 = arith.subf %get3A_41, %select_n3A_71 : vector<16xf32>
    %exp3A_269 = math.exp %sub3A_268 : vector<16xf32>
    %jit3A_270 = arith.constant 0.000000e+00 : f32
    %broadcast_in_dim3A_271 = vector.broadcast %jit3A_270 : f32 to vector<16xf32>
    %select_n3A_272 = arith.select %and3A_267, %exp3A_269, %broadcast_in_dim3A_271 : vector<16xi1>, vector<16xf32>
    %add3A_273 = arith.addf %select_n3A_160, %select_n3A_176 : vector<16xf32>
    %add3A_274 = arith.addf %add3A_273, %select_n3A_192 : vector<16xf32>
    %add3A_275 = arith.addf %add3A_274, %select_n3A_208 : vector<16xf32>
    %add3A_276 = arith.addf %add3A_275, %select_n3A_224 : vector<16xf32>
    %add3A_277 = arith.addf %add3A_276, %select_n3A_240 : vector<16xf32>
    %add3A_278 = arith.addf %add3A_277, %select_n3A_256 : vector<16xf32>
    %add3A_279 = arith.addf %add3A_278, %select_n3A_272 : vector<16xf32>
    %div3A = arith.constant 1.000000e+00 : f32
    %div3A_280 = vector.broadcast %div3A : f32 to vector<16xf32>
    %div3A_281 = arith.divf %div3A_280, %add3A_279 : vector<16xf32>
    %mul3A_282 = arith.mulf %select_n3A_160, %div3A_281 : vector<16xf32>
    %swap3A = arith.constant 0 : i32
    %swap3A_283 = arith.index_cast %swap3A : i32 to index
    %swap3A_284 = arith.constant 0 : index
    %swap3A_285 = tpu.vector_load %arg5[%swap3A_283, %swap3A_284] {strides = array<i32>} : memref<8x128xf32, #tpu.memory_space<vmem>>, vector<1x16xf32>,
    %swap3A_286 = vector.shape_cast %swap3A_285 : vector<1x16xf32> to vector<16xf32>
    %swap3A_287 = vector.shape_cast %mul3A_282 : vector<16xf32> to vector<1x16xf32>
    tpu.vector_store %arg5[%swap3A_283, %swap3A_284], %swap3A_287 {strides = array<i32>} : memref<8x128xf32, #tpu.memory_space<vmem>>, vector<1x16xf32>,
    %mul3A_288 = arith.mulf %select_n3A_176, %div3A_281 : vector<16xf32>
    %swap3A_289 = arith.constant 1 : i32
    %swap3A_290 = arith.index_cast %swap3A_289 : i32 to index
    %swap3A_291 = arith.constant 0 : index
    %swap3A_292 = tpu.vector_load %arg5[%swap3A_290, %swap3A_291] {strides = array<i32>} : memref<8x128xf32, #tpu.memory_space<vmem>>, vector<1x16xf32>,
    %swap3A_293 = vector.shape_cast %swap3A_292 : vector<1x16xf32> to vector<16xf32>
    %swap3A_294 = vector.shape_cast %mul3A_288 : vector<16xf32> to vector<1x16xf32>
    tpu.vector_store %arg5[%swap3A_290, %swap3A_291], %swap3A_294 {strides = array<i32>} : memref<8x128xf32, #tpu.memory_space<vmem>>, vector<1x16xf32>,
    %mul3A_295 = arith.mulf %select_n3A_192, %div3A_281 : vector<16xf32>
    %swap3A_296 = arith.constant 2 : i32
    %swap3A_297 = arith.index_cast %swap3A_296 : i32 to index
    %swap3A_298 = arith.constant 0 : index
    %swap3A_299 = tpu.vector_load %arg5[%swap3A_297, %swap3A_298] {strides = array<i32>} : memref<8x128xf32, #tpu.memory_space<vmem>>, vector<1x16xf32>,
    %swap3A_300 = vector.shape_cast %swap3A_299 : vector<1x16xf32> to vector<16xf32>
    %swap3A_301 = vector.shape_cast %mul3A_295 : vector<16xf32> to vector<1x16xf32>
    tpu.vector_store %arg5[%swap3A_297, %swap3A_298], %swap3A_301 {strides = array<i32>} : memref<8x128xf32, #tpu.memory_space<vmem>>, vector<1x16xf32>,
    %mul3A_302 = arith.mulf %select_n3A_208, %div3A_281 : vector<16xf32>
    %swap3A_303 = arith.constant 3 : i32
    %swap3A_304 = arith.index_cast %swap3A_303 : i32 to index
    %swap3A_305 = arith.constant 0 : index
    %swap3A_306 = tpu.vector_load %arg5[%swap3A_304, %swap3A_305] {strides = array<i32>} : memref<8x128xf32, #tpu.memory_space<vmem>>, vector<1x16xf32>,
    %swap3A_307 = vector.shape_cast %swap3A_306 : vector<1x16xf32> to vector<16xf32>
    %swap3A_308 = vector.shape_cast %mul3A_302 : vector<16xf32> to vector<1x16xf32>
    tpu.vector_store %arg5[%swap3A_304, %swap3A_305], %swap3A_308 {strides = array<i32>} : memref<8x128xf32, #tpu.memory_space<vmem>>, vector<1x16xf32>,
    %mul3A_309 = arith.mulf %select_n3A_224, %div3A_281 : vector<16xf32>
    %swap3A_310 = arith.constant 4 : i32
    %swap3A_311 = arith.index_cast %swap3A_310 : i32 to index
    %swap3A_312 = arith.constant 0 : index
    %swap3A_313 = tpu.vector_load %arg5[%swap3A_311, %swap3A_312] {strides = array<i32>} : memref<8x128xf32, #tpu.memory_space<vmem>>, vector<1x16xf32>,
    %swap3A_314 = vector.shape_cast %swap3A_313 : vector<1x16xf32> to vector<16xf32>
    %swap3A_315 = vector.shape_cast %mul3A_309 : vector<16xf32> to vector<1x16xf32>
    tpu.vector_store %arg5[%swap3A_311, %swap3A_312], %swap3A_315 {strides = array<i32>} : memref<8x128xf32, #tpu.memory_space<vmem>>, vector<1x16xf32>,
    %mul3A_316 = arith.mulf %select_n3A_240, %div3A_281 : vector<16xf32>
    %swap3A_317 = arith.constant 5 : i32
    %swap3A_318 = arith.index_cast %swap3A_317 : i32 to index
    %swap3A_319 = arith.constant 0 : index
    %swap3A_320 = tpu.vector_load %arg5[%swap3A_318, %swap3A_319] {strides = array<i32>} : memref<8x128xf32, #tpu.memory_space<vmem>>, vector<1x16xf32>,
    %swap3A_321 = vector.shape_cast %swap3A_320 : vector<1x16xf32> to vector<16xf32>
    %swap3A_322 = vector.shape_cast %mul3A_316 : vector<16xf32> to vector<1x16xf32>
    tpu.vector_store %arg5[%swap3A_318, %swap3A_319], %swap3A_322 {strides = array<i32>} : memref<8x128xf32, #tpu.memory_space<vmem>>, vector<1x16xf32>,
    %mul3A_323 = arith.mulf %select_n3A_256, %div3A_281 : vector<16xf32>
    %swap3A_324 = arith.constant 6 : i32
    %swap3A_325 = arith.index_cast %swap3A_324 : i32 to index
    %swap3A_326 = arith.constant 0 : index
    %swap3A_327 = tpu.vector_load %arg5[%swap3A_325, %swap3A_326] {strides = array<i32>} : memref<8x128xf32, #tpu.memory_space<vmem>>, vector<1x16xf32>,
    %swap3A_328 = vector.shape_cast %swap3A_327 : vector<1x16xf32> to vector<16xf32>
    %swap3A_329 = vector.shape_cast %mul3A_323 : vector<16xf32> to vector<1x16xf32>
    tpu.vector_store %arg5[%swap3A_325, %swap3A_326], %swap3A_329 {strides = array<i32>} : memref<8x128xf32, #tpu.memory_space<vmem>>, vector<1x16xf32>,
    %mul3A_330 = arith.mulf %select_n3A_272, %div3A_281 : vector<16xf32>
    %swap3A_331 = arith.constant 7 : i32
    %swap3A_332 = arith.index_cast %swap3A_331 : i32 to index
    %swap3A_333 = arith.constant 0 : index
    %swap3A_334 = tpu.vector_load %arg5[%swap3A_332, %swap3A_333] {strides = array<i32>} : memref<8x128xf32, #tpu.memory_space<vmem>>, vector<1x16xf32>,
    %swap3A_335 = vector.shape_cast %swap3A_334 : vector<1x16xf32> to vector<16xf32>
    %swap3A_336 = vector.shape_cast %mul3A_330 : vector<16xf32> to vector<1x16xf32>
    tpu.vector_store %arg5[%swap3A_332, %swap3A_333], %swap3A_336 {strides = array<i32>} : memref<8x128xf32, #tpu.memory_space<vmem>>, vector<1x16xf32>,
    %get3A_337 = arith.constant 0 : i32
    %get3A_338 = arith.index_cast %get3A_337 : i32 to index
    %get3A_339 = arith.constant 16 : index
    %get3A_340 = tpu.vector_load %arg4[%get3A_338, %get3A_339] {strides = array<i32>} : memref<8x128xf32, #tpu.memory_space<vmem>>, vector<1x16xf32>,
    %get3A_341 = vector.shape_cast %get3A_340 : vector<1x16xf32> to vector<16xf32>
    %get3A_342 = arith.constant 1 : i32
    %get3A_343 = arith.index_cast %get3A_342 : i32 to index
    %get3A_344 = arith.constant 16 : index
    %get3A_345 = tpu.vector_load %arg4[%get3A_343, %get3A_344] {strides = array<i32>} : memref<8x128xf32, #tpu.memory_space<vmem>>, vector<1x16xf32>,
    %get3A_346 = vector.shape_cast %get3A_345 : vector<1x16xf32> to vector<16xf32>
    %get3A_347 = arith.constant 2 : i32
    %get3A_348 = arith.index_cast %get3A_347 : i32 to index
    %get3A_349 = arith.constant 16 : index
    %get3A_350 = tpu.vector_load %arg4[%get3A_348, %get3A_349] {strides = array<i32>} : memref<8x128xf32, #tpu.memory_space<vmem>>, vector<1x16xf32>,
    %get3A_351 = vector.shape_cast %get3A_350 : vector<1x16xf32> to vector<16xf32>
    %get3A_352 = arith.constant 3 : i32
    %get3A_353 = arith.index_cast %get3A_352 : i32 to index
    %get3A_354 = arith.constant 16 : index
    %get3A_355 = tpu.vector_load %arg4[%get3A_353, %get3A_354] {strides = array<i32>} : memref<8x128xf32, #tpu.memory_space<vmem>>, vector<1x16xf32>,
    %get3A_356 = vector.shape_cast %get3A_355 : vector<1x16xf32> to vector<16xf32>
    %get3A_357 = arith.constant 4 : i32
    %get3A_358 = arith.index_cast %get3A_357 : i32 to index
    %get3A_359 = arith.constant 16 : index
    %get3A_360 = tpu.vector_load %arg4[%get3A_358, %get3A_359] {strides = array<i32>} : memref<8x128xf32, #tpu.memory_space<vmem>>, vector<1x16xf32>,
    %get3A_361 = vector.shape_cast %get3A_360 : vector<1x16xf32> to vector<16xf32>
    %get3A_362 = arith.constant 5 : i32
    %get3A_363 = arith.index_cast %get3A_362 : i32 to index
    %get3A_364 = arith.constant 16 : index
    %get3A_365 = tpu.vector_load %arg4[%get3A_363, %get3A_364] {strides = array<i32>} : memref<8x128xf32, #tpu.memory_space<vmem>>, vector<1x16xf32>,
    %get3A_366 = vector.shape_cast %get3A_365 : vector<1x16xf32> to vector<16xf32>
    %get3A_367 = arith.constant 6 : i32
    %get3A_368 = arith.index_cast %get3A_367 : i32 to index
    %get3A_369 = arith.constant 16 : index
    %get3A_370 = tpu.vector_load %arg4[%get3A_368, %get3A_369] {strides = array<i32>} : memref<8x128xf32, #tpu.memory_space<vmem>>, vector<1x16xf32>,
    %get3A_371 = vector.shape_cast %get3A_370 : vector<1x16xf32> to vector<16xf32>
    %get3A_372 = arith.constant 7 : i32
    %get3A_373 = arith.index_cast %get3A_372 : i32 to index
    %get3A_374 = arith.constant 16 : index
    %get3A_375 = tpu.vector_load %arg4[%get3A_373, %get3A_374] {strides = array<i32>} : memref<8x128xf32, #tpu.memory_space<vmem>>, vector<1x16xf32>,
    %get3A_376 = vector.shape_cast %get3A_375 : vector<1x16xf32> to vector<16xf32>
    %broadcast_in_dim3A_377 = arith.constant 0 : i32
    %broadcast_in_dim3A_378 = vector.broadcast %broadcast_in_dim3A_377 : i32 to vector<16xi32>
    %gt3A_379 = arith.cmpf ogt, %get3A_346, %get3A_341 : vector<16xf32>
    %select_n3A_380 = arith.select %gt3A_379, %get3A_346, %get3A_341 : vector<16xi1>, vector<16xf32>
    %jit3A_381 = arith.constant 1 : i32
    %broadcast_in_dim3A_382 = vector.broadcast %jit3A_381 : i32 to vector<16xi32>
    %select_n3A_383 = arith.select %gt3A_379, %broadcast_in_dim3A_382, %broadcast_in_dim3A_378 : vector<16xi1>, vector<16xi32>
    %gt3A_384 = arith.cmpf ogt, %get3A_351, %select_n3A_380 : vector<16xf32>
    %select_n3A_385 = arith.select %gt3A_384, %get3A_351, %select_n3A_380 : vector<16xi1>, vector<16xf32>
    %jit3A_386 = arith.constant 2 : i32
    %broadcast_in_dim3A_387 = vector.broadcast %jit3A_386 : i32 to vector<16xi32>
    %select_n3A_388 = arith.select %gt3A_384, %broadcast_in_dim3A_387, %select_n3A_383 : vector<16xi1>, vector<16xi32>
    %gt3A_389 = arith.cmpf ogt, %get3A_356, %select_n3A_385 : vector<16xf32>
    %select_n3A_390 = arith.select %gt3A_389, %get3A_356, %select_n3A_385 : vector<16xi1>, vector<16xf32>
    %jit3A_391 = arith.constant 3 : i32
    %broadcast_in_dim3A_392 = vector.broadcast %jit3A_391 : i32 to vector<16xi32>
    %select_n3A_393 = arith.select %gt3A_389, %broadcast_in_dim3A_392, %select_n3A_388 : vector<16xi1>, vector<16xi32>
    %gt3A_394 = arith.cmpf ogt, %get3A_361, %select_n3A_390 : vector<16xf32>
    %select_n3A_395 = arith.select %gt3A_394, %get3A_361, %select_n3A_390 : vector<16xi1>, vector<16xf32>
    %jit3A_396 = arith.constant 4 : i32
    %broadcast_in_dim3A_397 = vector.broadcast %jit3A_396 : i32 to vector<16xi32>
    %select_n3A_398 = arith.select %gt3A_394, %broadcast_in_dim3A_397, %select_n3A_393 : vector<16xi1>, vector<16xi32>
    %gt3A_399 = arith.cmpf ogt, %get3A_366, %select_n3A_395 : vector<16xf32>
    %select_n3A_400 = arith.select %gt3A_399, %get3A_366, %select_n3A_395 : vector<16xi1>, vector<16xf32>
    %jit3A_401 = arith.constant 5 : i32
    %broadcast_in_dim3A_402 = vector.broadcast %jit3A_401 : i32 to vector<16xi32>
    %select_n3A_403 = arith.select %gt3A_399, %broadcast_in_dim3A_402, %select_n3A_398 : vector<16xi1>, vector<16xi32>
    %gt3A_404 = arith.cmpf ogt, %get3A_371, %select_n3A_400 : vector<16xf32>
    %select_n3A_405 = arith.select %gt3A_404, %get3A_371, %select_n3A_400 : vector<16xi1>, vector<16xf32>
    %jit3A_406 = arith.constant 6 : i32
    %broadcast_in_dim3A_407 = vector.broadcast %jit3A_406 : i32 to vector<16xi32>
    %select_n3A_408 = arith.select %gt3A_404, %broadcast_in_dim3A_407, %select_n3A_403 : vector<16xi1>, vector<16xi32>
    %gt3A_409 = arith.cmpf ogt, %get3A_376, %select_n3A_405 : vector<16xf32>
    %select_n3A_410 = arith.select %gt3A_409, %get3A_376, %select_n3A_405 : vector<16xi1>, vector<16xf32>
    %jit3A_411 = arith.constant 7 : i32
    %broadcast_in_dim3A_412 = vector.broadcast %jit3A_411 : i32 to vector<16xi32>
    %select_n3A_413 = arith.select %gt3A_409, %broadcast_in_dim3A_412, %select_n3A_408 : vector<16xi1>, vector<16xi32>
    %broadcast_in_dim3A_414 = arith.constant 0xFF800000 : f32
    %broadcast_in_dim3A_415 = vector.broadcast %broadcast_in_dim3A_414 : f32 to vector<16xf32>
    %broadcast_in_dim3A_416 = arith.constant 0 : i32
    %broadcast_in_dim3A_417 = vector.broadcast %broadcast_in_dim3A_416 : i32 to vector<16xi32>
    %ne3A_418 = arith.constant 0 : i32
    %ne3A_419 = vector.broadcast %ne3A_418 : i32 to vector<16xi32>
    %ne3A_420 = arith.cmpi ne, %select_n3A_413, %ne3A_419 : vector<16xi32>
    %gt3A_421 = arith.cmpf ogt, %get3A_341, %broadcast_in_dim3A_415 : vector<16xf32>
    %and3A_422 = arith.andi %ne3A_420, %gt3A_421 : vector<16xi1>
    %select_n3A_423 = arith.select %and3A_422, %get3A_341, %broadcast_in_dim3A_415 : vector<16xi1>, vector<16xf32>
    %jit3A_424 = arith.constant 0 : i32
    %broadcast_in_dim3A_425 = vector.broadcast %jit3A_424 : i32 to vector<16xi32>
    %select_n3A_426 = arith.select %and3A_422, %broadcast_in_dim3A_425, %broadcast_in_dim3A_417 : vector<16xi1>, vector<16xi32>
    %ne3A_427 = arith.constant 1 : i32
    %ne3A_428 = vector.broadcast %ne3A_427 : i32 to vector<16xi32>
    %ne3A_429 = arith.cmpi ne, %select_n3A_413, %ne3A_428 : vector<16xi32>
    %gt3A_430 = arith.cmpf ogt, %get3A_346, %select_n3A_423 : vector<16xf32>
    %and3A_431 = arith.andi %ne3A_429, %gt3A_430 : vector<16xi1>
    %select_n3A_432 = arith.select %and3A_431, %get3A_346, %select_n3A_423 : vector<16xi1>, vector<16xf32>
    %jit3A_433 = arith.constant 1 : i32
    %broadcast_in_dim3A_434 = vector.broadcast %jit3A_433 : i32 to vector<16xi32>
    %select_n3A_435 = arith.select %and3A_431, %broadcast_in_dim3A_434, %select_n3A_426 : vector<16xi1>, vector<16xi32>
    %ne3A_436 = arith.constant 2 : i32
    %ne3A_437 = vector.broadcast %ne3A_436 : i32 to vector<16xi32>
    %ne3A_438 = arith.cmpi ne, %select_n3A_413, %ne3A_437 : vector<16xi32>
    %gt3A_439 = arith.cmpf ogt, %get3A_351, %select_n3A_432 : vector<16xf32>
    %and3A_440 = arith.andi %ne3A_438, %gt3A_439 : vector<16xi1>
    %select_n3A_441 = arith.select %and3A_440, %get3A_351, %select_n3A_432 : vector<16xi1>, vector<16xf32>
    %jit3A_442 = arith.constant 2 : i32
    %broadcast_in_dim3A_443 = vector.broadcast %jit3A_442 : i32 to vector<16xi32>
    %select_n3A_444 = arith.select %and3A_440, %broadcast_in_dim3A_443, %select_n3A_435 : vector<16xi1>, vector<16xi32>
    %ne3A_445 = arith.constant 3 : i32
    %ne3A_446 = vector.broadcast %ne3A_445 : i32 to vector<16xi32>
    %ne3A_447 = arith.cmpi ne, %select_n3A_413, %ne3A_446 : vector<16xi32>
    %gt3A_448 = arith.cmpf ogt, %get3A_356, %select_n3A_441 : vector<16xf32>
    %and3A_449 = arith.andi %ne3A_447, %gt3A_448 : vector<16xi1>
    %select_n3A_450 = arith.select %and3A_449, %get3A_356, %select_n3A_441 : vector<16xi1>, vector<16xf32>
    %jit3A_451 = arith.constant 3 : i32
    %broadcast_in_dim3A_452 = vector.broadcast %jit3A_451 : i32 to vector<16xi32>
    %select_n3A_453 = arith.select %and3A_449, %broadcast_in_dim3A_452, %select_n3A_444 : vector<16xi1>, vector<16xi32>
    %ne3A_454 = arith.constant 4 : i32
    %ne3A_455 = vector.broadcast %ne3A_454 : i32 to vector<16xi32>
    %ne3A_456 = arith.cmpi ne, %select_n3A_413, %ne3A_455 : vector<16xi32>
    %gt3A_457 = arith.cmpf ogt, %get3A_361, %select_n3A_450 : vector<16xf32>
    %and3A_458 = arith.andi %ne3A_456, %gt3A_457 : vector<16xi1>
    %select_n3A_459 = arith.select %and3A_458, %get3A_361, %select_n3A_450 : vector<16xi1>, vector<16xf32>
    %jit3A_460 = arith.constant 4 : i32
    %broadcast_in_dim3A_461 = vector.broadcast %jit3A_460 : i32 to vector<16xi32>
    %select_n3A_462 = arith.select %and3A_458, %broadcast_in_dim3A_461, %select_n3A_453 : vector<16xi1>, vector<16xi32>
    %ne3A_463 = arith.constant 5 : i32
    %ne3A_464 = vector.broadcast %ne3A_463 : i32 to vector<16xi32>
    %ne3A_465 = arith.cmpi ne, %select_n3A_413, %ne3A_464 : vector<16xi32>
    %gt3A_466 = arith.cmpf ogt, %get3A_366, %select_n3A_459 : vector<16xf32>
    %and3A_467 = arith.andi %ne3A_465, %gt3A_466 : vector<16xi1>
    %select_n3A_468 = arith.select %and3A_467, %get3A_366, %select_n3A_459 : vector<16xi1>, vector<16xf32>
    %jit3A_469 = arith.constant 5 : i32
    %broadcast_in_dim3A_470 = vector.broadcast %jit3A_469 : i32 to vector<16xi32>
    %select_n3A_471 = arith.select %and3A_467, %broadcast_in_dim3A_470, %select_n3A_462 : vector<16xi1>, vector<16xi32>
    %ne3A_472 = arith.constant 6 : i32
    %ne3A_473 = vector.broadcast %ne3A_472 : i32 to vector<16xi32>
    %ne3A_474 = arith.cmpi ne, %select_n3A_413, %ne3A_473 : vector<16xi32>
    %gt3A_475 = arith.cmpf ogt, %get3A_371, %select_n3A_468 : vector<16xf32>
    %and3A_476 = arith.andi %ne3A_474, %gt3A_475 : vector<16xi1>
    %select_n3A_477 = arith.select %and3A_476, %get3A_371, %select_n3A_468 : vector<16xi1>, vector<16xf32>
    %jit3A_478 = arith.constant 6 : i32
    %broadcast_in_dim3A_479 = vector.broadcast %jit3A_478 : i32 to vector<16xi32>
    %select_n3A_480 = arith.select %and3A_476, %broadcast_in_dim3A_479, %select_n3A_471 : vector<16xi1>, vector<16xi32>
    %ne3A_481 = arith.constant 7 : i32
    %ne3A_482 = vector.broadcast %ne3A_481 : i32 to vector<16xi32>
    %ne3A_483 = arith.cmpi ne, %select_n3A_413, %ne3A_482 : vector<16xi32>
    %gt3A_484 = arith.cmpf ogt, %get3A_376, %select_n3A_477 : vector<16xf32>
    %and3A_485 = arith.andi %ne3A_483, %gt3A_484 : vector<16xi1>
    %select_n3A_486 = arith.select %and3A_485, %get3A_376, %select_n3A_477 : vector<16xi1>, vector<16xf32>
    %jit3A_487 = arith.constant 7 : i32
    %broadcast_in_dim3A_488 = vector.broadcast %jit3A_487 : i32 to vector<16xi32>
    %select_n3A_489 = arith.select %and3A_485, %broadcast_in_dim3A_488, %select_n3A_480 : vector<16xi1>, vector<16xi32>
    %eq3A_490 = arith.constant 0 : i32
    %eq3A_491 = vector.broadcast %eq3A_490 : i32 to vector<16xi32>
    %eq3A_492 = arith.cmpi eq, %select_n3A_413, %eq3A_491 : vector<16xi32>
    %eq3A_493 = arith.constant 0 : i32
    %eq3A_494 = vector.broadcast %eq3A_493 : i32 to vector<16xi32>
    %eq3A_495 = arith.cmpi eq, %select_n3A_489, %eq3A_494 : vector<16xi32>
    %or3A_496 = arith.ori %eq3A_492, %eq3A_495 : vector<16xi1>
    %ne3A_497 = arith.constant 0.000000e+00 : f32
    %ne3A_498 = vector.broadcast %ne3A_497 : f32 to vector<16xf32>
    %ne3A_499 = arith.cmpf one, %get3A_341, %ne3A_498 : vector<16xf32>
    %and3A_500 = arith.andi %or3A_496, %ne3A_499 : vector<16xi1>
    %sub3A_501 = arith.subf %get3A_341, %select_n3A_410 : vector<16xf32>
    %exp3A_502 = math.exp %sub3A_501 : vector<16xf32>
    %jit3A_503 = arith.constant 0.000000e+00 : f32
    %broadcast_in_dim3A_504 = vector.broadcast %jit3A_503 : f32 to vector<16xf32>
    %select_n3A_505 = arith.select %and3A_500, %exp3A_502, %broadcast_in_dim3A_504 : vector<16xi1>, vector<16xf32>
    %eq3A_506 = arith.constant 1 : i32
    %eq3A_507 = vector.broadcast %eq3A_506 : i32 to vector<16xi32>
    %eq3A_508 = arith.cmpi eq, %select_n3A_413, %eq3A_507 : vector<16xi32>
    %eq3A_509 = arith.constant 1 : i32
    %eq3A_510 = vector.broadcast %eq3A_509 : i32 to vector<16xi32>
    %eq3A_511 = arith.cmpi eq, %select_n3A_489, %eq3A_510 : vector<16xi32>
    %or3A_512 = arith.ori %eq3A_508, %eq3A_511 : vector<16xi1>
    %ne3A_513 = arith.constant 0.000000e+00 : f32
    %ne3A_514 = vector.broadcast %ne3A_513 : f32 to vector<16xf32>
    %ne3A_515 = arith.cmpf one, %get3A_346, %ne3A_514 : vector<16xf32>
    %and3A_516 = arith.andi %or3A_512, %ne3A_515 : vector<16xi1>
    %sub3A_517 = arith.subf %get3A_346, %select_n3A_410 : vector<16xf32>
    %exp3A_518 = math.exp %sub3A_517 : vector<16xf32>
    %jit3A_519 = arith.constant 0.000000e+00 : f32
    %broadcast_in_dim3A_520 = vector.broadcast %jit3A_519 : f32 to vector<16xf32>
    %select_n3A_521 = arith.select %and3A_516, %exp3A_518, %broadcast_in_dim3A_520 : vector<16xi1>, vector<16xf32>
    %eq3A_522 = arith.constant 2 : i32
    %eq3A_523 = vector.broadcast %eq3A_522 : i32 to vector<16xi32>
    %eq3A_524 = arith.cmpi eq, %select_n3A_413, %eq3A_523 : vector<16xi32>
    %eq3A_525 = arith.constant 2 : i32
    %eq3A_526 = vector.broadcast %eq3A_525 : i32 to vector<16xi32>
    %eq3A_527 = arith.cmpi eq, %select_n3A_489, %eq3A_526 : vector<16xi32>
    %or3A_528 = arith.ori %eq3A_524, %eq3A_527 : vector<16xi1>
    %ne3A_529 = arith.constant 0.000000e+00 : f32
    %ne3A_530 = vector.broadcast %ne3A_529 : f32 to vector<16xf32>
    %ne3A_531 = arith.cmpf one, %get3A_351, %ne3A_530 : vector<16xf32>
    %and3A_532 = arith.andi %or3A_528, %ne3A_531 : vector<16xi1>
    %sub3A_533 = arith.subf %get3A_351, %select_n3A_410 : vector<16xf32>
    %exp3A_534 = math.exp %sub3A_533 : vector<16xf32>
    %jit3A_535 = arith.constant 0.000000e+00 : f32
    %broadcast_in_dim3A_536 = vector.broadcast %jit3A_535 : f32 to vector<16xf32>
    %select_n3A_537 = arith.select %and3A_532, %exp3A_534, %broadcast_in_dim3A_536 : vector<16xi1>, vector<16xf32>
    %eq3A_538 = arith.constant 3 : i32
    %eq3A_539 = vector.broadcast %eq3A_538 : i32 to vector<16xi32>
    %eq3A_540 = arith.cmpi eq, %select_n3A_413, %eq3A_539 : vector<16xi32>
    %eq3A_541 = arith.constant 3 : i32
    %eq3A_542 = vector.broadcast %eq3A_541 : i32 to vector<16xi32>
    %eq3A_543 = arith.cmpi eq, %select_n3A_489, %eq3A_542 : vector<16xi32>
    %or3A_544 = arith.ori %eq3A_540, %eq3A_543 : vector<16xi1>
    %ne3A_545 = arith.constant 0.000000e+00 : f32
    %ne3A_546 = vector.broadcast %ne3A_545 : f32 to vector<16xf32>
    %ne3A_547 = arith.cmpf one, %get3A_356, %ne3A_546 : vector<16xf32>
    %and3A_548 = arith.andi %or3A_544, %ne3A_547 : vector<16xi1>
    %sub3A_549 = arith.subf %get3A_356, %select_n3A_410 : vector<16xf32>
    %exp3A_550 = math.exp %sub3A_549 : vector<16xf32>
    %jit3A_551 = arith.constant 0.000000e+00 : f32
    %broadcast_in_dim3A_552 = vector.broadcast %jit3A_551 : f32 to vector<16xf32>
    %select_n3A_553 = arith.select %and3A_548, %exp3A_550, %broadcast_in_dim3A_552 : vector<16xi1>, vector<16xf32>
    %eq3A_554 = arith.constant 4 : i32
    %eq3A_555 = vector.broadcast %eq3A_554 : i32 to vector<16xi32>
    %eq3A_556 = arith.cmpi eq, %select_n3A_413, %eq3A_555 : vector<16xi32>
    %eq3A_557 = arith.constant 4 : i32
    %eq3A_558 = vector.broadcast %eq3A_557 : i32 to vector<16xi32>
    %eq3A_559 = arith.cmpi eq, %select_n3A_489, %eq3A_558 : vector<16xi32>
    %or3A_560 = arith.ori %eq3A_556, %eq3A_559 : vector<16xi1>
    %ne3A_561 = arith.constant 0.000000e+00 : f32
    %ne3A_562 = vector.broadcast %ne3A_561 : f32 to vector<16xf32>
    %ne3A_563 = arith.cmpf one, %get3A_361, %ne3A_562 : vector<16xf32>
    %and3A_564 = arith.andi %or3A_560, %ne3A_563 : vector<16xi1>
    %sub3A_565 = arith.subf %get3A_361, %select_n3A_410 : vector<16xf32>
    %exp3A_566 = math.exp %sub3A_565 : vector<16xf32>
    %jit3A_567 = arith.constant 0.000000e+00 : f32
    %broadcast_in_dim3A_568 = vector.broadcast %jit3A_567 : f32 to vector<16xf32>
    %select_n3A_569 = arith.select %and3A_564, %exp3A_566, %broadcast_in_dim3A_568 : vector<16xi1>, vector<16xf32>
    %eq3A_570 = arith.constant 5 : i32
    %eq3A_571 = vector.broadcast %eq3A_570 : i32 to vector<16xi32>
    %eq3A_572 = arith.cmpi eq, %select_n3A_413, %eq3A_571 : vector<16xi32>
    %eq3A_573 = arith.constant 5 : i32
    %eq3A_574 = vector.broadcast %eq3A_573 : i32 to vector<16xi32>
    %eq3A_575 = arith.cmpi eq, %select_n3A_489, %eq3A_574 : vector<16xi32>
    %or3A_576 = arith.ori %eq3A_572, %eq3A_575 : vector<16xi1>
    %ne3A_577 = arith.constant 0.000000e+00 : f32
    %ne3A_578 = vector.broadcast %ne3A_577 : f32 to vector<16xf32>
    %ne3A_579 = arith.cmpf one, %get3A_366, %ne3A_578 : vector<16xf32>
    %and3A_580 = arith.andi %or3A_576, %ne3A_579 : vector<16xi1>
    %sub3A_581 = arith.subf %get3A_366, %select_n3A_410 : vector<16xf32>
    %exp3A_582 = math.exp %sub3A_581 : vector<16xf32>
    %jit3A_583 = arith.constant 0.000000e+00 : f32
    %broadcast_in_dim3A_584 = vector.broadcast %jit3A_583 : f32 to vector<16xf32>
    %select_n3A_585 = arith.select %and3A_580, %exp3A_582, %broadcast_in_dim3A_584 : vector<16xi1>, vector<16xf32>
    %eq3A_586 = arith.constant 6 : i32
    %eq3A_587 = vector.broadcast %eq3A_586 : i32 to vector<16xi32>
    %eq3A_588 = arith.cmpi eq, %select_n3A_413, %eq3A_587 : vector<16xi32>
    %eq3A_589 = arith.constant 6 : i32
    %eq3A_590 = vector.broadcast %eq3A_589 : i32 to vector<16xi32>
    %eq3A_591 = arith.cmpi eq, %select_n3A_489, %eq3A_590 : vector<16xi32>
    %or3A_592 = arith.ori %eq3A_588, %eq3A_591 : vector<16xi1>
    %ne3A_593 = arith.constant 0.000000e+00 : f32
    %ne3A_594 = vector.broadcast %ne3A_593 : f32 to vector<16xf32>
    %ne3A_595 = arith.cmpf one, %get3A_371, %ne3A_594 : vector<16xf32>
    %and3A_596 = arith.andi %or3A_592, %ne3A_595 : vector<16xi1>
    %sub3A_597 = arith.subf %get3A_371, %select_n3A_410 : vector<16xf32>
    %exp3A_598 = math.exp %sub3A_597 : vector<16xf32>
    %jit3A_599 = arith.constant 0.000000e+00 : f32
    %broadcast_in_dim3A_600 = vector.broadcast %jit3A_599 : f32 to vector<16xf32>
    %select_n3A_601 = arith.select %and3A_596, %exp3A_598, %broadcast_in_dim3A_600 : vector<16xi1>, vector<16xf32>
    %eq3A_602 = arith.constant 7 : i32
    %eq3A_603 = vector.broadcast %eq3A_602 : i32 to vector<16xi32>
    %eq3A_604 = arith.cmpi eq, %select_n3A_413, %eq3A_603 : vector<16xi32>
    %eq3A_605 = arith.constant 7 : i32
    %eq3A_606 = vector.broadcast %eq3A_605 : i32 to vector<16xi32>
    %eq3A_607 = arith.cmpi eq, %select_n3A_489, %eq3A_606 : vector<16xi32>
    %or3A_608 = arith.ori %eq3A_604, %eq3A_607 : vector<16xi1>
    %ne3A_609 = arith.constant 0.000000e+00 : f32
    %ne3A_610 = vector.broadcast %ne3A_609 : f32 to vector<16xf32>
    %ne3A_611 = arith.cmpf one, %get3A_376, %ne3A_610 : vector<16xf32>
    %and3A_612 = arith.andi %or3A_608, %ne3A_611 : vector<16xi1>
    %sub3A_613 = arith.subf %get3A_376, %select_n3A_410 : vector<16xf32>
    %exp3A_614 = math.exp %sub3A_613 : vector<16xf32>
    %jit3A_615 = arith.constant 0.000000e+00 : f32
    %broadcast_in_dim3A_616 = vector.broadcast %jit3A_615 : f32 to vector<16xf32>
    %select_n3A_617 = arith.select %and3A_612, %exp3A_614, %broadcast_in_dim3A_616 : vector<16xi1>, vector<16xf32>
    %add3A_618 = arith.addf %select_n3A_505, %select_n3A_521 : vector<16xf32>
    %add3A_619 = arith.addf %add3A_618, %select_n3A_537 : vector<16xf32>
    %add3A_620 = arith.addf %add3A_619, %select_n3A_553 : vector<16xf32>
    %add3A_621 = arith.addf %add3A_620, %select_n3A_569 : vector<16xf32>
    %add3A_622 = arith.addf %add3A_621, %select_n3A_585 : vector<16xf32>
    %add3A_623 = arith.addf %add3A_622, %select_n3A_601 : vector<16xf32>
    %add3A_624 = arith.addf %add3A_623, %select_n3A_617 : vector<16xf32>
    %div3A_625 = arith.constant 1.000000e+00 : f32
    %div3A_626 = vector.broadcast %div3A_625 : f32 to vector<16xf32>
    %div3A_627 = arith.divf %div3A_626, %add3A_624 : vector<16xf32>
    %mul3A_628 = arith.mulf %select_n3A_505, %div3A_627 : vector<16xf32>
    %swap3A_629 = arith.constant 0 : i32
    %swap3A_630 = arith.index_cast %swap3A_629 : i32 to index
    %swap3A_631 = arith.constant 16 : index
    %swap3A_632 = tpu.vector_load %arg5[%swap3A_630, %swap3A_631] {strides = array<i32>} : memref<8x128xf32, #tpu.memory_space<vmem>>, vector<1x16xf32>,
    %swap3A_633 = vector.shape_cast %swap3A_632 : vector<1x16xf32> to vector<16xf32>
    %swap3A_634 = vector.shape_cast %mul3A_628 : vector<16xf32> to vector<1x16xf32>
    tpu.vector_store %arg5[%swap3A_630, %swap3A_631], %swap3A_634 {strides = array<i32>} : memref<8x128xf32, #tpu.memory_space<vmem>>, vector<1x16xf32>,
    %mul3A_635 = arith.mulf %select_n3A_521, %div3A_627 : vector<16xf32>
    %swap3A_636 = arith.constant 1 : i32
    %swap3A_637 = arith.index_cast %swap3A_636 : i32 to index
    %swap3A_638 = arith.constant 16 : index
    %swap3A_639 = tpu.vector_load %arg5[%swap3A_637, %swap3A_638] {strides = array<i32>} : memref<8x128xf32, #tpu.memory_space<vmem>>, vector<1x16xf32>,
    %swap3A_640 = vector.shape_cast %swap3A_639 : vector<1x16xf32> to vector<16xf32>
    %swap3A_641 = vector.shape_cast %mul3A_635 : vector<16xf32> to vector<1x16xf32>
    tpu.vector_store %arg5[%swap3A_637, %swap3A_638], %swap3A_641 {strides = array<i32>} : memref<8x128xf32, #tpu.memory_space<vmem>>, vector<1x16xf32>,
    %mul3A_642 = arith.mulf %select_n3A_537, %div3A_627 : vector<16xf32>
    %swap3A_643 = arith.constant 2 : i32
    %swap3A_644 = arith.index_cast %swap3A_643 : i32 to index
    %swap3A_645 = arith.constant 16 : index
    %swap3A_646 = tpu.vector_load %arg5[%swap3A_644, %swap3A_645] {strides = array<i32>} : memref<8x128xf32, #tpu.memory_space<vmem>>, vector<1x16xf32>,
    %swap3A_647 = vector.shape_cast %swap3A_646 : vector<1x16xf32> to vector<16xf32>
    %swap3A_648 = vector.shape_cast %mul3A_642 : vector<16xf32> to vector<1x16xf32>
    tpu.vector_store %arg5[%swap3A_644, %swap3A_645], %swap3A_648 {strides = array<i32>} : memref<8x128xf32, #tpu.memory_space<vmem>>, vector<1x16xf32>,
    %mul3A_649 = arith.mulf %select_n3A_553, %div3A_627 : vector<16xf32>
    %swap3A_650 = arith.constant 3 : i32
    %swap3A_651 = arith.index_cast %swap3A_650 : i32 to index
    %swap3A_652 = arith.constant 16 : index
    %swap3A_653 = tpu.vector_load %arg5[%swap3A_651, %swap3A_652] {strides = array<i32>} : memref<8x128xf32, #tpu.memory_space<vmem>>, vector<1x16xf32>,
    %swap3A_654 = vector.shape_cast %swap3A_653 : vector<1x16xf32> to vector<16xf32>
    %swap3A_655 = vector.shape_cast %mul3A_649 : vector<16xf32> to vector<1x16xf32>
    tpu.vector_store %arg5[%swap3A_651, %swap3A_652], %swap3A_655 {strides = array<i32>} : memref<8x128xf32, #tpu.memory_space<vmem>>, vector<1x16xf32>,
    %mul3A_656 = arith.mulf %select_n3A_569, %div3A_627 : vector<16xf32>
    %swap3A_657 = arith.constant 4 : i32
    %swap3A_658 = arith.index_cast %swap3A_657 : i32 to index
    %swap3A_659 = arith.constant 16 : index
    %swap3A_660 = tpu.vector_load %arg5[%swap3A_658, %swap3A_659] {strides = array<i32>} : memref<8x128xf32, #tpu.memory_space<vmem>>, vector<1x16xf32>,
    %swap3A_661 = vector.shape_cast %swap3A_660 : vector<1x16xf32> to vector<16xf32>
    %swap3A_662 = vector.shape_cast %mul3A_656 : vector<16xf32> to vector<1x16xf32>
    tpu.vector_store %arg5[%swap3A_658, %swap3A_659], %swap3A_662 {strides = array<i32>} : memref<8x128xf32, #tpu.memory_space<vmem>>, vector<1x16xf32>,
    %mul3A_663 = arith.mulf %select_n3A_585, %div3A_627 : vector<16xf32>
    %swap3A_664 = arith.constant 5 : i32
    %swap3A_665 = arith.index_cast %swap3A_664 : i32 to index
    %swap3A_666 = arith.constant 16 : index
    %swap3A_667 = tpu.vector_load %arg5[%swap3A_665, %swap3A_666] {strides = array<i32>} : memref<8x128xf32, #tpu.memory_space<vmem>>, vector<1x16xf32>,
    %swap3A_668 = vector.shape_cast %swap3A_667 : vector<1x16xf32> to vector<16xf32>
    %swap3A_669 = vector.shape_cast %mul3A_663 : vector<16xf32> to vector<1x16xf32>
    tpu.vector_store %arg5[%swap3A_665, %swap3A_666], %swap3A_669 {strides = array<i32>} : memref<8x128xf32, #tpu.memory_space<vmem>>, vector<1x16xf32>,
    %mul3A_670 = arith.mulf %select_n3A_601, %div3A_627 : vector<16xf32>
    %swap3A_671 = arith.constant 6 : i32
    %swap3A_672 = arith.index_cast %swap3A_671 : i32 to index
    %swap3A_673 = arith.constant 16 : index
    %swap3A_674 = tpu.vector_load %arg5[%swap3A_672, %swap3A_673] {strides = array<i32>} : memref<8x128xf32, #tpu.memory_space<vmem>>, vector<1x16xf32>,
    %swap3A_675 = vector.shape_cast %swap3A_674 : vector<1x16xf32> to vector<16xf32>
    %swap3A_676 = vector.shape_cast %mul3A_670 : vector<16xf32> to vector<1x16xf32>
    tpu.vector_store %arg5[%swap3A_672, %swap3A_673], %swap3A_676 {strides = array<i32>} : memref<8x128xf32, #tpu.memory_space<vmem>>, vector<1x16xf32>,
    %mul3A_677 = arith.mulf %select_n3A_617, %div3A_627 : vector<16xf32>
    %swap3A_678 = arith.constant 7 : i32
    %swap3A_679 = arith.index_cast %swap3A_678 : i32 to index
    %swap3A_680 = arith.constant 16 : index
    %swap3A_681 = tpu.vector_load %arg5[%swap3A_679, %swap3A_680] {strides = array<i32>} : memref<8x128xf32, #tpu.memory_space<vmem>>, vector<1x16xf32>,
    %swap3A_682 = vector.shape_cast %swap3A_681 : vector<1x16xf32> to vector<16xf32>
    %swap3A_683 = vector.shape_cast %mul3A_677 : vector<16xf32> to vector<1x16xf32>
    tpu.vector_store %arg5[%swap3A_679, %swap3A_680], %swap3A_683 {strides = array<i32>} : memref<8x128xf32, #tpu.memory_space<vmem>>, vector<1x16xf32>,
    %get3A_684 = arith.constant 0 : i32
    %get3A_685 = arith.index_cast %get3A_684 : i32 to index
    %get3A_686 = arith.constant 32 : index
    %get3A_687 = tpu.vector_load %arg4[%get3A_685, %get3A_686] {strides = array<i32>} : memref<8x128xf32, #tpu.memory_space<vmem>>, vector<1x16xf32>,
    %get3A_688 = vector.shape_cast %get3A_687 : vector<1x16xf32> to vector<16xf32>
    %get3A_689 = arith.constant 1 : i32
    %get3A_690 = arith.index_cast %get3A_689 : i32 to index
    %get3A_691 = arith.constant 32 : index
    %get3A_692 = tpu.vector_load %arg4[%get3A_690, %get3A_691] {strides = array<i32>} : memref<8x128xf32, #tpu.memory_space<vmem>>, vector<1x16xf32>,
    %get3A_693 = vector.shape_cast %get3A_692 : vector<1x16xf32> to vector<16xf32>
    %get3A_694 = arith.constant 2 : i32
    %get3A_695 = arith.index_cast %get3A_694 : i32 to index
    %get3A_696 = arith.constant 32 : index
    %get3A_697 = tpu.vector_load %arg4[%get3A_695, %get3A_696] {strides = array<i32>} : memref<8x128xf32, #tpu.memory_space<vmem>>, vector<1x16xf32>,
    %get3A_698 = vector.shape_cast %get3A_697 : vector<1x16xf32> to vector<16xf32>
    %get3A_699 = arith.constant 3 : i32
    %get3A_700 = arith.index_cast %get3A_699 : i32 to index
    %get3A_701 = arith.constant 32 : index
    %get3A_702 = tpu.vector_load %arg4[%get3A_700, %get3A_701] {strides = array<i32>} : memref<8x128xf32, #tpu.memory_space<vmem>>, vector<1x16xf32>,
    %get3A_703 = vector.shape_cast %get3A_702 : vector<1x16xf32> to vector<16xf32>
    %get3A_704 = arith.constant 4 : i32
    %get3A_705 = arith.index_cast %get3A_704 : i32 to index
    %get3A_706 = arith.constant 32 : index
    %get3A_707 = tpu.vector_load %arg4[%get3A_705, %get3A_706] {strides = array<i32>} : memref<8x128xf32, #tpu.memory_space<vmem>>, vector<1x16xf32>,
    %get3A_708 = vector.shape_cast %get3A_707 : vector<1x16xf32> to vector<16xf32>
    %get3A_709 = arith.constant 5 : i32
    %get3A_710 = arith.index_cast %get3A_709 : i32 to index
    %get3A_711 = arith.constant 32 : index
    %get3A_712 = tpu.vector_load %arg4[%get3A_710, %get3A_711] {strides = array<i32>} : memref<8x128xf32, #tpu.memory_space<vmem>>, vector<1x16xf32>,
    %get3A_713 = vector.shape_cast %get3A_712 : vector<1x16xf32> to vector<16xf32>
    %get3A_714 = arith.constant 6 : i32
    %get3A_715 = arith.index_cast %get3A_714 : i32 to index
    %get3A_716 = arith.constant 32 : index
    %get3A_717 = tpu.vector_load %arg4[%get3A_715, %get3A_716] {strides = array<i32>} : memref<8x128xf32, #tpu.memory_space<vmem>>, vector<1x16xf32>,
    %get3A_718 = vector.shape_cast %get3A_717 : vector<1x16xf32> to vector<16xf32>
    %get3A_719 = arith.constant 7 : i32
    %get3A_720 = arith.index_cast %get3A_719 : i32 to index
    %get3A_721 = arith.constant 32 : index
    %get3A_722 = tpu.vector_load %arg4[%get3A_720, %get3A_721] {strides = array<i32>} : memref<8x128xf32, #tpu.memory_space<vmem>>, vector<1x16xf32>,
    %get3A_723 = vector.shape_cast %get3A_722 : vector<1x16xf32> to vector<16xf32>
    %broadcast_in_dim3A_724 = arith.constant 0 : i32
    %broadcast_in_dim3A_725 = vector.broadcast %broadcast_in_dim3A_724 : i32 to vector<16xi32>
    %gt3A_726 = arith.cmpf ogt, %get3A_693, %get3A_688 : vector<16xf32>
    %select_n3A_727 = arith.select %gt3A_726, %get3A_693, %get3A_688 : vector<16xi1>, vector<16xf32>
    %jit3A_728 = arith.constant 1 : i32
    %broadcast_in_dim3A_729 = vector.broadcast %jit3A_728 : i32 to vector<16xi32>
    %select_n3A_730 = arith.select %gt3A_726, %broadcast_in_dim3A_729, %broadcast_in_dim3A_725 : vector<16xi1>, vector<16xi32>
    %gt3A_731 = arith.cmpf ogt, %get3A_698, %select_n3A_727 : vector<16xf32>
    %select_n3A_732 = arith.select %gt3A_731, %get3A_698, %select_n3A_727 : vector<16xi1>, vector<16xf32>
    %jit3A_733 = arith.constant 2 : i32
    %broadcast_in_dim3A_734 = vector.broadcast %jit3A_733 : i32 to vector<16xi32>
    %select_n3A_735 = arith.select %gt3A_731, %broadcast_in_dim3A_734, %select_n3A_730 : vector<16xi1>, vector<16xi32>
    %gt3A_736 = arith.cmpf ogt, %get3A_703, %select_n3A_732 : vector<16xf32>
    %select_n3A_737 = arith.select %gt3A_736, %get3A_703, %select_n3A_732 : vector<16xi1>, vector<16xf32>
    %jit3A_738 = arith.constant 3 : i32
    %broadcast_in_dim3A_739 = vector.broadcast %jit3A_738 : i32 to vector<16xi32>
    %select_n3A_740 = arith.select %gt3A_736, %broadcast_in_dim3A_739, %select_n3A_735 : vector<16xi1>, vector<16xi32>
    %gt3A_741 = arith.cmpf ogt, %get3A_708, %select_n3A_737 : vector<16xf32>
    %select_n3A_742 = arith.select %gt3A_741, %get3A_708, %select_n3A_737 : vector<16xi1>, vector<16xf32>
    %jit3A_743 = arith.constant 4 : i32
    %broadcast_in_dim3A_744 = vector.broadcast %jit3A_743 : i32 to vector<16xi32>
    %select_n3A_745 = arith.select %gt3A_741, %broadcast_in_dim3A_744, %select_n3A_740 : vector<16xi1>, vector<16xi32>
    %gt3A_746 = arith.cmpf ogt, %get3A_713, %select_n3A_742 : vector<16xf32>
    %select_n3A_747 = arith.select %gt3A_746, %get3A_713, %select_n3A_742 : vector<16xi1>, vector<16xf32>
    %jit3A_748 = arith.constant 5 : i32
    %broadcast_in_dim3A_749 = vector.broadcast %jit3A_748 : i32 to vector<16xi32>
    %select_n3A_750 = arith.select %gt3A_746, %broadcast_in_dim3A_749, %select_n3A_745 : vector<16xi1>, vector<16xi32>
    %gt3A_751 = arith.cmpf ogt, %get3A_718, %select_n3A_747 : vector<16xf32>
    %select_n3A_752 = arith.select %gt3A_751, %get3A_718, %select_n3A_747 : vector<16xi1>, vector<16xf32>
    %jit3A_753 = arith.constant 6 : i32
    %broadcast_in_dim3A_754 = vector.broadcast %jit3A_753 : i32 to vector<16xi32>
    %select_n3A_755 = arith.select %gt3A_751, %broadcast_in_dim3A_754, %select_n3A_750 : vector<16xi1>, vector<16xi32>
    %gt3A_756 = arith.cmpf ogt, %get3A_723, %select_n3A_752 : vector<16xf32>
    %select_n3A_757 = arith.select %gt3A_756, %get3A_723, %select_n3A_752 : vector<16xi1>, vector<16xf32>
    %jit3A_758 = arith.constant 7 : i32
    %broadcast_in_dim3A_759 = vector.broadcast %jit3A_758 : i32 to vector<16xi32>
    %select_n3A_760 = arith.select %gt3A_756, %broadcast_in_dim3A_759, %select_n3A_755 : vector<16xi1>, vector<16xi32>
    %broadcast_in_dim3A_761 = arith.constant 0xFF800000 : f32
    %broadcast_in_dim3A_762 = vector.broadcast %broadcast_in_dim3A_761 : f32 to vector<16xf32>
    %broadcast_in_dim3A_763 = arith.constant 0 : i32
    %broadcast_in_dim3A_764 = vector.broadcast %broadcast_in_dim3A_763 : i32 to vector<16xi32>
    %ne3A_765 = arith.constant 0 : i32
    %ne3A_766 = vector.broadcast %ne3A_765 : i32 to vector<16xi32>
    %ne3A_767 = arith.cmpi ne, %select_n3A_760, %ne3A_766 : vector<16xi32>
    %gt3A_768 = arith.cmpf ogt, %get3A_688, %broadcast_in_dim3A_762 : vector<16xf32>
    %and3A_769 = arith.andi %ne3A_767, %gt3A_768 : vector<16xi1>
    %select_n3A_770 = arith.select %and3A_769, %get3A_688, %broadcast_in_dim3A_762 : vector<16xi1>, vector<16xf32>
    %jit3A_771 = arith.constant 0 : i32
    %broadcast_in_dim3A_772 = vector.broadcast %jit3A_771 : i32 to vector<16xi32>
    %select_n3A_773 = arith.select %and3A_769, %broadcast_in_dim3A_772, %broadcast_in_dim3A_764 : vector<16xi1>, vector<16xi32>
    %ne3A_774 = arith.constant 1 : i32
    %ne3A_775 = vector.broadcast %ne3A_774 : i32 to vector<16xi32>
    %ne3A_776 = arith.cmpi ne, %select_n3A_760, %ne3A_775 : vector<16xi32>
    %gt3A_777 = arith.cmpf ogt, %get3A_693, %select_n3A_770 : vector<16xf32>
    %and3A_778 = arith.andi %ne3A_776, %gt3A_777 : vector<16xi1>
    %select_n3A_779 = arith.select %and3A_778, %get3A_693, %select_n3A_770 : vector<16xi1>, vector<16xf32>
    %jit3A_780 = arith.constant 1 : i32
    %broadcast_in_dim3A_781 = vector.broadcast %jit3A_780 : i32 to vector<16xi32>
    %select_n3A_782 = arith.select %and3A_778, %broadcast_in_dim3A_781, %select_n3A_773 : vector<16xi1>, vector<16xi32>
    %ne3A_783 = arith.constant 2 : i32
    %ne3A_784 = vector.broadcast %ne3A_783 : i32 to vector<16xi32>
    %ne3A_785 = arith.cmpi ne, %select_n3A_760, %ne3A_784 : vector<16xi32>
    %gt3A_786 = arith.cmpf ogt, %get3A_698, %select_n3A_779 : vector<16xf32>
    %and3A_787 = arith.andi %ne3A_785, %gt3A_786 : vector<16xi1>
    %select_n3A_788 = arith.select %and3A_787, %get3A_698, %select_n3A_779 : vector<16xi1>, vector<16xf32>
    %jit3A_789 = arith.constant 2 : i32
    %broadcast_in_dim3A_790 = vector.broadcast %jit3A_789 : i32 to vector<16xi32>
    %select_n3A_791 = arith.select %and3A_787, %broadcast_in_dim3A_790, %select_n3A_782 : vector<16xi1>, vector<16xi32>
    %ne3A_792 = arith.constant 3 : i32
    %ne3A_793 = vector.broadcast %ne3A_792 : i32 to vector<16xi32>
    %ne3A_794 = arith.cmpi ne, %select_n3A_760, %ne3A_793 : vector<16xi32>
    %gt3A_795 = arith.cmpf ogt, %get3A_703, %select_n3A_788 : vector<16xf32>
    %and3A_796 = arith.andi %ne3A_794, %gt3A_795 : vector<16xi1>
    %select_n3A_797 = arith.select %and3A_796, %get3A_703, %select_n3A_788 : vector<16xi1>, vector<16xf32>
    %jit3A_798 = arith.constant 3 : i32
    %broadcast_in_dim3A_799 = vector.broadcast %jit3A_798 : i32 to vector<16xi32>
    %select_n3A_800 = arith.select %and3A_796, %broadcast_in_dim3A_799, %select_n3A_791 : vector<16xi1>, vector<16xi32>
    %ne3A_801 = arith.constant 4 : i32
    %ne3A_802 = vector.broadcast %ne3A_801 : i32 to vector<16xi32>
    %ne3A_803 = arith.cmpi ne, %select_n3A_760, %ne3A_802 : vector<16xi32>
    %gt3A_804 = arith.cmpf ogt, %get3A_708, %select_n3A_797 : vector<16xf32>
    %and3A_805 = arith.andi %ne3A_803, %gt3A_804 : vector<16xi1>
    %select_n3A_806 = arith.select %and3A_805, %get3A_708, %select_n3A_797 : vector<16xi1>, vector<16xf32>
    %jit3A_807 = arith.constant 4 : i32
    %broadcast_in_dim3A_808 = vector.broadcast %jit3A_807 : i32 to vector<16xi32>
    %select_n3A_809 = arith.select %and3A_805, %broadcast_in_dim3A_808, %select_n3A_800 : vector<16xi1>, vector<16xi32>
    %ne3A_810 = arith.constant 5 : i32
    %ne3A_811 = vector.broadcast %ne3A_810 : i32 to vector<16xi32>
    %ne3A_812 = arith.cmpi ne, %select_n3A_760, %ne3A_811 : vector<16xi32>
    %gt3A_813 = arith.cmpf ogt, %get3A_713, %select_n3A_806 : vector<16xf32>
    %and3A_814 = arith.andi %ne3A_812, %gt3A_813 : vector<16xi1>
    %select_n3A_815 = arith.select %and3A_814, %get3A_713, %select_n3A_806 : vector<16xi1>, vector<16xf32>
    %jit3A_816 = arith.constant 5 : i32
    %broadcast_in_dim3A_817 = vector.broadcast %jit3A_816 : i32 to vector<16xi32>
    %select_n3A_818 = arith.select %and3A_814, %broadcast_in_dim3A_817, %select_n3A_809 : vector<16xi1>, vector<16xi32>
    %ne3A_819 = arith.constant 6 : i32
    %ne3A_820 = vector.broadcast %ne3A_819 : i32 to vector<16xi32>
    %ne3A_821 = arith.cmpi ne, %select_n3A_760, %ne3A_820 : vector<16xi32>
    %gt3A_822 = arith.cmpf ogt, %get3A_718, %select_n3A_815 : vector<16xf32>
    %and3A_823 = arith.andi %ne3A_821, %gt3A_822 : vector<16xi1>
    %select_n3A_824 = arith.select %and3A_823, %get3A_718, %select_n3A_815 : vector<16xi1>, vector<16xf32>
    %jit3A_825 = arith.constant 6 : i32
    %broadcast_in_dim3A_826 = vector.broadcast %jit3A_825 : i32 to vector<16xi32>
    %select_n3A_827 = arith.select %and3A_823, %broadcast_in_dim3A_826, %select_n3A_818 : vector<16xi1>, vector<16xi32>
    %ne3A_828 = arith.constant 7 : i32
    %ne3A_829 = vector.broadcast %ne3A_828 : i32 to vector<16xi32>
    %ne3A_830 = arith.cmpi ne, %select_n3A_760, %ne3A_829 : vector<16xi32>
    %gt3A_831 = arith.cmpf ogt, %get3A_723, %select_n3A_824 : vector<16xf32>
    %and3A_832 = arith.andi %ne3A_830, %gt3A_831 : vector<16xi1>
    %select_n3A_833 = arith.select %and3A_832, %get3A_723, %select_n3A_824 : vector<16xi1>, vector<16xf32>
    %jit3A_834 = arith.constant 7 : i32
    %broadcast_in_dim3A_835 = vector.broadcast %jit3A_834 : i32 to vector<16xi32>
    %select_n3A_836 = arith.select %and3A_832, %broadcast_in_dim3A_835, %select_n3A_827 : vector<16xi1>, vector<16xi32>
    %eq3A_837 = arith.constant 0 : i32
    %eq3A_838 = vector.broadcast %eq3A_837 : i32 to vector<16xi32>
    %eq3A_839 = arith.cmpi eq, %select_n3A_760, %eq3A_838 : vector<16xi32>
    %eq3A_840 = arith.constant 0 : i32
    %eq3A_841 = vector.broadcast %eq3A_840 : i32 to vector<16xi32>
    %eq3A_842 = arith.cmpi eq, %select_n3A_836, %eq3A_841 : vector<16xi32>
    %or3A_843 = arith.ori %eq3A_839, %eq3A_842 : vector<16xi1>
    %ne3A_844 = arith.constant 0.000000e+00 : f32
    %ne3A_845 = vector.broadcast %ne3A_844 : f32 to vector<16xf32>
    %ne3A_846 = arith.cmpf one, %get3A_688, %ne3A_845 : vector<16xf32>
    %and3A_847 = arith.andi %or3A_843, %ne3A_846 : vector<16xi1>
    %sub3A_848 = arith.subf %get3A_688, %select_n3A_757 : vector<16xf32>
    %exp3A_849 = math.exp %sub3A_848 : vector<16xf32>
    %jit3A_850 = arith.constant 0.000000e+00 : f32
    %broadcast_in_dim3A_851 = vector.broadcast %jit3A_850 : f32 to vector<16xf32>
    %select_n3A_852 = arith.select %and3A_847, %exp3A_849, %broadcast_in_dim3A_851 : vector<16xi1>, vector<16xf32>
    %eq3A_853 = arith.constant 1 : i32
    %eq3A_854 = vector.broadcast %eq3A_853 : i32 to vector<16xi32>
    %eq3A_855 = arith.cmpi eq, %select_n3A_760, %eq3A_854 : vector<16xi32>
    %eq3A_856 = arith.constant 1 : i32
    %eq3A_857 = vector.broadcast %eq3A_856 : i32 to vector<16xi32>
    %eq3A_858 = arith.cmpi eq, %select_n3A_836, %eq3A_857 : vector<16xi32>
    %or3A_859 = arith.ori %eq3A_855, %eq3A_858 : vector<16xi1>
    %ne3A_860 = arith.constant 0.000000e+00 : f32
    %ne3A_861 = vector.broadcast %ne3A_860 : f32 to vector<16xf32>
    %ne3A_862 = arith.cmpf one, %get3A_693, %ne3A_861 : vector<16xf32>
    %and3A_863 = arith.andi %or3A_859, %ne3A_862 : vector<16xi1>
    %sub3A_864 = arith.subf %get3A_693, %select_n3A_757 : vector<16xf32>
    %exp3A_865 = math.exp %sub3A_864 : vector<16xf32>
    %jit3A_866 = arith.constant 0.000000e+00 : f32
    %broadcast_in_dim3A_867 = vector.broadcast %jit3A_866 : f32 to vector<16xf32>
    %select_n3A_868 = arith.select %and3A_863, %exp3A_865, %broadcast_in_dim3A_867 : vector<16xi1>, vector<16xf32>
    %eq3A_869 = arith.constant 2 : i32
    %eq3A_870 = vector.broadcast %eq3A_869 : i32 to vector<16xi32>
    %eq3A_871 = arith.cmpi eq, %select_n3A_760, %eq3A_870 : vector<16xi32>
    %eq3A_872 = arith.constant 2 : i32
    %eq3A_873 = vector.broadcast %eq3A_872 : i32 to vector<16xi32>
    %eq3A_874 = arith.cmpi eq, %select_n3A_836, %eq3A_873 : vector<16xi32>
    %or3A_875 = arith.ori %eq3A_871, %eq3A_874 : vector<16xi1>
    %ne3A_876 = arith.constant 0.000000e+00 : f32
    %ne3A_877 = vector.broadcast %ne3A_876 : f32 to vector<16xf32>
    %ne3A_878 = arith.cmpf one, %get3A_698, %ne3A_877 : vector<16xf32>
    %and3A_879 = arith.andi %or3A_875, %ne3A_878 : vector<16xi1>
    %sub3A_880 = arith.subf %get3A_698, %select_n3A_757 : vector<16xf32>
    %exp3A_881 = math.exp %sub3A_880 : vector<16xf32>
    %jit3A_882 = arith.constant 0.000000e+00 : f32
    %broadcast_in_dim3A_883 = vector.broadcast %jit3A_882 : f32 to vector<16xf32>
    %select_n3A_884 = arith.select %and3A_879, %exp3A_881, %broadcast_in_dim3A_883 : vector<16xi1>, vector<16xf32>
    %eq3A_885 = arith.constant 3 : i32
    %eq3A_886 = vector.broadcast %eq3A_885 : i32 to vector<16xi32>
    %eq3A_887 = arith.cmpi eq, %select_n3A_760, %eq3A_886 : vector<16xi32>
    %eq3A_888 = arith.constant 3 : i32
    %eq3A_889 = vector.broadcast %eq3A_888 : i32 to vector<16xi32>
    %eq3A_890 = arith.cmpi eq, %select_n3A_836, %eq3A_889 : vector<16xi32>
    %or3A_891 = arith.ori %eq3A_887, %eq3A_890 : vector<16xi1>
    %ne3A_892 = arith.constant 0.000000e+00 : f32
    %ne3A_893 = vector.broadcast %ne3A_892 : f32 to vector<16xf32>
    %ne3A_894 = arith.cmpf one, %get3A_703, %ne3A_893 : vector<16xf32>
    %and3A_895 = arith.andi %or3A_891, %ne3A_894 : vector<16xi1>
    %sub3A_896 = arith.subf %get3A_703, %select_n3A_757 : vector<16xf32>
    %exp3A_897 = math.exp %sub3A_896 : vector<16xf32>
    %jit3A_898 = arith.constant 0.000000e+00 : f32
    %broadcast_in_dim3A_899 = vector.broadcast %jit3A_898 : f32 to vector<16xf32>
    %select_n3A_900 = arith.select %and3A_895, %exp3A_897, %broadcast_in_dim3A_899 : vector<16xi1>, vector<16xf32>
    %eq3A_901 = arith.constant 4 : i32
    %eq3A_902 = vector.broadcast %eq3A_901 : i32 to vector<16xi32>
    %eq3A_903 = arith.cmpi eq, %select_n3A_760, %eq3A_902 : vector<16xi32>
    %eq3A_904 = arith.constant 4 : i32
    %eq3A_905 = vector.broadcast %eq3A_904 : i32 to vector<16xi32>
    %eq3A_906 = arith.cmpi eq, %select_n3A_836, %eq3A_905 : vector<16xi32>
    %or3A_907 = arith.ori %eq3A_903, %eq3A_906 : vector<16xi1>
    %ne3A_908 = arith.constant 0.000000e+00 : f32
    %ne3A_909 = vector.broadcast %ne3A_908 : f32 to vector<16xf32>
    %ne3A_910 = arith.cmpf one, %get3A_708, %ne3A_909 : vector<16xf32>
    %and3A_911 = arith.andi %or3A_907, %ne3A_910 : vector<16xi1>
    %sub3A_912 = arith.subf %get3A_708, %select_n3A_757 : vector<16xf32>
    %exp3A_913 = math.exp %sub3A_912 : vector<16xf32>
    %jit3A_914 = arith.constant 0.000000e+00 : f32
    %broadcast_in_dim3A_915 = vector.broadcast %jit3A_914 : f32 to vector<16xf32>
    %select_n3A_916 = arith.select %and3A_911, %exp3A_913, %broadcast_in_dim3A_915 : vector<16xi1>, vector<16xf32>
    %eq3A_917 = arith.constant 5 : i32
    %eq3A_918 = vector.broadcast %eq3A_917 : i32 to vector<16xi32>
    %eq3A_919 = arith.cmpi eq, %select_n3A_760, %eq3A_918 : vector<16xi32>
    %eq3A_920 = arith.constant 5 : i32
    %eq3A_921 = vector.broadcast %eq3A_920 : i32 to vector<16xi32>
    %eq3A_922 = arith.cmpi eq, %select_n3A_836, %eq3A_921 : vector<16xi32>
    %or3A_923 = arith.ori %eq3A_919, %eq3A_922 : vector<16xi1>
    %ne3A_924 = arith.constant 0.000000e+00 : f32
    %ne3A_925 = vector.broadcast %ne3A_924 : f32 to vector<16xf32>
    %ne3A_926 = arith.cmpf one, %get3A_713, %ne3A_925 : vector<16xf32>
    %and3A_927 = arith.andi %or3A_923, %ne3A_926 : vector<16xi1>
    %sub3A_928 = arith.subf %get3A_713, %select_n3A_757 : vector<16xf32>
    %exp3A_929 = math.exp %sub3A_928 : vector<16xf32>
    %jit3A_930 = arith.constant 0.000000e+00 : f32
    %broadcast_in_dim3A_931 = vector.broadcast %jit3A_930 : f32 to vector<16xf32>
    %select_n3A_932 = arith.select %and3A_927, %exp3A_929, %broadcast_in_dim3A_931 : vector<16xi1>, vector<16xf32>
    %eq3A_933 = arith.constant 6 : i32
    %eq3A_934 = vector.broadcast %eq3A_933 : i32 to vector<16xi32>
    %eq3A_935 = arith.cmpi eq, %select_n3A_760, %eq3A_934 : vector<16xi32>
    %eq3A_936 = arith.constant 6 : i32
    %eq3A_937 = vector.broadcast %eq3A_936 : i32 to vector<16xi32>
    %eq3A_938 = arith.cmpi eq, %select_n3A_836, %eq3A_937 : vector<16xi32>
    %or3A_939 = arith.ori %eq3A_935, %eq3A_938 : vector<16xi1>
    %ne3A_940 = arith.constant 0.000000e+00 : f32
    %ne3A_941 = vector.broadcast %ne3A_940 : f32 to vector<16xf32>
    %ne3A_942 = arith.cmpf one, %get3A_718, %ne3A_941 : vector<16xf32>
    %and3A_943 = arith.andi %or3A_939, %ne3A_942 : vector<16xi1>
    %sub3A_944 = arith.subf %get3A_718, %select_n3A_757 : vector<16xf32>
    %exp3A_945 = math.exp %sub3A_944 : vector<16xf32>
    %jit3A_946 = arith.constant 0.000000e+00 : f32
    %broadcast_in_dim3A_947 = vector.broadcast %jit3A_946 : f32 to vector<16xf32>
    %select_n3A_948 = arith.select %and3A_943, %exp3A_945, %broadcast_in_dim3A_947 : vector<16xi1>, vector<16xf32>
    %eq3A_949 = arith.constant 7 : i32
    %eq3A_950 = vector.broadcast %eq3A_949 : i32 to vector<16xi32>
    %eq3A_951 = arith.cmpi eq, %select_n3A_760, %eq3A_950 : vector<16xi32>
    %eq3A_952 = arith.constant 7 : i32
    %eq3A_953 = vector.broadcast %eq3A_952 : i32 to vector<16xi32>
    %eq3A_954 = arith.cmpi eq, %select_n3A_836, %eq3A_953 : vector<16xi32>
    %or3A_955 = arith.ori %eq3A_951, %eq3A_954 : vector<16xi1>
    %ne3A_956 = arith.constant 0.000000e+00 : f32
    %ne3A_957 = vector.broadcast %ne3A_956 : f32 to vector<16xf32>
    %ne3A_958 = arith.cmpf one, %get3A_723, %ne3A_957 : vector<16xf32>
    %and3A_959 = arith.andi %or3A_955, %ne3A_958 : vector<16xi1>
    %sub3A_960 = arith.subf %get3A_723, %select_n3A_757 : vector<16xf32>
    %exp3A_961 = math.exp %sub3A_960 : vector<16xf32>
    %jit3A_962 = arith.constant 0.000000e+00 : f32
    %broadcast_in_dim3A_963 = vector.broadcast %jit3A_962 : f32 to vector<16xf32>
    %select_n3A_964 = arith.select %and3A_959, %exp3A_961, %broadcast_in_dim3A_963 : vector<16xi1>, vector<16xf32>
    %add3A_965 = arith.addf %select_n3A_852, %select_n3A_868 : vector<16xf32>
    %add3A_966 = arith.addf %add3A_965, %select_n3A_884 : vector<16xf32>
    %add3A_967 = arith.addf %add3A_966, %select_n3A_900 : vector<16xf32>
    %add3A_968 = arith.addf %add3A_967, %select_n3A_916 : vector<16xf32>
    %add3A_969 = arith.addf %add3A_968, %select_n3A_932 : vector<16xf32>
    %add3A_970 = arith.addf %add3A_969, %select_n3A_948 : vector<16xf32>
    %add3A_971 = arith.addf %add3A_970, %select_n3A_964 : vector<16xf32>
    %div3A_972 = arith.constant 1.000000e+00 : f32
    %div3A_973 = vector.broadcast %div3A_972 : f32 to vector<16xf32>
    %div3A_974 = arith.divf %div3A_973, %add3A_971 : vector<16xf32>
    %mul3A_975 = arith.mulf %select_n3A_852, %div3A_974 : vector<16xf32>
    %swap3A_976 = arith.constant 0 : i32
    %swap3A_977 = arith.index_cast %swap3A_976 : i32 to index
    %swap3A_978 = arith.constant 32 : index
    %swap3A_979 = tpu.vector_load %arg5[%swap3A_977, %swap3A_978] {strides = array<i32>} : memref<8x128xf32, #tpu.memory_space<vmem>>, vector<1x16xf32>,
    %swap3A_980 = vector.shape_cast %swap3A_979 : vector<1x16xf32> to vector<16xf32>
    %swap3A_981 = vector.shape_cast %mul3A_975 : vector<16xf32> to vector<1x16xf32>
    tpu.vector_store %arg5[%swap3A_977, %swap3A_978], %swap3A_981 {strides = array<i32>} : memref<8x128xf32, #tpu.memory_space<vmem>>, vector<1x16xf32>,
    %mul3A_982 = arith.mulf %select_n3A_868, %div3A_974 : vector<16xf32>
    %swap3A_983 = arith.constant 1 : i32
    %swap3A_984 = arith.index_cast %swap3A_983 : i32 to index
    %swap3A_985 = arith.constant 32 : index
    %swap3A_986 = tpu.vector_load %arg5[%swap3A_984, %swap3A_985] {strides = array<i32>} : memref<8x128xf32, #tpu.memory_space<vmem>>, vector<1x16xf32>,
    %swap3A_987 = vector.shape_cast %swap3A_986 : vector<1x16xf32> to vector<16xf32>
    %swap3A_988 = vector.shape_cast %mul3A_982 : vector<16xf32> to vector<1x16xf32>
    tpu.vector_store %arg5[%swap3A_984, %swap3A_985], %swap3A_988 {strides = array<i32>} : memref<8x128xf32, #tpu.memory_space<vmem>>, vector<1x16xf32>,
    %mul3A_989 = arith.mulf %select_n3A_884, %div3A_974 : vector<16xf32>
    %swap3A_990 = arith.constant 2 : i32
    %swap3A_991 = arith.index_cast %swap3A_990 : i32 to index
    %swap3A_992 = arith.constant 32 : index
    %swap3A_993 = tpu.vector_load %arg5[%swap3A_991, %swap3A_992] {strides = array<i32>} : memref<8x128xf32, #tpu.memory_space<vmem>>, vector<1x16xf32>,
    %swap3A_994 = vector.shape_cast %swap3A_993 : vector<1x16xf32> to vector<16xf32>
    %swap3A_995 = vector.shape_cast %mul3A_989 : vector<16xf32> to vector<1x16xf32>
    tpu.vector_store %arg5[%swap3A_991, %swap3A_992], %swap3A_995 {strides = array<i32>} : memref<8x128xf32, #tpu.memory_space<vmem>>, vector<1x16xf32>,
    %mul3A_996 = arith.mulf %select_n3A_900, %div3A_974 : vector<16xf32>
    %swap3A_997 = arith.constant 3 : i32
    %swap3A_998 = arith.index_cast %swap3A_997 : i32 to index
    %swap3A_999 = arith.constant 32 : index
    %swap3A_1000 = tpu.vector_load %arg5[%swap3A_998, %swap3A_999] {strides = array<i32>} : memref<8x128xf32, #tpu.memory_space<vmem>>, vector<1x16xf32>,
    %swap3A_1001 = vector.shape_cast %swap3A_1000 : vector<1x16xf32> to vector<16xf32>
    %swap3A_1002 = vector.shape_cast %mul3A_996 : vector<16xf32> to vector<1x16xf32>
    tpu.vector_store %arg5[%swap3A_998, %swap3A_999], %swap3A_1002 {strides = array<i32>} : memref<8x128xf32, #tpu.memory_space<vmem>>, vector<1x16xf32>,
    %mul3A_1003 = arith.mulf %select_n3A_916, %div3A_974 : vector<16xf32>
    %swap3A_1004 = arith.constant 4 : i32
    %swap3A_1005 = arith.index_cast %swap3A_1004 : i32 to index
    %swap3A_1006 = arith.constant 32 : index
    %swap3A_1007 = tpu.vector_load %arg5[%swap3A_1005, %swap3A_1006] {strides = array<i32>} : memref<8x128xf32, #tpu.memory_space<vmem>>, vector<1x16xf32>,
    %swap3A_1008 = vector.shape_cast %swap3A_1007 : vector<1x16xf32> to vector<16xf32>
    %swap3A_1009 = vector.shape_cast %mul3A_1003 : vector<16xf32> to vector<1x16xf32>
    tpu.vector_store %arg5[%swap3A_1005, %swap3A_1006], %swap3A_1009 {strides = array<i32>} : memref<8x128xf32, #tpu.memory_space<vmem>>, vector<1x16xf32>,
    %mul3A_1010 = arith.mulf %select_n3A_932, %div3A_974 : vector<16xf32>
    %swap3A_1011 = arith.constant 5 : i32
    %swap3A_1012 = arith.index_cast %swap3A_1011 : i32 to index
    %swap3A_1013 = arith.constant 32 : index
    %swap3A_1014 = tpu.vector_load %arg5[%swap3A_1012, %swap3A_1013] {strides = array<i32>} : memref<8x128xf32, #tpu.memory_space<vmem>>, vector<1x16xf32>,
    %swap3A_1015 = vector.shape_cast %swap3A_1014 : vector<1x16xf32> to vector<16xf32>
    %swap3A_1016 = vector.shape_cast %mul3A_1010 : vector<16xf32> to vector<1x16xf32>
    tpu.vector_store %arg5[%swap3A_1012, %swap3A_1013], %swap3A_1016 {strides = array<i32>} : memref<8x128xf32, #tpu.memory_space<vmem>>, vector<1x16xf32>,
    %mul3A_1017 = arith.mulf %select_n3A_948, %div3A_974 : vector<16xf32>
    %swap3A_1018 = arith.constant 6 : i32
    %swap3A_1019 = arith.index_cast %swap3A_1018 : i32 to index
    %swap3A_1020 = arith.constant 32 : index
    %swap3A_1021 = tpu.vector_load %arg5[%swap3A_1019, %swap3A_1020] {strides = array<i32>} : memref<8x128xf32, #tpu.memory_space<vmem>>, vector<1x16xf32>,
    %swap3A_1022 = vector.shape_cast %swap3A_1021 : vector<1x16xf32> to vector<16xf32>
    %swap3A_1023 = vector.shape_cast %mul3A_1017 : vector<16xf32> to vector<1x16xf32>
    tpu.vector_store %arg5[%swap3A_1019, %swap3A_1020], %swap3A_1023 {strides = array<i32>} : memref<8x128xf32, #tpu.memory_space<vmem>>, vector<1x16xf32>,
    %mul3A_1024 = arith.mulf %select_n3A_964, %div3A_974 : vector<16xf32>
    %swap3A_1025 = arith.constant 7 : i32
    %swap3A_1026 = arith.index_cast %swap3A_1025 : i32 to index
    %swap3A_1027 = arith.constant 32 : index
    %swap3A_1028 = tpu.vector_load %arg5[%swap3A_1026, %swap3A_1027] {strides = array<i32>} : memref<8x128xf32, #tpu.memory_space<vmem>>, vector<1x16xf32>,
    %swap3A_1029 = vector.shape_cast %swap3A_1028 : vector<1x16xf32> to vector<16xf32>
    %swap3A_1030 = vector.shape_cast %mul3A_1024 : vector<16xf32> to vector<1x16xf32>
    tpu.vector_store %arg5[%swap3A_1026, %swap3A_1027], %swap3A_1030 {strides = array<i32>} : memref<8x128xf32, #tpu.memory_space<vmem>>, vector<1x16xf32>,
    %get3A_1031 = arith.constant 0 : i32
    %get3A_1032 = arith.index_cast %get3A_1031 : i32 to index
    %get3A_1033 = arith.constant 48 : index
    %get3A_1034 = tpu.vector_load %arg4[%get3A_1032, %get3A_1033] {strides = array<i32>} : memref<8x128xf32, #tpu.memory_space<vmem>>, vector<1x16xf32>,
    %get3A_1035 = vector.shape_cast %get3A_1034 : vector<1x16xf32> to vector<16xf32>
    %get3A_1036 = arith.constant 1 : i32
    %get3A_1037 = arith.index_cast %get3A_1036 : i32 to index
    %get3A_1038 = arith.constant 48 : index
    %get3A_1039 = tpu.vector_load %arg4[%get3A_1037, %get3A_1038] {strides = array<i32>} : memref<8x128xf32, #tpu.memory_space<vmem>>, vector<1x16xf32>,
    %get3A_1040 = vector.shape_cast %get3A_1039 : vector<1x16xf32> to vector<16xf32>
    %get3A_1041 = arith.constant 2 : i32
    %get3A_1042 = arith.index_cast %get3A_1041 : i32 to index
    %get3A_1043 = arith.constant 48 : index
    %get3A_1044 = tpu.vector_load %arg4[%get3A_1042, %get3A_1043] {strides = array<i32>} : memref<8x128xf32, #tpu.memory_space<vmem>>, vector<1x16xf32>,
    %get3A_1045 = vector.shape_cast %get3A_1044 : vector<1x16xf32> to vector<16xf32>
    %get3A_1046 = arith.constant 3 : i32
    %get3A_1047 = arith.index_cast %get3A_1046 : i32 to index
    %get3A_1048 = arith.constant 48 : index
    %get3A_1049 = tpu.vector_load %arg4[%get3A_1047, %get3A_1048] {strides = array<i32>} : memref<8x128xf32, #tpu.memory_space<vmem>>, vector<1x16xf32>,
    %get3A_1050 = vector.shape_cast %get3A_1049 : vector<1x16xf32> to vector<16xf32>
    %get3A_1051 = arith.constant 4 : i32
    %get3A_1052 = arith.index_cast %get3A_1051 : i32 to index
    %get3A_1053 = arith.constant 48 : index
    %get3A_1054 = tpu.vector_load %arg4[%get3A_1052, %get3A_1053] {strides = array<i32>} : memref<8x128xf32, #tpu.memory_space<vmem>>, vector<1x16xf32>,
    %get3A_1055 = vector.shape_cast %get3A_1054 : vector<1x16xf32> to vector<16xf32>
    %get3A_1056 = arith.constant 5 : i32
    %get3A_1057 = arith.index_cast %get3A_1056 : i32 to index
    %get3A_1058 = arith.constant 48 : index
    %get3A_1059 = tpu.vector_load %arg4[%get3A_1057, %get3A_1058] {strides = array<i32>} : memref<8x128xf32, #tpu.memory_space<vmem>>, vector<1x16xf32>,
    %get3A_1060 = vector.shape_cast %get3A_1059 : vector<1x16xf32> to vector<16xf32>
    %get3A_1061 = arith.constant 6 : i32
    %get3A_1062 = arith.index_cast %get3A_1061 : i32 to index
    %get3A_1063 = arith.constant 48 : index
    %get3A_1064 = tpu.vector_load %arg4[%get3A_1062, %get3A_1063] {strides = array<i32>} : memref<8x128xf32, #tpu.memory_space<vmem>>, vector<1x16xf32>,
    %get3A_1065 = vector.shape_cast %get3A_1064 : vector<1x16xf32> to vector<16xf32>
    %get3A_1066 = arith.constant 7 : i32
    %get3A_1067 = arith.index_cast %get3A_1066 : i32 to index
    %get3A_1068 = arith.constant 48 : index
    %get3A_1069 = tpu.vector_load %arg4[%get3A_1067, %get3A_1068] {strides = array<i32>} : memref<8x128xf32, #tpu.memory_space<vmem>>, vector<1x16xf32>,
    %get3A_1070 = vector.shape_cast %get3A_1069 : vector<1x16xf32> to vector<16xf32>
    %broadcast_in_dim3A_1071 = arith.constant 0 : i32
    %broadcast_in_dim3A_1072 = vector.broadcast %broadcast_in_dim3A_1071 : i32 to vector<16xi32>
    %gt3A_1073 = arith.cmpf ogt, %get3A_1040, %get3A_1035 : vector<16xf32>
    %select_n3A_1074 = arith.select %gt3A_1073, %get3A_1040, %get3A_1035 : vector<16xi1>, vector<16xf32>
    %jit3A_1075 = arith.constant 1 : i32
    %broadcast_in_dim3A_1076 = vector.broadcast %jit3A_1075 : i32 to vector<16xi32>
    %select_n3A_1077 = arith.select %gt3A_1073, %broadcast_in_dim3A_1076, %broadcast_in_dim3A_1072 : vector<16xi1>, vector<16xi32>
    %gt3A_1078 = arith.cmpf ogt, %get3A_1045, %select_n3A_1074 : vector<16xf32>
    %select_n3A_1079 = arith.select %gt3A_1078, %get3A_1045, %select_n3A_1074 : vector<16xi1>, vector<16xf32>
    %jit3A_1080 = arith.constant 2 : i32
    %broadcast_in_dim3A_1081 = vector.broadcast %jit3A_1080 : i32 to vector<16xi32>
    %select_n3A_1082 = arith.select %gt3A_1078, %broadcast_in_dim3A_1081, %select_n3A_1077 : vector<16xi1>, vector<16xi32>
    %gt3A_1083 = arith.cmpf ogt, %get3A_1050, %select_n3A_1079 : vector<16xf32>
    %select_n3A_1084 = arith.select %gt3A_1083, %get3A_1050, %select_n3A_1079 : vector<16xi1>, vector<16xf32>
    %jit3A_1085 = arith.constant 3 : i32
    %broadcast_in_dim3A_1086 = vector.broadcast %jit3A_1085 : i32 to vector<16xi32>
    %select_n3A_1087 = arith.select %gt3A_1083, %broadcast_in_dim3A_1086, %select_n3A_1082 : vector<16xi1>, vector<16xi32>
    %gt3A_1088 = arith.cmpf ogt, %get3A_1055, %select_n3A_1084 : vector<16xf32>
    %select_n3A_1089 = arith.select %gt3A_1088, %get3A_1055, %select_n3A_1084 : vector<16xi1>, vector<16xf32>
    %jit3A_1090 = arith.constant 4 : i32
    %broadcast_in_dim3A_1091 = vector.broadcast %jit3A_1090 : i32 to vector<16xi32>
    %select_n3A_1092 = arith.select %gt3A_1088, %broadcast_in_dim3A_1091, %select_n3A_1087 : vector<16xi1>, vector<16xi32>
    %gt3A_1093 = arith.cmpf ogt, %get3A_1060, %select_n3A_1089 : vector<16xf32>
    %select_n3A_1094 = arith.select %gt3A_1093, %get3A_1060, %select_n3A_1089 : vector<16xi1>, vector<16xf32>
    %jit3A_1095 = arith.constant 5 : i32
    %broadcast_in_dim3A_1096 = vector.broadcast %jit3A_1095 : i32 to vector<16xi32>
    %select_n3A_1097 = arith.select %gt3A_1093, %broadcast_in_dim3A_1096, %select_n3A_1092 : vector<16xi1>, vector<16xi32>
    %gt3A_1098 = arith.cmpf ogt, %get3A_1065, %select_n3A_1094 : vector<16xf32>
    %select_n3A_1099 = arith.select %gt3A_1098, %get3A_1065, %select_n3A_1094 : vector<16xi1>, vector<16xf32>
    %jit3A_1100 = arith.constant 6 : i32
    %broadcast_in_dim3A_1101 = vector.broadcast %jit3A_1100 : i32 to vector<16xi32>
    %select_n3A_1102 = arith.select %gt3A_1098, %broadcast_in_dim3A_1101, %select_n3A_1097 : vector<16xi1>, vector<16xi32>
    %gt3A_1103 = arith.cmpf ogt, %get3A_1070, %select_n3A_1099 : vector<16xf32>
    %select_n3A_1104 = arith.select %gt3A_1103, %get3A_1070, %select_n3A_1099 : vector<16xi1>, vector<16xf32>
    %jit3A_1105 = arith.constant 7 : i32
    %broadcast_in_dim3A_1106 = vector.broadcast %jit3A_1105 : i32 to vector<16xi32>
    %select_n3A_1107 = arith.select %gt3A_1103, %broadcast_in_dim3A_1106, %select_n3A_1102 : vector<16xi1>, vector<16xi32>
    %broadcast_in_dim3A_1108 = arith.constant 0xFF800000 : f32
    %broadcast_in_dim3A_1109 = vector.broadcast %broadcast_in_dim3A_1108 : f32 to vector<16xf32>
    %broadcast_in_dim3A_1110 = arith.constant 0 : i32
    %broadcast_in_dim3A_1111 = vector.broadcast %broadcast_in_dim3A_1110 : i32 to vector<16xi32>
    %ne3A_1112 = arith.constant 0 : i32
    %ne3A_1113 = vector.broadcast %ne3A_1112 : i32 to vector<16xi32>
    %ne3A_1114 = arith.cmpi ne, %select_n3A_1107, %ne3A_1113 : vector<16xi32>
    %gt3A_1115 = arith.cmpf ogt, %get3A_1035, %broadcast_in_dim3A_1109 : vector<16xf32>
    %and3A_1116 = arith.andi %ne3A_1114, %gt3A_1115 : vector<16xi1>
    %select_n3A_1117 = arith.select %and3A_1116, %get3A_1035, %broadcast_in_dim3A_1109 : vector<16xi1>, vector<16xf32>
    %jit3A_1118 = arith.constant 0 : i32
    %broadcast_in_dim3A_1119 = vector.broadcast %jit3A_1118 : i32 to vector<16xi32>
    %select_n3A_1120 = arith.select %and3A_1116, %broadcast_in_dim3A_1119, %broadcast_in_dim3A_1111 : vector<16xi1>, vector<16xi32>
    %ne3A_1121 = arith.constant 1 : i32
    %ne3A_1122 = vector.broadcast %ne3A_1121 : i32 to vector<16xi32>
    %ne3A_1123 = arith.cmpi ne, %select_n3A_1107, %ne3A_1122 : vector<16xi32>
    %gt3A_1124 = arith.cmpf ogt, %get3A_1040, %select_n3A_1117 : vector<16xf32>
    %and3A_1125 = arith.andi %ne3A_1123, %gt3A_1124 : vector<16xi1>
    %select_n3A_1126 = arith.select %and3A_1125, %get3A_1040, %select_n3A_1117 : vector<16xi1>, vector<16xf32>
    %jit3A_1127 = arith.constant 1 : i32
    %broadcast_in_dim3A_1128 = vector.broadcast %jit3A_1127 : i32 to vector<16xi32>
    %select_n3A_1129 = arith.select %and3A_1125, %broadcast_in_dim3A_1128, %select_n3A_1120 : vector<16xi1>, vector<16xi32>
    %ne3A_1130 = arith.constant 2 : i32
    %ne3A_1131 = vector.broadcast %ne3A_1130 : i32 to vector<16xi32>
    %ne3A_1132 = arith.cmpi ne, %select_n3A_1107, %ne3A_1131 : vector<16xi32>
    %gt3A_1133 = arith.cmpf ogt, %get3A_1045, %select_n3A_1126 : vector<16xf32>
    %and3A_1134 = arith.andi %ne3A_1132, %gt3A_1133 : vector<16xi1>
    %select_n3A_1135 = arith.select %and3A_1134, %get3A_1045, %select_n3A_1126 : vector<16xi1>, vector<16xf32>
    %jit3A_1136 = arith.constant 2 : i32
    %broadcast_in_dim3A_1137 = vector.broadcast %jit3A_1136 : i32 to vector<16xi32>
    %select_n3A_1138 = arith.select %and3A_1134, %broadcast_in_dim3A_1137, %select_n3A_1129 : vector<16xi1>, vector<16xi32>
    %ne3A_1139 = arith.constant 3 : i32
    %ne3A_1140 = vector.broadcast %ne3A_1139 : i32 to vector<16xi32>
    %ne3A_1141 = arith.cmpi ne, %select_n3A_1107, %ne3A_1140 : vector<16xi32>
    %gt3A_1142 = arith.cmpf ogt, %get3A_1050, %select_n3A_1135 : vector<16xf32>
    %and3A_1143 = arith.andi %ne3A_1141, %gt3A_1142 : vector<16xi1>
    %select_n3A_1144 = arith.select %and3A_1143, %get3A_1050, %select_n3A_1135 : vector<16xi1>, vector<16xf32>
    %jit3A_1145 = arith.constant 3 : i32
    %broadcast_in_dim3A_1146 = vector.broadcast %jit3A_1145 : i32 to vector<16xi32>
    %select_n3A_1147 = arith.select %and3A_1143, %broadcast_in_dim3A_1146, %select_n3A_1138 : vector<16xi1>, vector<16xi32>
    %ne3A_1148 = arith.constant 4 : i32
    %ne3A_1149 = vector.broadcast %ne3A_1148 : i32 to vector<16xi32>
    %ne3A_1150 = arith.cmpi ne, %select_n3A_1107, %ne3A_1149 : vector<16xi32>
    %gt3A_1151 = arith.cmpf ogt, %get3A_1055, %select_n3A_1144 : vector<16xf32>
    %and3A_1152 = arith.andi %ne3A_1150, %gt3A_1151 : vector<16xi1>
    %select_n3A_1153 = arith.select %and3A_1152, %get3A_1055, %select_n3A_1144 : vector<16xi1>, vector<16xf32>
    %jit3A_1154 = arith.constant 4 : i32
    %broadcast_in_dim3A_1155 = vector.broadcast %jit3A_1154 : i32 to vector<16xi32>
    %select_n3A_1156 = arith.select %and3A_1152, %broadcast_in_dim3A_1155, %select_n3A_1147 : vector<16xi1>, vector<16xi32>
    %ne3A_1157 = arith.constant 5 : i32
    %ne3A_1158 = vector.broadcast %ne3A_1157 : i32 to vector<16xi32>
    %ne3A_1159 = arith.cmpi ne, %select_n3A_1107, %ne3A_1158 : vector<16xi32>
    %gt3A_1160 = arith.cmpf ogt, %get3A_1060, %select_n3A_1153 : vector<16xf32>
    %and3A_1161 = arith.andi %ne3A_1159, %gt3A_1160 : vector<16xi1>
    %select_n3A_1162 = arith.select %and3A_1161, %get3A_1060, %select_n3A_1153 : vector<16xi1>, vector<16xf32>
    %jit3A_1163 = arith.constant 5 : i32
    %broadcast_in_dim3A_1164 = vector.broadcast %jit3A_1163 : i32 to vector<16xi32>
    %select_n3A_1165 = arith.select %and3A_1161, %broadcast_in_dim3A_1164, %select_n3A_1156 : vector<16xi1>, vector<16xi32>
    %ne3A_1166 = arith.constant 6 : i32
    %ne3A_1167 = vector.broadcast %ne3A_1166 : i32 to vector<16xi32>
    %ne3A_1168 = arith.cmpi ne, %select_n3A_1107, %ne3A_1167 : vector<16xi32>
    %gt3A_1169 = arith.cmpf ogt, %get3A_1065, %select_n3A_1162 : vector<16xf32>
    %and3A_1170 = arith.andi %ne3A_1168, %gt3A_1169 : vector<16xi1>
    %select_n3A_1171 = arith.select %and3A_1170, %get3A_1065, %select_n3A_1162 : vector<16xi1>, vector<16xf32>
    %jit3A_1172 = arith.constant 6 : i32
    %broadcast_in_dim3A_1173 = vector.broadcast %jit3A_1172 : i32 to vector<16xi32>
    %select_n3A_1174 = arith.select %and3A_1170, %broadcast_in_dim3A_1173, %select_n3A_1165 : vector<16xi1>, vector<16xi32>
    %ne3A_1175 = arith.constant 7 : i32
    %ne3A_1176 = vector.broadcast %ne3A_1175 : i32 to vector<16xi32>
    %ne3A_1177 = arith.cmpi ne, %select_n3A_1107, %ne3A_1176 : vector<16xi32>
    %gt3A_1178 = arith.cmpf ogt, %get3A_1070, %select_n3A_1171 : vector<16xf32>
    %and3A_1179 = arith.andi %ne3A_1177, %gt3A_1178 : vector<16xi1>
    %select_n3A_1180 = arith.select %and3A_1179, %get3A_1070, %select_n3A_1171 : vector<16xi1>, vector<16xf32>
    %jit3A_1181 = arith.constant 7 : i32
    %broadcast_in_dim3A_1182 = vector.broadcast %jit3A_1181 : i32 to vector<16xi32>
    %select_n3A_1183 = arith.select %and3A_1179, %broadcast_in_dim3A_1182, %select_n3A_1174 : vector<16xi1>, vector<16xi32>
    %eq3A_1184 = arith.constant 0 : i32
    %eq3A_1185 = vector.broadcast %eq3A_1184 : i32 to vector<16xi32>
    %eq3A_1186 = arith.cmpi eq, %select_n3A_1107, %eq3A_1185 : vector<16xi32>
    %eq3A_1187 = arith.constant 0 : i32
    %eq3A_1188 = vector.broadcast %eq3A_1187 : i32 to vector<16xi32>
    %eq3A_1189 = arith.cmpi eq, %select_n3A_1183, %eq3A_1188 : vector<16xi32>
    %or3A_1190 = arith.ori %eq3A_1186, %eq3A_1189 : vector<16xi1>
    %ne3A_1191 = arith.constant 0.000000e+00 : f32
    %ne3A_1192 = vector.broadcast %ne3A_1191 : f32 to vector<16xf32>
    %ne3A_1193 = arith.cmpf one, %get3A_1035, %ne3A_1192 : vector<16xf32>
    %and3A_1194 = arith.andi %or3A_1190, %ne3A_1193 : vector<16xi1>
    %sub3A_1195 = arith.subf %get3A_1035, %select_n3A_1104 : vector<16xf32>
    %exp3A_1196 = math.exp %sub3A_1195 : vector<16xf32>
    %jit3A_1197 = arith.constant 0.000000e+00 : f32
    %broadcast_in_dim3A_1198 = vector.broadcast %jit3A_1197 : f32 to vector<16xf32>
    %select_n3A_1199 = arith.select %and3A_1194, %exp3A_1196, %broadcast_in_dim3A_1198 : vector<16xi1>, vector<16xf32>
    %eq3A_1200 = arith.constant 1 : i32
    %eq3A_1201 = vector.broadcast %eq3A_1200 : i32 to vector<16xi32>
    %eq3A_1202 = arith.cmpi eq, %select_n3A_1107, %eq3A_1201 : vector<16xi32>
    %eq3A_1203 = arith.constant 1 : i32
    %eq3A_1204 = vector.broadcast %eq3A_1203 : i32 to vector<16xi32>
    %eq3A_1205 = arith.cmpi eq, %select_n3A_1183, %eq3A_1204 : vector<16xi32>
    %or3A_1206 = arith.ori %eq3A_1202, %eq3A_1205 : vector<16xi1>
    %ne3A_1207 = arith.constant 0.000000e+00 : f32
    %ne3A_1208 = vector.broadcast %ne3A_1207 : f32 to vector<16xf32>
    %ne3A_1209 = arith.cmpf one, %get3A_1040, %ne3A_1208 : vector<16xf32>
    %and3A_1210 = arith.andi %or3A_1206, %ne3A_1209 : vector<16xi1>
    %sub3A_1211 = arith.subf %get3A_1040, %select_n3A_1104 : vector<16xf32>
    %exp3A_1212 = math.exp %sub3A_1211 : vector<16xf32>
    %jit3A_1213 = arith.constant 0.000000e+00 : f32
    %broadcast_in_dim3A_1214 = vector.broadcast %jit3A_1213 : f32 to vector<16xf32>
    %select_n3A_1215 = arith.select %and3A_1210, %exp3A_1212, %broadcast_in_dim3A_1214 : vector<16xi1>, vector<16xf32>
    %eq3A_1216 = arith.constant 2 : i32
    %eq3A_1217 = vector.broadcast %eq3A_1216 : i32 to vector<16xi32>
    %eq3A_1218 = arith.cmpi eq, %select_n3A_1107, %eq3A_1217 : vector<16xi32>
    %eq3A_1219 = arith.constant 2 : i32
    %eq3A_1220 = vector.broadcast %eq3A_1219 : i32 to vector<16xi32>
    %eq3A_1221 = arith.cmpi eq, %select_n3A_1183, %eq3A_1220 : vector<16xi32>
    %or3A_1222 = arith.ori %eq3A_1218, %eq3A_1221 : vector<16xi1>
    %ne3A_1223 = arith.constant 0.000000e+00 : f32
    %ne3A_1224 = vector.broadcast %ne3A_1223 : f32 to vector<16xf32>
    %ne3A_1225 = arith.cmpf one, %get3A_1045, %ne3A_1224 : vector<16xf32>
    %and3A_1226 = arith.andi %or3A_1222, %ne3A_1225 : vector<16xi1>
    %sub3A_1227 = arith.subf %get3A_1045, %select_n3A_1104 : vector<16xf32>
    %exp3A_1228 = math.exp %sub3A_1227 : vector<16xf32>
    %jit3A_1229 = arith.constant 0.000000e+00 : f32
    %broadcast_in_dim3A_1230 = vector.broadcast %jit3A_1229 : f32 to vector<16xf32>
    %select_n3A_1231 = arith.select %and3A_1226, %exp3A_1228, %broadcast_in_dim3A_1230 : vector<16xi1>, vector<16xf32>
    %eq3A_1232 = arith.constant 3 : i32
    %eq3A_1233 = vector.broadcast %eq3A_1232 : i32 to vector<16xi32>
    %eq3A_1234 = arith.cmpi eq, %select_n3A_1107, %eq3A_1233 : vector<16xi32>
    %eq3A_1235 = arith.constant 3 : i32
    %eq3A_1236 = vector.broadcast %eq3A_1235 : i32 to vector<16xi32>
    %eq3A_1237 = arith.cmpi eq, %select_n3A_1183, %eq3A_1236 : vector<16xi32>
    %or3A_1238 = arith.ori %eq3A_1234, %eq3A_1237 : vector<16xi1>
    %ne3A_1239 = arith.constant 0.000000e+00 : f32
    %ne3A_1240 = vector.broadcast %ne3A_1239 : f32 to vector<16xf32>
    %ne3A_1241 = arith.cmpf one, %get3A_1050, %ne3A_1240 : vector<16xf32>
    %and3A_1242 = arith.andi %or3A_1238, %ne3A_1241 : vector<16xi1>
    %sub3A_1243 = arith.subf %get3A_1050, %select_n3A_1104 : vector<16xf32>
    %exp3A_1244 = math.exp %sub3A_1243 : vector<16xf32>
    %jit3A_1245 = arith.constant 0.000000e+00 : f32
    %broadcast_in_dim3A_1246 = vector.broadcast %jit3A_1245 : f32 to vector<16xf32>
    %select_n3A_1247 = arith.select %and3A_1242, %exp3A_1244, %broadcast_in_dim3A_1246 : vector<16xi1>, vector<16xf32>
    %eq3A_1248 = arith.constant 4 : i32
    %eq3A_1249 = vector.broadcast %eq3A_1248 : i32 to vector<16xi32>
    %eq3A_1250 = arith.cmpi eq, %select_n3A_1107, %eq3A_1249 : vector<16xi32>
    %eq3A_1251 = arith.constant 4 : i32
    %eq3A_1252 = vector.broadcast %eq3A_1251 : i32 to vector<16xi32>
    %eq3A_1253 = arith.cmpi eq, %select_n3A_1183, %eq3A_1252 : vector<16xi32>
    %or3A_1254 = arith.ori %eq3A_1250, %eq3A_1253 : vector<16xi1>
    %ne3A_1255 = arith.constant 0.000000e+00 : f32
    %ne3A_1256 = vector.broadcast %ne3A_1255 : f32 to vector<16xf32>
    %ne3A_1257 = arith.cmpf one, %get3A_1055, %ne3A_1256 : vector<16xf32>
    %and3A_1258 = arith.andi %or3A_1254, %ne3A_1257 : vector<16xi1>
    %sub3A_1259 = arith.subf %get3A_1055, %select_n3A_1104 : vector<16xf32>
    %exp3A_1260 = math.exp %sub3A_1259 : vector<16xf32>
    %jit3A_1261 = arith.constant 0.000000e+00 : f32
    %broadcast_in_dim3A_1262 = vector.broadcast %jit3A_1261 : f32 to vector<16xf32>
    %select_n3A_1263 = arith.select %and3A_1258, %exp3A_1260, %broadcast_in_dim3A_1262 : vector<16xi1>, vector<16xf32>
    %eq3A_1264 = arith.constant 5 : i32
    %eq3A_1265 = vector.broadcast %eq3A_1264 : i32 to vector<16xi32>
    %eq3A_1266 = arith.cmpi eq, %select_n3A_1107, %eq3A_1265 : vector<16xi32>
    %eq3A_1267 = arith.constant 5 : i32
    %eq3A_1268 = vector.broadcast %eq3A_1267 : i32 to vector<16xi32>
    %eq3A_1269 = arith.cmpi eq, %select_n3A_1183, %eq3A_1268 : vector<16xi32>
    %or3A_1270 = arith.ori %eq3A_1266, %eq3A_1269 : vector<16xi1>
    %ne3A_1271 = arith.constant 0.000000e+00 : f32
    %ne3A_1272 = vector.broadcast %ne3A_1271 : f32 to vector<16xf32>
    %ne3A_1273 = arith.cmpf one, %get3A_1060, %ne3A_1272 : vector<16xf32>
    %and3A_1274 = arith.andi %or3A_1270, %ne3A_1273 : vector<16xi1>
    %sub3A_1275 = arith.subf %get3A_1060, %select_n3A_1104 : vector<16xf32>
    %exp3A_1276 = math.exp %sub3A_1275 : vector<16xf32>
    %jit3A_1277 = arith.constant 0.000000e+00 : f32
    %broadcast_in_dim3A_1278 = vector.broadcast %jit3A_1277 : f32 to vector<16xf32>
    %select_n3A_1279 = arith.select %and3A_1274, %exp3A_1276, %broadcast_in_dim3A_1278 : vector<16xi1>, vector<16xf32>
    %eq3A_1280 = arith.constant 6 : i32
    %eq3A_1281 = vector.broadcast %eq3A_1280 : i32 to vector<16xi32>
    %eq3A_1282 = arith.cmpi eq, %select_n3A_1107, %eq3A_1281 : vector<16xi32>
    %eq3A_1283 = arith.constant 6 : i32
    %eq3A_1284 = vector.broadcast %eq3A_1283 : i32 to vector<16xi32>
    %eq3A_1285 = arith.cmpi eq, %select_n3A_1183, %eq3A_1284 : vector<16xi32>
    %or3A_1286 = arith.ori %eq3A_1282, %eq3A_1285 : vector<16xi1>
    %ne3A_1287 = arith.constant 0.000000e+00 : f32
    %ne3A_1288 = vector.broadcast %ne3A_1287 : f32 to vector<16xf32>
    %ne3A_1289 = arith.cmpf one, %get3A_1065, %ne3A_1288 : vector<16xf32>
    %and3A_1290 = arith.andi %or3A_1286, %ne3A_1289 : vector<16xi1>
    %sub3A_1291 = arith.subf %get3A_1065, %select_n3A_1104 : vector<16xf32>
    %exp3A_1292 = math.exp %sub3A_1291 : vector<16xf32>
    %jit3A_1293 = arith.constant 0.000000e+00 : f32
    %broadcast_in_dim3A_1294 = vector.broadcast %jit3A_1293 : f32 to vector<16xf32>
    %select_n3A_1295 = arith.select %and3A_1290, %exp3A_1292, %broadcast_in_dim3A_1294 : vector<16xi1>, vector<16xf32>
    %eq3A_1296 = arith.constant 7 : i32
    %eq3A_1297 = vector.broadcast %eq3A_1296 : i32 to vector<16xi32>
    %eq3A_1298 = arith.cmpi eq, %select_n3A_1107, %eq3A_1297 : vector<16xi32>
    %eq3A_1299 = arith.constant 7 : i32
    %eq3A_1300 = vector.broadcast %eq3A_1299 : i32 to vector<16xi32>
    %eq3A_1301 = arith.cmpi eq, %select_n3A_1183, %eq3A_1300 : vector<16xi32>
    %or3A_1302 = arith.ori %eq3A_1298, %eq3A_1301 : vector<16xi1>
    %ne3A_1303 = arith.constant 0.000000e+00 : f32
    %ne3A_1304 = vector.broadcast %ne3A_1303 : f32 to vector<16xf32>
    %ne3A_1305 = arith.cmpf one, %get3A_1070, %ne3A_1304 : vector<16xf32>
    %and3A_1306 = arith.andi %or3A_1302, %ne3A_1305 : vector<16xi1>
    %sub3A_1307 = arith.subf %get3A_1070, %select_n3A_1104 : vector<16xf32>
    %exp3A_1308 = math.exp %sub3A_1307 : vector<16xf32>
    %jit3A_1309 = arith.constant 0.000000e+00 : f32
    %broadcast_in_dim3A_1310 = vector.broadcast %jit3A_1309 : f32 to vector<16xf32>
    %select_n3A_1311 = arith.select %and3A_1306, %exp3A_1308, %broadcast_in_dim3A_1310 : vector<16xi1>, vector<16xf32>
    %add3A_1312 = arith.addf %select_n3A_1199, %select_n3A_1215 : vector<16xf32>
    %add3A_1313 = arith.addf %add3A_1312, %select_n3A_1231 : vector<16xf32>
    %add3A_1314 = arith.addf %add3A_1313, %select_n3A_1247 : vector<16xf32>
    %add3A_1315 = arith.addf %add3A_1314, %select_n3A_1263 : vector<16xf32>
    %add3A_1316 = arith.addf %add3A_1315, %select_n3A_1279 : vector<16xf32>
    %add3A_1317 = arith.addf %add3A_1316, %select_n3A_1295 : vector<16xf32>
    %add3A_1318 = arith.addf %add3A_1317, %select_n3A_1311 : vector<16xf32>
    %div3A_1319 = arith.constant 1.000000e+00 : f32
    %div3A_1320 = vector.broadcast %div3A_1319 : f32 to vector<16xf32>
    %div3A_1321 = arith.divf %div3A_1320, %add3A_1318 : vector<16xf32>
    %mul3A_1322 = arith.mulf %select_n3A_1199, %div3A_1321 : vector<16xf32>
    %swap3A_1323 = arith.constant 0 : i32
    %swap3A_1324 = arith.index_cast %swap3A_1323 : i32 to index
    %swap3A_1325 = arith.constant 48 : index
    %swap3A_1326 = tpu.vector_load %arg5[%swap3A_1324, %swap3A_1325] {strides = array<i32>} : memref<8x128xf32, #tpu.memory_space<vmem>>, vector<1x16xf32>,
    %swap3A_1327 = vector.shape_cast %swap3A_1326 : vector<1x16xf32> to vector<16xf32>
    %swap3A_1328 = vector.shape_cast %mul3A_1322 : vector<16xf32> to vector<1x16xf32>
    tpu.vector_store %arg5[%swap3A_1324, %swap3A_1325], %swap3A_1328 {strides = array<i32>} : memref<8x128xf32, #tpu.memory_space<vmem>>, vector<1x16xf32>,
    %mul3A_1329 = arith.mulf %select_n3A_1215, %div3A_1321 : vector<16xf32>
    %swap3A_1330 = arith.constant 1 : i32
    %swap3A_1331 = arith.index_cast %swap3A_1330 : i32 to index
    %swap3A_1332 = arith.constant 48 : index
    %swap3A_1333 = tpu.vector_load %arg5[%swap3A_1331, %swap3A_1332] {strides = array<i32>} : memref<8x128xf32, #tpu.memory_space<vmem>>, vector<1x16xf32>,
    %swap3A_1334 = vector.shape_cast %swap3A_1333 : vector<1x16xf32> to vector<16xf32>
    %swap3A_1335 = vector.shape_cast %mul3A_1329 : vector<16xf32> to vector<1x16xf32>
    tpu.vector_store %arg5[%swap3A_1331, %swap3A_1332], %swap3A_1335 {strides = array<i32>} : memref<8x128xf32, #tpu.memory_space<vmem>>, vector<1x16xf32>,
    %mul3A_1336 = arith.mulf %select_n3A_1231, %div3A_1321 : vector<16xf32>
    %swap3A_1337 = arith.constant 2 : i32
    %swap3A_1338 = arith.index_cast %swap3A_1337 : i32 to index
    %swap3A_1339 = arith.constant 48 : index
    %swap3A_1340 = tpu.vector_load %arg5[%swap3A_1338, %swap3A_1339] {strides = array<i32>} : memref<8x128xf32, #tpu.memory_space<vmem>>, vector<1x16xf32>,
    %swap3A_1341 = vector.shape_cast %swap3A_1340 : vector<1x16xf32> to vector<16xf32>
    %swap3A_1342 = vector.shape_cast %mul3A_1336 : vector<16xf32> to vector<1x16xf32>
    tpu.vector_store %arg5[%swap3A_1338, %swap3A_1339], %swap3A_1342 {strides = array<i32>} : memref<8x128xf32, #tpu.memory_space<vmem>>, vector<1x16xf32>,
    %mul3A_1343 = arith.mulf %select_n3A_1247, %div3A_1321 : vector<16xf32>
    %swap3A_1344 = arith.constant 3 : i32
    %swap3A_1345 = arith.index_cast %swap3A_1344 : i32 to index
    %swap3A_1346 = arith.constant 48 : index
    %swap3A_1347 = tpu.vector_load %arg5[%swap3A_1345, %swap3A_1346] {strides = array<i32>} : memref<8x128xf32, #tpu.memory_space<vmem>>, vector<1x16xf32>,
    %swap3A_1348 = vector.shape_cast %swap3A_1347 : vector<1x16xf32> to vector<16xf32>
    %swap3A_1349 = vector.shape_cast %mul3A_1343 : vector<16xf32> to vector<1x16xf32>
    tpu.vector_store %arg5[%swap3A_1345, %swap3A_1346], %swap3A_1349 {strides = array<i32>} : memref<8x128xf32, #tpu.memory_space<vmem>>, vector<1x16xf32>,
    %mul3A_1350 = arith.mulf %select_n3A_1263, %div3A_1321 : vector<16xf32>
    %swap3A_1351 = arith.constant 4 : i32
    %swap3A_1352 = arith.index_cast %swap3A_1351 : i32 to index
    %swap3A_1353 = arith.constant 48 : index
    %swap3A_1354 = tpu.vector_load %arg5[%swap3A_1352, %swap3A_1353] {strides = array<i32>} : memref<8x128xf32, #tpu.memory_space<vmem>>, vector<1x16xf32>,
    %swap3A_1355 = vector.shape_cast %swap3A_1354 : vector<1x16xf32> to vector<16xf32>
    %swap3A_1356 = vector.shape_cast %mul3A_1350 : vector<16xf32> to vector<1x16xf32>
    tpu.vector_store %arg5[%swap3A_1352, %swap3A_1353], %swap3A_1356 {strides = array<i32>} : memref<8x128xf32, #tpu.memory_space<vmem>>, vector<1x16xf32>,
    %mul3A_1357 = arith.mulf %select_n3A_1279, %div3A_1321 : vector<16xf32>
    %swap3A_1358 = arith.constant 5 : i32
    %swap3A_1359 = arith.index_cast %swap3A_1358 : i32 to index
    %swap3A_1360 = arith.constant 48 : index
    %swap3A_1361 = tpu.vector_load %arg5[%swap3A_1359, %swap3A_1360] {strides = array<i32>} : memref<8x128xf32, #tpu.memory_space<vmem>>, vector<1x16xf32>,
    %swap3A_1362 = vector.shape_cast %swap3A_1361 : vector<1x16xf32> to vector<16xf32>
    %swap3A_1363 = vector.shape_cast %mul3A_1357 : vector<16xf32> to vector<1x16xf32>
    tpu.vector_store %arg5[%swap3A_1359, %swap3A_1360], %swap3A_1363 {strides = array<i32>} : memref<8x128xf32, #tpu.memory_space<vmem>>, vector<1x16xf32>,
    %mul3A_1364 = arith.mulf %select_n3A_1295, %div3A_1321 : vector<16xf32>
    %swap3A_1365 = arith.constant 6 : i32
    %swap3A_1366 = arith.index_cast %swap3A_1365 : i32 to index
    %swap3A_1367 = arith.constant 48 : index
    %swap3A_1368 = tpu.vector_load %arg5[%swap3A_1366, %swap3A_1367] {strides = array<i32>} : memref<8x128xf32, #tpu.memory_space<vmem>>, vector<1x16xf32>,
    %swap3A_1369 = vector.shape_cast %swap3A_1368 : vector<1x16xf32> to vector<16xf32>
    %swap3A_1370 = vector.shape_cast %mul3A_1364 : vector<16xf32> to vector<1x16xf32>
    tpu.vector_store %arg5[%swap3A_1366, %swap3A_1367], %swap3A_1370 {strides = array<i32>} : memref<8x128xf32, #tpu.memory_space<vmem>>, vector<1x16xf32>,
    %mul3A_1371 = arith.mulf %select_n3A_1311, %div3A_1321 : vector<16xf32>
    %swap3A_1372 = arith.constant 7 : i32
    %swap3A_1373 = arith.index_cast %swap3A_1372 : i32 to index
    %swap3A_1374 = arith.constant 48 : index
    %swap3A_1375 = tpu.vector_load %arg5[%swap3A_1373, %swap3A_1374] {strides = array<i32>} : memref<8x128xf32, #tpu.memory_space<vmem>>, vector<1x16xf32>,
    %swap3A_1376 = vector.shape_cast %swap3A_1375 : vector<1x16xf32> to vector<16xf32>
    %swap3A_1377 = vector.shape_cast %mul3A_1371 : vector<16xf32> to vector<1x16xf32>
    tpu.vector_store %arg5[%swap3A_1373, %swap3A_1374], %swap3A_1377 {strides = array<i32>} : memref<8x128xf32, #tpu.memory_space<vmem>>, vector<1x16xf32>,
    %get3A_1378 = arith.constant 0 : i32
    %get3A_1379 = arith.index_cast %get3A_1378 : i32 to index
    %get3A_1380 = arith.constant 64 : index
    %get3A_1381 = tpu.vector_load %arg4[%get3A_1379, %get3A_1380] {strides = array<i32>} : memref<8x128xf32, #tpu.memory_space<vmem>>, vector<1x16xf32>,
    %get3A_1382 = vector.shape_cast %get3A_1381 : vector<1x16xf32> to vector<16xf32>
    %get3A_1383 = arith.constant 1 : i32
    %get3A_1384 = arith.index_cast %get3A_1383 : i32 to index
    %get3A_1385 = arith.constant 64 : index
    %get3A_1386 = tpu.vector_load %arg4[%get3A_1384, %get3A_1385] {strides = array<i32>} : memref<8x128xf32, #tpu.memory_space<vmem>>, vector<1x16xf32>,
    %get3A_1387 = vector.shape_cast %get3A_1386 : vector<1x16xf32> to vector<16xf32>
    %get3A_1388 = arith.constant 2 : i32
    %get3A_1389 = arith.index_cast %get3A_1388 : i32 to index
    %get3A_1390 = arith.constant 64 : index
    %get3A_1391 = tpu.vector_load %arg4[%get3A_1389, %get3A_1390] {strides = array<i32>} : memref<8x128xf32, #tpu.memory_space<vmem>>, vector<1x16xf32>,
    %get3A_1392 = vector.shape_cast %get3A_1391 : vector<1x16xf32> to vector<16xf32>
    %get3A_1393 = arith.constant 3 : i32
    %get3A_1394 = arith.index_cast %get3A_1393 : i32 to index
    %get3A_1395 = arith.constant 64 : index
    %get3A_1396 = tpu.vector_load %arg4[%get3A_1394, %get3A_1395] {strides = array<i32>} : memref<8x128xf32, #tpu.memory_space<vmem>>, vector<1x16xf32>,
    %get3A_1397 = vector.shape_cast %get3A_1396 : vector<1x16xf32> to vector<16xf32>
    %get3A_1398 = arith.constant 4 : i32
    %get3A_1399 = arith.index_cast %get3A_1398 : i32 to index
    %get3A_1400 = arith.constant 64 : index
    %get3A_1401 = tpu.vector_load %arg4[%get3A_1399, %get3A_1400] {strides = array<i32>} : memref<8x128xf32, #tpu.memory_space<vmem>>, vector<1x16xf32>,
    %get3A_1402 = vector.shape_cast %get3A_1401 : vector<1x16xf32> to vector<16xf32>
    %get3A_1403 = arith.constant 5 : i32
    %get3A_1404 = arith.index_cast %get3A_1403 : i32 to index
    %get3A_1405 = arith.constant 64 : index
    %get3A_1406 = tpu.vector_load %arg4[%get3A_1404, %get3A_1405] {strides = array<i32>} : memref<8x128xf32, #tpu.memory_space<vmem>>, vector<1x16xf32>,
    %get3A_1407 = vector.shape_cast %get3A_1406 : vector<1x16xf32> to vector<16xf32>
    %get3A_1408 = arith.constant 6 : i32
    %get3A_1409 = arith.index_cast %get3A_1408 : i32 to index
    %get3A_1410 = arith.constant 64 : index
    %get3A_1411 = tpu.vector_load %arg4[%get3A_1409, %get3A_1410] {strides = array<i32>} : memref<8x128xf32, #tpu.memory_space<vmem>>, vector<1x16xf32>,
    %get3A_1412 = vector.shape_cast %get3A_1411 : vector<1x16xf32> to vector<16xf32>
    %get3A_1413 = arith.constant 7 : i32
    %get3A_1414 = arith.index_cast %get3A_1413 : i32 to index
    %get3A_1415 = arith.constant 64 : index
    %get3A_1416 = tpu.vector_load %arg4[%get3A_1414, %get3A_1415] {strides = array<i32>} : memref<8x128xf32, #tpu.memory_space<vmem>>, vector<1x16xf32>,
    %get3A_1417 = vector.shape_cast %get3A_1416 : vector<1x16xf32> to vector<16xf32>
    %broadcast_in_dim3A_1418 = arith.constant 0 : i32
    %broadcast_in_dim3A_1419 = vector.broadcast %broadcast_in_dim3A_1418 : i32 to vector<16xi32>
    %gt3A_1420 = arith.cmpf ogt, %get3A_1387, %get3A_1382 : vector<16xf32>
    %select_n3A_1421 = arith.select %gt3A_1420, %get3A_1387, %get3A_1382 : vector<16xi1>, vector<16xf32>
    %jit3A_1422 = arith.constant 1 : i32
    %broadcast_in_dim3A_1423 = vector.broadcast %jit3A_1422 : i32 to vector<16xi32>
    %select_n3A_1424 = arith.select %gt3A_1420, %broadcast_in_dim3A_1423, %broadcast_in_dim3A_1419 : vector<16xi1>, vector<16xi32>
    %gt3A_1425 = arith.cmpf ogt, %get3A_1392, %select_n3A_1421 : vector<16xf32>
    %select_n3A_1426 = arith.select %gt3A_1425, %get3A_1392, %select_n3A_1421 : vector<16xi1>, vector<16xf32>
    %jit3A_1427 = arith.constant 2 : i32
    %broadcast_in_dim3A_1428 = vector.broadcast %jit3A_1427 : i32 to vector<16xi32>
    %select_n3A_1429 = arith.select %gt3A_1425, %broadcast_in_dim3A_1428, %select_n3A_1424 : vector<16xi1>, vector<16xi32>
    %gt3A_1430 = arith.cmpf ogt, %get3A_1397, %select_n3A_1426 : vector<16xf32>
    %select_n3A_1431 = arith.select %gt3A_1430, %get3A_1397, %select_n3A_1426 : vector<16xi1>, vector<16xf32>
    %jit3A_1432 = arith.constant 3 : i32
    %broadcast_in_dim3A_1433 = vector.broadcast %jit3A_1432 : i32 to vector<16xi32>
    %select_n3A_1434 = arith.select %gt3A_1430, %broadcast_in_dim3A_1433, %select_n3A_1429 : vector<16xi1>, vector<16xi32>
    %gt3A_1435 = arith.cmpf ogt, %get3A_1402, %select_n3A_1431 : vector<16xf32>
    %select_n3A_1436 = arith.select %gt3A_1435, %get3A_1402, %select_n3A_1431 : vector<16xi1>, vector<16xf32>
    %jit3A_1437 = arith.constant 4 : i32
    %broadcast_in_dim3A_1438 = vector.broadcast %jit3A_1437 : i32 to vector<16xi32>
    %select_n3A_1439 = arith.select %gt3A_1435, %broadcast_in_dim3A_1438, %select_n3A_1434 : vector<16xi1>, vector<16xi32>
    %gt3A_1440 = arith.cmpf ogt, %get3A_1407, %select_n3A_1436 : vector<16xf32>
    %select_n3A_1441 = arith.select %gt3A_1440, %get3A_1407, %select_n3A_1436 : vector<16xi1>, vector<16xf32>
    %jit3A_1442 = arith.constant 5 : i32
    %broadcast_in_dim3A_1443 = vector.broadcast %jit3A_1442 : i32 to vector<16xi32>
    %select_n3A_1444 = arith.select %gt3A_1440, %broadcast_in_dim3A_1443, %select_n3A_1439 : vector<16xi1>, vector<16xi32>
    %gt3A_1445 = arith.cmpf ogt, %get3A_1412, %select_n3A_1441 : vector<16xf32>
    %select_n3A_1446 = arith.select %gt3A_1445, %get3A_1412, %select_n3A_1441 : vector<16xi1>, vector<16xf32>
    %jit3A_1447 = arith.constant 6 : i32
    %broadcast_in_dim3A_1448 = vector.broadcast %jit3A_1447 : i32 to vector<16xi32>
    %select_n3A_1449 = arith.select %gt3A_1445, %broadcast_in_dim3A_1448, %select_n3A_1444 : vector<16xi1>, vector<16xi32>
    %gt3A_1450 = arith.cmpf ogt, %get3A_1417, %select_n3A_1446 : vector<16xf32>
    %select_n3A_1451 = arith.select %gt3A_1450, %get3A_1417, %select_n3A_1446 : vector<16xi1>, vector<16xf32>
    %jit3A_1452 = arith.constant 7 : i32
    %broadcast_in_dim3A_1453 = vector.broadcast %jit3A_1452 : i32 to vector<16xi32>
    %select_n3A_1454 = arith.select %gt3A_1450, %broadcast_in_dim3A_1453, %select_n3A_1449 : vector<16xi1>, vector<16xi32>
    %broadcast_in_dim3A_1455 = arith.constant 0xFF800000 : f32
    %broadcast_in_dim3A_1456 = vector.broadcast %broadcast_in_dim3A_1455 : f32 to vector<16xf32>
    %broadcast_in_dim3A_1457 = arith.constant 0 : i32
    %broadcast_in_dim3A_1458 = vector.broadcast %broadcast_in_dim3A_1457 : i32 to vector<16xi32>
    %ne3A_1459 = arith.constant 0 : i32
    %ne3A_1460 = vector.broadcast %ne3A_1459 : i32 to vector<16xi32>
    %ne3A_1461 = arith.cmpi ne, %select_n3A_1454, %ne3A_1460 : vector<16xi32>
    %gt3A_1462 = arith.cmpf ogt, %get3A_1382, %broadcast_in_dim3A_1456 : vector<16xf32>
    %and3A_1463 = arith.andi %ne3A_1461, %gt3A_1462 : vector<16xi1>
    %select_n3A_1464 = arith.select %and3A_1463, %get3A_1382, %broadcast_in_dim3A_1456 : vector<16xi1>, vector<16xf32>
    %jit3A_1465 = arith.constant 0 : i32
    %broadcast_in_dim3A_1466 = vector.broadcast %jit3A_1465 : i32 to vector<16xi32>
    %select_n3A_1467 = arith.select %and3A_1463, %broadcast_in_dim3A_1466, %broadcast_in_dim3A_1458 : vector<16xi1>, vector<16xi32>
    %ne3A_1468 = arith.constant 1 : i32
    %ne3A_1469 = vector.broadcast %ne3A_1468 : i32 to vector<16xi32>
    %ne3A_1470 = arith.cmpi ne, %select_n3A_1454, %ne3A_1469 : vector<16xi32>
    %gt3A_1471 = arith.cmpf ogt, %get3A_1387, %select_n3A_1464 : vector<16xf32>
    %and3A_1472 = arith.andi %ne3A_1470, %gt3A_1471 : vector<16xi1>
    %select_n3A_1473 = arith.select %and3A_1472, %get3A_1387, %select_n3A_1464 : vector<16xi1>, vector<16xf32>
    %jit3A_1474 = arith.constant 1 : i32
    %broadcast_in_dim3A_1475 = vector.broadcast %jit3A_1474 : i32 to vector<16xi32>
    %select_n3A_1476 = arith.select %and3A_1472, %broadcast_in_dim3A_1475, %select_n3A_1467 : vector<16xi1>, vector<16xi32>
    %ne3A_1477 = arith.constant 2 : i32
    %ne3A_1478 = vector.broadcast %ne3A_1477 : i32 to vector<16xi32>
    %ne3A_1479 = arith.cmpi ne, %select_n3A_1454, %ne3A_1478 : vector<16xi32>
    %gt3A_1480 = arith.cmpf ogt, %get3A_1392, %select_n3A_1473 : vector<16xf32>
    %and3A_1481 = arith.andi %ne3A_1479, %gt3A_1480 : vector<16xi1>
    %select_n3A_1482 = arith.select %and3A_1481, %get3A_1392, %select_n3A_1473 : vector<16xi1>, vector<16xf32>
    %jit3A_1483 = arith.constant 2 : i32
    %broadcast_in_dim3A_1484 = vector.broadcast %jit3A_1483 : i32 to vector<16xi32>
    %select_n3A_1485 = arith.select %and3A_1481, %broadcast_in_dim3A_1484, %select_n3A_1476 : vector<16xi1>, vector<16xi32>
    %ne3A_1486 = arith.constant 3 : i32
    %ne3A_1487 = vector.broadcast %ne3A_1486 : i32 to vector<16xi32>
    %ne3A_1488 = arith.cmpi ne, %select_n3A_1454, %ne3A_1487 : vector<16xi32>
    %gt3A_1489 = arith.cmpf ogt, %get3A_1397, %select_n3A_1482 : vector<16xf32>
    %and3A_1490 = arith.andi %ne3A_1488, %gt3A_1489 : vector<16xi1>
    %select_n3A_1491 = arith.select %and3A_1490, %get3A_1397, %select_n3A_1482 : vector<16xi1>, vector<16xf32>
    %jit3A_1492 = arith.constant 3 : i32
    %broadcast_in_dim3A_1493 = vector.broadcast %jit3A_1492 : i32 to vector<16xi32>
    %select_n3A_1494 = arith.select %and3A_1490, %broadcast_in_dim3A_1493, %select_n3A_1485 : vector<16xi1>, vector<16xi32>
    %ne3A_1495 = arith.constant 4 : i32
    %ne3A_1496 = vector.broadcast %ne3A_1495 : i32 to vector<16xi32>
    %ne3A_1497 = arith.cmpi ne, %select_n3A_1454, %ne3A_1496 : vector<16xi32>
    %gt3A_1498 = arith.cmpf ogt, %get3A_1402, %select_n3A_1491 : vector<16xf32>
    %and3A_1499 = arith.andi %ne3A_1497, %gt3A_1498 : vector<16xi1>
    %select_n3A_1500 = arith.select %and3A_1499, %get3A_1402, %select_n3A_1491 : vector<16xi1>, vector<16xf32>
    %jit3A_1501 = arith.constant 4 : i32
    %broadcast_in_dim3A_1502 = vector.broadcast %jit3A_1501 : i32 to vector<16xi32>
    %select_n3A_1503 = arith.select %and3A_1499, %broadcast_in_dim3A_1502, %select_n3A_1494 : vector<16xi1>, vector<16xi32>
    %ne3A_1504 = arith.constant 5 : i32
    %ne3A_1505 = vector.broadcast %ne3A_1504 : i32 to vector<16xi32>
    %ne3A_1506 = arith.cmpi ne, %select_n3A_1454, %ne3A_1505 : vector<16xi32>
    %gt3A_1507 = arith.cmpf ogt, %get3A_1407, %select_n3A_1500 : vector<16xf32>
    %and3A_1508 = arith.andi %ne3A_1506, %gt3A_1507 : vector<16xi1>
    %select_n3A_1509 = arith.select %and3A_1508, %get3A_1407, %select_n3A_1500 : vector<16xi1>, vector<16xf32>
    %jit3A_1510 = arith.constant 5 : i32
    %broadcast_in_dim3A_1511 = vector.broadcast %jit3A_1510 : i32 to vector<16xi32>
    %select_n3A_1512 = arith.select %and3A_1508, %broadcast_in_dim3A_1511, %select_n3A_1503 : vector<16xi1>, vector<16xi32>
    %ne3A_1513 = arith.constant 6 : i32
    %ne3A_1514 = vector.broadcast %ne3A_1513 : i32 to vector<16xi32>
    %ne3A_1515 = arith.cmpi ne, %select_n3A_1454, %ne3A_1514 : vector<16xi32>
    %gt3A_1516 = arith.cmpf ogt, %get3A_1412, %select_n3A_1509 : vector<16xf32>
    %and3A_1517 = arith.andi %ne3A_1515, %gt3A_1516 : vector<16xi1>
    %select_n3A_1518 = arith.select %and3A_1517, %get3A_1412, %select_n3A_1509 : vector<16xi1>, vector<16xf32>
    %jit3A_1519 = arith.constant 6 : i32
    %broadcast_in_dim3A_1520 = vector.broadcast %jit3A_1519 : i32 to vector<16xi32>
    %select_n3A_1521 = arith.select %and3A_1517, %broadcast_in_dim3A_1520, %select_n3A_1512 : vector<16xi1>, vector<16xi32>
    %ne3A_1522 = arith.constant 7 : i32
    %ne3A_1523 = vector.broadcast %ne3A_1522 : i32 to vector<16xi32>
    %ne3A_1524 = arith.cmpi ne, %select_n3A_1454, %ne3A_1523 : vector<16xi32>
    %gt3A_1525 = arith.cmpf ogt, %get3A_1417, %select_n3A_1518 : vector<16xf32>
    %and3A_1526 = arith.andi %ne3A_1524, %gt3A_1525 : vector<16xi1>
    %select_n3A_1527 = arith.select %and3A_1526, %get3A_1417, %select_n3A_1518 : vector<16xi1>, vector<16xf32>
    %jit3A_1528 = arith.constant 7 : i32
    %broadcast_in_dim3A_1529 = vector.broadcast %jit3A_1528 : i32 to vector<16xi32>
    %select_n3A_1530 = arith.select %and3A_1526, %broadcast_in_dim3A_1529, %select_n3A_1521 : vector<16xi1>, vector<16xi32>
    %eq3A_1531 = arith.constant 0 : i32
    %eq3A_1532 = vector.broadcast %eq3A_1531 : i32 to vector<16xi32>
    %eq3A_1533 = arith.cmpi eq, %select_n3A_1454, %eq3A_1532 : vector<16xi32>
    %eq3A_1534 = arith.constant 0 : i32
    %eq3A_1535 = vector.broadcast %eq3A_1534 : i32 to vector<16xi32>
    %eq3A_1536 = arith.cmpi eq, %select_n3A_1530, %eq3A_1535 : vector<16xi32>
    %or3A_1537 = arith.ori %eq3A_1533, %eq3A_1536 : vector<16xi1>
    %ne3A_1538 = arith.constant 0.000000e+00 : f32
    %ne3A_1539 = vector.broadcast %ne3A_1538 : f32 to vector<16xf32>
    %ne3A_1540 = arith.cmpf one, %get3A_1382, %ne3A_1539 : vector<16xf32>
    %and3A_1541 = arith.andi %or3A_1537, %ne3A_1540 : vector<16xi1>
    %sub3A_1542 = arith.subf %get3A_1382, %select_n3A_1451 : vector<16xf32>
    %exp3A_1543 = math.exp %sub3A_1542 : vector<16xf32>
    %jit3A_1544 = arith.constant 0.000000e+00 : f32
    %broadcast_in_dim3A_1545 = vector.broadcast %jit3A_1544 : f32 to vector<16xf32>
    %select_n3A_1546 = arith.select %and3A_1541, %exp3A_1543, %broadcast_in_dim3A_1545 : vector<16xi1>, vector<16xf32>
    %eq3A_1547 = arith.constant 1 : i32
    %eq3A_1548 = vector.broadcast %eq3A_1547 : i32 to vector<16xi32>
    %eq3A_1549 = arith.cmpi eq, %select_n3A_1454, %eq3A_1548 : vector<16xi32>
    %eq3A_1550 = arith.constant 1 : i32
    %eq3A_1551 = vector.broadcast %eq3A_1550 : i32 to vector<16xi32>
    %eq3A_1552 = arith.cmpi eq, %select_n3A_1530, %eq3A_1551 : vector<16xi32>
    %or3A_1553 = arith.ori %eq3A_1549, %eq3A_1552 : vector<16xi1>
    %ne3A_1554 = arith.constant 0.000000e+00 : f32
    %ne3A_1555 = vector.broadcast %ne3A_1554 : f32 to vector<16xf32>
    %ne3A_1556 = arith.cmpf one, %get3A_1387, %ne3A_1555 : vector<16xf32>
    %and3A_1557 = arith.andi %or3A_1553, %ne3A_1556 : vector<16xi1>
    %sub3A_1558 = arith.subf %get3A_1387, %select_n3A_1451 : vector<16xf32>
    %exp3A_1559 = math.exp %sub3A_1558 : vector<16xf32>
    %jit3A_1560 = arith.constant 0.000000e+00 : f32
    %broadcast_in_dim3A_1561 = vector.broadcast %jit3A_1560 : f32 to vector<16xf32>
    %select_n3A_1562 = arith.select %and3A_1557, %exp3A_1559, %broadcast_in_dim3A_1561 : vector<16xi1>, vector<16xf32>
    %eq3A_1563 = arith.constant 2 : i32
    %eq3A_1564 = vector.broadcast %eq3A_1563 : i32 to vector<16xi32>
    %eq3A_1565 = arith.cmpi eq, %select_n3A_1454, %eq3A_1564 : vector<16xi32>
    %eq3A_1566 = arith.constant 2 : i32
    %eq3A_1567 = vector.broadcast %eq3A_1566 : i32 to vector<16xi32>
    %eq3A_1568 = arith.cmpi eq, %select_n3A_1530, %eq3A_1567 : vector<16xi32>
    %or3A_1569 = arith.ori %eq3A_1565, %eq3A_1568 : vector<16xi1>
    %ne3A_1570 = arith.constant 0.000000e+00 : f32
    %ne3A_1571 = vector.broadcast %ne3A_1570 : f32 to vector<16xf32>
    %ne3A_1572 = arith.cmpf one, %get3A_1392, %ne3A_1571 : vector<16xf32>
    %and3A_1573 = arith.andi %or3A_1569, %ne3A_1572 : vector<16xi1>
    %sub3A_1574 = arith.subf %get3A_1392, %select_n3A_1451 : vector<16xf32>
    %exp3A_1575 = math.exp %sub3A_1574 : vector<16xf32>
    %jit3A_1576 = arith.constant 0.000000e+00 : f32
    %broadcast_in_dim3A_1577 = vector.broadcast %jit3A_1576 : f32 to vector<16xf32>
    %select_n3A_1578 = arith.select %and3A_1573, %exp3A_1575, %broadcast_in_dim3A_1577 : vector<16xi1>, vector<16xf32>
    %eq3A_1579 = arith.constant 3 : i32
    %eq3A_1580 = vector.broadcast %eq3A_1579 : i32 to vector<16xi32>
    %eq3A_1581 = arith.cmpi eq, %select_n3A_1454, %eq3A_1580 : vector<16xi32>
    %eq3A_1582 = arith.constant 3 : i32
    %eq3A_1583 = vector.broadcast %eq3A_1582 : i32 to vector<16xi32>
    %eq3A_1584 = arith.cmpi eq, %select_n3A_1530, %eq3A_1583 : vector<16xi32>
    %or3A_1585 = arith.ori %eq3A_1581, %eq3A_1584 : vector<16xi1>
    %ne3A_1586 = arith.constant 0.000000e+00 : f32
    %ne3A_1587 = vector.broadcast %ne3A_1586 : f32 to vector<16xf32>
    %ne3A_1588 = arith.cmpf one, %get3A_1397, %ne3A_1587 : vector<16xf32>
    %and3A_1589 = arith.andi %or3A_1585, %ne3A_1588 : vector<16xi1>
    %sub3A_1590 = arith.subf %get3A_1397, %select_n3A_1451 : vector<16xf32>
    %exp3A_1591 = math.exp %sub3A_1590 : vector<16xf32>
    %jit3A_1592 = arith.constant 0.000000e+00 : f32
    %broadcast_in_dim3A_1593 = vector.broadcast %jit3A_1592 : f32 to vector<16xf32>
    %select_n3A_1594 = arith.select %and3A_1589, %exp3A_1591, %broadcast_in_dim3A_1593 : vector<16xi1>, vector<16xf32>
    %eq3A_1595 = arith.constant 4 : i32
    %eq3A_1596 = vector.broadcast %eq3A_1595 : i32 to vector<16xi32>
    %eq3A_1597 = arith.cmpi eq, %select_n3A_1454, %eq3A_1596 : vector<16xi32>
    %eq3A_1598 = arith.constant 4 : i32
    %eq3A_1599 = vector.broadcast %eq3A_1598 : i32 to vector<16xi32>
    %eq3A_1600 = arith.cmpi eq, %select_n3A_1530, %eq3A_1599 : vector<16xi32>
    %or3A_1601 = arith.ori %eq3A_1597, %eq3A_1600 : vector<16xi1>
    %ne3A_1602 = arith.constant 0.000000e+00 : f32
    %ne3A_1603 = vector.broadcast %ne3A_1602 : f32 to vector<16xf32>
    %ne3A_1604 = arith.cmpf one, %get3A_1402, %ne3A_1603 : vector<16xf32>
    %and3A_1605 = arith.andi %or3A_1601, %ne3A_1604 : vector<16xi1>
    %sub3A_1606 = arith.subf %get3A_1402, %select_n3A_1451 : vector<16xf32>
    %exp3A_1607 = math.exp %sub3A_1606 : vector<16xf32>
    %jit3A_1608 = arith.constant 0.000000e+00 : f32
    %broadcast_in_dim3A_1609 = vector.broadcast %jit3A_1608 : f32 to vector<16xf32>
    %select_n3A_1610 = arith.select %and3A_1605, %exp3A_1607, %broadcast_in_dim3A_1609 : vector<16xi1>, vector<16xf32>
    %eq3A_1611 = arith.constant 5 : i32
    %eq3A_1612 = vector.broadcast %eq3A_1611 : i32 to vector<16xi32>
    %eq3A_1613 = arith.cmpi eq, %select_n3A_1454, %eq3A_1612 : vector<16xi32>
    %eq3A_1614 = arith.constant 5 : i32
    %eq3A_1615 = vector.broadcast %eq3A_1614 : i32 to vector<16xi32>
    %eq3A_1616 = arith.cmpi eq, %select_n3A_1530, %eq3A_1615 : vector<16xi32>
    %or3A_1617 = arith.ori %eq3A_1613, %eq3A_1616 : vector<16xi1>
    %ne3A_1618 = arith.constant 0.000000e+00 : f32
    %ne3A_1619 = vector.broadcast %ne3A_1618 : f32 to vector<16xf32>
    %ne3A_1620 = arith.cmpf one, %get3A_1407, %ne3A_1619 : vector<16xf32>
    %and3A_1621 = arith.andi %or3A_1617, %ne3A_1620 : vector<16xi1>
    %sub3A_1622 = arith.subf %get3A_1407, %select_n3A_1451 : vector<16xf32>
    %exp3A_1623 = math.exp %sub3A_1622 : vector<16xf32>
    %jit3A_1624 = arith.constant 0.000000e+00 : f32
    %broadcast_in_dim3A_1625 = vector.broadcast %jit3A_1624 : f32 to vector<16xf32>
    %select_n3A_1626 = arith.select %and3A_1621, %exp3A_1623, %broadcast_in_dim3A_1625 : vector<16xi1>, vector<16xf32>
    %eq3A_1627 = arith.constant 6 : i32
    %eq3A_1628 = vector.broadcast %eq3A_1627 : i32 to vector<16xi32>
    %eq3A_1629 = arith.cmpi eq, %select_n3A_1454, %eq3A_1628 : vector<16xi32>
    %eq3A_1630 = arith.constant 6 : i32
    %eq3A_1631 = vector.broadcast %eq3A_1630 : i32 to vector<16xi32>
    %eq3A_1632 = arith.cmpi eq, %select_n3A_1530, %eq3A_1631 : vector<16xi32>
    %or3A_1633 = arith.ori %eq3A_1629, %eq3A_1632 : vector<16xi1>
    %ne3A_1634 = arith.constant 0.000000e+00 : f32
    %ne3A_1635 = vector.broadcast %ne3A_1634 : f32 to vector<16xf32>
    %ne3A_1636 = arith.cmpf one, %get3A_1412, %ne3A_1635 : vector<16xf32>
    %and3A_1637 = arith.andi %or3A_1633, %ne3A_1636 : vector<16xi1>
    %sub3A_1638 = arith.subf %get3A_1412, %select_n3A_1451 : vector<16xf32>
    %exp3A_1639 = math.exp %sub3A_1638 : vector<16xf32>
    %jit3A_1640 = arith.constant 0.000000e+00 : f32
    %broadcast_in_dim3A_1641 = vector.broadcast %jit3A_1640 : f32 to vector<16xf32>
    %select_n3A_1642 = arith.select %and3A_1637, %exp3A_1639, %broadcast_in_dim3A_1641 : vector<16xi1>, vector<16xf32>
    %eq3A_1643 = arith.constant 7 : i32
    %eq3A_1644 = vector.broadcast %eq3A_1643 : i32 to vector<16xi32>
    %eq3A_1645 = arith.cmpi eq, %select_n3A_1454, %eq3A_1644 : vector<16xi32>
    %eq3A_1646 = arith.constant 7 : i32
    %eq3A_1647 = vector.broadcast %eq3A_1646 : i32 to vector<16xi32>
    %eq3A_1648 = arith.cmpi eq, %select_n3A_1530, %eq3A_1647 : vector<16xi32>
    %or3A_1649 = arith.ori %eq3A_1645, %eq3A_1648 : vector<16xi1>
    %ne3A_1650 = arith.constant 0.000000e+00 : f32
    %ne3A_1651 = vector.broadcast %ne3A_1650 : f32 to vector<16xf32>
    %ne3A_1652 = arith.cmpf one, %get3A_1417, %ne3A_1651 : vector<16xf32>
    %and3A_1653 = arith.andi %or3A_1649, %ne3A_1652 : vector<16xi1>
    %sub3A_1654 = arith.subf %get3A_1417, %select_n3A_1451 : vector<16xf32>
    %exp3A_1655 = math.exp %sub3A_1654 : vector<16xf32>
    %jit3A_1656 = arith.constant 0.000000e+00 : f32
    %broadcast_in_dim3A_1657 = vector.broadcast %jit3A_1656 : f32 to vector<16xf32>
    %select_n3A_1658 = arith.select %and3A_1653, %exp3A_1655, %broadcast_in_dim3A_1657 : vector<16xi1>, vector<16xf32>
    %add3A_1659 = arith.addf %select_n3A_1546, %select_n3A_1562 : vector<16xf32>
    %add3A_1660 = arith.addf %add3A_1659, %select_n3A_1578 : vector<16xf32>
    %add3A_1661 = arith.addf %add3A_1660, %select_n3A_1594 : vector<16xf32>
    %add3A_1662 = arith.addf %add3A_1661, %select_n3A_1610 : vector<16xf32>
    %add3A_1663 = arith.addf %add3A_1662, %select_n3A_1626 : vector<16xf32>
    %add3A_1664 = arith.addf %add3A_1663, %select_n3A_1642 : vector<16xf32>
    %add3A_1665 = arith.addf %add3A_1664, %select_n3A_1658 : vector<16xf32>
    %div3A_1666 = arith.constant 1.000000e+00 : f32
    %div3A_1667 = vector.broadcast %div3A_1666 : f32 to vector<16xf32>
    %div3A_1668 = arith.divf %div3A_1667, %add3A_1665 : vector<16xf32>
    %mul3A_1669 = arith.mulf %select_n3A_1546, %div3A_1668 : vector<16xf32>
    %swap3A_1670 = arith.constant 0 : i32
    %swap3A_1671 = arith.index_cast %swap3A_1670 : i32 to index
    %swap3A_1672 = arith.constant 64 : index
    %swap3A_1673 = tpu.vector_load %arg5[%swap3A_1671, %swap3A_1672] {strides = array<i32>} : memref<8x128xf32, #tpu.memory_space<vmem>>, vector<1x16xf32>,
    %swap3A_1674 = vector.shape_cast %swap3A_1673 : vector<1x16xf32> to vector<16xf32>
    %swap3A_1675 = vector.shape_cast %mul3A_1669 : vector<16xf32> to vector<1x16xf32>
    tpu.vector_store %arg5[%swap3A_1671, %swap3A_1672], %swap3A_1675 {strides = array<i32>} : memref<8x128xf32, #tpu.memory_space<vmem>>, vector<1x16xf32>,
    %mul3A_1676 = arith.mulf %select_n3A_1562, %div3A_1668 : vector<16xf32>
    %swap3A_1677 = arith.constant 1 : i32
    %swap3A_1678 = arith.index_cast %swap3A_1677 : i32 to index
    %swap3A_1679 = arith.constant 64 : index
    %swap3A_1680 = tpu.vector_load %arg5[%swap3A_1678, %swap3A_1679] {strides = array<i32>} : memref<8x128xf32, #tpu.memory_space<vmem>>, vector<1x16xf32>,
    %swap3A_1681 = vector.shape_cast %swap3A_1680 : vector<1x16xf32> to vector<16xf32>
    %swap3A_1682 = vector.shape_cast %mul3A_1676 : vector<16xf32> to vector<1x16xf32>
    tpu.vector_store %arg5[%swap3A_1678, %swap3A_1679], %swap3A_1682 {strides = array<i32>} : memref<8x128xf32, #tpu.memory_space<vmem>>, vector<1x16xf32>,
    %mul3A_1683 = arith.mulf %select_n3A_1578, %div3A_1668 : vector<16xf32>
    %swap3A_1684 = arith.constant 2 : i32
    %swap3A_1685 = arith.index_cast %swap3A_1684 : i32 to index
    %swap3A_1686 = arith.constant 64 : index
    %swap3A_1687 = tpu.vector_load %arg5[%swap3A_1685, %swap3A_1686] {strides = array<i32>} : memref<8x128xf32, #tpu.memory_space<vmem>>, vector<1x16xf32>,
    %swap3A_1688 = vector.shape_cast %swap3A_1687 : vector<1x16xf32> to vector<16xf32>
    %swap3A_1689 = vector.shape_cast %mul3A_1683 : vector<16xf32> to vector<1x16xf32>
    tpu.vector_store %arg5[%swap3A_1685, %swap3A_1686], %swap3A_1689 {strides = array<i32>} : memref<8x128xf32, #tpu.memory_space<vmem>>, vector<1x16xf32>,
    %mul3A_1690 = arith.mulf %select_n3A_1594, %div3A_1668 : vector<16xf32>
    %swap3A_1691 = arith.constant 3 : i32
    %swap3A_1692 = arith.index_cast %swap3A_1691 : i32 to index
    %swap3A_1693 = arith.constant 64 : index
    %swap3A_1694 = tpu.vector_load %arg5[%swap3A_1692, %swap3A_1693] {strides = array<i32>} : memref<8x128xf32, #tpu.memory_space<vmem>>, vector<1x16xf32>,
    %swap3A_1695 = vector.shape_cast %swap3A_1694 : vector<1x16xf32> to vector<16xf32>
    %swap3A_1696 = vector.shape_cast %mul3A_1690 : vector<16xf32> to vector<1x16xf32>
    tpu.vector_store %arg5[%swap3A_1692, %swap3A_1693], %swap3A_1696 {strides = array<i32>} : memref<8x128xf32, #tpu.memory_space<vmem>>, vector<1x16xf32>,
    %mul3A_1697 = arith.mulf %select_n3A_1610, %div3A_1668 : vector<16xf32>
    %swap3A_1698 = arith.constant 4 : i32
    %swap3A_1699 = arith.index_cast %swap3A_1698 : i32 to index
    %swap3A_1700 = arith.constant 64 : index
    %swap3A_1701 = tpu.vector_load %arg5[%swap3A_1699, %swap3A_1700] {strides = array<i32>} : memref<8x128xf32, #tpu.memory_space<vmem>>, vector<1x16xf32>,
    %swap3A_1702 = vector.shape_cast %swap3A_1701 : vector<1x16xf32> to vector<16xf32>
    %swap3A_1703 = vector.shape_cast %mul3A_1697 : vector<16xf32> to vector<1x16xf32>
    tpu.vector_store %arg5[%swap3A_1699, %swap3A_1700], %swap3A_1703 {strides = array<i32>} : memref<8x128xf32, #tpu.memory_space<vmem>>, vector<1x16xf32>,
    %mul3A_1704 = arith.mulf %select_n3A_1626, %div3A_1668 : vector<16xf32>
    %swap3A_1705 = arith.constant 5 : i32
    %swap3A_1706 = arith.index_cast %swap3A_1705 : i32 to index
    %swap3A_1707 = arith.constant 64 : index
    %swap3A_1708 = tpu.vector_load %arg5[%swap3A_1706, %swap3A_1707] {strides = array<i32>} : memref<8x128xf32, #tpu.memory_space<vmem>>, vector<1x16xf32>,
    %swap3A_1709 = vector.shape_cast %swap3A_1708 : vector<1x16xf32> to vector<16xf32>
    %swap3A_1710 = vector.shape_cast %mul3A_1704 : vector<16xf32> to vector<1x16xf32>
    tpu.vector_store %arg5[%swap3A_1706, %swap3A_1707], %swap3A_1710 {strides = array<i32>} : memref<8x128xf32, #tpu.memory_space<vmem>>, vector<1x16xf32>,
    %mul3A_1711 = arith.mulf %select_n3A_1642, %div3A_1668 : vector<16xf32>
    %swap3A_1712 = arith.constant 6 : i32
    %swap3A_1713 = arith.index_cast %swap3A_1712 : i32 to index
    %swap3A_1714 = arith.constant 64 : index
    %swap3A_1715 = tpu.vector_load %arg5[%swap3A_1713, %swap3A_1714] {strides = array<i32>} : memref<8x128xf32, #tpu.memory_space<vmem>>, vector<1x16xf32>,
    %swap3A_1716 = vector.shape_cast %swap3A_1715 : vector<1x16xf32> to vector<16xf32>
    %swap3A_1717 = vector.shape_cast %mul3A_1711 : vector<16xf32> to vector<1x16xf32>
    tpu.vector_store %arg5[%swap3A_1713, %swap3A_1714], %swap3A_1717 {strides = array<i32>} : memref<8x128xf32, #tpu.memory_space<vmem>>, vector<1x16xf32>,
    %mul3A_1718 = arith.mulf %select_n3A_1658, %div3A_1668 : vector<16xf32>
    %swap3A_1719 = arith.constant 7 : i32
    %swap3A_1720 = arith.index_cast %swap3A_1719 : i32 to index
    %swap3A_1721 = arith.constant 64 : index
    %swap3A_1722 = tpu.vector_load %arg5[%swap3A_1720, %swap3A_1721] {strides = array<i32>} : memref<8x128xf32, #tpu.memory_space<vmem>>, vector<1x16xf32>,
    %swap3A_1723 = vector.shape_cast %swap3A_1722 : vector<1x16xf32> to vector<16xf32>
    %swap3A_1724 = vector.shape_cast %mul3A_1718 : vector<16xf32> to vector<1x16xf32>
    tpu.vector_store %arg5[%swap3A_1720, %swap3A_1721], %swap3A_1724 {strides = array<i32>} : memref<8x128xf32, #tpu.memory_space<vmem>>, vector<1x16xf32>,
    %get3A_1725 = arith.constant 0 : i32
    %get3A_1726 = arith.index_cast %get3A_1725 : i32 to index
    %get3A_1727 = arith.constant 80 : index
    %get3A_1728 = tpu.vector_load %arg4[%get3A_1726, %get3A_1727] {strides = array<i32>} : memref<8x128xf32, #tpu.memory_space<vmem>>, vector<1x16xf32>,
    %get3A_1729 = vector.shape_cast %get3A_1728 : vector<1x16xf32> to vector<16xf32>
    %get3A_1730 = arith.constant 1 : i32
    %get3A_1731 = arith.index_cast %get3A_1730 : i32 to index
    %get3A_1732 = arith.constant 80 : index
    %get3A_1733 = tpu.vector_load %arg4[%get3A_1731, %get3A_1732] {strides = array<i32>} : memref<8x128xf32, #tpu.memory_space<vmem>>, vector<1x16xf32>,
    %get3A_1734 = vector.shape_cast %get3A_1733 : vector<1x16xf32> to vector<16xf32>
    %get3A_1735 = arith.constant 2 : i32
    %get3A_1736 = arith.index_cast %get3A_1735 : i32 to index
    %get3A_1737 = arith.constant 80 : index
    %get3A_1738 = tpu.vector_load %arg4[%get3A_1736, %get3A_1737] {strides = array<i32>} : memref<8x128xf32, #tpu.memory_space<vmem>>, vector<1x16xf32>,
    %get3A_1739 = vector.shape_cast %get3A_1738 : vector<1x16xf32> to vector<16xf32>
    %get3A_1740 = arith.constant 3 : i32
    %get3A_1741 = arith.index_cast %get3A_1740 : i32 to index
    %get3A_1742 = arith.constant 80 : index
    %get3A_1743 = tpu.vector_load %arg4[%get3A_1741, %get3A_1742] {strides = array<i32>} : memref<8x128xf32, #tpu.memory_space<vmem>>, vector<1x16xf32>,
    %get3A_1744 = vector.shape_cast %get3A_1743 : vector<1x16xf32> to vector<16xf32>
    %get3A_1745 = arith.constant 4 : i32
    %get3A_1746 = arith.index_cast %get3A_1745 : i32 to index
    %get3A_1747 = arith.constant 80 : index
    %get3A_1748 = tpu.vector_load %arg4[%get3A_1746, %get3A_1747] {strides = array<i32>} : memref<8x128xf32, #tpu.memory_space<vmem>>, vector<1x16xf32>,
    %get3A_1749 = vector.shape_cast %get3A_1748 : vector<1x16xf32> to vector<16xf32>
    %get3A_1750 = arith.constant 5 : i32
    %get3A_1751 = arith.index_cast %get3A_1750 : i32 to index
    %get3A_1752 = arith.constant 80 : index
    %get3A_1753 = tpu.vector_load %arg4[%get3A_1751, %get3A_1752] {strides = array<i32>} : memref<8x128xf32, #tpu.memory_space<vmem>>, vector<1x16xf32>,
    %get3A_1754 = vector.shape_cast %get3A_1753 : vector<1x16xf32> to vector<16xf32>
    %get3A_1755 = arith.constant 6 : i32
    %get3A_1756 = arith.index_cast %get3A_1755 : i32 to index
    %get3A_1757 = arith.constant 80 : index
    %get3A_1758 = tpu.vector_load %arg4[%get3A_1756, %get3A_1757] {strides = array<i32>} : memref<8x128xf32, #tpu.memory_space<vmem>>, vector<1x16xf32>,
    %get3A_1759 = vector.shape_cast %get3A_1758 : vector<1x16xf32> to vector<16xf32>
    %get3A_1760 = arith.constant 7 : i32
    %get3A_1761 = arith.index_cast %get3A_1760 : i32 to index
    %get3A_1762 = arith.constant 80 : index
    %get3A_1763 = tpu.vector_load %arg4[%get3A_1761, %get3A_1762] {strides = array<i32>} : memref<8x128xf32, #tpu.memory_space<vmem>>, vector<1x16xf32>,
    %get3A_1764 = vector.shape_cast %get3A_1763 : vector<1x16xf32> to vector<16xf32>
    %broadcast_in_dim3A_1765 = arith.constant 0 : i32
    %broadcast_in_dim3A_1766 = vector.broadcast %broadcast_in_dim3A_1765 : i32 to vector<16xi32>
    %gt3A_1767 = arith.cmpf ogt, %get3A_1734, %get3A_1729 : vector<16xf32>
    %select_n3A_1768 = arith.select %gt3A_1767, %get3A_1734, %get3A_1729 : vector<16xi1>, vector<16xf32>
    %jit3A_1769 = arith.constant 1 : i32
    %broadcast_in_dim3A_1770 = vector.broadcast %jit3A_1769 : i32 to vector<16xi32>
    %select_n3A_1771 = arith.select %gt3A_1767, %broadcast_in_dim3A_1770, %broadcast_in_dim3A_1766 : vector<16xi1>, vector<16xi32>
    %gt3A_1772 = arith.cmpf ogt, %get3A_1739, %select_n3A_1768 : vector<16xf32>
    %select_n3A_1773 = arith.select %gt3A_1772, %get3A_1739, %select_n3A_1768 : vector<16xi1>, vector<16xf32>
    %jit3A_1774 = arith.constant 2 : i32
    %broadcast_in_dim3A_1775 = vector.broadcast %jit3A_1774 : i32 to vector<16xi32>
    %select_n3A_1776 = arith.select %gt3A_1772, %broadcast_in_dim3A_1775, %select_n3A_1771 : vector<16xi1>, vector<16xi32>
    %gt3A_1777 = arith.cmpf ogt, %get3A_1744, %select_n3A_1773 : vector<16xf32>
    %select_n3A_1778 = arith.select %gt3A_1777, %get3A_1744, %select_n3A_1773 : vector<16xi1>, vector<16xf32>
    %jit3A_1779 = arith.constant 3 : i32
    %broadcast_in_dim3A_1780 = vector.broadcast %jit3A_1779 : i32 to vector<16xi32>
    %select_n3A_1781 = arith.select %gt3A_1777, %broadcast_in_dim3A_1780, %select_n3A_1776 : vector<16xi1>, vector<16xi32>
    %gt3A_1782 = arith.cmpf ogt, %get3A_1749, %select_n3A_1778 : vector<16xf32>
    %select_n3A_1783 = arith.select %gt3A_1782, %get3A_1749, %select_n3A_1778 : vector<16xi1>, vector<16xf32>
    %jit3A_1784 = arith.constant 4 : i32
    %broadcast_in_dim3A_1785 = vector.broadcast %jit3A_1784 : i32 to vector<16xi32>
    %select_n3A_1786 = arith.select %gt3A_1782, %broadcast_in_dim3A_1785, %select_n3A_1781 : vector<16xi1>, vector<16xi32>
    %gt3A_1787 = arith.cmpf ogt, %get3A_1754, %select_n3A_1783 : vector<16xf32>
    %select_n3A_1788 = arith.select %gt3A_1787, %get3A_1754, %select_n3A_1783 : vector<16xi1>, vector<16xf32>
    %jit3A_1789 = arith.constant 5 : i32
    %broadcast_in_dim3A_1790 = vector.broadcast %jit3A_1789 : i32 to vector<16xi32>
    %select_n3A_1791 = arith.select %gt3A_1787, %broadcast_in_dim3A_1790, %select_n3A_1786 : vector<16xi1>, vector<16xi32>
    %gt3A_1792 = arith.cmpf ogt, %get3A_1759, %select_n3A_1788 : vector<16xf32>
    %select_n3A_1793 = arith.select %gt3A_1792, %get3A_1759, %select_n3A_1788 : vector<16xi1>, vector<16xf32>
    %jit3A_1794 = arith.constant 6 : i32
    %broadcast_in_dim3A_1795 = vector.broadcast %jit3A_1794 : i32 to vector<16xi32>
    %select_n3A_1796 = arith.select %gt3A_1792, %broadcast_in_dim3A_1795, %select_n3A_1791 : vector<16xi1>, vector<16xi32>
    %gt3A_1797 = arith.cmpf ogt, %get3A_1764, %select_n3A_1793 : vector<16xf32>
    %select_n3A_1798 = arith.select %gt3A_1797, %get3A_1764, %select_n3A_1793 : vector<16xi1>, vector<16xf32>
    %jit3A_1799 = arith.constant 7 : i32
    %broadcast_in_dim3A_1800 = vector.broadcast %jit3A_1799 : i32 to vector<16xi32>
    %select_n3A_1801 = arith.select %gt3A_1797, %broadcast_in_dim3A_1800, %select_n3A_1796 : vector<16xi1>, vector<16xi32>
    %broadcast_in_dim3A_1802 = arith.constant 0xFF800000 : f32
    %broadcast_in_dim3A_1803 = vector.broadcast %broadcast_in_dim3A_1802 : f32 to vector<16xf32>
    %broadcast_in_dim3A_1804 = arith.constant 0 : i32
    %broadcast_in_dim3A_1805 = vector.broadcast %broadcast_in_dim3A_1804 : i32 to vector<16xi32>
    %ne3A_1806 = arith.constant 0 : i32
    %ne3A_1807 = vector.broadcast %ne3A_1806 : i32 to vector<16xi32>
    %ne3A_1808 = arith.cmpi ne, %select_n3A_1801, %ne3A_1807 : vector<16xi32>
    %gt3A_1809 = arith.cmpf ogt, %get3A_1729, %broadcast_in_dim3A_1803 : vector<16xf32>
    %and3A_1810 = arith.andi %ne3A_1808, %gt3A_1809 : vector<16xi1>
    %select_n3A_1811 = arith.select %and3A_1810, %get3A_1729, %broadcast_in_dim3A_1803 : vector<16xi1>, vector<16xf32>
    %jit3A_1812 = arith.constant 0 : i32
    %broadcast_in_dim3A_1813 = vector.broadcast %jit3A_1812 : i32 to vector<16xi32>
    %select_n3A_1814 = arith.select %and3A_1810, %broadcast_in_dim3A_1813, %broadcast_in_dim3A_1805 : vector<16xi1>, vector<16xi32>
    %ne3A_1815 = arith.constant 1 : i32
    %ne3A_1816 = vector.broadcast %ne3A_1815 : i32 to vector<16xi32>
    %ne3A_1817 = arith.cmpi ne, %select_n3A_1801, %ne3A_1816 : vector<16xi32>
    %gt3A_1818 = arith.cmpf ogt, %get3A_1734, %select_n3A_1811 : vector<16xf32>
    %and3A_1819 = arith.andi %ne3A_1817, %gt3A_1818 : vector<16xi1>
    %select_n3A_1820 = arith.select %and3A_1819, %get3A_1734, %select_n3A_1811 : vector<16xi1>, vector<16xf32>
    %jit3A_1821 = arith.constant 1 : i32
    %broadcast_in_dim3A_1822 = vector.broadcast %jit3A_1821 : i32 to vector<16xi32>
    %select_n3A_1823 = arith.select %and3A_1819, %broadcast_in_dim3A_1822, %select_n3A_1814 : vector<16xi1>, vector<16xi32>
    %ne3A_1824 = arith.constant 2 : i32
    %ne3A_1825 = vector.broadcast %ne3A_1824 : i32 to vector<16xi32>
    %ne3A_1826 = arith.cmpi ne, %select_n3A_1801, %ne3A_1825 : vector<16xi32>
    %gt3A_1827 = arith.cmpf ogt, %get3A_1739, %select_n3A_1820 : vector<16xf32>
    %and3A_1828 = arith.andi %ne3A_1826, %gt3A_1827 : vector<16xi1>
    %select_n3A_1829 = arith.select %and3A_1828, %get3A_1739, %select_n3A_1820 : vector<16xi1>, vector<16xf32>
    %jit3A_1830 = arith.constant 2 : i32
    %broadcast_in_dim3A_1831 = vector.broadcast %jit3A_1830 : i32 to vector<16xi32>
    %select_n3A_1832 = arith.select %and3A_1828, %broadcast_in_dim3A_1831, %select_n3A_1823 : vector<16xi1>, vector<16xi32>
    %ne3A_1833 = arith.constant 3 : i32
    %ne3A_1834 = vector.broadcast %ne3A_1833 : i32 to vector<16xi32>
    %ne3A_1835 = arith.cmpi ne, %select_n3A_1801, %ne3A_1834 : vector<16xi32>
    %gt3A_1836 = arith.cmpf ogt, %get3A_1744, %select_n3A_1829 : vector<16xf32>
    %and3A_1837 = arith.andi %ne3A_1835, %gt3A_1836 : vector<16xi1>
    %select_n3A_1838 = arith.select %and3A_1837, %get3A_1744, %select_n3A_1829 : vector<16xi1>, vector<16xf32>
    %jit3A_1839 = arith.constant 3 : i32
    %broadcast_in_dim3A_1840 = vector.broadcast %jit3A_1839 : i32 to vector<16xi32>
    %select_n3A_1841 = arith.select %and3A_1837, %broadcast_in_dim3A_1840, %select_n3A_1832 : vector<16xi1>, vector<16xi32>
    %ne3A_1842 = arith.constant 4 : i32
    %ne3A_1843 = vector.broadcast %ne3A_1842 : i32 to vector<16xi32>
    %ne3A_1844 = arith.cmpi ne, %select_n3A_1801, %ne3A_1843 : vector<16xi32>
    %gt3A_1845 = arith.cmpf ogt, %get3A_1749, %select_n3A_1838 : vector<16xf32>
    %and3A_1846 = arith.andi %ne3A_1844, %gt3A_1845 : vector<16xi1>
    %select_n3A_1847 = arith.select %and3A_1846, %get3A_1749, %select_n3A_1838 : vector<16xi1>, vector<16xf32>
    %jit3A_1848 = arith.constant 4 : i32
    %broadcast_in_dim3A_1849 = vector.broadcast %jit3A_1848 : i32 to vector<16xi32>
    %select_n3A_1850 = arith.select %and3A_1846, %broadcast_in_dim3A_1849, %select_n3A_1841 : vector<16xi1>, vector<16xi32>
    %ne3A_1851 = arith.constant 5 : i32
    %ne3A_1852 = vector.broadcast %ne3A_1851 : i32 to vector<16xi32>
    %ne3A_1853 = arith.cmpi ne, %select_n3A_1801, %ne3A_1852 : vector<16xi32>
    %gt3A_1854 = arith.cmpf ogt, %get3A_1754, %select_n3A_1847 : vector<16xf32>
    %and3A_1855 = arith.andi %ne3A_1853, %gt3A_1854 : vector<16xi1>
    %select_n3A_1856 = arith.select %and3A_1855, %get3A_1754, %select_n3A_1847 : vector<16xi1>, vector<16xf32>
    %jit3A_1857 = arith.constant 5 : i32
    %broadcast_in_dim3A_1858 = vector.broadcast %jit3A_1857 : i32 to vector<16xi32>
    %select_n3A_1859 = arith.select %and3A_1855, %broadcast_in_dim3A_1858, %select_n3A_1850 : vector<16xi1>, vector<16xi32>
    %ne3A_1860 = arith.constant 6 : i32
    %ne3A_1861 = vector.broadcast %ne3A_1860 : i32 to vector<16xi32>
    %ne3A_1862 = arith.cmpi ne, %select_n3A_1801, %ne3A_1861 : vector<16xi32>
    %gt3A_1863 = arith.cmpf ogt, %get3A_1759, %select_n3A_1856 : vector<16xf32>
    %and3A_1864 = arith.andi %ne3A_1862, %gt3A_1863 : vector<16xi1>
    %select_n3A_1865 = arith.select %and3A_1864, %get3A_1759, %select_n3A_1856 : vector<16xi1>, vector<16xf32>
    %jit3A_1866 = arith.constant 6 : i32
    %broadcast_in_dim3A_1867 = vector.broadcast %jit3A_1866 : i32 to vector<16xi32>
    %select_n3A_1868 = arith.select %and3A_1864, %broadcast_in_dim3A_1867, %select_n3A_1859 : vector<16xi1>, vector<16xi32>
    %ne3A_1869 = arith.constant 7 : i32
    %ne3A_1870 = vector.broadcast %ne3A_1869 : i32 to vector<16xi32>
    %ne3A_1871 = arith.cmpi ne, %select_n3A_1801, %ne3A_1870 : vector<16xi32>
    %gt3A_1872 = arith.cmpf ogt, %get3A_1764, %select_n3A_1865 : vector<16xf32>
    %and3A_1873 = arith.andi %ne3A_1871, %gt3A_1872 : vector<16xi1>
    %select_n3A_1874 = arith.select %and3A_1873, %get3A_1764, %select_n3A_1865 : vector<16xi1>, vector<16xf32>
    %jit3A_1875 = arith.constant 7 : i32
    %broadcast_in_dim3A_1876 = vector.broadcast %jit3A_1875 : i32 to vector<16xi32>
    %select_n3A_1877 = arith.select %and3A_1873, %broadcast_in_dim3A_1876, %select_n3A_1868 : vector<16xi1>, vector<16xi32>
    %eq3A_1878 = arith.constant 0 : i32
    %eq3A_1879 = vector.broadcast %eq3A_1878 : i32 to vector<16xi32>
    %eq3A_1880 = arith.cmpi eq, %select_n3A_1801, %eq3A_1879 : vector<16xi32>
    %eq3A_1881 = arith.constant 0 : i32
    %eq3A_1882 = vector.broadcast %eq3A_1881 : i32 to vector<16xi32>
    %eq3A_1883 = arith.cmpi eq, %select_n3A_1877, %eq3A_1882 : vector<16xi32>
    %or3A_1884 = arith.ori %eq3A_1880, %eq3A_1883 : vector<16xi1>
    %ne3A_1885 = arith.constant 0.000000e+00 : f32
    %ne3A_1886 = vector.broadcast %ne3A_1885 : f32 to vector<16xf32>
    %ne3A_1887 = arith.cmpf one, %get3A_1729, %ne3A_1886 : vector<16xf32>
    %and3A_1888 = arith.andi %or3A_1884, %ne3A_1887 : vector<16xi1>
    %sub3A_1889 = arith.subf %get3A_1729, %select_n3A_1798 : vector<16xf32>
    %exp3A_1890 = math.exp %sub3A_1889 : vector<16xf32>
    %jit3A_1891 = arith.constant 0.000000e+00 : f32
    %broadcast_in_dim3A_1892 = vector.broadcast %jit3A_1891 : f32 to vector<16xf32>
    %select_n3A_1893 = arith.select %and3A_1888, %exp3A_1890, %broadcast_in_dim3A_1892 : vector<16xi1>, vector<16xf32>
    %eq3A_1894 = arith.constant 1 : i32
    %eq3A_1895 = vector.broadcast %eq3A_1894 : i32 to vector<16xi32>
    %eq3A_1896 = arith.cmpi eq, %select_n3A_1801, %eq3A_1895 : vector<16xi32>
    %eq3A_1897 = arith.constant 1 : i32
    %eq3A_1898 = vector.broadcast %eq3A_1897 : i32 to vector<16xi32>
    %eq3A_1899 = arith.cmpi eq, %select_n3A_1877, %eq3A_1898 : vector<16xi32>
    %or3A_1900 = arith.ori %eq3A_1896, %eq3A_1899 : vector<16xi1>
    %ne3A_1901 = arith.constant 0.000000e+00 : f32
    %ne3A_1902 = vector.broadcast %ne3A_1901 : f32 to vector<16xf32>
    %ne3A_1903 = arith.cmpf one, %get3A_1734, %ne3A_1902 : vector<16xf32>
    %and3A_1904 = arith.andi %or3A_1900, %ne3A_1903 : vector<16xi1>
    %sub3A_1905 = arith.subf %get3A_1734, %select_n3A_1798 : vector<16xf32>
    %exp3A_1906 = math.exp %sub3A_1905 : vector<16xf32>
    %jit3A_1907 = arith.constant 0.000000e+00 : f32
    %broadcast_in_dim3A_1908 = vector.broadcast %jit3A_1907 : f32 to vector<16xf32>
    %select_n3A_1909 = arith.select %and3A_1904, %exp3A_1906, %broadcast_in_dim3A_1908 : vector<16xi1>, vector<16xf32>
    %eq3A_1910 = arith.constant 2 : i32
    %eq3A_1911 = vector.broadcast %eq3A_1910 : i32 to vector<16xi32>
    %eq3A_1912 = arith.cmpi eq, %select_n3A_1801, %eq3A_1911 : vector<16xi32>
    %eq3A_1913 = arith.constant 2 : i32
    %eq3A_1914 = vector.broadcast %eq3A_1913 : i32 to vector<16xi32>
    %eq3A_1915 = arith.cmpi eq, %select_n3A_1877, %eq3A_1914 : vector<16xi32>
    %or3A_1916 = arith.ori %eq3A_1912, %eq3A_1915 : vector<16xi1>
    %ne3A_1917 = arith.constant 0.000000e+00 : f32
    %ne3A_1918 = vector.broadcast %ne3A_1917 : f32 to vector<16xf32>
    %ne3A_1919 = arith.cmpf one, %get3A_1739, %ne3A_1918 : vector<16xf32>
    %and3A_1920 = arith.andi %or3A_1916, %ne3A_1919 : vector<16xi1>
    %sub3A_1921 = arith.subf %get3A_1739, %select_n3A_1798 : vector<16xf32>
    %exp3A_1922 = math.exp %sub3A_1921 : vector<16xf32>
    %jit3A_1923 = arith.constant 0.000000e+00 : f32
    %broadcast_in_dim3A_1924 = vector.broadcast %jit3A_1923 : f32 to vector<16xf32>
    %select_n3A_1925 = arith.select %and3A_1920, %exp3A_1922, %broadcast_in_dim3A_1924 : vector<16xi1>, vector<16xf32>
    %eq3A_1926 = arith.constant 3 : i32
    %eq3A_1927 = vector.broadcast %eq3A_1926 : i32 to vector<16xi32>
    %eq3A_1928 = arith.cmpi eq, %select_n3A_1801, %eq3A_1927 : vector<16xi32>
    %eq3A_1929 = arith.constant 3 : i32
    %eq3A_1930 = vector.broadcast %eq3A_1929 : i32 to vector<16xi32>
    %eq3A_1931 = arith.cmpi eq, %select_n3A_1877, %eq3A_1930 : vector<16xi32>
    %or3A_1932 = arith.ori %eq3A_1928, %eq3A_1931 : vector<16xi1>
    %ne3A_1933 = arith.constant 0.000000e+00 : f32
    %ne3A_1934 = vector.broadcast %ne3A_1933 : f32 to vector<16xf32>
    %ne3A_1935 = arith.cmpf one, %get3A_1744, %ne3A_1934 : vector<16xf32>
    %and3A_1936 = arith.andi %or3A_1932, %ne3A_1935 : vector<16xi1>
    %sub3A_1937 = arith.subf %get3A_1744, %select_n3A_1798 : vector<16xf32>
    %exp3A_1938 = math.exp %sub3A_1937 : vector<16xf32>
    %jit3A_1939 = arith.constant 0.000000e+00 : f32
    %broadcast_in_dim3A_1940 = vector.broadcast %jit3A_1939 : f32 to vector<16xf32>
    %select_n3A_1941 = arith.select %and3A_1936, %exp3A_1938, %broadcast_in_dim3A_1940 : vector<16xi1>, vector<16xf32>
    %eq3A_1942 = arith.constant 4 : i32
    %eq3A_1943 = vector.broadcast %eq3A_1942 : i32 to vector<16xi32>
    %eq3A_1944 = arith.cmpi eq, %select_n3A_1801, %eq3A_1943 : vector<16xi32>
    %eq3A_1945 = arith.constant 4 : i32
    %eq3A_1946 = vector.broadcast %eq3A_1945 : i32 to vector<16xi32>
    %eq3A_1947 = arith.cmpi eq, %select_n3A_1877, %eq3A_1946 : vector<16xi32>
    %or3A_1948 = arith.ori %eq3A_1944, %eq3A_1947 : vector<16xi1>
    %ne3A_1949 = arith.constant 0.000000e+00 : f32
    %ne3A_1950 = vector.broadcast %ne3A_1949 : f32 to vector<16xf32>
    %ne3A_1951 = arith.cmpf one, %get3A_1749, %ne3A_1950 : vector<16xf32>
    %and3A_1952 = arith.andi %or3A_1948, %ne3A_1951 : vector<16xi1>
    %sub3A_1953 = arith.subf %get3A_1749, %select_n3A_1798 : vector<16xf32>
    %exp3A_1954 = math.exp %sub3A_1953 : vector<16xf32>
    %jit3A_1955 = arith.constant 0.000000e+00 : f32
    %broadcast_in_dim3A_1956 = vector.broadcast %jit3A_1955 : f32 to vector<16xf32>
    %select_n3A_1957 = arith.select %and3A_1952, %exp3A_1954, %broadcast_in_dim3A_1956 : vector<16xi1>, vector<16xf32>
    %eq3A_1958 = arith.constant 5 : i32
    %eq3A_1959 = vector.broadcast %eq3A_1958 : i32 to vector<16xi32>
    %eq3A_1960 = arith.cmpi eq, %select_n3A_1801, %eq3A_1959 : vector<16xi32>
    %eq3A_1961 = arith.constant 5 : i32
    %eq3A_1962 = vector.broadcast %eq3A_1961 : i32 to vector<16xi32>
    %eq3A_1963 = arith.cmpi eq, %select_n3A_1877, %eq3A_1962 : vector<16xi32>
    %or3A_1964 = arith.ori %eq3A_1960, %eq3A_1963 : vector<16xi1>
    %ne3A_1965 = arith.constant 0.000000e+00 : f32
    %ne3A_1966 = vector.broadcast %ne3A_1965 : f32 to vector<16xf32>
    %ne3A_1967 = arith.cmpf one, %get3A_1754, %ne3A_1966 : vector<16xf32>
    %and3A_1968 = arith.andi %or3A_1964, %ne3A_1967 : vector<16xi1>
    %sub3A_1969 = arith.subf %get3A_1754, %select_n3A_1798 : vector<16xf32>
    %exp3A_1970 = math.exp %sub3A_1969 : vector<16xf32>
    %jit3A_1971 = arith.constant 0.000000e+00 : f32
    %broadcast_in_dim3A_1972 = vector.broadcast %jit3A_1971 : f32 to vector<16xf32>
    %select_n3A_1973 = arith.select %and3A_1968, %exp3A_1970, %broadcast_in_dim3A_1972 : vector<16xi1>, vector<16xf32>
    %eq3A_1974 = arith.constant 6 : i32
    %eq3A_1975 = vector.broadcast %eq3A_1974 : i32 to vector<16xi32>
    %eq3A_1976 = arith.cmpi eq, %select_n3A_1801, %eq3A_1975 : vector<16xi32>
    %eq3A_1977 = arith.constant 6 : i32
    %eq3A_1978 = vector.broadcast %eq3A_1977 : i32 to vector<16xi32>
    %eq3A_1979 = arith.cmpi eq, %select_n3A_1877, %eq3A_1978 : vector<16xi32>
    %or3A_1980 = arith.ori %eq3A_1976, %eq3A_1979 : vector<16xi1>
    %ne3A_1981 = arith.constant 0.000000e+00 : f32
    %ne3A_1982 = vector.broadcast %ne3A_1981 : f32 to vector<16xf32>
    %ne3A_1983 = arith.cmpf one, %get3A_1759, %ne3A_1982 : vector<16xf32>
    %and3A_1984 = arith.andi %or3A_1980, %ne3A_1983 : vector<16xi1>
    %sub3A_1985 = arith.subf %get3A_1759, %select_n3A_1798 : vector<16xf32>
    %exp3A_1986 = math.exp %sub3A_1985 : vector<16xf32>
    %jit3A_1987 = arith.constant 0.000000e+00 : f32
    %broadcast_in_dim3A_1988 = vector.broadcast %jit3A_1987 : f32 to vector<16xf32>
    %select_n3A_1989 = arith.select %and3A_1984, %exp3A_1986, %broadcast_in_dim3A_1988 : vector<16xi1>, vector<16xf32>
    %eq3A_1990 = arith.constant 7 : i32
    %eq3A_1991 = vector.broadcast %eq3A_1990 : i32 to vector<16xi32>
    %eq3A_1992 = arith.cmpi eq, %select_n3A_1801, %eq3A_1991 : vector<16xi32>
    %eq3A_1993 = arith.constant 7 : i32
    %eq3A_1994 = vector.broadcast %eq3A_1993 : i32 to vector<16xi32>
    %eq3A_1995 = arith.cmpi eq, %select_n3A_1877, %eq3A_1994 : vector<16xi32>
    %or3A_1996 = arith.ori %eq3A_1992, %eq3A_1995 : vector<16xi1>
    %ne3A_1997 = arith.constant 0.000000e+00 : f32
    %ne3A_1998 = vector.broadcast %ne3A_1997 : f32 to vector<16xf32>
    %ne3A_1999 = arith.cmpf one, %get3A_1764, %ne3A_1998 : vector<16xf32>
    %and3A_2000 = arith.andi %or3A_1996, %ne3A_1999 : vector<16xi1>
    %sub3A_2001 = arith.subf %get3A_1764, %select_n3A_1798 : vector<16xf32>
    %exp3A_2002 = math.exp %sub3A_2001 : vector<16xf32>
    %jit3A_2003 = arith.constant 0.000000e+00 : f32
    %broadcast_in_dim3A_2004 = vector.broadcast %jit3A_2003 : f32 to vector<16xf32>
    %select_n3A_2005 = arith.select %and3A_2000, %exp3A_2002, %broadcast_in_dim3A_2004 : vector<16xi1>, vector<16xf32>
    %add3A_2006 = arith.addf %select_n3A_1893, %select_n3A_1909 : vector<16xf32>
    %add3A_2007 = arith.addf %add3A_2006, %select_n3A_1925 : vector<16xf32>
    %add3A_2008 = arith.addf %add3A_2007, %select_n3A_1941 : vector<16xf32>
    %add3A_2009 = arith.addf %add3A_2008, %select_n3A_1957 : vector<16xf32>
    %add3A_2010 = arith.addf %add3A_2009, %select_n3A_1973 : vector<16xf32>
    %add3A_2011 = arith.addf %add3A_2010, %select_n3A_1989 : vector<16xf32>
    %add3A_2012 = arith.addf %add3A_2011, %select_n3A_2005 : vector<16xf32>
    %div3A_2013 = arith.constant 1.000000e+00 : f32
    %div3A_2014 = vector.broadcast %div3A_2013 : f32 to vector<16xf32>
    %div3A_2015 = arith.divf %div3A_2014, %add3A_2012 : vector<16xf32>
    %mul3A_2016 = arith.mulf %select_n3A_1893, %div3A_2015 : vector<16xf32>
    %swap3A_2017 = arith.constant 0 : i32
    %swap3A_2018 = arith.index_cast %swap3A_2017 : i32 to index
    %swap3A_2019 = arith.constant 80 : index
    %swap3A_2020 = tpu.vector_load %arg5[%swap3A_2018, %swap3A_2019] {strides = array<i32>} : memref<8x128xf32, #tpu.memory_space<vmem>>, vector<1x16xf32>,
    %swap3A_2021 = vector.shape_cast %swap3A_2020 : vector<1x16xf32> to vector<16xf32>
    %swap3A_2022 = vector.shape_cast %mul3A_2016 : vector<16xf32> to vector<1x16xf32>
    tpu.vector_store %arg5[%swap3A_2018, %swap3A_2019], %swap3A_2022 {strides = array<i32>} : memref<8x128xf32, #tpu.memory_space<vmem>>, vector<1x16xf32>,
    %mul3A_2023 = arith.mulf %select_n3A_1909, %div3A_2015 : vector<16xf32>
    %swap3A_2024 = arith.constant 1 : i32
    %swap3A_2025 = arith.index_cast %swap3A_2024 : i32 to index
    %swap3A_2026 = arith.constant 80 : index
    %swap3A_2027 = tpu.vector_load %arg5[%swap3A_2025, %swap3A_2026] {strides = array<i32>} : memref<8x128xf32, #tpu.memory_space<vmem>>, vector<1x16xf32>,
    %swap3A_2028 = vector.shape_cast %swap3A_2027 : vector<1x16xf32> to vector<16xf32>
    %swap3A_2029 = vector.shape_cast %mul3A_2023 : vector<16xf32> to vector<1x16xf32>
    tpu.vector_store %arg5[%swap3A_2025, %swap3A_2026], %swap3A_2029 {strides = array<i32>} : memref<8x128xf32, #tpu.memory_space<vmem>>, vector<1x16xf32>,
    %mul3A_2030 = arith.mulf %select_n3A_1925, %div3A_2015 : vector<16xf32>
    %swap3A_2031 = arith.constant 2 : i32
    %swap3A_2032 = arith.index_cast %swap3A_2031 : i32 to index
    %swap3A_2033 = arith.constant 80 : index
    %swap3A_2034 = tpu.vector_load %arg5[%swap3A_2032, %swap3A_2033] {strides = array<i32>} : memref<8x128xf32, #tpu.memory_space<vmem>>, vector<1x16xf32>,
    %swap3A_2035 = vector.shape_cast %swap3A_2034 : vector<1x16xf32> to vector<16xf32>
    %swap3A_2036 = vector.shape_cast %mul3A_2030 : vector<16xf32> to vector<1x16xf32>
    tpu.vector_store %arg5[%swap3A_2032, %swap3A_2033], %swap3A_2036 {strides = array<i32>} : memref<8x128xf32, #tpu.memory_space<vmem>>, vector<1x16xf32>,
    %mul3A_2037 = arith.mulf %select_n3A_1941, %div3A_2015 : vector<16xf32>
    %swap3A_2038 = arith.constant 3 : i32
    %swap3A_2039 = arith.index_cast %swap3A_2038 : i32 to index
    %swap3A_2040 = arith.constant 80 : index
    %swap3A_2041 = tpu.vector_load %arg5[%swap3A_2039, %swap3A_2040] {strides = array<i32>} : memref<8x128xf32, #tpu.memory_space<vmem>>, vector<1x16xf32>,
    %swap3A_2042 = vector.shape_cast %swap3A_2041 : vector<1x16xf32> to vector<16xf32>
    %swap3A_2043 = vector.shape_cast %mul3A_2037 : vector<16xf32> to vector<1x16xf32>
    tpu.vector_store %arg5[%swap3A_2039, %swap3A_2040], %swap3A_2043 {strides = array<i32>} : memref<8x128xf32, #tpu.memory_space<vmem>>, vector<1x16xf32>,
    %mul3A_2044 = arith.mulf %select_n3A_1957, %div3A_2015 : vector<16xf32>
    %swap3A_2045 = arith.constant 4 : i32
    %swap3A_2046 = arith.index_cast %swap3A_2045 : i32 to index
    %swap3A_2047 = arith.constant 80 : index
    %swap3A_2048 = tpu.vector_load %arg5[%swap3A_2046, %swap3A_2047] {strides = array<i32>} : memref<8x128xf32, #tpu.memory_space<vmem>>, vector<1x16xf32>,
    %swap3A_2049 = vector.shape_cast %swap3A_2048 : vector<1x16xf32> to vector<16xf32>
    %swap3A_2050 = vector.shape_cast %mul3A_2044 : vector<16xf32> to vector<1x16xf32>
    tpu.vector_store %arg5[%swap3A_2046, %swap3A_2047], %swap3A_2050 {strides = array<i32>} : memref<8x128xf32, #tpu.memory_space<vmem>>, vector<1x16xf32>,
    %mul3A_2051 = arith.mulf %select_n3A_1973, %div3A_2015 : vector<16xf32>
    %swap3A_2052 = arith.constant 5 : i32
    %swap3A_2053 = arith.index_cast %swap3A_2052 : i32 to index
    %swap3A_2054 = arith.constant 80 : index
    %swap3A_2055 = tpu.vector_load %arg5[%swap3A_2053, %swap3A_2054] {strides = array<i32>} : memref<8x128xf32, #tpu.memory_space<vmem>>, vector<1x16xf32>,
    %swap3A_2056 = vector.shape_cast %swap3A_2055 : vector<1x16xf32> to vector<16xf32>
    %swap3A_2057 = vector.shape_cast %mul3A_2051 : vector<16xf32> to vector<1x16xf32>
    tpu.vector_store %arg5[%swap3A_2053, %swap3A_2054], %swap3A_2057 {strides = array<i32>} : memref<8x128xf32, #tpu.memory_space<vmem>>, vector<1x16xf32>,
    %mul3A_2058 = arith.mulf %select_n3A_1989, %div3A_2015 : vector<16xf32>
    %swap3A_2059 = arith.constant 6 : i32
    %swap3A_2060 = arith.index_cast %swap3A_2059 : i32 to index
    %swap3A_2061 = arith.constant 80 : index
    %swap3A_2062 = tpu.vector_load %arg5[%swap3A_2060, %swap3A_2061] {strides = array<i32>} : memref<8x128xf32, #tpu.memory_space<vmem>>, vector<1x16xf32>,
    %swap3A_2063 = vector.shape_cast %swap3A_2062 : vector<1x16xf32> to vector<16xf32>
    %swap3A_2064 = vector.shape_cast %mul3A_2058 : vector<16xf32> to vector<1x16xf32>
    tpu.vector_store %arg5[%swap3A_2060, %swap3A_2061], %swap3A_2064 {strides = array<i32>} : memref<8x128xf32, #tpu.memory_space<vmem>>, vector<1x16xf32>,
    %mul3A_2065 = arith.mulf %select_n3A_2005, %div3A_2015 : vector<16xf32>
    %swap3A_2066 = arith.constant 7 : i32
    %swap3A_2067 = arith.index_cast %swap3A_2066 : i32 to index
    %swap3A_2068 = arith.constant 80 : index
    %swap3A_2069 = tpu.vector_load %arg5[%swap3A_2067, %swap3A_2068] {strides = array<i32>} : memref<8x128xf32, #tpu.memory_space<vmem>>, vector<1x16xf32>,
    %swap3A_2070 = vector.shape_cast %swap3A_2069 : vector<1x16xf32> to vector<16xf32>
    %swap3A_2071 = vector.shape_cast %mul3A_2065 : vector<16xf32> to vector<1x16xf32>
    tpu.vector_store %arg5[%swap3A_2067, %swap3A_2068], %swap3A_2071 {strides = array<i32>} : memref<8x128xf32, #tpu.memory_space<vmem>>, vector<1x16xf32>,
    %get3A_2072 = arith.constant 0 : i32
    %get3A_2073 = arith.index_cast %get3A_2072 : i32 to index
    %get3A_2074 = arith.constant 96 : index
    %get3A_2075 = tpu.vector_load %arg4[%get3A_2073, %get3A_2074] {strides = array<i32>} : memref<8x128xf32, #tpu.memory_space<vmem>>, vector<1x16xf32>,
    %get3A_2076 = vector.shape_cast %get3A_2075 : vector<1x16xf32> to vector<16xf32>
    %get3A_2077 = arith.constant 1 : i32
    %get3A_2078 = arith.index_cast %get3A_2077 : i32 to index
    %get3A_2079 = arith.constant 96 : index
    %get3A_2080 = tpu.vector_load %arg4[%get3A_2078, %get3A_2079] {strides = array<i32>} : memref<8x128xf32, #tpu.memory_space<vmem>>, vector<1x16xf32>,
    %get3A_2081 = vector.shape_cast %get3A_2080 : vector<1x16xf32> to vector<16xf32>
    %get3A_2082 = arith.constant 2 : i32
    %get3A_2083 = arith.index_cast %get3A_2082 : i32 to index
    %get3A_2084 = arith.constant 96 : index
    %get3A_2085 = tpu.vector_load %arg4[%get3A_2083, %get3A_2084] {strides = array<i32>} : memref<8x128xf32, #tpu.memory_space<vmem>>, vector<1x16xf32>,
    %get3A_2086 = vector.shape_cast %get3A_2085 : vector<1x16xf32> to vector<16xf32>
    %get3A_2087 = arith.constant 3 : i32
    %get3A_2088 = arith.index_cast %get3A_2087 : i32 to index
    %get3A_2089 = arith.constant 96 : index
    %get3A_2090 = tpu.vector_load %arg4[%get3A_2088, %get3A_2089] {strides = array<i32>} : memref<8x128xf32, #tpu.memory_space<vmem>>, vector<1x16xf32>,
    %get3A_2091 = vector.shape_cast %get3A_2090 : vector<1x16xf32> to vector<16xf32>
    %get3A_2092 = arith.constant 4 : i32
    %get3A_2093 = arith.index_cast %get3A_2092 : i32 to index
    %get3A_2094 = arith.constant 96 : index
    %get3A_2095 = tpu.vector_load %arg4[%get3A_2093, %get3A_2094] {strides = array<i32>} : memref<8x128xf32, #tpu.memory_space<vmem>>, vector<1x16xf32>,
    %get3A_2096 = vector.shape_cast %get3A_2095 : vector<1x16xf32> to vector<16xf32>
    %get3A_2097 = arith.constant 5 : i32
    %get3A_2098 = arith.index_cast %get3A_2097 : i32 to index
    %get3A_2099 = arith.constant 96 : index
    %get3A_2100 = tpu.vector_load %arg4[%get3A_2098, %get3A_2099] {strides = array<i32>} : memref<8x128xf32, #tpu.memory_space<vmem>>, vector<1x16xf32>,
    %get3A_2101 = vector.shape_cast %get3A_2100 : vector<1x16xf32> to vector<16xf32>
    %get3A_2102 = arith.constant 6 : i32
    %get3A_2103 = arith.index_cast %get3A_2102 : i32 to index
    %get3A_2104 = arith.constant 96 : index
    %get3A_2105 = tpu.vector_load %arg4[%get3A_2103, %get3A_2104] {strides = array<i32>} : memref<8x128xf32, #tpu.memory_space<vmem>>, vector<1x16xf32>,
    %get3A_2106 = vector.shape_cast %get3A_2105 : vector<1x16xf32> to vector<16xf32>
    %get3A_2107 = arith.constant 7 : i32
    %get3A_2108 = arith.index_cast %get3A_2107 : i32 to index
    %get3A_2109 = arith.constant 96 : index
    %get3A_2110 = tpu.vector_load %arg4[%get3A_2108, %get3A_2109] {strides = array<i32>} : memref<8x128xf32, #tpu.memory_space<vmem>>, vector<1x16xf32>,
    %get3A_2111 = vector.shape_cast %get3A_2110 : vector<1x16xf32> to vector<16xf32>
    %broadcast_in_dim3A_2112 = arith.constant 0 : i32
    %broadcast_in_dim3A_2113 = vector.broadcast %broadcast_in_dim3A_2112 : i32 to vector<16xi32>
    %gt3A_2114 = arith.cmpf ogt, %get3A_2081, %get3A_2076 : vector<16xf32>
    %select_n3A_2115 = arith.select %gt3A_2114, %get3A_2081, %get3A_2076 : vector<16xi1>, vector<16xf32>
    %jit3A_2116 = arith.constant 1 : i32
    %broadcast_in_dim3A_2117 = vector.broadcast %jit3A_2116 : i32 to vector<16xi32>
    %select_n3A_2118 = arith.select %gt3A_2114, %broadcast_in_dim3A_2117, %broadcast_in_dim3A_2113 : vector<16xi1>, vector<16xi32>
    %gt3A_2119 = arith.cmpf ogt, %get3A_2086, %select_n3A_2115 : vector<16xf32>
    %select_n3A_2120 = arith.select %gt3A_2119, %get3A_2086, %select_n3A_2115 : vector<16xi1>, vector<16xf32>
    %jit3A_2121 = arith.constant 2 : i32
    %broadcast_in_dim3A_2122 = vector.broadcast %jit3A_2121 : i32 to vector<16xi32>
    %select_n3A_2123 = arith.select %gt3A_2119, %broadcast_in_dim3A_2122, %select_n3A_2118 : vector<16xi1>, vector<16xi32>
    %gt3A_2124 = arith.cmpf ogt, %get3A_2091, %select_n3A_2120 : vector<16xf32>
    %select_n3A_2125 = arith.select %gt3A_2124, %get3A_2091, %select_n3A_2120 : vector<16xi1>, vector<16xf32>
    %jit3A_2126 = arith.constant 3 : i32
    %broadcast_in_dim3A_2127 = vector.broadcast %jit3A_2126 : i32 to vector<16xi32>
    %select_n3A_2128 = arith.select %gt3A_2124, %broadcast_in_dim3A_2127, %select_n3A_2123 : vector<16xi1>, vector<16xi32>
    %gt3A_2129 = arith.cmpf ogt, %get3A_2096, %select_n3A_2125 : vector<16xf32>
    %select_n3A_2130 = arith.select %gt3A_2129, %get3A_2096, %select_n3A_2125 : vector<16xi1>, vector<16xf32>
    %jit3A_2131 = arith.constant 4 : i32
    %broadcast_in_dim3A_2132 = vector.broadcast %jit3A_2131 : i32 to vector<16xi32>
    %select_n3A_2133 = arith.select %gt3A_2129, %broadcast_in_dim3A_2132, %select_n3A_2128 : vector<16xi1>, vector<16xi32>
    %gt3A_2134 = arith.cmpf ogt, %get3A_2101, %select_n3A_2130 : vector<16xf32>
    %select_n3A_2135 = arith.select %gt3A_2134, %get3A_2101, %select_n3A_2130 : vector<16xi1>, vector<16xf32>
    %jit3A_2136 = arith.constant 5 : i32
    %broadcast_in_dim3A_2137 = vector.broadcast %jit3A_2136 : i32 to vector<16xi32>
    %select_n3A_2138 = arith.select %gt3A_2134, %broadcast_in_dim3A_2137, %select_n3A_2133 : vector<16xi1>, vector<16xi32>
    %gt3A_2139 = arith.cmpf ogt, %get3A_2106, %select_n3A_2135 : vector<16xf32>
    %select_n3A_2140 = arith.select %gt3A_2139, %get3A_2106, %select_n3A_2135 : vector<16xi1>, vector<16xf32>
    %jit3A_2141 = arith.constant 6 : i32
    %broadcast_in_dim3A_2142 = vector.broadcast %jit3A_2141 : i32 to vector<16xi32>
    %select_n3A_2143 = arith.select %gt3A_2139, %broadcast_in_dim3A_2142, %select_n3A_2138 : vector<16xi1>, vector<16xi32>
    %gt3A_2144 = arith.cmpf ogt, %get3A_2111, %select_n3A_2140 : vector<16xf32>
    %select_n3A_2145 = arith.select %gt3A_2144, %get3A_2111, %select_n3A_2140 : vector<16xi1>, vector<16xf32>
    %jit3A_2146 = arith.constant 7 : i32
    %broadcast_in_dim3A_2147 = vector.broadcast %jit3A_2146 : i32 to vector<16xi32>
    %select_n3A_2148 = arith.select %gt3A_2144, %broadcast_in_dim3A_2147, %select_n3A_2143 : vector<16xi1>, vector<16xi32>
    %broadcast_in_dim3A_2149 = arith.constant 0xFF800000 : f32
    %broadcast_in_dim3A_2150 = vector.broadcast %broadcast_in_dim3A_2149 : f32 to vector<16xf32>
    %broadcast_in_dim3A_2151 = arith.constant 0 : i32
    %broadcast_in_dim3A_2152 = vector.broadcast %broadcast_in_dim3A_2151 : i32 to vector<16xi32>
    %ne3A_2153 = arith.constant 0 : i32
    %ne3A_2154 = vector.broadcast %ne3A_2153 : i32 to vector<16xi32>
    %ne3A_2155 = arith.cmpi ne, %select_n3A_2148, %ne3A_2154 : vector<16xi32>
    %gt3A_2156 = arith.cmpf ogt, %get3A_2076, %broadcast_in_dim3A_2150 : vector<16xf32>
    %and3A_2157 = arith.andi %ne3A_2155, %gt3A_2156 : vector<16xi1>
    %select_n3A_2158 = arith.select %and3A_2157, %get3A_2076, %broadcast_in_dim3A_2150 : vector<16xi1>, vector<16xf32>
    %jit3A_2159 = arith.constant 0 : i32
    %broadcast_in_dim3A_2160 = vector.broadcast %jit3A_2159 : i32 to vector<16xi32>
    %select_n3A_2161 = arith.select %and3A_2157, %broadcast_in_dim3A_2160, %broadcast_in_dim3A_2152 : vector<16xi1>, vector<16xi32>
    %ne3A_2162 = arith.constant 1 : i32
    %ne3A_2163 = vector.broadcast %ne3A_2162 : i32 to vector<16xi32>
    %ne3A_2164 = arith.cmpi ne, %select_n3A_2148, %ne3A_2163 : vector<16xi32>
    %gt3A_2165 = arith.cmpf ogt, %get3A_2081, %select_n3A_2158 : vector<16xf32>
    %and3A_2166 = arith.andi %ne3A_2164, %gt3A_2165 : vector<16xi1>
    %select_n3A_2167 = arith.select %and3A_2166, %get3A_2081, %select_n3A_2158 : vector<16xi1>, vector<16xf32>
    %jit3A_2168 = arith.constant 1 : i32
    %broadcast_in_dim3A_2169 = vector.broadcast %jit3A_2168 : i32 to vector<16xi32>
    %select_n3A_2170 = arith.select %and3A_2166, %broadcast_in_dim3A_2169, %select_n3A_2161 : vector<16xi1>, vector<16xi32>
    %ne3A_2171 = arith.constant 2 : i32
    %ne3A_2172 = vector.broadcast %ne3A_2171 : i32 to vector<16xi32>
    %ne3A_2173 = arith.cmpi ne, %select_n3A_2148, %ne3A_2172 : vector<16xi32>
    %gt3A_2174 = arith.cmpf ogt, %get3A_2086, %select_n3A_2167 : vector<16xf32>
    %and3A_2175 = arith.andi %ne3A_2173, %gt3A_2174 : vector<16xi1>
    %select_n3A_2176 = arith.select %and3A_2175, %get3A_2086, %select_n3A_2167 : vector<16xi1>, vector<16xf32>
    %jit3A_2177 = arith.constant 2 : i32
    %broadcast_in_dim3A_2178 = vector.broadcast %jit3A_2177 : i32 to vector<16xi32>
    %select_n3A_2179 = arith.select %and3A_2175, %broadcast_in_dim3A_2178, %select_n3A_2170 : vector<16xi1>, vector<16xi32>
    %ne3A_2180 = arith.constant 3 : i32
    %ne3A_2181 = vector.broadcast %ne3A_2180 : i32 to vector<16xi32>
    %ne3A_2182 = arith.cmpi ne, %select_n3A_2148, %ne3A_2181 : vector<16xi32>
    %gt3A_2183 = arith.cmpf ogt, %get3A_2091, %select_n3A_2176 : vector<16xf32>
    %and3A_2184 = arith.andi %ne3A_2182, %gt3A_2183 : vector<16xi1>
    %select_n3A_2185 = arith.select %and3A_2184, %get3A_2091, %select_n3A_2176 : vector<16xi1>, vector<16xf32>
    %jit3A_2186 = arith.constant 3 : i32
    %broadcast_in_dim3A_2187 = vector.broadcast %jit3A_2186 : i32 to vector<16xi32>
    %select_n3A_2188 = arith.select %and3A_2184, %broadcast_in_dim3A_2187, %select_n3A_2179 : vector<16xi1>, vector<16xi32>
    %ne3A_2189 = arith.constant 4 : i32
    %ne3A_2190 = vector.broadcast %ne3A_2189 : i32 to vector<16xi32>
    %ne3A_2191 = arith.cmpi ne, %select_n3A_2148, %ne3A_2190 : vector<16xi32>
    %gt3A_2192 = arith.cmpf ogt, %get3A_2096, %select_n3A_2185 : vector<16xf32>
    %and3A_2193 = arith.andi %ne3A_2191, %gt3A_2192 : vector<16xi1>
    %select_n3A_2194 = arith.select %and3A_2193, %get3A_2096, %select_n3A_2185 : vector<16xi1>, vector<16xf32>
    %jit3A_2195 = arith.constant 4 : i32
    %broadcast_in_dim3A_2196 = vector.broadcast %jit3A_2195 : i32 to vector<16xi32>
    %select_n3A_2197 = arith.select %and3A_2193, %broadcast_in_dim3A_2196, %select_n3A_2188 : vector<16xi1>, vector<16xi32>
    %ne3A_2198 = arith.constant 5 : i32
    %ne3A_2199 = vector.broadcast %ne3A_2198 : i32 to vector<16xi32>
    %ne3A_2200 = arith.cmpi ne, %select_n3A_2148, %ne3A_2199 : vector<16xi32>
    %gt3A_2201 = arith.cmpf ogt, %get3A_2101, %select_n3A_2194 : vector<16xf32>
    %and3A_2202 = arith.andi %ne3A_2200, %gt3A_2201 : vector<16xi1>
    %select_n3A_2203 = arith.select %and3A_2202, %get3A_2101, %select_n3A_2194 : vector<16xi1>, vector<16xf32>
    %jit3A_2204 = arith.constant 5 : i32
    %broadcast_in_dim3A_2205 = vector.broadcast %jit3A_2204 : i32 to vector<16xi32>
    %select_n3A_2206 = arith.select %and3A_2202, %broadcast_in_dim3A_2205, %select_n3A_2197 : vector<16xi1>, vector<16xi32>
    %ne3A_2207 = arith.constant 6 : i32
    %ne3A_2208 = vector.broadcast %ne3A_2207 : i32 to vector<16xi32>
    %ne3A_2209 = arith.cmpi ne, %select_n3A_2148, %ne3A_2208 : vector<16xi32>
    %gt3A_2210 = arith.cmpf ogt, %get3A_2106, %select_n3A_2203 : vector<16xf32>
    %and3A_2211 = arith.andi %ne3A_2209, %gt3A_2210 : vector<16xi1>
    %select_n3A_2212 = arith.select %and3A_2211, %get3A_2106, %select_n3A_2203 : vector<16xi1>, vector<16xf32>
    %jit3A_2213 = arith.constant 6 : i32
    %broadcast_in_dim3A_2214 = vector.broadcast %jit3A_2213 : i32 to vector<16xi32>
    %select_n3A_2215 = arith.select %and3A_2211, %broadcast_in_dim3A_2214, %select_n3A_2206 : vector<16xi1>, vector<16xi32>
    %ne3A_2216 = arith.constant 7 : i32
    %ne3A_2217 = vector.broadcast %ne3A_2216 : i32 to vector<16xi32>
    %ne3A_2218 = arith.cmpi ne, %select_n3A_2148, %ne3A_2217 : vector<16xi32>
    %gt3A_2219 = arith.cmpf ogt, %get3A_2111, %select_n3A_2212 : vector<16xf32>
    %and3A_2220 = arith.andi %ne3A_2218, %gt3A_2219 : vector<16xi1>
    %select_n3A_2221 = arith.select %and3A_2220, %get3A_2111, %select_n3A_2212 : vector<16xi1>, vector<16xf32>
    %jit3A_2222 = arith.constant 7 : i32
    %broadcast_in_dim3A_2223 = vector.broadcast %jit3A_2222 : i32 to vector<16xi32>
    %select_n3A_2224 = arith.select %and3A_2220, %broadcast_in_dim3A_2223, %select_n3A_2215 : vector<16xi1>, vector<16xi32>
    %eq3A_2225 = arith.constant 0 : i32
    %eq3A_2226 = vector.broadcast %eq3A_2225 : i32 to vector<16xi32>
    %eq3A_2227 = arith.cmpi eq, %select_n3A_2148, %eq3A_2226 : vector<16xi32>
    %eq3A_2228 = arith.constant 0 : i32
    %eq3A_2229 = vector.broadcast %eq3A_2228 : i32 to vector<16xi32>
    %eq3A_2230 = arith.cmpi eq, %select_n3A_2224, %eq3A_2229 : vector<16xi32>
    %or3A_2231 = arith.ori %eq3A_2227, %eq3A_2230 : vector<16xi1>
    %ne3A_2232 = arith.constant 0.000000e+00 : f32
    %ne3A_2233 = vector.broadcast %ne3A_2232 : f32 to vector<16xf32>
    %ne3A_2234 = arith.cmpf one, %get3A_2076, %ne3A_2233 : vector<16xf32>
    %and3A_2235 = arith.andi %or3A_2231, %ne3A_2234 : vector<16xi1>
    %sub3A_2236 = arith.subf %get3A_2076, %select_n3A_2145 : vector<16xf32>
    %exp3A_2237 = math.exp %sub3A_2236 : vector<16xf32>
    %jit3A_2238 = arith.constant 0.000000e+00 : f32
    %broadcast_in_dim3A_2239 = vector.broadcast %jit3A_2238 : f32 to vector<16xf32>
    %select_n3A_2240 = arith.select %and3A_2235, %exp3A_2237, %broadcast_in_dim3A_2239 : vector<16xi1>, vector<16xf32>
    %eq3A_2241 = arith.constant 1 : i32
    %eq3A_2242 = vector.broadcast %eq3A_2241 : i32 to vector<16xi32>
    %eq3A_2243 = arith.cmpi eq, %select_n3A_2148, %eq3A_2242 : vector<16xi32>
    %eq3A_2244 = arith.constant 1 : i32
    %eq3A_2245 = vector.broadcast %eq3A_2244 : i32 to vector<16xi32>
    %eq3A_2246 = arith.cmpi eq, %select_n3A_2224, %eq3A_2245 : vector<16xi32>
    %or3A_2247 = arith.ori %eq3A_2243, %eq3A_2246 : vector<16xi1>
    %ne3A_2248 = arith.constant 0.000000e+00 : f32
    %ne3A_2249 = vector.broadcast %ne3A_2248 : f32 to vector<16xf32>
    %ne3A_2250 = arith.cmpf one, %get3A_2081, %ne3A_2249 : vector<16xf32>
    %and3A_2251 = arith.andi %or3A_2247, %ne3A_2250 : vector<16xi1>
    %sub3A_2252 = arith.subf %get3A_2081, %select_n3A_2145 : vector<16xf32>
    %exp3A_2253 = math.exp %sub3A_2252 : vector<16xf32>
    %jit3A_2254 = arith.constant 0.000000e+00 : f32
    %broadcast_in_dim3A_2255 = vector.broadcast %jit3A_2254 : f32 to vector<16xf32>
    %select_n3A_2256 = arith.select %and3A_2251, %exp3A_2253, %broadcast_in_dim3A_2255 : vector<16xi1>, vector<16xf32>
    %eq3A_2257 = arith.constant 2 : i32
    %eq3A_2258 = vector.broadcast %eq3A_2257 : i32 to vector<16xi32>
    %eq3A_2259 = arith.cmpi eq, %select_n3A_2148, %eq3A_2258 : vector<16xi32>
    %eq3A_2260 = arith.constant 2 : i32
    %eq3A_2261 = vector.broadcast %eq3A_2260 : i32 to vector<16xi32>
    %eq3A_2262 = arith.cmpi eq, %select_n3A_2224, %eq3A_2261 : vector<16xi32>
    %or3A_2263 = arith.ori %eq3A_2259, %eq3A_2262 : vector<16xi1>
    %ne3A_2264 = arith.constant 0.000000e+00 : f32
    %ne3A_2265 = vector.broadcast %ne3A_2264 : f32 to vector<16xf32>
    %ne3A_2266 = arith.cmpf one, %get3A_2086, %ne3A_2265 : vector<16xf32>
    %and3A_2267 = arith.andi %or3A_2263, %ne3A_2266 : vector<16xi1>
    %sub3A_2268 = arith.subf %get3A_2086, %select_n3A_2145 : vector<16xf32>
    %exp3A_2269 = math.exp %sub3A_2268 : vector<16xf32>
    %jit3A_2270 = arith.constant 0.000000e+00 : f32
    %broadcast_in_dim3A_2271 = vector.broadcast %jit3A_2270 : f32 to vector<16xf32>
    %select_n3A_2272 = arith.select %and3A_2267, %exp3A_2269, %broadcast_in_dim3A_2271 : vector<16xi1>, vector<16xf32>
    %eq3A_2273 = arith.constant 3 : i32
    %eq3A_2274 = vector.broadcast %eq3A_2273 : i32 to vector<16xi32>
    %eq3A_2275 = arith.cmpi eq, %select_n3A_2148, %eq3A_2274 : vector<16xi32>
    %eq3A_2276 = arith.constant 3 : i32
    %eq3A_2277 = vector.broadcast %eq3A_2276 : i32 to vector<16xi32>
    %eq3A_2278 = arith.cmpi eq, %select_n3A_2224, %eq3A_2277 : vector<16xi32>
    %or3A_2279 = arith.ori %eq3A_2275, %eq3A_2278 : vector<16xi1>
    %ne3A_2280 = arith.constant 0.000000e+00 : f32
    %ne3A_2281 = vector.broadcast %ne3A_2280 : f32 to vector<16xf32>
    %ne3A_2282 = arith.cmpf one, %get3A_2091, %ne3A_2281 : vector<16xf32>
    %and3A_2283 = arith.andi %or3A_2279, %ne3A_2282 : vector<16xi1>
    %sub3A_2284 = arith.subf %get3A_2091, %select_n3A_2145 : vector<16xf32>
    %exp3A_2285 = math.exp %sub3A_2284 : vector<16xf32>
    %jit3A_2286 = arith.constant 0.000000e+00 : f32
    %broadcast_in_dim3A_2287 = vector.broadcast %jit3A_2286 : f32 to vector<16xf32>
    %select_n3A_2288 = arith.select %and3A_2283, %exp3A_2285, %broadcast_in_dim3A_2287 : vector<16xi1>, vector<16xf32>
    %eq3A_2289 = arith.constant 4 : i32
    %eq3A_2290 = vector.broadcast %eq3A_2289 : i32 to vector<16xi32>
    %eq3A_2291 = arith.cmpi eq, %select_n3A_2148, %eq3A_2290 : vector<16xi32>
    %eq3A_2292 = arith.constant 4 : i32
    %eq3A_2293 = vector.broadcast %eq3A_2292 : i32 to vector<16xi32>
    %eq3A_2294 = arith.cmpi eq, %select_n3A_2224, %eq3A_2293 : vector<16xi32>
    %or3A_2295 = arith.ori %eq3A_2291, %eq3A_2294 : vector<16xi1>
    %ne3A_2296 = arith.constant 0.000000e+00 : f32
    %ne3A_2297 = vector.broadcast %ne3A_2296 : f32 to vector<16xf32>
    %ne3A_2298 = arith.cmpf one, %get3A_2096, %ne3A_2297 : vector<16xf32>
    %and3A_2299 = arith.andi %or3A_2295, %ne3A_2298 : vector<16xi1>
    %sub3A_2300 = arith.subf %get3A_2096, %select_n3A_2145 : vector<16xf32>
    %exp3A_2301 = math.exp %sub3A_2300 : vector<16xf32>
    %jit3A_2302 = arith.constant 0.000000e+00 : f32
    %broadcast_in_dim3A_2303 = vector.broadcast %jit3A_2302 : f32 to vector<16xf32>
    %select_n3A_2304 = arith.select %and3A_2299, %exp3A_2301, %broadcast_in_dim3A_2303 : vector<16xi1>, vector<16xf32>
    %eq3A_2305 = arith.constant 5 : i32
    %eq3A_2306 = vector.broadcast %eq3A_2305 : i32 to vector<16xi32>
    %eq3A_2307 = arith.cmpi eq, %select_n3A_2148, %eq3A_2306 : vector<16xi32>
    %eq3A_2308 = arith.constant 5 : i32
    %eq3A_2309 = vector.broadcast %eq3A_2308 : i32 to vector<16xi32>
    %eq3A_2310 = arith.cmpi eq, %select_n3A_2224, %eq3A_2309 : vector<16xi32>
    %or3A_2311 = arith.ori %eq3A_2307, %eq3A_2310 : vector<16xi1>
    %ne3A_2312 = arith.constant 0.000000e+00 : f32
    %ne3A_2313 = vector.broadcast %ne3A_2312 : f32 to vector<16xf32>
    %ne3A_2314 = arith.cmpf one, %get3A_2101, %ne3A_2313 : vector<16xf32>
    %and3A_2315 = arith.andi %or3A_2311, %ne3A_2314 : vector<16xi1>
    %sub3A_2316 = arith.subf %get3A_2101, %select_n3A_2145 : vector<16xf32>
    %exp3A_2317 = math.exp %sub3A_2316 : vector<16xf32>
    %jit3A_2318 = arith.constant 0.000000e+00 : f32
    %broadcast_in_dim3A_2319 = vector.broadcast %jit3A_2318 : f32 to vector<16xf32>
    %select_n3A_2320 = arith.select %and3A_2315, %exp3A_2317, %broadcast_in_dim3A_2319 : vector<16xi1>, vector<16xf32>
    %eq3A_2321 = arith.constant 6 : i32
    %eq3A_2322 = vector.broadcast %eq3A_2321 : i32 to vector<16xi32>
    %eq3A_2323 = arith.cmpi eq, %select_n3A_2148, %eq3A_2322 : vector<16xi32>
    %eq3A_2324 = arith.constant 6 : i32
    %eq3A_2325 = vector.broadcast %eq3A_2324 : i32 to vector<16xi32>
    %eq3A_2326 = arith.cmpi eq, %select_n3A_2224, %eq3A_2325 : vector<16xi32>
    %or3A_2327 = arith.ori %eq3A_2323, %eq3A_2326 : vector<16xi1>
    %ne3A_2328 = arith.constant 0.000000e+00 : f32
    %ne3A_2329 = vector.broadcast %ne3A_2328 : f32 to vector<16xf32>
    %ne3A_2330 = arith.cmpf one, %get3A_2106, %ne3A_2329 : vector<16xf32>
    %and3A_2331 = arith.andi %or3A_2327, %ne3A_2330 : vector<16xi1>
    %sub3A_2332 = arith.subf %get3A_2106, %select_n3A_2145 : vector<16xf32>
    %exp3A_2333 = math.exp %sub3A_2332 : vector<16xf32>
    %jit3A_2334 = arith.constant 0.000000e+00 : f32
    %broadcast_in_dim3A_2335 = vector.broadcast %jit3A_2334 : f32 to vector<16xf32>
    %select_n3A_2336 = arith.select %and3A_2331, %exp3A_2333, %broadcast_in_dim3A_2335 : vector<16xi1>, vector<16xf32>
    %eq3A_2337 = arith.constant 7 : i32
    %eq3A_2338 = vector.broadcast %eq3A_2337 : i32 to vector<16xi32>
    %eq3A_2339 = arith.cmpi eq, %select_n3A_2148, %eq3A_2338 : vector<16xi32>
    %eq3A_2340 = arith.constant 7 : i32
    %eq3A_2341 = vector.broadcast %eq3A_2340 : i32 to vector<16xi32>
    %eq3A_2342 = arith.cmpi eq, %select_n3A_2224, %eq3A_2341 : vector<16xi32>
    %or3A_2343 = arith.ori %eq3A_2339, %eq3A_2342 : vector<16xi1>
    %ne3A_2344 = arith.constant 0.000000e+00 : f32
    %ne3A_2345 = vector.broadcast %ne3A_2344 : f32 to vector<16xf32>
    %ne3A_2346 = arith.cmpf one, %get3A_2111, %ne3A_2345 : vector<16xf32>
    %and3A_2347 = arith.andi %or3A_2343, %ne3A_2346 : vector<16xi1>
    %sub3A_2348 = arith.subf %get3A_2111, %select_n3A_2145 : vector<16xf32>
    %exp3A_2349 = math.exp %sub3A_2348 : vector<16xf32>
    %jit3A_2350 = arith.constant 0.000000e+00 : f32
    %broadcast_in_dim3A_2351 = vector.broadcast %jit3A_2350 : f32 to vector<16xf32>
    %select_n3A_2352 = arith.select %and3A_2347, %exp3A_2349, %broadcast_in_dim3A_2351 : vector<16xi1>, vector<16xf32>
    %add3A_2353 = arith.addf %select_n3A_2240, %select_n3A_2256 : vector<16xf32>
    %add3A_2354 = arith.addf %add3A_2353, %select_n3A_2272 : vector<16xf32>
    %add3A_2355 = arith.addf %add3A_2354, %select_n3A_2288 : vector<16xf32>
    %add3A_2356 = arith.addf %add3A_2355, %select_n3A_2304 : vector<16xf32>
    %add3A_2357 = arith.addf %add3A_2356, %select_n3A_2320 : vector<16xf32>
    %add3A_2358 = arith.addf %add3A_2357, %select_n3A_2336 : vector<16xf32>
    %add3A_2359 = arith.addf %add3A_2358, %select_n3A_2352 : vector<16xf32>
    %div3A_2360 = arith.constant 1.000000e+00 : f32
    %div3A_2361 = vector.broadcast %div3A_2360 : f32 to vector<16xf32>
    %div3A_2362 = arith.divf %div3A_2361, %add3A_2359 : vector<16xf32>
    %mul3A_2363 = arith.mulf %select_n3A_2240, %div3A_2362 : vector<16xf32>
    %swap3A_2364 = arith.constant 0 : i32
    %swap3A_2365 = arith.index_cast %swap3A_2364 : i32 to index
    %swap3A_2366 = arith.constant 96 : index
    %swap3A_2367 = tpu.vector_load %arg5[%swap3A_2365, %swap3A_2366] {strides = array<i32>} : memref<8x128xf32, #tpu.memory_space<vmem>>, vector<1x16xf32>,
    %swap3A_2368 = vector.shape_cast %swap3A_2367 : vector<1x16xf32> to vector<16xf32>
    %swap3A_2369 = vector.shape_cast %mul3A_2363 : vector<16xf32> to vector<1x16xf32>
    tpu.vector_store %arg5[%swap3A_2365, %swap3A_2366], %swap3A_2369 {strides = array<i32>} : memref<8x128xf32, #tpu.memory_space<vmem>>, vector<1x16xf32>,
    %mul3A_2370 = arith.mulf %select_n3A_2256, %div3A_2362 : vector<16xf32>
    %swap3A_2371 = arith.constant 1 : i32
    %swap3A_2372 = arith.index_cast %swap3A_2371 : i32 to index
    %swap3A_2373 = arith.constant 96 : index
    %swap3A_2374 = tpu.vector_load %arg5[%swap3A_2372, %swap3A_2373] {strides = array<i32>} : memref<8x128xf32, #tpu.memory_space<vmem>>, vector<1x16xf32>,
    %swap3A_2375 = vector.shape_cast %swap3A_2374 : vector<1x16xf32> to vector<16xf32>
    %swap3A_2376 = vector.shape_cast %mul3A_2370 : vector<16xf32> to vector<1x16xf32>
    tpu.vector_store %arg5[%swap3A_2372, %swap3A_2373], %swap3A_2376 {strides = array<i32>} : memref<8x128xf32, #tpu.memory_space<vmem>>, vector<1x16xf32>,
    %mul3A_2377 = arith.mulf %select_n3A_2272, %div3A_2362 : vector<16xf32>
    %swap3A_2378 = arith.constant 2 : i32
    %swap3A_2379 = arith.index_cast %swap3A_2378 : i32 to index
    %swap3A_2380 = arith.constant 96 : index
    %swap3A_2381 = tpu.vector_load %arg5[%swap3A_2379, %swap3A_2380] {strides = array<i32>} : memref<8x128xf32, #tpu.memory_space<vmem>>, vector<1x16xf32>,
    %swap3A_2382 = vector.shape_cast %swap3A_2381 : vector<1x16xf32> to vector<16xf32>
    %swap3A_2383 = vector.shape_cast %mul3A_2377 : vector<16xf32> to vector<1x16xf32>
    tpu.vector_store %arg5[%swap3A_2379, %swap3A_2380], %swap3A_2383 {strides = array<i32>} : memref<8x128xf32, #tpu.memory_space<vmem>>, vector<1x16xf32>,
    %mul3A_2384 = arith.mulf %select_n3A_2288, %div3A_2362 : vector<16xf32>
    %swap3A_2385 = arith.constant 3 : i32
    %swap3A_2386 = arith.index_cast %swap3A_2385 : i32 to index
    %swap3A_2387 = arith.constant 96 : index
    %swap3A_2388 = tpu.vector_load %arg5[%swap3A_2386, %swap3A_2387] {strides = array<i32>} : memref<8x128xf32, #tpu.memory_space<vmem>>, vector<1x16xf32>,
    %swap3A_2389 = vector.shape_cast %swap3A_2388 : vector<1x16xf32> to vector<16xf32>
    %swap3A_2390 = vector.shape_cast %mul3A_2384 : vector<16xf32> to vector<1x16xf32>
    tpu.vector_store %arg5[%swap3A_2386, %swap3A_2387], %swap3A_2390 {strides = array<i32>} : memref<8x128xf32, #tpu.memory_space<vmem>>, vector<1x16xf32>,
    %mul3A_2391 = arith.mulf %select_n3A_2304, %div3A_2362 : vector<16xf32>
    %swap3A_2392 = arith.constant 4 : i32
    %swap3A_2393 = arith.index_cast %swap3A_2392 : i32 to index
    %swap3A_2394 = arith.constant 96 : index
    %swap3A_2395 = tpu.vector_load %arg5[%swap3A_2393, %swap3A_2394] {strides = array<i32>} : memref<8x128xf32, #tpu.memory_space<vmem>>, vector<1x16xf32>,
    %swap3A_2396 = vector.shape_cast %swap3A_2395 : vector<1x16xf32> to vector<16xf32>
    %swap3A_2397 = vector.shape_cast %mul3A_2391 : vector<16xf32> to vector<1x16xf32>
    tpu.vector_store %arg5[%swap3A_2393, %swap3A_2394], %swap3A_2397 {strides = array<i32>} : memref<8x128xf32, #tpu.memory_space<vmem>>, vector<1x16xf32>,
    %mul3A_2398 = arith.mulf %select_n3A_2320, %div3A_2362 : vector<16xf32>
    %swap3A_2399 = arith.constant 5 : i32
    %swap3A_2400 = arith.index_cast %swap3A_2399 : i32 to index
    %swap3A_2401 = arith.constant 96 : index
    %swap3A_2402 = tpu.vector_load %arg5[%swap3A_2400, %swap3A_2401] {strides = array<i32>} : memref<8x128xf32, #tpu.memory_space<vmem>>, vector<1x16xf32>,
    %swap3A_2403 = vector.shape_cast %swap3A_2402 : vector<1x16xf32> to vector<16xf32>
    %swap3A_2404 = vector.shape_cast %mul3A_2398 : vector<16xf32> to vector<1x16xf32>
    tpu.vector_store %arg5[%swap3A_2400, %swap3A_2401], %swap3A_2404 {strides = array<i32>} : memref<8x128xf32, #tpu.memory_space<vmem>>, vector<1x16xf32>,
    %mul3A_2405 = arith.mulf %select_n3A_2336, %div3A_2362 : vector<16xf32>
    %swap3A_2406 = arith.constant 6 : i32
    %swap3A_2407 = arith.index_cast %swap3A_2406 : i32 to index
    %swap3A_2408 = arith.constant 96 : index
    %swap3A_2409 = tpu.vector_load %arg5[%swap3A_2407, %swap3A_2408] {strides = array<i32>} : memref<8x128xf32, #tpu.memory_space<vmem>>, vector<1x16xf32>,
    %swap3A_2410 = vector.shape_cast %swap3A_2409 : vector<1x16xf32> to vector<16xf32>
    %swap3A_2411 = vector.shape_cast %mul3A_2405 : vector<16xf32> to vector<1x16xf32>
    tpu.vector_store %arg5[%swap3A_2407, %swap3A_2408], %swap3A_2411 {strides = array<i32>} : memref<8x128xf32, #tpu.memory_space<vmem>>, vector<1x16xf32>,
    %mul3A_2412 = arith.mulf %select_n3A_2352, %div3A_2362 : vector<16xf32>
    %swap3A_2413 = arith.constant 7 : i32
    %swap3A_2414 = arith.index_cast %swap3A_2413 : i32 to index
    %swap3A_2415 = arith.constant 96 : index
    %swap3A_2416 = tpu.vector_load %arg5[%swap3A_2414, %swap3A_2415] {strides = array<i32>} : memref<8x128xf32, #tpu.memory_space<vmem>>, vector<1x16xf32>,
    %swap3A_2417 = vector.shape_cast %swap3A_2416 : vector<1x16xf32> to vector<16xf32>
    %swap3A_2418 = vector.shape_cast %mul3A_2412 : vector<16xf32> to vector<1x16xf32>
    tpu.vector_store %arg5[%swap3A_2414, %swap3A_2415], %swap3A_2418 {strides = array<i32>} : memref<8x128xf32, #tpu.memory_space<vmem>>, vector<1x16xf32>,
    %get3A_2419 = arith.constant 0 : i32
    %get3A_2420 = arith.index_cast %get3A_2419 : i32 to index
    %get3A_2421 = arith.constant 112 : index
    %get3A_2422 = tpu.vector_load %arg4[%get3A_2420, %get3A_2421] {strides = array<i32>} : memref<8x128xf32, #tpu.memory_space<vmem>>, vector<1x16xf32>,
    %get3A_2423 = vector.shape_cast %get3A_2422 : vector<1x16xf32> to vector<16xf32>
    %get3A_2424 = arith.constant 1 : i32
    %get3A_2425 = arith.index_cast %get3A_2424 : i32 to index
    %get3A_2426 = arith.constant 112 : index
    %get3A_2427 = tpu.vector_load %arg4[%get3A_2425, %get3A_2426] {strides = array<i32>} : memref<8x128xf32, #tpu.memory_space<vmem>>, vector<1x16xf32>,
    %get3A_2428 = vector.shape_cast %get3A_2427 : vector<1x16xf32> to vector<16xf32>
    %get3A_2429 = arith.constant 2 : i32
    %get3A_2430 = arith.index_cast %get3A_2429 : i32 to index
    %get3A_2431 = arith.constant 112 : index
    %get3A_2432 = tpu.vector_load %arg4[%get3A_2430, %get3A_2431] {strides = array<i32>} : memref<8x128xf32, #tpu.memory_space<vmem>>, vector<1x16xf32>,
    %get3A_2433 = vector.shape_cast %get3A_2432 : vector<1x16xf32> to vector<16xf32>
    %get3A_2434 = arith.constant 3 : i32
    %get3A_2435 = arith.index_cast %get3A_2434 : i32 to index
    %get3A_2436 = arith.constant 112 : index
    %get3A_2437 = tpu.vector_load %arg4[%get3A_2435, %get3A_2436] {strides = array<i32>} : memref<8x128xf32, #tpu.memory_space<vmem>>, vector<1x16xf32>,
    %get3A_2438 = vector.shape_cast %get3A_2437 : vector<1x16xf32> to vector<16xf32>
    %get3A_2439 = arith.constant 4 : i32
    %get3A_2440 = arith.index_cast %get3A_2439 : i32 to index
    %get3A_2441 = arith.constant 112 : index
    %get3A_2442 = tpu.vector_load %arg4[%get3A_2440, %get3A_2441] {strides = array<i32>} : memref<8x128xf32, #tpu.memory_space<vmem>>, vector<1x16xf32>,
    %get3A_2443 = vector.shape_cast %get3A_2442 : vector<1x16xf32> to vector<16xf32>
    %get3A_2444 = arith.constant 5 : i32
    %get3A_2445 = arith.index_cast %get3A_2444 : i32 to index
    %get3A_2446 = arith.constant 112 : index
    %get3A_2447 = tpu.vector_load %arg4[%get3A_2445, %get3A_2446] {strides = array<i32>} : memref<8x128xf32, #tpu.memory_space<vmem>>, vector<1x16xf32>,
    %get3A_2448 = vector.shape_cast %get3A_2447 : vector<1x16xf32> to vector<16xf32>
    %get3A_2449 = arith.constant 6 : i32
    %get3A_2450 = arith.index_cast %get3A_2449 : i32 to index
    %get3A_2451 = arith.constant 112 : index
    %get3A_2452 = tpu.vector_load %arg4[%get3A_2450, %get3A_2451] {strides = array<i32>} : memref<8x128xf32, #tpu.memory_space<vmem>>, vector<1x16xf32>,
    %get3A_2453 = vector.shape_cast %get3A_2452 : vector<1x16xf32> to vector<16xf32>
    %get3A_2454 = arith.constant 7 : i32
    %get3A_2455 = arith.index_cast %get3A_2454 : i32 to index
    %get3A_2456 = arith.constant 112 : index
    %get3A_2457 = tpu.vector_load %arg4[%get3A_2455, %get3A_2456] {strides = array<i32>} : memref<8x128xf32, #tpu.memory_space<vmem>>, vector<1x16xf32>,
    %get3A_2458 = vector.shape_cast %get3A_2457 : vector<1x16xf32> to vector<16xf32>
    %broadcast_in_dim3A_2459 = arith.constant 0 : i32
    %broadcast_in_dim3A_2460 = vector.broadcast %broadcast_in_dim3A_2459 : i32 to vector<16xi32>
    %gt3A_2461 = arith.cmpf ogt, %get3A_2428, %get3A_2423 : vector<16xf32>
    %select_n3A_2462 = arith.select %gt3A_2461, %get3A_2428, %get3A_2423 : vector<16xi1>, vector<16xf32>
    %jit3A_2463 = arith.constant 1 : i32
    %broadcast_in_dim3A_2464 = vector.broadcast %jit3A_2463 : i32 to vector<16xi32>
    %select_n3A_2465 = arith.select %gt3A_2461, %broadcast_in_dim3A_2464, %broadcast_in_dim3A_2460 : vector<16xi1>, vector<16xi32>
    %gt3A_2466 = arith.cmpf ogt, %get3A_2433, %select_n3A_2462 : vector<16xf32>
    %select_n3A_2467 = arith.select %gt3A_2466, %get3A_2433, %select_n3A_2462 : vector<16xi1>, vector<16xf32>
    %jit3A_2468 = arith.constant 2 : i32
    %broadcast_in_dim3A_2469 = vector.broadcast %jit3A_2468 : i32 to vector<16xi32>
    %select_n3A_2470 = arith.select %gt3A_2466, %broadcast_in_dim3A_2469, %select_n3A_2465 : vector<16xi1>, vector<16xi32>
    %gt3A_2471 = arith.cmpf ogt, %get3A_2438, %select_n3A_2467 : vector<16xf32>
    %select_n3A_2472 = arith.select %gt3A_2471, %get3A_2438, %select_n3A_2467 : vector<16xi1>, vector<16xf32>
    %jit3A_2473 = arith.constant 3 : i32
    %broadcast_in_dim3A_2474 = vector.broadcast %jit3A_2473 : i32 to vector<16xi32>
    %select_n3A_2475 = arith.select %gt3A_2471, %broadcast_in_dim3A_2474, %select_n3A_2470 : vector<16xi1>, vector<16xi32>
    %gt3A_2476 = arith.cmpf ogt, %get3A_2443, %select_n3A_2472 : vector<16xf32>
    %select_n3A_2477 = arith.select %gt3A_2476, %get3A_2443, %select_n3A_2472 : vector<16xi1>, vector<16xf32>
    %jit3A_2478 = arith.constant 4 : i32
    %broadcast_in_dim3A_2479 = vector.broadcast %jit3A_2478 : i32 to vector<16xi32>
    %select_n3A_2480 = arith.select %gt3A_2476, %broadcast_in_dim3A_2479, %select_n3A_2475 : vector<16xi1>, vector<16xi32>
    %gt3A_2481 = arith.cmpf ogt, %get3A_2448, %select_n3A_2477 : vector<16xf32>
    %select_n3A_2482 = arith.select %gt3A_2481, %get3A_2448, %select_n3A_2477 : vector<16xi1>, vector<16xf32>
    %jit3A_2483 = arith.constant 5 : i32
    %broadcast_in_dim3A_2484 = vector.broadcast %jit3A_2483 : i32 to vector<16xi32>
    %select_n3A_2485 = arith.select %gt3A_2481, %broadcast_in_dim3A_2484, %select_n3A_2480 : vector<16xi1>, vector<16xi32>
    %gt3A_2486 = arith.cmpf ogt, %get3A_2453, %select_n3A_2482 : vector<16xf32>
    %select_n3A_2487 = arith.select %gt3A_2486, %get3A_2453, %select_n3A_2482 : vector<16xi1>, vector<16xf32>
    %jit3A_2488 = arith.constant 6 : i32
    %broadcast_in_dim3A_2489 = vector.broadcast %jit3A_2488 : i32 to vector<16xi32>
    %select_n3A_2490 = arith.select %gt3A_2486, %broadcast_in_dim3A_2489, %select_n3A_2485 : vector<16xi1>, vector<16xi32>
    %gt3A_2491 = arith.cmpf ogt, %get3A_2458, %select_n3A_2487 : vector<16xf32>
    %select_n3A_2492 = arith.select %gt3A_2491, %get3A_2458, %select_n3A_2487 : vector<16xi1>, vector<16xf32>
    %jit3A_2493 = arith.constant 7 : i32
    %broadcast_in_dim3A_2494 = vector.broadcast %jit3A_2493 : i32 to vector<16xi32>
    %select_n3A_2495 = arith.select %gt3A_2491, %broadcast_in_dim3A_2494, %select_n3A_2490 : vector<16xi1>, vector<16xi32>
    %broadcast_in_dim3A_2496 = arith.constant 0xFF800000 : f32
    %broadcast_in_dim3A_2497 = vector.broadcast %broadcast_in_dim3A_2496 : f32 to vector<16xf32>
    %broadcast_in_dim3A_2498 = arith.constant 0 : i32
    %broadcast_in_dim3A_2499 = vector.broadcast %broadcast_in_dim3A_2498 : i32 to vector<16xi32>
    %ne3A_2500 = arith.constant 0 : i32
    %ne3A_2501 = vector.broadcast %ne3A_2500 : i32 to vector<16xi32>
    %ne3A_2502 = arith.cmpi ne, %select_n3A_2495, %ne3A_2501 : vector<16xi32>
    %gt3A_2503 = arith.cmpf ogt, %get3A_2423, %broadcast_in_dim3A_2497 : vector<16xf32>
    %and3A_2504 = arith.andi %ne3A_2502, %gt3A_2503 : vector<16xi1>
    %select_n3A_2505 = arith.select %and3A_2504, %get3A_2423, %broadcast_in_dim3A_2497 : vector<16xi1>, vector<16xf32>
    %jit3A_2506 = arith.constant 0 : i32
    %broadcast_in_dim3A_2507 = vector.broadcast %jit3A_2506 : i32 to vector<16xi32>
    %select_n3A_2508 = arith.select %and3A_2504, %broadcast_in_dim3A_2507, %broadcast_in_dim3A_2499 : vector<16xi1>, vector<16xi32>
    %ne3A_2509 = arith.constant 1 : i32
    %ne3A_2510 = vector.broadcast %ne3A_2509 : i32 to vector<16xi32>
    %ne3A_2511 = arith.cmpi ne, %select_n3A_2495, %ne3A_2510 : vector<16xi32>
    %gt3A_2512 = arith.cmpf ogt, %get3A_2428, %select_n3A_2505 : vector<16xf32>
    %and3A_2513 = arith.andi %ne3A_2511, %gt3A_2512 : vector<16xi1>
    %select_n3A_2514 = arith.select %and3A_2513, %get3A_2428, %select_n3A_2505 : vector<16xi1>, vector<16xf32>
    %jit3A_2515 = arith.constant 1 : i32
    %broadcast_in_dim3A_2516 = vector.broadcast %jit3A_2515 : i32 to vector<16xi32>
    %select_n3A_2517 = arith.select %and3A_2513, %broadcast_in_dim3A_2516, %select_n3A_2508 : vector<16xi1>, vector<16xi32>
    %ne3A_2518 = arith.constant 2 : i32
    %ne3A_2519 = vector.broadcast %ne3A_2518 : i32 to vector<16xi32>
    %ne3A_2520 = arith.cmpi ne, %select_n3A_2495, %ne3A_2519 : vector<16xi32>
    %gt3A_2521 = arith.cmpf ogt, %get3A_2433, %select_n3A_2514 : vector<16xf32>
    %and3A_2522 = arith.andi %ne3A_2520, %gt3A_2521 : vector<16xi1>
    %select_n3A_2523 = arith.select %and3A_2522, %get3A_2433, %select_n3A_2514 : vector<16xi1>, vector<16xf32>
    %jit3A_2524 = arith.constant 2 : i32
    %broadcast_in_dim3A_2525 = vector.broadcast %jit3A_2524 : i32 to vector<16xi32>
    %select_n3A_2526 = arith.select %and3A_2522, %broadcast_in_dim3A_2525, %select_n3A_2517 : vector<16xi1>, vector<16xi32>
    %ne3A_2527 = arith.constant 3 : i32
    %ne3A_2528 = vector.broadcast %ne3A_2527 : i32 to vector<16xi32>
    %ne3A_2529 = arith.cmpi ne, %select_n3A_2495, %ne3A_2528 : vector<16xi32>
    %gt3A_2530 = arith.cmpf ogt, %get3A_2438, %select_n3A_2523 : vector<16xf32>
    %and3A_2531 = arith.andi %ne3A_2529, %gt3A_2530 : vector<16xi1>
    %select_n3A_2532 = arith.select %and3A_2531, %get3A_2438, %select_n3A_2523 : vector<16xi1>, vector<16xf32>
    %jit3A_2533 = arith.constant 3 : i32
    %broadcast_in_dim3A_2534 = vector.broadcast %jit3A_2533 : i32 to vector<16xi32>
    %select_n3A_2535 = arith.select %and3A_2531, %broadcast_in_dim3A_2534, %select_n3A_2526 : vector<16xi1>, vector<16xi32>
    %ne3A_2536 = arith.constant 4 : i32
    %ne3A_2537 = vector.broadcast %ne3A_2536 : i32 to vector<16xi32>
    %ne3A_2538 = arith.cmpi ne, %select_n3A_2495, %ne3A_2537 : vector<16xi32>
    %gt3A_2539 = arith.cmpf ogt, %get3A_2443, %select_n3A_2532 : vector<16xf32>
    %and3A_2540 = arith.andi %ne3A_2538, %gt3A_2539 : vector<16xi1>
    %select_n3A_2541 = arith.select %and3A_2540, %get3A_2443, %select_n3A_2532 : vector<16xi1>, vector<16xf32>
    %jit3A_2542 = arith.constant 4 : i32
    %broadcast_in_dim3A_2543 = vector.broadcast %jit3A_2542 : i32 to vector<16xi32>
    %select_n3A_2544 = arith.select %and3A_2540, %broadcast_in_dim3A_2543, %select_n3A_2535 : vector<16xi1>, vector<16xi32>
    %ne3A_2545 = arith.constant 5 : i32
    %ne3A_2546 = vector.broadcast %ne3A_2545 : i32 to vector<16xi32>
    %ne3A_2547 = arith.cmpi ne, %select_n3A_2495, %ne3A_2546 : vector<16xi32>
    %gt3A_2548 = arith.cmpf ogt, %get3A_2448, %select_n3A_2541 : vector<16xf32>
    %and3A_2549 = arith.andi %ne3A_2547, %gt3A_2548 : vector<16xi1>
    %select_n3A_2550 = arith.select %and3A_2549, %get3A_2448, %select_n3A_2541 : vector<16xi1>, vector<16xf32>
    %jit3A_2551 = arith.constant 5 : i32
    %broadcast_in_dim3A_2552 = vector.broadcast %jit3A_2551 : i32 to vector<16xi32>
    %select_n3A_2553 = arith.select %and3A_2549, %broadcast_in_dim3A_2552, %select_n3A_2544 : vector<16xi1>, vector<16xi32>
    %ne3A_2554 = arith.constant 6 : i32
    %ne3A_2555 = vector.broadcast %ne3A_2554 : i32 to vector<16xi32>
    %ne3A_2556 = arith.cmpi ne, %select_n3A_2495, %ne3A_2555 : vector<16xi32>
    %gt3A_2557 = arith.cmpf ogt, %get3A_2453, %select_n3A_2550 : vector<16xf32>
    %and3A_2558 = arith.andi %ne3A_2556, %gt3A_2557 : vector<16xi1>
    %select_n3A_2559 = arith.select %and3A_2558, %get3A_2453, %select_n3A_2550 : vector<16xi1>, vector<16xf32>
    %jit3A_2560 = arith.constant 6 : i32
    %broadcast_in_dim3A_2561 = vector.broadcast %jit3A_2560 : i32 to vector<16xi32>
    %select_n3A_2562 = arith.select %and3A_2558, %broadcast_in_dim3A_2561, %select_n3A_2553 : vector<16xi1>, vector<16xi32>
    %ne3A_2563 = arith.constant 7 : i32
    %ne3A_2564 = vector.broadcast %ne3A_2563 : i32 to vector<16xi32>
    %ne3A_2565 = arith.cmpi ne, %select_n3A_2495, %ne3A_2564 : vector<16xi32>
    %gt3A_2566 = arith.cmpf ogt, %get3A_2458, %select_n3A_2559 : vector<16xf32>
    %and3A_2567 = arith.andi %ne3A_2565, %gt3A_2566 : vector<16xi1>
    %select_n3A_2568 = arith.select %and3A_2567, %get3A_2458, %select_n3A_2559 : vector<16xi1>, vector<16xf32>
    %jit3A_2569 = arith.constant 7 : i32
    %broadcast_in_dim3A_2570 = vector.broadcast %jit3A_2569 : i32 to vector<16xi32>
    %select_n3A_2571 = arith.select %and3A_2567, %broadcast_in_dim3A_2570, %select_n3A_2562 : vector<16xi1>, vector<16xi32>
    %eq3A_2572 = arith.constant 0 : i32
    %eq3A_2573 = vector.broadcast %eq3A_2572 : i32 to vector<16xi32>
    %eq3A_2574 = arith.cmpi eq, %select_n3A_2495, %eq3A_2573 : vector<16xi32>
    %eq3A_2575 = arith.constant 0 : i32
    %eq3A_2576 = vector.broadcast %eq3A_2575 : i32 to vector<16xi32>
    %eq3A_2577 = arith.cmpi eq, %select_n3A_2571, %eq3A_2576 : vector<16xi32>
    %or3A_2578 = arith.ori %eq3A_2574, %eq3A_2577 : vector<16xi1>
    %ne3A_2579 = arith.constant 0.000000e+00 : f32
    %ne3A_2580 = vector.broadcast %ne3A_2579 : f32 to vector<16xf32>
    %ne3A_2581 = arith.cmpf one, %get3A_2423, %ne3A_2580 : vector<16xf32>
    %and3A_2582 = arith.andi %or3A_2578, %ne3A_2581 : vector<16xi1>
    %sub3A_2583 = arith.subf %get3A_2423, %select_n3A_2492 : vector<16xf32>
    %exp3A_2584 = math.exp %sub3A_2583 : vector<16xf32>
    %jit3A_2585 = arith.constant 0.000000e+00 : f32
    %broadcast_in_dim3A_2586 = vector.broadcast %jit3A_2585 : f32 to vector<16xf32>
    %select_n3A_2587 = arith.select %and3A_2582, %exp3A_2584, %broadcast_in_dim3A_2586 : vector<16xi1>, vector<16xf32>
    %eq3A_2588 = arith.constant 1 : i32
    %eq3A_2589 = vector.broadcast %eq3A_2588 : i32 to vector<16xi32>
    %eq3A_2590 = arith.cmpi eq, %select_n3A_2495, %eq3A_2589 : vector<16xi32>
    %eq3A_2591 = arith.constant 1 : i32
    %eq3A_2592 = vector.broadcast %eq3A_2591 : i32 to vector<16xi32>
    %eq3A_2593 = arith.cmpi eq, %select_n3A_2571, %eq3A_2592 : vector<16xi32>
    %or3A_2594 = arith.ori %eq3A_2590, %eq3A_2593 : vector<16xi1>
    %ne3A_2595 = arith.constant 0.000000e+00 : f32
    %ne3A_2596 = vector.broadcast %ne3A_2595 : f32 to vector<16xf32>
    %ne3A_2597 = arith.cmpf one, %get3A_2428, %ne3A_2596 : vector<16xf32>
    %and3A_2598 = arith.andi %or3A_2594, %ne3A_2597 : vector<16xi1>
    %sub3A_2599 = arith.subf %get3A_2428, %select_n3A_2492 : vector<16xf32>
    %exp3A_2600 = math.exp %sub3A_2599 : vector<16xf32>
    %jit3A_2601 = arith.constant 0.000000e+00 : f32
    %broadcast_in_dim3A_2602 = vector.broadcast %jit3A_2601 : f32 to vector<16xf32>
    %select_n3A_2603 = arith.select %and3A_2598, %exp3A_2600, %broadcast_in_dim3A_2602 : vector<16xi1>, vector<16xf32>
    %eq3A_2604 = arith.constant 2 : i32
    %eq3A_2605 = vector.broadcast %eq3A_2604 : i32 to vector<16xi32>
    %eq3A_2606 = arith.cmpi eq, %select_n3A_2495, %eq3A_2605 : vector<16xi32>
    %eq3A_2607 = arith.constant 2 : i32
    %eq3A_2608 = vector.broadcast %eq3A_2607 : i32 to vector<16xi32>
    %eq3A_2609 = arith.cmpi eq, %select_n3A_2571, %eq3A_2608 : vector<16xi32>
    %or3A_2610 = arith.ori %eq3A_2606, %eq3A_2609 : vector<16xi1>
    %ne3A_2611 = arith.constant 0.000000e+00 : f32
    %ne3A_2612 = vector.broadcast %ne3A_2611 : f32 to vector<16xf32>
    %ne3A_2613 = arith.cmpf one, %get3A_2433, %ne3A_2612 : vector<16xf32>
    %and3A_2614 = arith.andi %or3A_2610, %ne3A_2613 : vector<16xi1>
    %sub3A_2615 = arith.subf %get3A_2433, %select_n3A_2492 : vector<16xf32>
    %exp3A_2616 = math.exp %sub3A_2615 : vector<16xf32>
    %jit3A_2617 = arith.constant 0.000000e+00 : f32
    %broadcast_in_dim3A_2618 = vector.broadcast %jit3A_2617 : f32 to vector<16xf32>
    %select_n3A_2619 = arith.select %and3A_2614, %exp3A_2616, %broadcast_in_dim3A_2618 : vector<16xi1>, vector<16xf32>
    %eq3A_2620 = arith.constant 3 : i32
    %eq3A_2621 = vector.broadcast %eq3A_2620 : i32 to vector<16xi32>
    %eq3A_2622 = arith.cmpi eq, %select_n3A_2495, %eq3A_2621 : vector<16xi32>
    %eq3A_2623 = arith.constant 3 : i32
    %eq3A_2624 = vector.broadcast %eq3A_2623 : i32 to vector<16xi32>
    %eq3A_2625 = arith.cmpi eq, %select_n3A_2571, %eq3A_2624 : vector<16xi32>
    %or3A_2626 = arith.ori %eq3A_2622, %eq3A_2625 : vector<16xi1>
    %ne3A_2627 = arith.constant 0.000000e+00 : f32
    %ne3A_2628 = vector.broadcast %ne3A_2627 : f32 to vector<16xf32>
    %ne3A_2629 = arith.cmpf one, %get3A_2438, %ne3A_2628 : vector<16xf32>
    %and3A_2630 = arith.andi %or3A_2626, %ne3A_2629 : vector<16xi1>
    %sub3A_2631 = arith.subf %get3A_2438, %select_n3A_2492 : vector<16xf32>
    %exp3A_2632 = math.exp %sub3A_2631 : vector<16xf32>
    %jit3A_2633 = arith.constant 0.000000e+00 : f32
    %broadcast_in_dim3A_2634 = vector.broadcast %jit3A_2633 : f32 to vector<16xf32>
    %select_n3A_2635 = arith.select %and3A_2630, %exp3A_2632, %broadcast_in_dim3A_2634 : vector<16xi1>, vector<16xf32>
    %eq3A_2636 = arith.constant 4 : i32
    %eq3A_2637 = vector.broadcast %eq3A_2636 : i32 to vector<16xi32>
    %eq3A_2638 = arith.cmpi eq, %select_n3A_2495, %eq3A_2637 : vector<16xi32>
    %eq3A_2639 = arith.constant 4 : i32
    %eq3A_2640 = vector.broadcast %eq3A_2639 : i32 to vector<16xi32>
    %eq3A_2641 = arith.cmpi eq, %select_n3A_2571, %eq3A_2640 : vector<16xi32>
    %or3A_2642 = arith.ori %eq3A_2638, %eq3A_2641 : vector<16xi1>
    %ne3A_2643 = arith.constant 0.000000e+00 : f32
    %ne3A_2644 = vector.broadcast %ne3A_2643 : f32 to vector<16xf32>
    %ne3A_2645 = arith.cmpf one, %get3A_2443, %ne3A_2644 : vector<16xf32>
    %and3A_2646 = arith.andi %or3A_2642, %ne3A_2645 : vector<16xi1>
    %sub3A_2647 = arith.subf %get3A_2443, %select_n3A_2492 : vector<16xf32>
    %exp3A_2648 = math.exp %sub3A_2647 : vector<16xf32>
    %jit3A_2649 = arith.constant 0.000000e+00 : f32
    %broadcast_in_dim3A_2650 = vector.broadcast %jit3A_2649 : f32 to vector<16xf32>
    %select_n3A_2651 = arith.select %and3A_2646, %exp3A_2648, %broadcast_in_dim3A_2650 : vector<16xi1>, vector<16xf32>
    %eq3A_2652 = arith.constant 5 : i32
    %eq3A_2653 = vector.broadcast %eq3A_2652 : i32 to vector<16xi32>
    %eq3A_2654 = arith.cmpi eq, %select_n3A_2495, %eq3A_2653 : vector<16xi32>
    %eq3A_2655 = arith.constant 5 : i32
    %eq3A_2656 = vector.broadcast %eq3A_2655 : i32 to vector<16xi32>
    %eq3A_2657 = arith.cmpi eq, %select_n3A_2571, %eq3A_2656 : vector<16xi32>
    %or3A_2658 = arith.ori %eq3A_2654, %eq3A_2657 : vector<16xi1>
    %ne3A_2659 = arith.constant 0.000000e+00 : f32
    %ne3A_2660 = vector.broadcast %ne3A_2659 : f32 to vector<16xf32>
    %ne3A_2661 = arith.cmpf one, %get3A_2448, %ne3A_2660 : vector<16xf32>
    %and3A_2662 = arith.andi %or3A_2658, %ne3A_2661 : vector<16xi1>
    %sub3A_2663 = arith.subf %get3A_2448, %select_n3A_2492 : vector<16xf32>
    %exp3A_2664 = math.exp %sub3A_2663 : vector<16xf32>
    %jit3A_2665 = arith.constant 0.000000e+00 : f32
    %broadcast_in_dim3A_2666 = vector.broadcast %jit3A_2665 : f32 to vector<16xf32>
    %select_n3A_2667 = arith.select %and3A_2662, %exp3A_2664, %broadcast_in_dim3A_2666 : vector<16xi1>, vector<16xf32>
    %eq3A_2668 = arith.constant 6 : i32
    %eq3A_2669 = vector.broadcast %eq3A_2668 : i32 to vector<16xi32>
    %eq3A_2670 = arith.cmpi eq, %select_n3A_2495, %eq3A_2669 : vector<16xi32>
    %eq3A_2671 = arith.constant 6 : i32
    %eq3A_2672 = vector.broadcast %eq3A_2671 : i32 to vector<16xi32>
    %eq3A_2673 = arith.cmpi eq, %select_n3A_2571, %eq3A_2672 : vector<16xi32>
    %or3A_2674 = arith.ori %eq3A_2670, %eq3A_2673 : vector<16xi1>
    %ne3A_2675 = arith.constant 0.000000e+00 : f32
    %ne3A_2676 = vector.broadcast %ne3A_2675 : f32 to vector<16xf32>
    %ne3A_2677 = arith.cmpf one, %get3A_2453, %ne3A_2676 : vector<16xf32>
    %and3A_2678 = arith.andi %or3A_2674, %ne3A_2677 : vector<16xi1>
    %sub3A_2679 = arith.subf %get3A_2453, %select_n3A_2492 : vector<16xf32>
    %exp3A_2680 = math.exp %sub3A_2679 : vector<16xf32>
    %jit3A_2681 = arith.constant 0.000000e+00 : f32
    %broadcast_in_dim3A_2682 = vector.broadcast %jit3A_2681 : f32 to vector<16xf32>
    %select_n3A_2683 = arith.select %and3A_2678, %exp3A_2680, %broadcast_in_dim3A_2682 : vector<16xi1>, vector<16xf32>
    %eq3A_2684 = arith.constant 7 : i32
    %eq3A_2685 = vector.broadcast %eq3A_2684 : i32 to vector<16xi32>
    %eq3A_2686 = arith.cmpi eq, %select_n3A_2495, %eq3A_2685 : vector<16xi32>
    %eq3A_2687 = arith.constant 7 : i32
    %eq3A_2688 = vector.broadcast %eq3A_2687 : i32 to vector<16xi32>
    %eq3A_2689 = arith.cmpi eq, %select_n3A_2571, %eq3A_2688 : vector<16xi32>
    %or3A_2690 = arith.ori %eq3A_2686, %eq3A_2689 : vector<16xi1>
    %ne3A_2691 = arith.constant 0.000000e+00 : f32
    %ne3A_2692 = vector.broadcast %ne3A_2691 : f32 to vector<16xf32>
    %ne3A_2693 = arith.cmpf one, %get3A_2458, %ne3A_2692 : vector<16xf32>
    %and3A_2694 = arith.andi %or3A_2690, %ne3A_2693 : vector<16xi1>
    %sub3A_2695 = arith.subf %get3A_2458, %select_n3A_2492 : vector<16xf32>
    %exp3A_2696 = math.exp %sub3A_2695 : vector<16xf32>
    %jit3A_2697 = arith.constant 0.000000e+00 : f32
    %broadcast_in_dim3A_2698 = vector.broadcast %jit3A_2697 : f32 to vector<16xf32>
    %select_n3A_2699 = arith.select %and3A_2694, %exp3A_2696, %broadcast_in_dim3A_2698 : vector<16xi1>, vector<16xf32>
    %add3A_2700 = arith.addf %select_n3A_2587, %select_n3A_2603 : vector<16xf32>
    %add3A_2701 = arith.addf %add3A_2700, %select_n3A_2619 : vector<16xf32>
    %add3A_2702 = arith.addf %add3A_2701, %select_n3A_2635 : vector<16xf32>
    %add3A_2703 = arith.addf %add3A_2702, %select_n3A_2651 : vector<16xf32>
    %add3A_2704 = arith.addf %add3A_2703, %select_n3A_2667 : vector<16xf32>
    %add3A_2705 = arith.addf %add3A_2704, %select_n3A_2683 : vector<16xf32>
    %add3A_2706 = arith.addf %add3A_2705, %select_n3A_2699 : vector<16xf32>
    %div3A_2707 = arith.constant 1.000000e+00 : f32
    %div3A_2708 = vector.broadcast %div3A_2707 : f32 to vector<16xf32>
    %div3A_2709 = arith.divf %div3A_2708, %add3A_2706 : vector<16xf32>
    %mul3A_2710 = arith.mulf %select_n3A_2587, %div3A_2709 : vector<16xf32>
    %swap3A_2711 = arith.constant 0 : i32
    %swap3A_2712 = arith.index_cast %swap3A_2711 : i32 to index
    %swap3A_2713 = arith.constant 112 : index
    %swap3A_2714 = tpu.vector_load %arg5[%swap3A_2712, %swap3A_2713] {strides = array<i32>} : memref<8x128xf32, #tpu.memory_space<vmem>>, vector<1x16xf32>,
    %swap3A_2715 = vector.shape_cast %swap3A_2714 : vector<1x16xf32> to vector<16xf32>
    %swap3A_2716 = vector.shape_cast %mul3A_2710 : vector<16xf32> to vector<1x16xf32>
    tpu.vector_store %arg5[%swap3A_2712, %swap3A_2713], %swap3A_2716 {strides = array<i32>} : memref<8x128xf32, #tpu.memory_space<vmem>>, vector<1x16xf32>,
    %mul3A_2717 = arith.mulf %select_n3A_2603, %div3A_2709 : vector<16xf32>
    %swap3A_2718 = arith.constant 1 : i32
    %swap3A_2719 = arith.index_cast %swap3A_2718 : i32 to index
    %swap3A_2720 = arith.constant 112 : index
    %swap3A_2721 = tpu.vector_load %arg5[%swap3A_2719, %swap3A_2720] {strides = array<i32>} : memref<8x128xf32, #tpu.memory_space<vmem>>, vector<1x16xf32>,
    %swap3A_2722 = vector.shape_cast %swap3A_2721 : vector<1x16xf32> to vector<16xf32>
    %swap3A_2723 = vector.shape_cast %mul3A_2717 : vector<16xf32> to vector<1x16xf32>
    tpu.vector_store %arg5[%swap3A_2719, %swap3A_2720], %swap3A_2723 {strides = array<i32>} : memref<8x128xf32, #tpu.memory_space<vmem>>, vector<1x16xf32>,
    %mul3A_2724 = arith.mulf %select_n3A_2619, %div3A_2709 : vector<16xf32>
    %swap3A_2725 = arith.constant 2 : i32
    %swap3A_2726 = arith.index_cast %swap3A_2725 : i32 to index
    %swap3A_2727 = arith.constant 112 : index
    %swap3A_2728 = tpu.vector_load %arg5[%swap3A_2726, %swap3A_2727] {strides = array<i32>} : memref<8x128xf32, #tpu.memory_space<vmem>>, vector<1x16xf32>,
    %swap3A_2729 = vector.shape_cast %swap3A_2728 : vector<1x16xf32> to vector<16xf32>
    %swap3A_2730 = vector.shape_cast %mul3A_2724 : vector<16xf32> to vector<1x16xf32>
    tpu.vector_store %arg5[%swap3A_2726, %swap3A_2727], %swap3A_2730 {strides = array<i32>} : memref<8x128xf32, #tpu.memory_space<vmem>>, vector<1x16xf32>,
    %mul3A_2731 = arith.mulf %select_n3A_2635, %div3A_2709 : vector<16xf32>
    %swap3A_2732 = arith.constant 3 : i32
    %swap3A_2733 = arith.index_cast %swap3A_2732 : i32 to index
    %swap3A_2734 = arith.constant 112 : index
    %swap3A_2735 = tpu.vector_load %arg5[%swap3A_2733, %swap3A_2734] {strides = array<i32>} : memref<8x128xf32, #tpu.memory_space<vmem>>, vector<1x16xf32>,
    %swap3A_2736 = vector.shape_cast %swap3A_2735 : vector<1x16xf32> to vector<16xf32>
    %swap3A_2737 = vector.shape_cast %mul3A_2731 : vector<16xf32> to vector<1x16xf32>
    tpu.vector_store %arg5[%swap3A_2733, %swap3A_2734], %swap3A_2737 {strides = array<i32>} : memref<8x128xf32, #tpu.memory_space<vmem>>, vector<1x16xf32>,
    %mul3A_2738 = arith.mulf %select_n3A_2651, %div3A_2709 : vector<16xf32>
    %swap3A_2739 = arith.constant 4 : i32
    %swap3A_2740 = arith.index_cast %swap3A_2739 : i32 to index
    %swap3A_2741 = arith.constant 112 : index
    %swap3A_2742 = tpu.vector_load %arg5[%swap3A_2740, %swap3A_2741] {strides = array<i32>} : memref<8x128xf32, #tpu.memory_space<vmem>>, vector<1x16xf32>,
    %swap3A_2743 = vector.shape_cast %swap3A_2742 : vector<1x16xf32> to vector<16xf32>
    %swap3A_2744 = vector.shape_cast %mul3A_2738 : vector<16xf32> to vector<1x16xf32>
    tpu.vector_store %arg5[%swap3A_2740, %swap3A_2741], %swap3A_2744 {strides = array<i32>} : memref<8x128xf32, #tpu.memory_space<vmem>>, vector<1x16xf32>,
    %mul3A_2745 = arith.mulf %select_n3A_2667, %div3A_2709 : vector<16xf32>
    %swap3A_2746 = arith.constant 5 : i32
    %swap3A_2747 = arith.index_cast %swap3A_2746 : i32 to index
    %swap3A_2748 = arith.constant 112 : index
    %swap3A_2749 = tpu.vector_load %arg5[%swap3A_2747, %swap3A_2748] {strides = array<i32>} : memref<8x128xf32, #tpu.memory_space<vmem>>, vector<1x16xf32>,
    %swap3A_2750 = vector.shape_cast %swap3A_2749 : vector<1x16xf32> to vector<16xf32>
    %swap3A_2751 = vector.shape_cast %mul3A_2745 : vector<16xf32> to vector<1x16xf32>
    tpu.vector_store %arg5[%swap3A_2747, %swap3A_2748], %swap3A_2751 {strides = array<i32>} : memref<8x128xf32, #tpu.memory_space<vmem>>, vector<1x16xf32>,
    %mul3A_2752 = arith.mulf %select_n3A_2683, %div3A_2709 : vector<16xf32>
    %swap3A_2753 = arith.constant 6 : i32
    %swap3A_2754 = arith.index_cast %swap3A_2753 : i32 to index
    %swap3A_2755 = arith.constant 112 : index
    %swap3A_2756 = tpu.vector_load %arg5[%swap3A_2754, %swap3A_2755] {strides = array<i32>} : memref<8x128xf32, #tpu.memory_space<vmem>>, vector<1x16xf32>,
    %swap3A_2757 = vector.shape_cast %swap3A_2756 : vector<1x16xf32> to vector<16xf32>
    %swap3A_2758 = vector.shape_cast %mul3A_2752 : vector<16xf32> to vector<1x16xf32>
    tpu.vector_store %arg5[%swap3A_2754, %swap3A_2755], %swap3A_2758 {strides = array<i32>} : memref<8x128xf32, #tpu.memory_space<vmem>>, vector<1x16xf32>,
    %mul3A_2759 = arith.mulf %select_n3A_2699, %div3A_2709 : vector<16xf32>
    %swap3A_2760 = arith.constant 7 : i32
    %swap3A_2761 = arith.index_cast %swap3A_2760 : i32 to index
    %swap3A_2762 = arith.constant 112 : index
    %swap3A_2763 = tpu.vector_load %arg5[%swap3A_2761, %swap3A_2762] {strides = array<i32>} : memref<8x128xf32, #tpu.memory_space<vmem>>, vector<1x16xf32>,
    %swap3A_2764 = vector.shape_cast %swap3A_2763 : vector<1x16xf32> to vector<16xf32>
    %swap3A_2765 = vector.shape_cast %mul3A_2759 : vector<16xf32> to vector<1x16xf32>
    tpu.vector_store %arg5[%swap3A_2761, %swap3A_2762], %swap3A_2765 {strides = array<i32>} : memref<8x128xf32, #tpu.memory_space<vmem>>, vector<1x16xf32>,
    "tpu.region"() ({
      %run_scoped3A = tpu.sem_alloc : memref<!tpu.dma_semaphore, #tpu.memory_space<semaphore_mem>>
      %dma_start3A = arith.constant 0 : i32
      %dma_start3A_2766 = tpu.memref_slice %arg3[%dma_start3A, %mul3A_2] : memref<8x4096xf32, #tpu.memory_space<hbm>> -> memref<8x128xf32, #tpu.memory_space<hbm>>
      %dma_start3A_2767 = arith.constant 0 : i32
      %dma_start3A_2768 = tpu.memref_slice %arg3[%dma_start3A_2767, %mul3A_2] : memref<8x4096xf32, #tpu.memory_space<hbm>> -> memref<8x128xf32, #tpu.memory_space<hbm>>
      tpu.enqueue_dma source(%arg5 : memref<8x128xf32, #tpu.memory_space<vmem>>) target(%dma_start3A_2768 : memref<8x128xf32, #tpu.memory_space<hbm>>) target_semaphore(%run_scoped3A : memref<!tpu.dma_semaphore, #tpu.memory_space<semaphore_mem>>)
      %dma_wait3A = arith.constant 0 : i32
      %dma_wait3A_2769 = tpu.memref_slice %arg3[%dma_wait3A, %mul3A_2] : memref<8x4096xf32, #tpu.memory_space<hbm>> -> memref<8x128xf32, #tpu.memory_space<hbm>>
      %dma_wait3A_2770 = arith.constant 0 : i32
      %dma_wait3A_2771 = tpu.memref_slice %arg3[%dma_wait3A_2770, %mul3A_2] : memref<8x4096xf32, #tpu.memory_space<hbm>> -> memref<8x128xf32, #tpu.memory_space<hbm>>
      tpu.wait_dma2 semaphore(%run_scoped3A : memref<!tpu.dma_semaphore, #tpu.memory_space<semaphore_mem>>) src(%arg5 : memref<8x128xf32, #tpu.memory_space<vmem>>) dst(%dma_wait3A_2771 : memref<8x128xf32, #tpu.memory_space<hbm>>)
      tpu.yield
    }) : () -> ()
    return
  }
}

module attributes {stable_mosaic.version = 14 : i64} {
  func.func @_logits_body(%arg0: i32, %arg1: memref<2048x1024xf32, #tpu.memory_space<vmem>>, %arg2: memref<8x1024xf32, #tpu.memory_space<vmem>>, %arg3: memref<8x1xf32, #tpu.memory_space<vmem>>, %arg4: memref<4x8x8xf32, #tpu.memory_space<vmem>>, %arg5: memref<8x2048xf32, #tpu.memory_space<vmem>>, %arg6: memref<8x8xf32, #tpu.memory_space<vmem>>) attributes {dimension_semantics = [#tpu.dimension_semantics<arbitrary>], iteration_bounds = array<i64: 2>, scalar_prefetch = 0 : i64, scratch_operands = 0 : i64, tpu.core_type = #tpu.core_type<tc>, window_params = [{transform_indices = @transform_0, window_bounds = array<i64: 2048, 1024>}, {pipeline_mode = #tpu.pipeline_mode<synchronous>, transform_indices = @transform_1, window_bounds = array<i64: 8, 1024>}, {pipeline_mode = #tpu.pipeline_mode<synchronous>, transform_indices = @transform_2, window_bounds = array<i64: 8, 1>}, {pipeline_mode = #tpu.pipeline_mode<synchronous>, transform_indices = @transform_3, window_bounds = array<i64: 4, 8, 8>}, {transform_indices = @transform_4, window_bounds = array<i64: 8, 2048>}, {pipeline_mode = #tpu.pipeline_mode<synchronous>, transform_indices = @transform_5, window_bounds = array<i64: 8, 8>}]} {
    %get3A = arith.constant 0 : index
    %get3A_0 = arith.constant 0 : index
    %get3A_1 = vector.load %arg2[%get3A, %get3A_0] : memref<8x1024xf32, #tpu.memory_space<vmem>>, vector<8x1024xf32>
    %get3A_2 = arith.constant 0 : index
    %get3A_3 = arith.constant 0 : index
    %get3A_4 = vector.load %arg1[%get3A_2, %get3A_3] : memref<2048x1024xf32, #tpu.memory_space<vmem>>, vector<2048x1024xf32>
    %dot_general3A = arith.constant dense<0.000000e+00> : vector<8x2048xf32>
    %dot_general3A_5 = tpu.matmul %get3A_1, %get3A_4, %dot_general3A {dimension_numbers = #tpu.dot_dimension_numbers<[1], [1], [0], [0], [0, 0, 1, 0], [], []>, transpose_lhs_hint = false} : vector<8x1024xf32>, vector<2048x1024xf32>, vector<8x2048xf32> -> vector<8x2048xf32>
    %get3A_6 = arith.constant 0 : index
    %get3A_7 = arith.constant 0 : index
    %get3A_8 = vector.load %arg3[%get3A_6, %get3A_7] : memref<8x1xf32, #tpu.memory_space<vmem>>, vector<8x1xf32>
    %add3A = vector.broadcast %get3A_8 : vector<8x1xf32> to vector<8x2048xf32>
    %add3A_9 = arith.addf %dot_general3A_5, %add3A : vector<8x2048xf32>
    %swap3A = arith.constant 0 : index
    %swap3A_10 = arith.constant 0 : index
    %swap3A_11 = vector.load %arg5[%swap3A, %swap3A_10] : memref<8x2048xf32, #tpu.memory_space<vmem>>, vector<8x2048xf32>
    tpu.vector_store %arg5[%swap3A, %swap3A_10], %add3A_9 {strides = array<i32>} : memref<8x2048xf32, #tpu.memory_space<vmem>>, vector<8x2048xf32>,
    %get3A_12 = arith.constant 0 : index
    %get3A_13 = arith.constant 0 : index
    %get3A_14 = arith.constant 0 : index
    %get3A_15 = vector.load %arg4[%get3A_12, %get3A_13, %get3A_14] : memref<4x8x8xf32, #tpu.memory_space<vmem>>, vector<4x8x8xf32>
    %reduce_sum3A = arith.constant dense<0.000000e+00> : vector<8x8xf32>
    %reduce_sum3A_16 = vector.multi_reduction <add>, %get3A_15, %reduce_sum3A [0] : vector<4x8x8xf32> to vector<8x8xf32>
    %div3A = arith.constant 4.000000e+00 : f32
    %div3A_17 = vector.broadcast %div3A : f32 to vector<8x8xf32>
    %div3A_18 = arith.divf %reduce_sum3A_16, %div3A_17 : vector<8x8xf32>
    %swap3A_19 = arith.constant 0 : index
    %swap3A_20 = arith.constant 0 : index
    %swap3A_21 = vector.load %arg6[%swap3A_19, %swap3A_20] : memref<8x8xf32, #tpu.memory_space<vmem>>, vector<8x8xf32>
    tpu.vector_store %arg6[%swap3A_19, %swap3A_20], %div3A_18 {strides = array<i32>} : memref<8x8xf32, #tpu.memory_space<vmem>>, vector<8x8xf32>,
    return
  }
  func.func @transform_0(%arg0: i32) -> (i32, i32) {
    %c0_i32 = arith.constant 0 : i32
    %c0_i32_0 = arith.constant 0 : i32
    return %arg0, %c0_i32 : i32, i32
  }
  func.func @transform_1(%arg0: i32) -> (i32, i32) {
    %c0_i32 = arith.constant 0 : i32
    %c0_i32_0 = arith.constant 0 : i32
    %c0_i32_1 = arith.constant 0 : i32
    return %c0_i32, %c0_i32_0 : i32, i32
  }
  func.func @transform_2(%arg0: i32) -> (i32, i32) {
    %c0_i32 = arith.constant 0 : i32
    %c0_i32_0 = arith.constant 0 : i32
    %c0_i32_1 = arith.constant 0 : i32
    return %c0_i32, %c0_i32_0 : i32, i32
  }
  func.func @transform_3(%arg0: i32) -> (i32, i32, i32) {
    %c0_i32 = arith.constant 0 : i32
    %c0_i32_0 = arith.constant 0 : i32
    %c0_i32_1 = arith.constant 0 : i32
    %c0_i32_2 = arith.constant 0 : i32
    return %c0_i32, %c0_i32_0, %c0_i32_1 : i32, i32, i32
  }
  func.func @transform_4(%arg0: i32) -> (i32, i32) {
    %c0_i32 = arith.constant 0 : i32
    %c0_i32_0 = arith.constant 0 : i32
    return %c0_i32, %arg0 : i32, i32
  }
  func.func @transform_5(%arg0: i32) -> (i32, i32) {
    %c0_i32 = arith.constant 0 : i32
    %c0_i32_0 = arith.constant 0 : i32
    %c0_i32_1 = arith.constant 0 : i32
    return %c0_i32, %c0_i32_0 : i32, i32
  }
}

module attributes {stable_mosaic.version = 14 : i64} {
  func.func @_combine_body(%arg0: i32, %arg1: memref<8x256xf32, #tpu.memory_space<vmem>>, %arg2: memref<8x256x1024xf32, #tpu.memory_space<vmem>>, %arg3: memref<8x8xf32, #tpu.memory_space<vmem>>, %arg4: memref<256x1024xf32, #tpu.memory_space<vmem>>, %arg5: memref<1x8xf32, #tpu.memory_space<vmem>>, %arg6: memref<1x8xf32, #tpu.memory_space<vmem>>) attributes {dimension_semantics = [#tpu.dimension_semantics<arbitrary>], iteration_bounds = array<i64: 16>, scalar_prefetch = 0 : i64, scratch_operands = 0 : i64, tpu.core_type = #tpu.core_type<tc>, window_params = [{transform_indices = @transform_0, window_bounds = array<i64: 8, 256>}, {transform_indices = @transform_1, window_bounds = array<i64: 8, 256, 1024>}, {pipeline_mode = #tpu.pipeline_mode<synchronous>, transform_indices = @transform_2, window_bounds = array<i64: 8, 8>}, {transform_indices = @transform_3, window_bounds = array<i64: 256, 1024>}, {pipeline_mode = #tpu.pipeline_mode<synchronous>, transform_indices = @transform_4, window_bounds = array<i64: 1, 8>}, {pipeline_mode = #tpu.pipeline_mode<synchronous>, transform_indices = @transform_5, window_bounds = array<i64: 1, 8>}]} {
    %get3A = arith.constant 0 : index
    %get3A_0 = arith.constant 0 : index
    %get3A_1 = vector.load %arg1[%get3A, %get3A_0] : memref<8x256xf32, #tpu.memory_space<vmem>>, vector<8x256xf32>
    %transpose3A = tpu.transpose %get3A_1, [1, 0] : vector<8x256xf32> -> vector<256x8xf32>
    %get3A_2 = arith.constant 0 : index
    %get3A_3 = arith.constant 0 : index
    %get3A_4 = vector.load %arg3[%get3A_2, %get3A_3] : memref<8x8xf32, #tpu.memory_space<vmem>>, vector<8x8xf32>
    %dot_general3A = arith.constant dense<0.000000e+00> : vector<256x8xf32>
    %dot_general3A_5 = tpu.matmul %transpose3A, %get3A_4, %dot_general3A {dimension_numbers = #tpu.dot_dimension_numbers<[1], [0], [0], [1], [0, 0, 1, 1], [], []>, transpose_lhs_hint = false} : vector<256x8xf32>, vector<8x8xf32>, vector<256x8xf32> -> vector<256x8xf32>
    %reduce_sum3A = arith.constant dense<0.000000e+00> : vector<256xf32>
    %reduce_sum3A_6 = vector.multi_reduction <add>, %dot_general3A_5, %reduce_sum3A [1] : vector<256x8xf32> to vector<256xf32>
    %broadcast_in_dim3A = vector.shape_cast %reduce_sum3A_6 : vector<256xf32> to vector<256x1xf32>
    %div3A = vector.broadcast %broadcast_in_dim3A : vector<256x1xf32> to vector<256x8xf32>
    %div3A_7 = arith.divf %dot_general3A_5, %div3A : vector<256x8xf32>
    %slice3A = vector.extract_strided_slice %div3A_7 {offsets = [0, 0], sizes = [256, 1], strides = [1, 1]} : vector<256x8xf32> to vector<256x1xf32>
    %get3A_8 = arith.constant 0 : index
    %get3A_9 = arith.constant 0 : index
    %get3A_10 = arith.constant 0 : index
    %get3A_11 = vector.load %arg2[%get3A_8, %get3A_9, %get3A_10] : memref<8x256x1024xf32, #tpu.memory_space<vmem>>, vector<1x256x1024xf32>
    %get3A_12 = vector.shape_cast %get3A_11 : vector<1x256x1024xf32> to vector<256x1024xf32>
    %mul3A = vector.broadcast %slice3A : vector<256x1xf32> to vector<256x1024xf32>
    %mul3A_13 = arith.mulf %mul3A, %get3A_12 : vector<256x1024xf32>
    %slice3A_14 = vector.extract_strided_slice %div3A_7 {offsets = [0, 1], sizes = [256, 1], strides = [1, 1]} : vector<256x8xf32> to vector<256x1xf32>
    %get3A_15 = arith.constant 1 : index
    %get3A_16 = arith.constant 0 : index
    %get3A_17 = arith.constant 0 : index
    %get3A_18 = vector.load %arg2[%get3A_15, %get3A_16, %get3A_17] : memref<8x256x1024xf32, #tpu.memory_space<vmem>>, vector<1x256x1024xf32>
    %get3A_19 = vector.shape_cast %get3A_18 : vector<1x256x1024xf32> to vector<256x1024xf32>
    %mul3A_20 = vector.broadcast %slice3A_14 : vector<256x1xf32> to vector<256x1024xf32>
    %mul3A_21 = arith.mulf %mul3A_20, %get3A_19 : vector<256x1024xf32>
    %add3A = arith.addf %mul3A_13, %mul3A_21 : vector<256x1024xf32>
    %slice3A_22 = vector.extract_strided_slice %div3A_7 {offsets = [0, 2], sizes = [256, 1], strides = [1, 1]} : vector<256x8xf32> to vector<256x1xf32>
    %get3A_23 = arith.constant 2 : index
    %get3A_24 = arith.constant 0 : index
    %get3A_25 = arith.constant 0 : index
    %get3A_26 = vector.load %arg2[%get3A_23, %get3A_24, %get3A_25] : memref<8x256x1024xf32, #tpu.memory_space<vmem>>, vector<1x256x1024xf32>
    %get3A_27 = vector.shape_cast %get3A_26 : vector<1x256x1024xf32> to vector<256x1024xf32>
    %mul3A_28 = vector.broadcast %slice3A_22 : vector<256x1xf32> to vector<256x1024xf32>
    %mul3A_29 = arith.mulf %mul3A_28, %get3A_27 : vector<256x1024xf32>
    %add3A_30 = arith.addf %add3A, %mul3A_29 : vector<256x1024xf32>
    %slice3A_31 = vector.extract_strided_slice %div3A_7 {offsets = [0, 3], sizes = [256, 1], strides = [1, 1]} : vector<256x8xf32> to vector<256x1xf32>
    %get3A_32 = arith.constant 3 : index
    %get3A_33 = arith.constant 0 : index
    %get3A_34 = arith.constant 0 : index
    %get3A_35 = vector.load %arg2[%get3A_32, %get3A_33, %get3A_34] : memref<8x256x1024xf32, #tpu.memory_space<vmem>>, vector<1x256x1024xf32>
    %get3A_36 = vector.shape_cast %get3A_35 : vector<1x256x1024xf32> to vector<256x1024xf32>
    %mul3A_37 = vector.broadcast %slice3A_31 : vector<256x1xf32> to vector<256x1024xf32>
    %mul3A_38 = arith.mulf %mul3A_37, %get3A_36 : vector<256x1024xf32>
    %add3A_39 = arith.addf %add3A_30, %mul3A_38 : vector<256x1024xf32>
    %slice3A_40 = vector.extract_strided_slice %div3A_7 {offsets = [0, 4], sizes = [256, 1], strides = [1, 1]} : vector<256x8xf32> to vector<256x1xf32>
    %get3A_41 = arith.constant 4 : index
    %get3A_42 = arith.constant 0 : index
    %get3A_43 = arith.constant 0 : index
    %get3A_44 = vector.load %arg2[%get3A_41, %get3A_42, %get3A_43] : memref<8x256x1024xf32, #tpu.memory_space<vmem>>, vector<1x256x1024xf32>
    %get3A_45 = vector.shape_cast %get3A_44 : vector<1x256x1024xf32> to vector<256x1024xf32>
    %mul3A_46 = vector.broadcast %slice3A_40 : vector<256x1xf32> to vector<256x1024xf32>
    %mul3A_47 = arith.mulf %mul3A_46, %get3A_45 : vector<256x1024xf32>
    %add3A_48 = arith.addf %add3A_39, %mul3A_47 : vector<256x1024xf32>
    %slice3A_49 = vector.extract_strided_slice %div3A_7 {offsets = [0, 5], sizes = [256, 1], strides = [1, 1]} : vector<256x8xf32> to vector<256x1xf32>
    %get3A_50 = arith.constant 5 : index
    %get3A_51 = arith.constant 0 : index
    %get3A_52 = arith.constant 0 : index
    %get3A_53 = vector.load %arg2[%get3A_50, %get3A_51, %get3A_52] : memref<8x256x1024xf32, #tpu.memory_space<vmem>>, vector<1x256x1024xf32>
    %get3A_54 = vector.shape_cast %get3A_53 : vector<1x256x1024xf32> to vector<256x1024xf32>
    %mul3A_55 = vector.broadcast %slice3A_49 : vector<256x1xf32> to vector<256x1024xf32>
    %mul3A_56 = arith.mulf %mul3A_55, %get3A_54 : vector<256x1024xf32>
    %add3A_57 = arith.addf %add3A_48, %mul3A_56 : vector<256x1024xf32>
    %slice3A_58 = vector.extract_strided_slice %div3A_7 {offsets = [0, 6], sizes = [256, 1], strides = [1, 1]} : vector<256x8xf32> to vector<256x1xf32>
    %get3A_59 = arith.constant 6 : index
    %get3A_60 = arith.constant 0 : index
    %get3A_61 = arith.constant 0 : index
    %get3A_62 = vector.load %arg2[%get3A_59, %get3A_60, %get3A_61] : memref<8x256x1024xf32, #tpu.memory_space<vmem>>, vector<1x256x1024xf32>
    %get3A_63 = vector.shape_cast %get3A_62 : vector<1x256x1024xf32> to vector<256x1024xf32>
    %mul3A_64 = vector.broadcast %slice3A_58 : vector<256x1xf32> to vector<256x1024xf32>
    %mul3A_65 = arith.mulf %mul3A_64, %get3A_63 : vector<256x1024xf32>
    %add3A_66 = arith.addf %add3A_57, %mul3A_65 : vector<256x1024xf32>
    %slice3A_67 = vector.extract_strided_slice %div3A_7 {offsets = [0, 7], sizes = [256, 1], strides = [1, 1]} : vector<256x8xf32> to vector<256x1xf32>
    %get3A_68 = arith.constant 7 : index
    %get3A_69 = arith.constant 0 : index
    %get3A_70 = arith.constant 0 : index
    %get3A_71 = vector.load %arg2[%get3A_68, %get3A_69, %get3A_70] : memref<8x256x1024xf32, #tpu.memory_space<vmem>>, vector<1x256x1024xf32>
    %get3A_72 = vector.shape_cast %get3A_71 : vector<1x256x1024xf32> to vector<256x1024xf32>
    %mul3A_73 = vector.broadcast %slice3A_67 : vector<256x1xf32> to vector<256x1024xf32>
    %mul3A_74 = arith.mulf %mul3A_73, %get3A_72 : vector<256x1024xf32>
    %add3A_75 = arith.addf %add3A_66, %mul3A_74 : vector<256x1024xf32>
    %swap3A = arith.constant 0 : index
    %swap3A_76 = arith.constant 0 : index
    %swap3A_77 = vector.load %arg4[%swap3A, %swap3A_76] : memref<256x1024xf32, #tpu.memory_space<vmem>>, vector<256x1024xf32>
    tpu.vector_store %arg4[%swap3A, %swap3A_76], %add3A_75 {strides = array<i32>} : memref<256x1024xf32, #tpu.memory_space<vmem>>, vector<256x1024xf32>,
    %reduce_sum3A_78 = arith.constant dense<0.000000e+00> : vector<8xf32>
    %reduce_sum3A_79 = vector.multi_reduction <add>, %div3A_7, %reduce_sum3A_78 [0] : vector<256x8xf32> to vector<8xf32>
    %broadcast_in_dim3A_80 = vector.shape_cast %reduce_sum3A_79 : vector<8xf32> to vector<1x8xf32>
    %lt3A = arith.constant 9.99999974E-6 : f32
    %lt3A_81 = vector.broadcast %lt3A : f32 to vector<256x8xf32>
    %lt3A_82 = arith.cmpf olt, %div3A_7, %lt3A_81 : vector<256x8xf32>
    %jit3A = arith.constant 0.000000e+00 : f32
    %jit3A_83 = arith.constant 1.000000e+00 : f32
    %broadcast_in_dim3A_84 = vector.broadcast %jit3A : f32 to vector<256x8xf32>
    %broadcast_in_dim3A_85 = vector.broadcast %jit3A_83 : f32 to vector<256x8xf32>
    %select_n3A = arith.select %lt3A_82, %broadcast_in_dim3A_84, %broadcast_in_dim3A_85 : vector<256x8xi1>, vector<256x8xf32>
    %reduce_sum3A_86 = arith.constant dense<0.000000e+00> : vector<8xf32>
    %reduce_sum3A_87 = vector.multi_reduction <add>, %select_n3A, %reduce_sum3A_86 [0] : vector<256x8xf32> to vector<8xf32>
    %broadcast_in_dim3A_88 = vector.shape_cast %reduce_sum3A_87 : vector<8xf32> to vector<1x8xf32>
    %eq3A = arith.constant 0 : i32
    %eq3A_89 = arith.cmpi eq, %arg0, %eq3A : i32
    %convert_element_type3A = arith.extui %eq3A_89 : i1 to i32
    %cond3A = arith.constant 0 : i32
    %cond3A_90 = arith.cmpi ne, %convert_element_type3A, %cond3A : i32
    scf.if %cond3A_90 {
      %swap3A_100 = arith.constant 0 : index
      %swap3A_101 = arith.constant 0 : index
      %swap3A_102 = vector.load %arg5[%swap3A_100, %swap3A_101] : memref<1x8xf32, #tpu.memory_space<vmem>>, vector<1x8xf32>
      tpu.vector_store %arg5[%swap3A_100, %swap3A_101], %broadcast_in_dim3A_80 {strides = array<i32>} : memref<1x8xf32, #tpu.memory_space<vmem>>, vector<1x8xf32>,
      %swap3A_103 = arith.constant 0 : index
      %swap3A_104 = arith.constant 0 : index
      %swap3A_105 = vector.load %arg6[%swap3A_103, %swap3A_104] : memref<1x8xf32, #tpu.memory_space<vmem>>, vector<1x8xf32>
      tpu.vector_store %arg6[%swap3A_103, %swap3A_104], %broadcast_in_dim3A_88 {strides = array<i32>} : memref<1x8xf32, #tpu.memory_space<vmem>>, vector<1x8xf32>,
    } else {
    }
    %ne3A = arith.constant 0 : i32
    %ne3A_91 = arith.cmpi ne, %arg0, %ne3A : i32
    %convert_element_type3A_92 = arith.extui %ne3A_91 : i1 to i32
    %cond3A_93 = arith.constant 0 : i32
    %cond3A_94 = arith.cmpi ne, %convert_element_type3A_92, %cond3A_93 : i32
    scf.if %cond3A_94 {
      %get3A_100 = arith.constant 0 : index
      %get3A_101 = arith.constant 0 : index
      %get3A_102 = vector.load %arg5[%get3A_100, %get3A_101] : memref<1x8xf32, #tpu.memory_space<vmem>>, vector<1x8xf32>
      %add3A_103 = arith.addf %get3A_102, %broadcast_in_dim3A_80 : vector<1x8xf32>
      %swap3A_104 = arith.constant 0 : index
      %swap3A_105 = arith.constant 0 : index
      %swap3A_106 = vector.load %arg5[%swap3A_104, %swap3A_105] : memref<1x8xf32, #tpu.memory_space<vmem>>, vector<1x8xf32>
      tpu.vector_store %arg5[%swap3A_104, %swap3A_105], %add3A_103 {strides = array<i32>} : memref<1x8xf32, #tpu.memory_space<vmem>>, vector<1x8xf32>,
      %get3A_107 = arith.constant 0 : index
      %get3A_108 = arith.constant 0 : index
      %get3A_109 = vector.load %arg6[%get3A_107, %get3A_108] : memref<1x8xf32, #tpu.memory_space<vmem>>, vector<1x8xf32>
      %add3A_110 = arith.addf %get3A_109, %broadcast_in_dim3A_88 : vector<1x8xf32>
      %swap3A_111 = arith.constant 0 : index
      %swap3A_112 = arith.constant 0 : index
      %swap3A_113 = vector.load %arg6[%swap3A_111, %swap3A_112] : memref<1x8xf32, #tpu.memory_space<vmem>>, vector<1x8xf32>
      tpu.vector_store %arg6[%swap3A_111, %swap3A_112], %add3A_110 {strides = array<i32>} : memref<1x8xf32, #tpu.memory_space<vmem>>, vector<1x8xf32>,
    } else {
    }
    %eq3A_95 = arith.constant 15 : i32
    %eq3A_96 = arith.cmpi eq, %arg0, %eq3A_95 : i32
    %convert_element_type3A_97 = arith.extui %eq3A_96 : i1 to i32
    %cond3A_98 = arith.constant 0 : i32
    %cond3A_99 = arith.cmpi ne, %convert_element_type3A_97, %cond3A_98 : i32
    scf.if %cond3A_99 {
      %get3A_100 = arith.constant 0 : index
      %get3A_101 = arith.constant 0 : index
      %get3A_102 = vector.load %arg5[%get3A_100, %get3A_101] : memref<1x8xf32, #tpu.memory_space<vmem>>, vector<1x8xf32>
      %mul3A_103 = arith.constant 2.44140625E-4 : f32
      %mul3A_104 = vector.broadcast %mul3A_103 : f32 to vector<1x8xf32>
      %mul3A_105 = arith.mulf %get3A_102, %mul3A_104 : vector<1x8xf32>
      %swap3A_106 = arith.constant 0 : index
      %swap3A_107 = arith.constant 0 : index
      %swap3A_108 = vector.load %arg5[%swap3A_106, %swap3A_107] : memref<1x8xf32, #tpu.memory_space<vmem>>, vector<1x8xf32>
      tpu.vector_store %arg5[%swap3A_106, %swap3A_107], %mul3A_105 {strides = array<i32>} : memref<1x8xf32, #tpu.memory_space<vmem>>, vector<1x8xf32>,
      %get3A_109 = arith.constant 0 : index
      %get3A_110 = arith.constant 0 : index
      %get3A_111 = vector.load %arg6[%get3A_109, %get3A_110] : memref<1x8xf32, #tpu.memory_space<vmem>>, vector<1x8xf32>
      %mul3A_112 = arith.constant 2.44140625E-4 : f32
      %mul3A_113 = vector.broadcast %mul3A_112 : f32 to vector<1x8xf32>
      %mul3A_114 = arith.mulf %get3A_111, %mul3A_113 : vector<1x8xf32>
      %swap3A_115 = arith.constant 0 : index
      %swap3A_116 = arith.constant 0 : index
      %swap3A_117 = vector.load %arg6[%swap3A_115, %swap3A_116] : memref<1x8xf32, #tpu.memory_space<vmem>>, vector<1x8xf32>
      tpu.vector_store %arg6[%swap3A_115, %swap3A_116], %mul3A_114 {strides = array<i32>} : memref<1x8xf32, #tpu.memory_space<vmem>>, vector<1x8xf32>,
    } else {
    }
    return
  }
  func.func @transform_0(%arg0: i32) -> (i32, i32) {
    %c0_i32 = arith.constant 0 : i32
    %c0_i32_0 = arith.constant 0 : i32
    return %c0_i32, %arg0 : i32, i32
  }
  func.func @transform_1(%arg0: i32) -> (i32, i32, i32) {
    %c0_i32 = arith.constant 0 : i32
    %c0_i32_0 = arith.constant 0 : i32
    %c0_i32_1 = arith.constant 0 : i32
    return %c0_i32, %arg0, %c0_i32_0 : i32, i32, i32
  }
  func.func @transform_2(%arg0: i32) -> (i32, i32) {
    %c0_i32 = arith.constant 0 : i32
    %c0_i32_0 = arith.constant 0 : i32
    %c0_i32_1 = arith.constant 0 : i32
    return %c0_i32, %c0_i32_0 : i32, i32
  }
  func.func @transform_3(%arg0: i32) -> (i32, i32) {
    %c0_i32 = arith.constant 0 : i32
    %c0_i32_0 = arith.constant 0 : i32
    return %arg0, %c0_i32 : i32, i32
  }
  func.func @transform_4(%arg0: i32) -> (i32, i32) {
    %c0_i32 = arith.constant 0 : i32
    %c0_i32_0 = arith.constant 0 : i32
    %c0_i32_1 = arith.constant 0 : i32
    return %c0_i32, %c0_i32_0 : i32, i32
  }
  func.func @transform_5(%arg0: i32) -> (i32, i32) {
    %c0_i32 = arith.constant 0 : i32
    %c0_i32_0 = arith.constant 0 : i32
    %c0_i32_1 = arith.constant 0 : i32
    return %c0_i32, %c0_i32_0 : i32, i32
  }
}

</mosaic_0001>

<sc_bundles>
// kernel: kernel.5.cloned.1.call-start
scs
__scs_entry_jumppad:
0x0: {  	(pc) =	sbr.rel $0x88, $3  }
0x1: {  	(tag) =	ssettag $0x0;
	lr =	simm.s32 $0x1  }
0x2: {  	[smem:$0x3F9C] =	sst lr;
	_ =	strace $0xD0000000  }
0x3: {  	_ = 	snop  }
0x4: {  	_ = 	snop  }
0x5: {  	_ = 	snop  }
0x6: {  	_ = 	snop  }
0x7: {  	_ = 	snop  }
__scs_overlays_trampoline_lowered:
0x8: {  	[smem:$0x3FAB] =	sst s0  }
0x9: {  	[smem:$0x3FAC] =	sst s1  }
0xa: {  	[smem:$0x3FAD] =	sst s2  }
0xb: {  	[smem:$0x3FAE] =	sst s3  }
0xc: {  	[smem:$0x3FAF] =	sst s4  }
0xd: {  	[smem:$0x3FB0] =	sst s5  }
0xe: {  	[smem:$0x3FB1] =	sst s6  }
0xf: {  	[smem:$0x3FB2] =	sst s7  }
0x10: {  	[smem:$0x3FB3] =	sst s8  }
0x11: {  	[smem:$0x3FB4] =	sst s9;
	s0 =	simm.s32 @!p0 $0x0  }
0x12: {  	s1 =	sld [smem:$0x3F9A];
	s0 =	simm.s32 @p0 $0x1  }
0x13: {  	[smem:$0x3FB5] =	sst s0;
	s0 =	simm.s32 @!p1 $0x0  }
0x14: {  	s2 =	sld [smem:$0x3F99];
	s0 =	simm.s32 @p1 $0x1  }
0x15: {  	[smem:$0x3FB6] =	sst s0;
	s0 =	simm.s32 @!p2 $0x0  }
0x16: {  	s3 =	sld [smem:$0x3FDB];
	s0 =	simm.s32 @p2 $0x1  }
0x17: {  	s4 =	simm.s32 $0x1BF5;
	[smem:$0x3FB8] =	sst s0  }
0x18: {  	s0 =	sld [smem:$0x3F9B];
	_ =	swait.ge [sflag:s4], $0x0  }
0x19: {  	s7 =	sld [smem:$0x3F9C]  }
0x1a: {  	s8 =	sadd.s32 $0xFFFFE003, lr  }
0x1b: {  	s9 =	sadd.s32 $0xFFFFFEF7, lr;
	s5 =	simm.s32 $0xFFFFFFFF;
	p2 =	slt.u32 s8, $0xFFFFF086  }
0x1c: {  	p1 =	slt.u32 s9, $0xF7A;
	s5 =	simm.s32 @!p2 $0x0  }
0x1d: {  	s5 =	simm.s32 @p1 $0x1;
	p0 =	seq.s32 s7, s2  }
0x1e: {  	s7 =	smul.u32 @!p0 $0xF7A, s2;
	p2 =	seq.s32 @!p0 s5, $0x0  }
0x1f: {  	s9 =	smul.u32 $0xF7A, s1;
	s8 =	simm.s32 @!p0 $0x1BF5;
	p2 =	por !p2, p0  }
0x20: {  	[sflag:s8] =	ssyncset.s32 @!p0 $0xFFFFF086;
	s6 =	sadd.s32 @!p0 s3, s7;
	s7 =	simm.s32 @!p0 $0x108  }
0x21: {  	s3 =	sadd.s32 s3, s9;
	s6 =	sadd.s32 @!p0 $0x88, s6;
	s7 =	simm.s32 @p2 $0x1082  }
0x22: {  	[simem:s7], [sflag:s8] =	dma.local @!p0 [hbm:s6], $0xF7A  }
0x23: {  	s9 =	sor.u32 $0xD0000000, s2;
	s6 =	simm.s32 $0x108;
	_ =	swait.ge @!p0 [sflag:s8], $0x0  }
0x24: {  	s3 =	sadd.s32 $0x88, s3;
	s6 =	simm.s32 @!p1 $0x1082;
	[sflag:s4] =	ssyncset.s32 $0xFFFFF086  }
0x25: {  	[simem:s6], [sflag:s4] =	dma.local [hbm:s3], $0xF7A  }
0x26: {  	[smem:$0x3F9C] =	sst s1;
	(tag) =	ssettag s2;
	_ =	strace s9  }
0x27: {  	s1 =	sld [smem:$0x3FAC]  }
0x28: {  	s2 =	sld [smem:$0x3FAD]  }
0x29: {  	s4 =	sld [smem:$0x3FAF]  }
0x2a: {  	p0 =	seq.s32 s5, $0x0;
	s5 =	sld [smem:$0x3FB0]  }
0x2b: {  	s6 =	sld [smem:$0x3FB1]  }
0x2c: {  	s7 =	sld [smem:$0x3FB2]  }
0x2d: {  	s3 =	simm.s32 $0x108;
	s8 =	sld [smem:$0x3FB3]  }
0x2e: {  	s3 =	simm.s32 @!p0 $0x1082;
	s9 =	sld [smem:$0x3FB4]  }
0x2f: {  	lr =	sadd.s32 s0, s3;
	s0 =	sld [smem:$0x3FAB]  }
0x30: {  	s3 =	sld [smem:$0x3FAE]  }
0x31: {  	[smem:$0x3FB7] =	sst s10  }
0x32: {  	s10 =	sld [smem:$0x3FB5];
	_ =	sdelay $0x3  }
0x33: {  	p0 =	seq.s32 s10, $0x1;
	s10 =	sld [smem:$0x3FB7];
	_ =	sdelay $0x3  }
0x34: {  	[smem:$0x3FB7] =	sst s10  }
0x35: {  	s10 =	sld [smem:$0x3FB6];
	_ =	sdelay $0x3  }
0x36: {  	p1 =	seq.s32 s10, $0x1;
	s10 =	sld [smem:$0x3FB7];
	_ =	sdelay $0x3  }
0x37: {  	[smem:$0x3FB7] =	sst s10  }
0x38: {  	s10 =	sld [smem:$0x3FB8]  }
0x39: {  	_ = 	snop;
	(pc) =	sbr.ind lr, $3  }
0x3a: {  	_ = 	snop  }
0x3b: {  	_ = 	snop  }
0x3c: {  	p2 =	seq.s32 s10, $0x1;
	s10 =	sld [smem:$0x3FB7]  }
0x3d: {  	_ =	shalt  }
0x3e: {  	_ =	shalt  }
0x3f: {  	_ =	shalt  }
0x40: {  	_ =	shalt  }
0x41: {  	_ =	shalt  }
0x42: {  	_ =	shalt  }
0x43: {  	_ =	shalt  }
0x44: {  	_ =	shalt  }
0x45: {  	_ =	shalt  }
0x46: {  	_ =	shalt  }
0x47: {  	_ =	shalt  }
0x48: {  	_ =	shalt  }
0x49: {  	_ =	shalt  }
0x4a: {  	_ =	shalt  }
0x4b: {  	_ =	shalt  }
0x4c: {  	_ =	shalt  }
0x4d: {  	_ =	shalt  }
0x4e: {  	_ =	shalt  }
0x4f: {  	_ =	shalt  }
0x50: {  	_ =	shalt  }
0x51: {  	_ =	shalt  }
0x52: {  	_ =	shalt  }
0x53: {  	_ =	shalt  }
0x54: {  	_ =	shalt  }
0x55: {  	_ =	shalt  }
0x56: {  	_ =	shalt  }
0x57: {  	_ =	shalt  }
0x58: {  	_ =	shalt  }
0x59: {  	_ =	shalt  }
0x5a: {  	_ =	shalt  }
0x5b: {  	_ =	shalt  }
0x5c: {  	_ =	shalt  }
0x5d: {  	_ =	shalt  }
0x5e: {  	_ =	shalt  }
0x5f: {  	_ =	shalt  }
0x60: {  	_ =	shalt  }
0x61: {  	_ =	shalt  }
0x62: {  	_ =	shalt  }
0x63: {  	_ =	shalt  }
0x64: {  	_ =	shalt  }
0x65: {  	_ =	shalt  }
0x66: {  	_ =	shalt  }
0x67: {  	_ =	shalt  }
0x68: {  	_ =	shalt  }
0x69: {  	_ =	shalt  }
0x6a: {  	_ =	shalt  }
0x6b: {  	_ =	shalt  }
0x6c: {  	_ =	shalt  }
0x6d: {  	_ =	shalt  }
0x6e: {  	_ =	shalt  }
0x6f: {  	_ =	shalt  }
0x70: {  	_ =	shalt  }
0x71: {  	_ =	shalt  }
0x72: {  	_ =	shalt  }
0x73: {  	_ =	shalt  }
0x74: {  	_ =	shalt  }
0x75: {  	_ =	shalt  }
0x76: {  	_ =	shalt  }
0x77: {  	_ =	shalt  }
0x78: {  	_ =	shalt  }
0x79: {  	_ =	shalt  }
0x7a: {  	_ =	shalt  }
0x7b: {  	_ =	shalt  }
0x7c: {  	_ =	shalt  }
0x7d: {  	_ =	shalt  }
0x7e: {  	_ =	shalt  }
0x7f: {  	_ =	shalt  }
0x80: {  	_ =	shalt  }
0x81: {  	_ =	shalt  }
0x82: {  	_ =	shalt  }
0x83: {  	_ =	shalt  }
0x84: {  	_ =	shalt  }
0x85: {  	_ =	shalt  }
0x86: {  	_ =	shalt  }
0x87: {  	_ =	shalt  }
.Lfunc_end0:
.L_simem_size_0:
called_computation_lowered:
.L_overlay_start_0:
0x88: {  	s2 =	sld [smem:$0x3FD9]  }
0x89: {  	s3 =	sld [smem:$0x3FFE];
	_ =	sdelay $0x1  }
0x8a: {  	s1 =	srdreg.scid  }
0x8b: {  	s0 =	sand.u32 $0x1, s1  }
0x8c: {  	s14 =	sshll.u32 s0, $0xA;
	s2 =	sadd.s32 s3, s2  }
0x8d: {  	s2 =	sadd.s32 s2, s14  }
0x8e: {  	[smem:$0x3FC3] =	sst s2  }
0x8f: {  	_ = 	snop  }
0x90: {  	s2 =	sld [smem:$0x3FD0];
	_ =	sdelay $0x2  }
0x91: {  	s15 =	simm.s32 $0xA;
	s4 =	simm.s32 $0x10  }
0x92: {  	[smem:s4], [sflag:s15] =	dma.local [hbm:s2], $0x1  }
0x93: {  	_ =	swait.eq [sflag:s15], $0x1  }
0x94: {  	[sflag:s15] =	ssyncset.done $0x0  }
0x95: {  	[sflag:s15] =	ssyncadd.s32 $0xFFFFFFFF  }
0x96: {  	s16 =	sld [smem:$0x10];
	(tm) =	ssettm $0x1  }
0x97: {  	s17 =	sld [smem:$0x3FFB];
	_ =	sdelay $0x3  }
0x98: {  	_ =	strace s17  }
0x99: {  	s3 =	sld [smem:$0x3FFC];
	_ =	sdelay $0x3  }
0x9a: {  	_ =	strace s3  }
0x9b: {  	s3 =	sld [smem:$0x3FFD];
	_ =	sdelay $0x3  }
0x9c: {  	_ =	strace s3  }
0x9d: {  	_ =	strace $0x8FFFFFFF  }
0x9e: {  	s18 =	sld [smem:$0x3FDB];
	_ =	sdelay $0x1  }
0x9f: {  	s19 =	simm.s32 $_scs_section_size  }
0xa0: {  	s5 =	simm.s32 $_size__tile_overlayer_lowered;
	s6 =	simm.s32 $_tile_overlayer_lowered  }
0xa1: {  	s22 =	simm.s32 $0x1BFF;
	s21 =	sshll.u32 s6, $0x1;
	s3 =	sadd.s32 s19, s18  }
0xa2: {  	s7 =	simm.s32 $0x0;
	s20 =	sshll.u32 s5, $0x1;
	s5 =	sadd.s32 s21, s3  }
0xa3: {  	[timem:s7], [sflag:s22] =	dma.local [hbm:s5], s20  }
0xa4: {  	_ =	swait.ge [sflag:s22], s20  }
0xa5: {  	s4 =	ssub.s32 $0x0, s20;
	[sflag:s22] =	ssyncset.done $0x0  }
0xa6: {  	[sflag:s22] =	ssyncadd.s32 s4;
	_ =	sdelay $0x1  }
0xa7: {  	s23 =	simm.s32 $0x1B8B  }
0xa8: {  	_ =	swait.ge [sflag:s23], $0x1  }
0xa9: {  	[sflag:s23] =	ssyncset.done $0x0  }
0xaa: {  	s25 =	simm.s32 $0x1B8E;
	s24 =	sld [smem:$0x3FFE];
	[sflag:s23] =	ssyncadd.s32 $0xFFFFFFFF  }
0xab: {  	s26 =	simm.s32 $execute0_lowered;
	[smem:$0x3FD2] =	sst s25  }
0xac: {  	s5 =	sshll.u32 s26, $0x1;
	_ =	strace $0x80000046;
	[dreg:$0x1] =	wrdreg $0xFFFFFFFF  }
0xad: {  	s28 =	simm.s32 $_size_execute0_lowered;
	s3 =	sadd.s32 s3, s5;
	[dreg:$0x0] =	wrdreg $0x0  }
0xae: {  	s5 =	sshll.u32 s28, $0x1;
	[dreg:$0x2] =	wrdreg s3  }
0xaf: {  	[dreg:$0x3] =	wrdreg s5  }
0xb0: {  	[dreg:$0x4] =	wrdreg $0xC0  }
0xb1: {  	_ =	task [dreg:s7], $0x5FFFF  }
0xb2: {  	[dreg:$0x1] =	wrdreg $0xFFFFFFFF  }
0xb3: {  	[dreg:$0x0] =	wrdreg $0x60  }
0xb4: {  	[dreg:$0x2] =	wrdreg s16  }
0xb5: {  	[dreg:$0x3] =	wrdreg s24  }
0xb6: {  	[dreg:$0x4] =	wrdreg $0x9  }
0xb7: {  	_ =	task.clear_ibuf [dreg:s7], $0x5FFFF;
	_ =	strace $0x90000046  }
0xb8: {  	s29 =	simm.s32 $0x9;
	_ =	strace $0x80000048  }
0xb9: {  	_ =	swait.ge [sflag:s29], $0x1  }
0xba: {  	[sflag:s29] =	ssyncadd.s32 $0xFFFFFFFF  }
0xbb: {  	_ =	strace $0x90000048  }
0xbc: {  	_ =	sfence  }
0xbd: {  	s30 =	sld [smem:$0x0];
	_ =	sdelay $0x2  }
0xbe: {  	s31 =	sshll.u32 s1, $0xD;
	s1 =	sshrl.u32 s1, $0x2  }
0xbf: {  	s3 =	sand.u32 $0x4000, s31;
	s1 =	sadd.s32 s1, s30  }
0xc0: {  	s0 =	sor.u32 s3, s0;
	s1 =	sshll.u32 s1, $0x11  }
0xc1: {  	s0 =	sor.u32 s1, s0  }
0xc2: {  	s0 =	sadd.s32 $0x8F2B, s0  }
0xc3: {  	[sflag:s0] =	ssyncadd.remote.s32 $0x1  }
0xc4: {  	_ =	sfence.sel $0xFFFF  }
0xc5: {  	[dreg:$0x0] =	wrdreg $0xFFFFFFFF;
	(pc) =	sbr.abs _section_cstart, $3  }
0xc6: {  	[dreg:$0x1] =	wrdreg $0xFFFFFFFF  }
0xc7: {  	_ =	task.clear_ibuf [dreg:s7], $0x2FFFF;
	_ =	strace $0x9FFFFFFF  }
0xc8: {  	(tm) =	ssettm $0x7FFFFFFF  }
0xc9: {  	_ =	shalt  }
tec
execute0_lowered:
.L_overlay_start_1:
0x0: {  	(tag) =	ssettag $0x1  }
0x1: {  	s3 =	rddreg [dreg:$0x0]  }
0x2: {  	s4 =	rddreg [dreg:$0x1];
	s2 =	srdreg.scid  }
0x3: {  	s0 =	rddreg [dreg:$0x2];
	s1 =	stileid.u32;
	s5 =	sand.u32 $0x1, s2  }
0x4: {  	s2 =	simm.s32 $0x0;
	s6 =	sshll.u32 s1, $0x8;
	s7 =	sshll.u32 s5, $0x7  }
0x5: {  	[smem:$0x7FF] =	sst s2;
	s5 =	ssub.s32 $0x2, s5;
	s6 =	sor.u32 s7, s6  }
0x6: {  	_ =	strace $0x80000047;
	s31 =	sshrl.u32 s5, $0x1;
	s7 =	simm.s32 $0x400  }
0x7: {  	s4 =	sadd.s32 s6, s4;
	s5 =	ssub.s32 s5, s31;
	s3 =	sadd.s32 s3, s6  }
0x8: {  	s6 =	simm.s32 $0x1;
	s4 =	sadd.s32 $0x1200, s4;
	s5 =	smax.u32 s5, $0x1  }
.LBB2_1:
0x9: {  	[tilespmem:s2], [sflag:$0x1] =	stream.linear.gather [hbm4b:s3+s2], $0x400, $0x38;
	[tilespmem:$0x800] =	vst v63  }
0xa: {  	_ =	swait.ge [sflag:s6], $0x400  }
0xb: {  	[sflag:s6] =	ssyncset.done $0x0  }
0xc: {  	[sflag:s6] =	ssyncadd.s32 $0xFFFFFC00  }
0xd: {  	v2 =	vld [tilespmem:$0x0]  }
0xe: {  	v3 =	vld [tilespmem:$0x80];
	_ =	sdelay $0x1  }
0xf: {  	v4 =	vld [tilespmem:$0x100];
	_ =	sdelay $0x1  }
0x10: {  	v6 =	vld [tilespmem:$0x180]  }
0x11: {  	vm0 =	vgt.f32 v3, v2  }
0x12: {  	v9 =	vld [tilespmem:$0x200];
	v0 =	vsel vm0, v3, v2  }
0x13: {  	vm1 =	vgt.f32 v4, v0  }
0x14: {  	v1 =	vld [tilespmem:$0x280];
	v0 =	vsel vm1, v4, v0  }
0x15: {  	vm2 =	vgt.f32 v6, v0  }
0x16: {  	v5 =	vld [tilespmem:$0x300];
	v7 =	vsel vm2, v6, v0  }
0x17: {  	v8 =	vimm.s32 $0x0;
	vm3 =	vgt.f32 v9, v7  }
0x18: {  	v49 =	vld [tilespmem:$0x380];
	v8 =	vsel vm0, $0x1, v8;
	v7 =	vsel vm3, v9, v7  }
0x19: {  	v8 =	vsel vm1, $0x2, v8;
	vm10 =	vgt.f32 v1, v7  }
0x1a: {  	v8 =	vsel vm2, $0x3, v8;
	v7 =	vsel vm10, v1, v7  }
0x1b: {  	v8 =	vsel vm3, $0x4, v8;
	vm1 =	vgt.f32 v5, v7  }
0x1c: {  	v8 =	vsel vm10, $0x5, v8;
	v7 =	vsel vm1, v5, v7  }
0x1d: {  	v8 =	vsel vm1, $0x6, v8;
	vm0 =	vgt.f32 v49, v7  }
0x1e: {  	vm11 =	vlt.f32 v2, $-Inf;
	vm12 =	vgt.f32 v2, $-Inf;
	v10 =	vsel vm0, $0x7, v8  }
0x1f: {  	vm2 =	vmor vm12, vm11;
	vm4 =	vne.s32 v10, $0x0  }
0x20: {  	vm2 =	vmand vm2, vm4  }
0x21: {  	v50 =	vnsel vm2, $0xFF800000, v2  }
0x22: {  	vm13 =	vne.s32 v10, $0x1;
	vm14 =	vgt.f32 v3, v50  }
0x23: {  	v11 =	vimm.s32 $0x0;
	vm2 =	vmand vm13, vm14  }
0x24: {  	v14 =	vsel vm0, v49, v7;
	vm15 =	vne.s32 v10, $0x2;
	v8 =	vsel vm2, v3, v50  }
0x25: {  	vm9 =	vne.s32 v10, $0x3;
	vm10 =	vne.s32 v10, $0x4;
	vm8 =	vgt.f32 v4, v8  }
0x26: {  	v52 =	vsub.f32 v2, v14;
	vm11 =	vne.s32 v10, $0x5;
	vm3 =	vmand vm15, vm8  }
0x27: {  	vm12 =	vne.s32 v10, $0x6;
	v54 =	vsub.f32 v3, v14;
	v8 =	vsel vm3, v4, v8  }
0x28: {  	v57 =	vsub.f32 v4, v14;
	v58 =	vsub.f32 v6, v14;
	vm5 =	vgt.f32 v6, v8  }
0x29: {  	v60 =	vsub.f32 v9, v14;
	v25 =	vsub.f32 v1, v14;
	vm4 =	vmand vm9, vm5  }
0x2a: {  	v30 =	vsub.f32 v5, v14;
	v33 =	vsub.f32 v49, v14;
	v8 =	vsel vm4, v6, v8  }
0x2b: {  	v56 =	vmul.f32 $1.442695020e+00, v54;
	v29 =	vmul.f32 $1.442695020e+00, v25;
	vm6 =	vgt.f32 v9, v8  }
0x2c: {  	v14 =	vmul.f32 $1.442695020e+00, v33;
	vm14 =	veq.s32 v10, $0x0;
	vm5 =	vmand vm10, vm6  }
0x2d: {  	v12 =	vsel vm2, $0x1, v11;
	v51 =	vsel vm5, v9, v8;
	v8 =	vmul.f32 $1.442695020e+00, v52  }
0x2e: {  	v11 =	vimm.s32 $0x0;
	vm8 =	vlt.f32 v2, $0.0e+00;
	vm7 =	vgt.f32 v1, v51  }
0x2f: {  	v12 =	vsel vm3, $0x2, v12;
	vm6 =	vmand vm11, vm7;
	(erf) = vpow2.f32 v8  }
0x30: {  	vm9 =	vgt.f32 v2, $0.0e+00;
	v2 =	vmul.f32 $1.442695020e+00, v57;
	v7 =	vsel vm6, v1, v51  }
0x31: {  	v53 =	vsel vm4, $0x3, v12;
	vm4 =	vmneg vm0;
	vm13 =	vgt.f32 v5, v7  }
0x32: {  	vm1 =	vmand vm4, vm1;
	vm10 =	vgt.f32 v4, $0.0e+00;
	vm2 =	vmand vm12, vm13  }
0x33: {  	v8 =	vsel vm5, $0x4, v53;
	vm11 =	vlt.f32 v9, $0.0e+00;
	v7 =	vsel vm2, v5, v7  }
0x34: {  	v8 =	vsel vm6, $0x5, v8;
	(erf) = vpow2.f32 v56;
	vm3 =	vgt.f32 v49, v7  }
0x35: {  	vm12 =	vmor vm9, vm8;
	v55 =	vsel vm2, $0x6, v8;
	vm5 =	vmand vm3, vm4  }
0x36: {  	vm13 =	veq.s32 v10, $0x1;
	vm9 =	veq.s32 v10, $0x4;
	v15 =	vsel vm5, $0x7, v55  }
0x37: {  	v7 =	vmul.f32 $1.442695020e+00, v58;
	vm0 =	vmor vm0, vm3;
	vm15 =	veq.s32 v15, $0x0  }
0x38: {  	vm6 =	vmor vm14, vm15;
	v59 =	vpop (erf);
	vm14 =	veq.s32 v15, $0x1;
	(erf) = vpow2.f32 v2  }
0x39: {  	vm15 =	vlt.f32 v3, $0.0e+00;
	v2 =	vmul.f32 $1.442695020e+00, v60;
	vm6 =	vmand vm12, vm6  }
0x3a: {  	vm12 =	vgt.f32 v3, $0.0e+00;
	(erf) = vpow2.f32 v7;
	v18 =	vnsel vm6, $0x0, v59  }
0x3b: {  	v62 =	vld [tilespmem:$0x10];
	vm6 =	vmor vm13, vm14;
	vm13 =	vmor vm12, vm15;
	vm14 =	veq.s32 v10, $0x2  }
0x3c: {  	v63 =	vld [tilespmem:$0x90];
	vm15 =	veq.s32 v15, $0x2;
	vm12 =	vlt.f32 v4, $0.0e+00;
	(erf) = vpow2.f32 v2  }
0x3d: {  	vm6 =	vmand vm13, vm6;
	vm13 =	vmor vm14, vm15;
	vm14 =	vmor vm10, vm12  }
0x3e: {  	v61 =	vpop (erf);
	vm15 =	veq.s32 v10, $0x3;
	vm12 =	veq.s32 v15, $0x3;
	vm10 =	veq.s32 v15, $0x4  }
0x3f: {  	(erf) = vpow2.f32 v29;
	v4 =	vnsel vm6, $0x0, v61;
	vm6 =	vmand vm14, vm13  }
0x40: {  	vm13 =	vlt.f32 v6, $0.0e+00;
	vm14 =	vgt.f32 v6, $0.0e+00;
	vm7 =	vmor vm15, vm12  }
0x41: {  	vm12 =	vgt.f32 v9, $0.0e+00;
	vm15 =	vmor vm9, vm10;
	vm9 =	vgt.f32 v63, v62  }
0x42: {  	v13 =	vld [tilespmem:$0x110];
	vm10 =	vmneg vm5;
	vm8 =	vmor vm14, vm13;
	vm13 =	vmor vm12, vm11  }
0x43: {  	vm14 =	veq.s32 v10, $0x5;
	v27 =	vsel vm9, v63, v62;
	vm12 =	vlt.f32 v1, $0.0e+00  }
0x44: {  	v24 =	vld [tilespmem:$0x190];
	v31 =	vsel vm9, $0x1, v11;
	vm4 =	vmand vm10, vm2;
	v35 =	vadd.f32 v4, v18  }
0x45: {  	vm9 =	vgt.f32 v49, $0.0e+00;
	vm7 =	vmand vm8, vm7;
	vm4 =	vmor vm1, vm4;
	v22 =	vpop (erf)  }
0x46: {  	v26 =	vld [tilespmem:$0x210];
	v23 =	vpop (erf);
	v3 =	vnsel vm6, $0x0, v22;
	vm6 =	vmand vm13, vm15;
	vm15 =	veq.s32 v15, $0x5  }
0x47: {  	v19 =	vnsel vm7, $0x0, v23;
	vm7 =	vmor vm14, vm15;
	vm14 =	vgt.f32 v13, v27  }
0x48: {  	vm13 =	vgt.f32 v1, $0.0e+00;
	v15 =	vld [tilespmem:$0x290];
	v1 =	vmul.f32 $1.442695020e+00, v30;
	v28 =	vpop (erf);
	v9 =	vsel vm14, v13, v27  }
0x49: {  	vm8 =	vmor vm13, vm12;
	v21 =	vnsel vm6, $0x0, v28;
	vm15 =	vgt.f32 v24, v9  }
0x4a: {  	v16 =	vld [tilespmem:$0x310];
	vm6 =	vmand vm8, vm7;
	(erf) = vpow2.f32 v1;
	v9 =	vsel vm15, v24, v9  }
0x4b: {  	v10 =	vsel vm14, $0x2, v31;
	vm14 =	vlt.f32 v62, $-Inf;
	vm12 =	vgt.f32 v26, v9  }
0x4c: {  	v17 =	vld [tilespmem:$0x390];
	v37 =	vpop (erf);
	vm8 =	vlt.f32 v49, $0.0e+00;
	(erf) = vpow2.f32 v14;
	v9 =	vsel vm12, v26, v9  }
0x4d: {  	v20 =	vnsel vm6, $0x0, v37;
	vm3 =	vmor vm9, vm8;
	vm13 =	vgt.f32 v15, v9  }
0x4e: {  	v32 =	vsel vm15, $0x3, v10;
	vm15 =	vgt.f32 v62, $-Inf;
	v9 =	vsel vm13, v15, v9  }
0x4f: {  	vm5 =	vmor vm15, vm14;
	v1 =	vsel vm12, $0x4, v32;
	vm2 =	vgt.f32 v16, v9  }
0x50: {  	vm14 =	vgt.f32 v5, $0.0e+00;
	v1 =	vsel vm13, $0x5, v1;
	v9 =	vsel vm2, v16, v9  }
0x51: {  	vm13 =	vlt.f32 v5, $0.0e+00;
	v1 =	vsel vm2, $0x6, v1;
	vm1 =	vgt.f32 v17, v9  }
0x52: {  	vm0 =	vmand vm3, vm0;
	vm15 =	vmor vm14, vm13;
	v34 =	vsel vm1, $0x7, v1  }
0x53: {  	vm4 =	vmand vm15, vm4;
	v38 =	vpop (erf);
	v1 =	vadd.f32 v35, v3;
	vm12 =	vne.s32 v34, $0x0  }
0x54: {  	v39 =	vnsel vm4, $0x0, v38;
	v45 =	vsel vm1, v17, v9;
	vm5 =	vmand vm5, vm12  }
0x55: {  	v42 =	vpop (erf);
	vm14 =	vne.s32 v34, $0x2;
	vm10 =	vne.s32 v34, $0x3;
	v36 =	vnsel vm5, $0xFF800000, v62  }
0x56: {  	v43 =	vnsel vm0, $0x0, v42;
	vm12 =	vne.s32 v34, $0x1;
	vm13 =	vgt.f32 v63, v36  }
0x57: {  	v9 =	vsub.f32 v62, v45;
	v47 =	vsub.f32 v63, v45;
	vm7 =	vmand vm12, vm13  }
0x58: {  	[tilespmem:$0x1FEA0] =	vst v19;
	v50 =	vsub.f32 v13, v45;
	v19 =	vadd.f32 v1, v19;
	v5 =	vsel vm7, v63, v36  }
0x59: {  	v51 =	vsub.f32 v24, v45;
	v52 =	vsub.f32 v26, v45;
	vm15 =	vgt.f32 v13, v5  }
0x5a: {  	v57 =	vsub.f32 v15, v45;
	v40 =	vadd.f32 v19, v21;
	vm4 =	vmand vm14, vm15  }
0x5b: {  	vm8 =	veq.s32 v34, $0x4;
	v33 =	vsub.f32 v16, v45;
	v5 =	vsel vm4, v13, v5  }
0x5c: {  	v35 =	vsub.f32 v17, v45;
	v41 =	vadd.f32 v40, v20;
	vm11 =	vgt.f32 v24, v5  }
0x5d: {  	vm5 =	vmneg vm1;
	v9 =	vmul.f32 $1.442695020e+00, v9;
	vm3 =	vmand vm10, vm11  }
0x5e: {  	v14 =	vmul.f32 $1.442695020e+00, v47;
	v0 =	vadd.f32 v41, v39;
	v5 =	vsel vm3, v24, v5  }
0x5f: {  	v19 =	vmul.f32 $1.442695020e+00, v33;
	vm12 =	vne.s32 v34, $0x4;
	vm13 =	vgt.f32 v26, v5  }
0x60: {  	vm2 =	vmand vm5, vm2;
	v0 =	vadd.f32 v0, v43;
	vm0 =	vmand vm12, vm13  }
0x61: {  	v46 =	vsel vm7, $0x1, v11;
	vm14 =	vne.s32 v34, $0x5;
	v44 =	vsel vm0, v26, v5  }
0x62: {  	vm10 =	vlt.f32 v26, $0.0e+00;
	(erf) = vrcp.f32 v0;
	vm15 =	vgt.f32 v15, v44  }
0x63: {  	(erf) = vpow2.f32 v9;
	v5 =	vsel vm4, $0x2, v46;
	vm11 =	vmand vm14, vm15  }
0x64: {  	vm12 =	vne.s32 v34, $0x6;
	v5 =	vsel vm3, $0x3, v5;
	v0 =	vsel vm11, v15, v44  }
0x65: {  	(erf) = vpow2.f32 v14;
	v5 =	vsel vm0, $0x4, v5;
	vm13 =	vgt.f32 v16, v0  }
0x66: {  	vm14 =	veq.s32 v34, $0x0;
	v5 =	vsel vm11, $0x5, v5;
	vm6 =	vmand vm12, vm13  }
0x67: {  	vm11 =	vgt.f32 v26, $0.0e+00;
	vm12 =	vlt.f32 v62, $0.0e+00;
	v0 =	vsel vm6, v16, v0  }
0x68: {  	vm13 =	vgt.f32 v62, $0.0e+00;
	vm4 =	vgt.f32 v17, v0;
	v0 =	vmul.f32 $1.442695020e+00, v50  }
0x69: {  	v48 =	vsel vm6, $0x6, v5;
	v5 =	vmul.f32 $1.442695020e+00, v52;
	vm0 =	vmand vm4, vm5  }
0x6a: {  	vm1 =	vmor vm1, vm4;
	v49 =	vsel vm0, $0x7, v48;
	(erf) = vpow2.f32 v0  }
0x6b: {  	v0 =	vmul.f32 $1.442695020e+00, v51;
	vm15 =	veq.s32 v49, $0x0;
	vm9 =	veq.s32 v49, $0x4  }
0x6c: {  	v14 =	vpop (erf);
	vm3 =	vmor vm14, vm15;
	vm14 =	vmor vm13, vm12;
	vm15 =	veq.s32 v34, $0x1  }
0x6d: {  	v53 =	vpop (erf);
	vm12 =	veq.s32 v49, $0x1;
	vm13 =	vlt.f32 v63, $0.0e+00;
	(erf) = vpow2.f32 v0  }
0x6e: {  	v0 =	vmul.f32 $1.442695020e+00, v57;
	vm8 =	vmor vm8, vm9;
	vm3 =	vmand vm14, vm3  }
0x6f: {  	v55 =	vpop (erf);
	vm14 =	vgt.f32 v63, $0.0e+00;
	vm7 =	vmor vm15, vm12;
	(erf) = vpow2.f32 v5  }
0x70: {  	v56 =	vld [tilespmem:$0x20];
	vm15 =	vmor vm14, vm13;
	v54 =	vnsel vm3, $0x0, v53;
	vm13 =	veq.s32 v34, $0x2  }
0x71: {  	v22 =	vld [tilespmem:$0xA0];
	vm14 =	veq.s32 v49, $0x2;
	vm12 =	vmand vm15, vm7;
	vm15 =	vlt.f32 v13, $0.0e+00  }
0x72: {  	vm3 =	vmor vm13, vm14;
	v7 =	vnsel vm12, $0x0, v55;
	vm12 =	vgt.f32 v13, $0.0e+00  }
0x73: {  	vm14 =	veq.s32 v34, $0x3;
	vm13 =	vmor vm12, vm15;
	vm15 =	veq.s32 v49, $0x3  }
0x74: {  	v59 =	vld [tilespmem:$0x120];
	vm12 =	vlt.f32 v24, $0.0e+00;
	vm3 =	vmand vm13, vm3;
	vm13 =	vgt.f32 v24, $0.0e+00  }
0x75: {  	v37 =	vadd.f32 v7, v54;
	v58 =	vpop (erf);
	vm7 =	vmor vm13, vm12;
	(erf) = vpow2.f32 v0  }
0x76: {  	v61 =	vld [tilespmem:$0x1A0];
	vm12 =	vgt.f32 v22, v56;
	vm13 =	veq.s32 v49, $0x5;
	v60 =	vnsel vm3, $0x0, v58  }
0x77: {  	vm3 =	vmor vm14, vm15;
	vm14 =	vmor vm11, vm10;
	v28 =	vsel vm12, v22, v56  }
0x78: {  	v63 =	vld [tilespmem:$0x220];
	v31 =	vsel vm12, $0x1, v11;
	vm12 =	vmneg vm0;
	vm3 =	vmand vm7, vm3  }
0x79: {  	v62 =	vpop (erf);
	vm15 =	vmand vm14, vm8;
	vm8 =	vgt.f32 v59, v28;
	vm14 =	vlt.f32 v15, $0.0e+00  }
0x7a: {  	v0 =	vld [tilespmem:$0x2A0];
	v38 =	vadd.f32 v37, v60;
	v25 =	vnsel vm3, $0x0, v62;
	v6 =	vsel vm8, v59, v28  }
0x7b: {  	v29 =	vpop (erf);
	vm3 =	veq.s32 v34, $0x5;
	v10 =	vsel vm8, $0x2, v31;
	vm9 =	vgt.f32 v61, v6  }
0x7c: {  	v24 =	vld [tilespmem:$0x320];
	v30 =	vnsel vm15, $0x0, v29;
	vm15 =	vgt.f32 v15, $0.0e+00;
	v6 =	vsel vm9, v61, v6  }
0x7d: {  	vm3 =	vmor vm3, vm13;
	vm13 =	vmor vm15, vm14;
	vm14 =	vgt.f32 v63, v6  }
0x7e: {  	v26 =	vld [tilespmem:$0x3A0];
	(erf) = vpow2.f32 v19;
	v10 =	vsel vm9, $0x3, v10;
	v6 =	vsel vm14, v63, v6  }
0x7f: {  	vm9 =	vmand vm12, vm6;
	vm12 =	vlt.f32 v16, $0.0e+00;
	vm15 =	vgt.f32 v0, v6  }
0x80: {  	vm3 =	vmand vm13, vm3;
	vm13 =	vlt.f32 v56, $-Inf;
	v32 =	vpop (erf);
	v6 =	vsel vm15, v0, v6  }
0x81: {  	v10 =	vsel vm14, $0x4, v10;
	v34 =	vnsel vm3, $0x0, v32;
	vm3 =	vgt.f32 v24, v6  }
0x82: {  	vm5 =	vmor vm2, vm9;
	v10 =	vsel vm15, $0x5, v10;
	v6 =	vsel vm3, v24, v6  }
0x83: {  	vm14 =	vgt.f32 v56, $-Inf;
	v10 =	vsel vm3, $0x6, v10;
	vm0 =	vgt.f32 v26, v6  }
0x84: {  	vm7 =	vmor vm14, vm13;
	vm13 =	vgt.f32 v16, $0.0e+00;
	v23 =	vsel vm0, $0x7, v10  }
0x85: {  	v10 =	vmul.f32 $1.442695020e+00, v35;
	v42 =	vsel vm0, v26, v6;
	vm15 =	vne.s32 v23, $0x0  }
0x86: {  	vm11 =	vne.s32 v23, $0x1;
	v45 =	vsub.f32 v56, v42;
	v48 =	vsub.f32 v22, v42  }
0x87: {  	vm14 =	vne.s32 v23, $0x2;
	v51 =	vsub.f32 v59, v42;
	v52 =	vsub.f32 v61, v42  }
0x88: {  	v55 =	vsub.f32 v63, v42;
	vm10 =	vmand vm7, vm15;
	(erf) = vpow2.f32 v10  }
0x89: {  	[tilespmem:$0x1FF20] =	vst v25;
	v10 =	vadd.f32 v38, v25;
	v25 =	vsub.f32 v26, v42;
	v36 =	vnsel vm10, $0xFF800000, v56  }
0x8a: {  	vm10 =	vne.s32 v23, $0x6;
	v50 =	vmul.f32 $1.442695020e+00, v48;
	v8 =	vmul.f32 $1.442695020e+00, v52  }
0x8b: {  	vm6 =	vgt.f32 v22, v36;
	v10 =	vadd.f32 v10, v30;
	v25 =	vmul.f32 $1.442695020e+00, v25  }
0x8c: {  	vm2 =	vmand vm11, vm6;
	vm6 =	vmor vm13, vm12;
	vm12 =	vne.s32 v23, $0x3  }
0x8d: {  	v2 =	vmovc v18;
	v18 =	vsel vm2, v22, v36;
	vm5 =	vmand vm6, vm5;
	v10 =	vadd.f32 v10, v34  }
0x8e: {  	[tilespmem:$0x1FED0] =	vst v39;
	v39 =	vpop (erf);
	v46 =	vsel vm2, $0x1, v11;
	vm2 =	vmneg vm0;
	vm15 =	vgt.f32 v59, v18  }
0x8f: {  	v40 =	vnsel vm5, $0x0, v39;
	vm3 =	vmand vm2, vm3;
	vm6 =	vmand vm14, vm15  }
0x90: {  	vm14 =	vlt.f32 v17, $0.0e+00;
	vm15 =	vgt.f32 v17, $0.0e+00;
	v18 =	vsel vm6, v59, v18  }
0x91: {  	v10 =	vadd.f32 v10, v40;
	v17 =	vsub.f32 v0, v42;
	vm13 =	vgt.f32 v61, v18  }
0x92: {  	v47 =	vsel vm6, $0x2, v46;
	vm4 =	vmand vm12, vm13;
	vm12 =	vmor vm15, vm14  }
0x93: {  	v29 =	vmul.f32 $1.442695020e+00, v17;
	v41 =	vpop (erf);
	v18 =	vsel vm4, v61, v18;
	vm1 =	vmand vm12, vm1  }
0x94: {  	[tilespmem:$0x1FEE0] =	vst v43;
	vm13 =	vne.s32 v23, $0x4;
	vm14 =	vgt.f32 v63, v18;
	v43 =	vnsel vm1, $0x0, v41  }
0x95: {  	vm15 =	vne.s32 v23, $0x5;
	vm5 =	vmand vm13, vm14;
	v10 =	vadd.f32 v10, v43  }
0x96: {  	vm12 =	veq.s32 v23, $0x0;
	v44 =	vsel vm5, v63, v18;
	v18 =	vmul.f32 $1.442695020e+00, v45  }
0x97: {  	vm14 =	vlt.f32 v56, $0.0e+00;
	vm9 =	vgt.f32 v0, v44;
	(erf) = vrcp.f32 v10  }
0x98: {  	v10 =	vsel vm4, $0x3, v47;
	vm7 =	vmand vm15, vm9;
	(erf) = vpow2.f32 v18  }
0x99: {  	v10 =	vsel vm5, $0x4, v10;
	v6 =	vsel vm7, v0, v44;
	(erf) = vpow2.f32 v50  }
0x9a: {  	vm15 =	vgt.f32 v56, $0.0e+00;
	vm9 =	veq.s32 v23, $0x4;
	vm11 =	vgt.f32 v24, v6  }
0x9b: {  	v10 =	vsel vm7, $0x5, v10;
	vm1 =	vmand vm10, vm11;
	vm11 =	vmor vm15, vm14  }
0x9c: {  	vm14 =	vlt.f32 v22, $0.0e+00;
	vm15 =	vgt.f32 v22, $0.0e+00;
	v6 =	vsel vm1, v24, v6  }
0x9d: {  	v22 =	vsub.f32 v24, v42;
	vm4 =	vgt.f32 v26, v6;
	v6 =	vmul.f32 $1.442695020e+00, v51  }
0x9e: {  	v49 =	vsel vm1, $0x6, v10;
	vm5 =	vmand vm4, vm2;
	vm0 =	vmor vm0, vm4  }
0x9f: {  	v27 =	vsel vm5, $0x7, v49;
	(erf) = vpow2.f32 v6;
	v6 =	vmul.f32 $1.442695020e+00, v55  }
0xa0: {  	vm13 =	veq.s32 v27, $0x0;
	v12 =	vpop (erf);
	(erf) = vpow2.f32 v8;
	vm10 =	veq.s32 v27, $0x4  }
0xa1: {  	vm6 =	vmor vm12, vm13;
	v53 =	vpop (erf);
	vm12 =	veq.s32 v23, $0x1;
	vm13 =	veq.s32 v27, $0x1  }
0xa2: {  	vm6 =	vmand vm11, vm6;
	v56 =	vpop (erf);
	(erf) = vpow2.f32 v6;
	vm11 =	vlt.f32 v63, $0.0e+00  }
0xa3: {  	[tilespmem:$0x1FEF0] =	vst v54;
	v54 =	vnsel vm6, $0x0, v53;
	vm6 =	vmor vm12, vm13;
	vm12 =	vmor vm15, vm14  }
0xa4: {  	vm13 =	veq.s32 v23, $0x2;
	vm14 =	veq.s32 v27, $0x2;
	vm15 =	vlt.f32 v59, $0.0e+00  }
0xa5: {  	vm6 =	vmand vm12, vm6;
	vm12 =	vgt.f32 v59, $0.0e+00;
	vm13 =	vmor vm13, vm14  }
0xa6: {  	v57 =	vnsel vm6, $0x0, v56;
	vm14 =	vmor vm12, vm15;
	vm15 =	veq.s32 v23, $0x3  }
0xa7: {  	v58 =	vld [tilespmem:$0x30];
	vm12 =	veq.s32 v27, $0x3;
	vm6 =	vmand vm14, vm13;
	vm13 =	vlt.f32 v61, $0.0e+00  }
0xa8: {  	v59 =	vld [tilespmem:$0xB0];
	vm14 =	vgt.f32 v61, $0.0e+00;
	vm7 =	vmor vm15, vm12;
	vm12 =	vgt.f32 v63, $0.0e+00  }
0xa9: {  	vm15 =	vmor vm9, vm10;
	vm10 =	vmneg vm5;
	v39 =	vadd.f32 v57, v54  }
0xaa: {  	[tilespmem:$0x1FF30] =	vst v30;
	v30 =	vld [tilespmem:$0x130];
	vm8 =	vmor vm14, vm13;
	vm13 =	vmor vm12, vm11;
	vm14 =	veq.s32 v23, $0x5  }
0xab: {  	[tilespmem:$0x1FF10] =	vst v60;
	vm12 =	vlt.f32 v0, $0.0e+00;
	v23 =	vimm.s32 $0x0;
	vm1 =	vmand vm10, vm1;
	v60 =	vpop (erf)  }
0xac: {  	v6 =	vld [tilespmem:$0x1B0];
	vm7 =	vmand vm8, vm7;
	vm3 =	vmor vm3, vm1;
	v62 =	vnsel vm6, $0x0, v60  }
0xad: {  	vm6 =	vmand vm13, vm15;
	vm15 =	veq.s32 v27, $0x5;
	vm9 =	vgt.f32 v59, v58  }
0xae: {  	v5 =	vld [tilespmem:$0x230];
	v61 =	vpop (erf);
	vm13 =	vgt.f32 v0, $0.0e+00;
	(erf) = vpow2.f32 v29;
	v18 =	vsel vm9, v59, v58  }
0xaf: {  	v63 =	vnsel vm7, $0x0, v61;
	vm7 =	vmor vm14, vm15;
	vm14 =	vgt.f32 v30, v18  }
0xb0: {  	[tilespmem:$0x1FEB0] =	vst v21;
	v19 =	vld [tilespmem:$0x2B0];
	vm8 =	vmor vm13, vm12;
	v37 =	vsel vm9, $0x1, v23;
	v27 =	vsel vm14, v30, v18  }
0xb1: {  	[tilespmem:$0x1FF50] =	vst v40;
	v40 =	vadd.f32 v39, v62;
	vm9 =	vgt.f32 v26, $0.0e+00;
	v28 =	vpop (erf);
	vm15 =	vgt.f32 v6, v27  }
0xb2: {  	[tilespmem:$0x1FF40] =	vst v34;
	v34 =	vld [tilespmem:$0x330];
	v21 =	vnsel vm6, $0x0, v28;
	vm6 =	vmand vm8, vm7;
	v27 =	vsel vm15, v6, v27  }
0xb3: {  	v28 =	vmul.f32 $1.442695020e+00, v22;
	v29 =	vsel vm14, $0x2, v37;
	vm12 =	vgt.f32 v5, v27  }
0xb4: {  	v35 =	vld [tilespmem:$0x3B0];
	vm14 =	vlt.f32 v58, $-Inf;
	vm8 =	vlt.f32 v26, $0.0e+00;
	v27 =	vsel vm12, v5, v27  }
0xb5: {  	v31 =	vadd.f32 v40, v63;
	vm4 =	vmor vm9, vm8;
	vm13 =	vgt.f32 v19, v27  }
0xb6: {  	(erf) = vpow2.f32 v28;
	v38 =	vsel vm15, $0x3, v29;
	v27 =	vsel vm13, v19, v27  }
0xb7: {  	vm15 =	vgt.f32 v58, $-Inf;
	v28 =	vsel vm12, $0x4, v38;
	vm2 =	vgt.f32 v34, v27  }
0xb8: {  	v46 =	vadd.f32 v31, v21;
	v28 =	vsel vm13, $0x5, v28;
	v27 =	vsel vm2, v34, v27  }
0xb9: {  	vm0 =	vmand vm4, vm0;
	v28 =	vsel vm2, $0x6, v28;
	vm1 =	vgt.f32 v35, v27  }
0xba: {  	vm5 =	vmor vm15, vm14;
	(erf) = vpow2.f32 v25;
	v33 =	vsel vm1, $0x7, v28  }
0xbb: {  	vm14 =	vgt.f32 v24, $0.0e+00;
	vm13 =	vlt.f32 v24, $0.0e+00;
	v42 =	vpop (erf);
	vm12 =	vne.s32 v33, $0x0  }
0xbc: {  	vm15 =	vmor vm14, vm13;
	v44 =	vnsel vm6, $0x0, v42;
	vm5 =	vmand vm5, vm12  }
0xbd: {  	vm3 =	vmand vm15, vm3;
	v47 =	vadd.f32 v46, v44;
	v41 =	vnsel vm5, $0xFF800000, v58  }
0xbe: {  	v36 =	vsel vm1, v35, v27;
	vm12 =	vne.s32 v33, $0x1;
	vm13 =	vgt.f32 v59, v41  }
0xbf: {  	vm14 =	vne.s32 v33, $0x2;
	vm10 =	vne.s32 v33, $0x3;
	vm7 =	vmand vm12, vm13  }
0xc0: {  	[tilespmem:$0x1FF60] =	vst v43;
	v52 =	vsub.f32 v58, v36;
	v53 =	vsub.f32 v59, v36;
	v28 =	vsel vm7, v59, v41  }
0xc1: {  	[tilespmem:$0x1FF70] =	vst v54;
	v43 =	vpop (erf);
	v54 =	vsub.f32 v30, v36;
	v56 =	vsub.f32 v6, v36;
	vm15 =	vgt.f32 v30, v28  }
0xc2: {  	[tilespmem:$0x1FF80] =	vst v57;
	v57 =	vsub.f32 v5, v36;
	v45 =	vnsel vm3, $0x0, v43;
	vm3 =	vmand vm14, vm15  }
0xc3: {  	v46 =	vsub.f32 v19, v36;
	vm8 =	veq.s32 v33, $0x4;
	v28 =	vsel vm3, v30, v28  }
0xc4: {  	v17 =	vsub.f32 v34, v36;
	v48 =	vpop (erf);
	v49 =	vadd.f32 v47, v45;
	vm11 =	vgt.f32 v6, v28  }
0xc5: {  	v50 =	vnsel vm0, $0x0, v48;
	vm5 =	vmneg vm1;
	vm4 =	vmand vm10, vm11  }
0xc6: {  	v31 =	vmul.f32 $1.442695020e+00, v53;
	v55 =	vmul.f32 $1.442695020e+00, v54;
	v28 =	vsel vm4, v6, v28  }
0xc7: {  	v29 =	vadd.f32 v49, v50;
	vm12 =	vne.s32 v33, $0x4;
	vm13 =	vgt.f32 v5, v28  }
0xc8: {  	v60 =	vmul.f32 $1.442695020e+00, v57;
	v48 =	vmul.f32 $1.442695020e+00, v46;
	vm0 =	vmand vm12, vm13  }
0xc9: {  	vm2 =	vmand vm5, vm2;
	(erf) = vrcp.f32 v29;
	v28 =	vsel vm0, v5, v28  }
0xca: {  	v29 =	vmul.f32 $1.442695020e+00, v52;
	vm14 =	vne.s32 v33, $0x5;
	vm15 =	vgt.f32 v19, v28  }
0xcb: {  	v51 =	vsel vm7, $0x1, v23;
	v23 =	vimm.s32 $0x0;
	vm11 =	vmand vm14, vm15  }
0xcc: {  	v27 =	vsel vm3, $0x2, v51;
	(erf) = vpow2.f32 v29;
	v28 =	vsel vm11, v19, v28  }
0xcd: {  	(erf) = vpow2.f32 v31;
	vm12 =	vne.s32 v33, $0x6;
	vm13 =	vgt.f32 v34, v28  }
0xce: {  	(erf) = vpow2.f32 v55;
	v27 =	vsel vm4, $0x3, v27;
	vm6 =	vmand vm12, vm13  }
0xcf: {  	vm10 =	vlt.f32 v5, $0.0e+00;
	v27 =	vsel vm0, $0x4, v27;
	v28 =	vsel vm6, v34, v28  }
0xd0: {  	vm14 =	veq.s32 v33, $0x0;
	v27 =	vsel vm11, $0x5, v27;
	vm4 =	vgt.f32 v35, v28  }
0xd1: {  	vm11 =	vgt.f32 v5, $0.0e+00;
	v27 =	vsel vm6, $0x6, v27;
	vm0 =	vmand vm4, vm5  }
0xd2: {  	vm12 =	vlt.f32 v58, $0.0e+00;
	vm13 =	vgt.f32 v58, $0.0e+00;
	v38 =	vsel vm0, $0x7, v27  }
0xd3: {  	v58 =	vmul.f32 $1.442695020e+00, v56;
	vm1 =	vmor vm1, vm4;
	vm15 =	veq.s32 v38, $0x0  }
0xd4: {  	vm9 =	veq.s32 v38, $0x4;
	vm3 =	vmor vm14, vm15;
	vm14 =	vmor vm13, vm12  }
0xd5: {  	vm15 =	veq.s32 v33, $0x1;
	vm12 =	veq.s32 v38, $0x1;
	vm13 =	vlt.f32 v59, $0.0e+00  }
0xd6: {  	v29 =	vpop (erf);
	vm8 =	vmor vm8, vm9;
	vm3 =	vmand vm14, vm3;
	vm14 =	vgt.f32 v59, $0.0e+00  }
0xd7: {  	v59 =	vpop (erf);
	vm7 =	vmor vm15, vm12;
	(erf) = vpow2.f32 v58;
	vm15 =	vmor vm14, vm13  }
0xd8: {  	[tilespmem:$0x1FFA0] =	vst v63;
	v63 =	vld [tilespmem:$0x40];
	v28 =	vnsel vm3, $0x0, v59;
	v61 =	vpop (erf);
	vm13 =	veq.s32 v33, $0x2;
	(erf) = vpow2.f32 v60  }
0xd9: {  	v40 =	vld [tilespmem:$0xC0];
	vm14 =	veq.s32 v38, $0x2;
	vm12 =	vmand vm15, vm7;
	vm15 =	vlt.f32 v30, $0.0e+00  }
0xda: {  	[tilespmem:$0x1FF90] =	vst v62;
	vm3 =	vmor vm13, vm14;
	v62 =	vnsel vm12, $0x0, v61;
	vm12 =	vgt.f32 v30, $0.0e+00  }
0xdb: {  	vm14 =	veq.s32 v33, $0x3;
	v47 =	vpop (erf);
	(erf) = vpow2.f32 v48;
	vm13 =	vmor vm12, vm15  }
0xdc: {  	v37 =	vld [tilespmem:$0x140];
	vm15 =	veq.s32 v38, $0x3;
	vm12 =	vlt.f32 v6, $0.0e+00;
	vm3 =	vmand vm13, vm3  }
0xdd: {  	[tilespmem:$0x1FFB0] =	vst v21;
	v21 =	vadd.f32 v62, v28;
	vm13 =	vgt.f32 v6, $0.0e+00;
	v30 =	vnsel vm3, $0x0, v47  }
0xde: {  	v39 =	vld [tilespmem:$0x1C0];
	vm3 =	vmor vm14, vm15;
	vm7 =	vmor vm13, vm12;
	vm12 =	vgt.f32 v40, v63  }
0xdf: {  	vm14 =	vmor vm11, vm10;
	vm13 =	veq.s32 v38, $0x5;
	v38 =	vmul.f32 $1.442695020e+00, v17  }
0xe0: {  	v58 =	vsel vm12, v40, v63;
	vm3 =	vmand vm7, vm3;
	vm15 =	vmand vm14, vm8  }
0xe1: {  	[tilespmem:$0x1FFE0] =	vst v50;
	v50 =	vld [tilespmem:$0x240];
	vm14 =	vlt.f32 v19, $0.0e+00;
	v15 =	vsel vm12, $0x1, v23;
	vm8 =	vgt.f32 v37, v58  }
0xe2: {  	vm12 =	vmneg vm0;
	v22 =	vadd.f32 v21, v30;
	v49 =	vpop (erf);
	v10 =	vsel vm8, v37, v58  }
0xe3: {  	v59 =	vld [tilespmem:$0x2C0];
	v32 =	vpop (erf);
	v31 =	vnsel vm3, $0x0, v49;
	vm3 =	veq.s32 v33, $0x5;
	vm9 =	vgt.f32 v39, v10  }
0xe4: {  	(erf) = vpow2.f32 v38;
	v32 =	vnsel vm15, $0x0, v32;
	vm15 =	vgt.f32 v19, $0.0e+00  }
0xe5: {  	v42 =	vld [tilespmem:$0x340];
	v13 =	vsel vm9, v39, v10;
	vm3 =	vmor vm3, vm13;
	v10 =	vsel vm8, $0x2, v15  }
0xe6: {  	v19 =	vsub.f32 v35, v36;
	vm13 =	vmor vm15, vm14;
	vm14 =	vgt.f32 v50, v13  }
0xe7: {  	[tilespmem:$0x1FFC0] =	vst v44;
	v44 =	vld [tilespmem:$0x3C0];
	v10 =	vsel vm9, $0x3, v10;
	vm9 =	vmand vm12, vm6;
	v0 =	vsel vm14, v50, v13  }
0xe8: {  	vm12 =	vlt.f32 v34, $0.0e+00;
	vm3 =	vmand vm13, vm3;
	vm15 =	vgt.f32 v59, v0  }
0xe9: {  	v16 =	vpop (erf);
	v10 =	vsel vm14, $0x4, v10;
	vm13 =	vlt.f32 v63, $-Inf;
	v0 =	vsel vm15, v59, v0  }
0xea: {  	vm14 =	vgt.f32 v63, $-Inf;
	v33 =	vnsel vm3, $0x0, v16;
	vm3 =	vgt.f32 v42, v0  }
0xeb: {  	vm5 =	vmor vm2, vm9;
	v10 =	vsel vm15, $0x5, v10;
	v41 =	vsel vm3, v42, v0  }
0xec: {  	v18 =	vsel vm3, $0x6, v10;
	v10 =	vmul.f32 $1.442695020e+00, v19;
	vm0 =	vgt.f32 v44, v41  }
0xed: {  	vm7 =	vmor vm14, vm13;
	vm13 =	vgt.f32 v34, $0.0e+00;
	v0 =	vsel vm0, $0x7, v18  }
0xee: {  	(erf) = vpow2.f32 v10;
	v10 =	vadd.f32 v22, v31;
	v43 =	vsel vm0, v44, v41  }
0xef: {  	[tilespmem:$0x1FEC0] =	vst v20;
	vm15 =	vne.s32 v0, $0x0;
	vm11 =	vne.s32 v0, $0x1;
	v26 =	vsub.f32 v63, v43  }
0xf0: {  	[tilespmem:$0x1FFD0] =	vst v45;
	vm14 =	vne.s32 v0, $0x2;
	v45 =	vsub.f32 v40, v43;
	v51 =	vsub.f32 v37, v43  }
0xf1: {  	[tilespmem:$0x1FF00] =	vst v7;
	v52 =	vsub.f32 v39, v43;
	v54 =	vsub.f32 v50, v43;
	vm10 =	vmand vm7, vm15  }
0xf2: {  	[tilespmem:$0x1FFF0] =	vst v62;
	v62 =	vsub.f32 v59, v43;
	v7 =	vsub.f32 v42, v43;
	v20 =	vnsel vm10, $0xFF800000, v63  }
0xf3: {  	v43 =	vsub.f32 v44, v43;
	v10 =	vadd.f32 v10, v32;
	vm6 =	vgt.f32 v40, v20  }
0xf4: {  	v38 =	vmul.f32 $1.442695020e+00, v26;
	vm10 =	vne.s32 v0, $0x6;
	vm2 =	vmand vm11, vm6  }
0xf5: {  	v46 =	vmul.f32 $1.442695020e+00, v45;
	v8 =	vmul.f32 $1.442695020e+00, v51;
	v36 =	vsel vm2, v40, v20  }
0xf6: {  	v10 =	vadd.f32 v10, v33;
	vm6 =	vmor vm13, vm12;
	vm15 =	vgt.f32 v37, v36  }
0xf7: {  	vm12 =	vne.s32 v0, $0x3;
	vm5 =	vmand vm6, vm5;
	vm6 =	vmand vm14, vm15  }
0xf8: {  	v24 =	vpop (erf);
	vm14 =	vlt.f32 v35, $0.0e+00;
	vm15 =	vgt.f32 v35, $0.0e+00;
	v36 =	vsel vm6, v37, v36  }
0xf9: {  	v34 =	vnsel vm5, $0x0, v24;
	vm11 =	vmor vm15, vm14;
	vm13 =	vgt.f32 v39, v36  }
0xfa: {  	v10 =	vadd.f32 v10, v34;
	v25 =	vpop (erf);
	vm1 =	vmand vm11, vm1;
	vm4 =	vmand vm12, vm13  }
0xfb: {  	v43 =	vmul.f32 $1.442695020e+00, v43;
	v35 =	vnsel vm1, $0x0, v25;
	v36 =	vsel vm4, v39, v36  }
0xfc: {  	vm12 =	vne.s32 v0, $0x4;
	v10 =	vadd.f32 v10, v35;
	vm13 =	vgt.f32 v50, v36  }
0xfd: {  	v27 =	vsel vm2, $0x1, v23;
	vm14 =	vne.s32 v0, $0x5;
	vm5 =	vmand vm12, vm13  }
0xfe: {  	v41 =	vsel vm6, $0x2, v27;
	(erf) = vrcp.f32 v10;
	v36 =	vsel vm5, v50, v36  }
0xff: {  	v10 =	vsel vm4, $0x3, v41;
	vm4 =	vmneg vm0;
	vm15 =	vgt.f32 v59, v36  }
0x100: {  	vm12 =	veq.s32 v0, $0x0;
	(erf) = vpow2.f32 v38;
	vm9 =	vmand vm14, vm15  }
0x101: {  	v10 =	vsel vm5, $0x4, v10;
	(erf) = vpow2.f32 v46;
	v36 =	vsel vm9, v59, v36  }
0x102: {  	vm14 =	vlt.f32 v63, $0.0e+00;
	vm15 =	vgt.f32 v63, $0.0e+00;
	vm11 =	vgt.f32 v42, v36  }
0x103: {  	(erf) = vpow2.f32 v8;
	v8 =	vmul.f32 $1.442695020e+00, v54;
	vm1 =	vmand vm10, vm11  }
0x104: {  	v10 =	vsel vm9, $0x5, v10;
	vm9 =	veq.s32 v0, $0x4;
	v36 =	vsel vm1, v42, v36  }
0x105: {  	vm11 =	vmor vm15, vm14;
	vm14 =	vlt.f32 v40, $0.0e+00;
	vm2 =	vgt.f32 v44, v36  }
0x106: {  	vm15 =	vgt.f32 v40, $0.0e+00;
	v10 =	vsel vm1, $0x6, v10;
	vm5 =	vmand vm2, vm4  }
0x107: {  	vm4 =	vmand vm4, vm3;
	vm0 =	vmor vm0, vm2;
	v47 =	vsel vm5, $0x7, v10  }
0x108: {  	v10 =	vmul.f32 $1.442695020e+00, v52;
	vm13 =	veq.s32 v47, $0x0;
	vm10 =	veq.s32 v47, $0x4  }
0x109: {  	v38 =	vpop (erf);
	vm6 =	vmor vm12, vm13;
	vm12 =	veq.s32 v0, $0x1;
	vm13 =	veq.s32 v47, $0x1  }
0x10a: {  	v53 =	vpop (erf);
	(erf) = vpow2.f32 v10;
	vm6 =	vmand vm11, vm6;
	vm11 =	vmor vm15, vm14  }
0x10b: {  	v57 =	vld [tilespmem:$0xD0];
	vm14 =	vlt.f32 v37, $0.0e+00;
	vm15 =	vgt.f32 v37, $0.0e+00;
	v36 =	vnsel vm6, $0x0, v53  }
0x10c: {  	v56 =	vld [tilespmem:$0x50];
	vm6 =	vmor vm12, vm13;
	vm12 =	veq.s32 v0, $0x2;
	vm13 =	veq.s32 v47, $0x2  }
0x10d: {  	v55 =	vpop (erf);
	(erf) = vpow2.f32 v8;
	vm6 =	vmand vm11, vm6;
	vm12 =	vmor vm12, vm13  }
0x10e: {  	vm13 =	vmor vm15, vm14;
	vm14 =	veq.s32 v0, $0x3;
	vm15 =	veq.s32 v47, $0x3  }
0x10f: {  	vm11 =	vlt.f32 v50, $0.0e+00;
	v37 =	vnsel vm6, $0x0, v55;
	vm6 =	vmand vm13, vm12  }
0x110: {  	vm12 =	vlt.f32 v39, $0.0e+00;
	vm13 =	vgt.f32 v39, $0.0e+00;
	vm7 =	vmor vm14, vm15  }
0x111: {  	v60 =	vpop (erf);
	vm14 =	vmor vm9, vm10;
	vm9 =	vgt.f32 v57, v56;
	vm8 =	vmor vm13, vm12  }
0x112: {  	v49 =	vld [tilespmem:$0x150];
	vm12 =	vgt.f32 v50, $0.0e+00;
	v39 =	vnsel vm6, $0x0, v60;
	vm13 =	veq.s32 v47, $0x5  }
0x113: {  	v63 =	vsel vm9, v57, v56;
	v47 =	vsel vm9, $0x1, v23;
	v11 =	vadd.f32 v37, v36  }
0x114: {  	v48 =	vld [tilespmem:$0x1D0];
	vm9 =	vgt.f32 v44, $0.0e+00;
	vm7 =	vmand vm8, vm7;
	vm15 =	vmor vm12, vm11  }
0x115: {  	vm12 =	veq.s32 v0, $0x5;
	v0 =	vmul.f32 $1.442695020e+00, v62;
	vm6 =	vmand vm15, vm14  }
0x116: {  	v6 =	vld [tilespmem:$0x250];
	vm14 =	vlt.f32 v59, $0.0e+00;
	vm15 =	vgt.f32 v59, $0.0e+00;
	v13 =	vadd.f32 v11, v39;
	v61 =	vpop (erf)  }
0x117: {  	v40 =	vnsel vm7, $0x0, v61;
	vm7 =	vmor vm12, vm13;
	vm12 =	vgt.f32 v49, v63  }
0x118: {  	v5 =	vld [tilespmem:$0x2D0];
	vm8 =	vmor vm15, vm14;
	vm14 =	vmneg vm5;
	v46 =	vsel vm12, v49, v63  }
0x119: {  	(erf) = vpow2.f32 v0;
	vm1 =	vmand vm14, vm1;
	vm13 =	vgt.f32 v48, v46  }
0x11a: {  	v0 =	vld [tilespmem:$0x350];
	vm14 =	vgt.f32 v56, $-Inf;
	v45 =	vpop (erf);
	vm4 =	vmor vm4, vm1;
	v46 =	vsel vm13, v48, v46  }
0x11b: {  	v41 =	vnsel vm6, $0x0, v45;
	vm6 =	vmand vm8, vm7;
	vm15 =	vgt.f32 v6, v46  }
0x11c: {  	v52 =	vld [tilespmem:$0x3D0];
	v45 =	vmul.f32 $1.442695020e+00, v7;
	v47 =	vsel vm12, $0x2, v47;
	v46 =	vsel vm15, v6, v46  }
0x11d: {  	v51 =	vadd.f32 v13, v40;
	vm8 =	vgt.f32 v56, $0.0e+00;
	vm12 =	vgt.f32 v5, v46  }
0x11e: {  	(erf) = vpow2.f32 v45;
	v9 =	vsel vm13, $0x3, v47;
	v46 =	vsel vm12, v5, v46  }
0x11f: {  	vm13 =	vlt.f32 v56, $-Inf;
	v45 =	vsel vm15, $0x4, v9;
	vm3 =	vgt.f32 v0, v46  }
0x120: {  	vm5 =	vmor vm14, vm13;
	v45 =	vsel vm12, $0x5, v45;
	v46 =	vsel vm3, v0, v46  }
0x121: {  	(erf) = vpow2.f32 v43;
	v45 =	vsel vm3, $0x6, v45;
	vm1 =	vgt.f32 v52, v46  }
0x122: {  	vm13 =	vgt.f32 v42, $0.0e+00;
	vm12 =	vlt.f32 v42, $0.0e+00;
	v50 =	vsel vm1, $0x7, v45  }
0x123: {  	v18 =	vadd.f32 v51, v41;
	v16 =	vpop (erf);
	vm14 =	vmor vm13, vm12;
	vm15 =	vne.s32 v50, $0x0  }
0x124: {  	vm4 =	vmand vm14, vm4;
	v43 =	vnsel vm6, $0x0, v16;
	vm5 =	vmand vm5, vm15  }
0x125: {  	v19 =	vadd.f32 v18, v43;
	v53 =	vsel vm1, v52, v46;
	v15 =	vnsel vm5, $0xFF800000, v56  }
0x126: {  	vm13 =	vne.s32 v50, $0x2;
	vm15 =	vne.s32 v50, $0x1;
	vm12 =	vgt.f32 v57, v15  }
0x127: {  	vm10 =	vne.s32 v50, $0x3;
	v24 =	vsub.f32 v56, v53;
	vm5 =	vmand vm15, vm12  }
0x128: {  	v25 =	vsub.f32 v57, v53;
	v58 =	vsub.f32 v49, v53;
	v45 =	vsel vm5, v57, v15  }
0x129: {  	v17 =	vpop (erf);
	v60 =	vsub.f32 v48, v53;
	vm15 =	vlt.f32 v44, $0.0e+00;
	vm14 =	vgt.f32 v49, v45  }
0x12a: {  	v42 =	vnsel vm4, $0x0, v17;
	vm2 =	vmor vm9, vm15;
	vm6 =	vmand vm13, vm14  }
0x12b: {  	v20 =	vpop (erf);
	v21 =	vadd.f32 v19, v42;
	vm0 =	vmand vm2, vm0;
	v45 =	vsel vm6, v49, v45  }
0x12c: {  	v63 =	vsub.f32 v6, v53;
	v44 =	vnsel vm0, $0x0, v20;
	vm11 =	vgt.f32 v48, v45  }
0x12d: {  	v9 =	vsub.f32 v5, v53;
	v47 =	vadd.f32 v21, v44;
	vm2 =	vmand vm10, vm11  }
0x12e: {  	vm4 =	vmneg vm1;
	vm12 =	vne.s32 v50, $0x4;
	v45 =	vsel vm2, v48, v45  }
0x12f: {  	(erf) = vrcp.f32 v47;
	v47 =	vmul.f32 $1.442695020e+00, v24;
	vm13 =	vgt.f32 v6, v45  }
0x130: {  	v51 =	vmul.f32 $1.442695020e+00, v25;
	v59 =	vmul.f32 $1.442695020e+00, v58;
	vm0 =	vmand vm12, vm13  }
0x131: {  	v8 =	vmul.f32 $1.442695020e+00, v60;
	(erf) = vpow2.f32 v47;
	v45 =	vsel vm0, v6, v45  }
0x132: {  	vm14 =	vne.s32 v50, $0x5;
	(erf) = vpow2.f32 v51;
	vm15 =	vgt.f32 v5, v45  }
0x133: {  	v1 =	vmul.f32 $1.442695020e+00, v63;
	v22 =	vsel vm5, $0x1, v23;
	vm9 =	vmand vm14, vm15  }
0x134: {  	v46 =	vsel vm6, $0x2, v22;
	vm10 =	vne.s32 v50, $0x6;
	v45 =	vsel vm9, v5, v45  }
0x135: {  	v46 =	vsel vm2, $0x3, v46;
	vm2 =	vlt.f32 v56, $0.0e+00;
	vm11 =	vgt.f32 v0, v45  }
0x136: {  	vm2 =	vmor vm8, vm2;
	vm8 =	veq.s32 v50, $0x5;
	vm6 =	vmand vm10, vm11  }
0x137: {  	vm12 =	veq.s32 v50, $0x0;
	v46 =	vsel vm0, $0x4, v46;
	v45 =	vsel vm6, v0, v45  }
0x138: {  	v46 =	vsel vm9, $0x5, v46;
	vm9 =	veq.s32 v50, $0x1;
	vm5 =	vgt.f32 v52, v45  }
0x139: {  	v47 =	vpop (erf);
	(erf) = vpow2.f32 v59;
	v26 =	vsel vm6, $0x6, v46;
	vm7 =	vmand vm5, vm4  }
0x13a: {  	vm11 =	vlt.f32 v57, $0.0e+00;
	v61 =	vpop (erf);
	(erf) = vpow2.f32 v8;
	v27 =	vsel vm7, $0x7, v26  }
0x13b: {  	v62 =	vpop (erf);
	(erf) = vpow2.f32 v1;
	vm4 =	vmand vm4, vm3;
	vm13 =	veq.s32 v27, $0x0  }
0x13c: {  	vm1 =	vmor vm1, vm5;
	vm10 =	veq.s32 v27, $0x1;
	vm0 =	vmor vm12, vm13  }
0x13d: {  	vm12 =	vgt.f32 v57, $0.0e+00;
	vm14 =	vmor vm9, vm10;
	vm13 =	veq.s32 v27, $0x2  }
0x13e: {  	v10 =	vld [tilespmem:$0x60];
	vm9 =	veq.s32 v27, $0x5;
	vm10 =	vlt.f32 v5, $0.0e+00;
	vm15 =	vmor vm12, vm11  }
0x13f: {  	v8 =	vld [tilespmem:$0xE0];
	vm0 =	vmand vm2, vm0;
	vm12 =	veq.s32 v50, $0x2;
	vm8 =	vmor vm8, vm9  }
0x140: {  	vm9 =	vgt.f32 v0, $0.0e+00;
	vm11 =	vmand vm15, vm14;
	v46 =	vnsel vm0, $0x0, v61  }
0x141: {  	vm14 =	vlt.f32 v49, $0.0e+00;
	vm15 =	vgt.f32 v49, $0.0e+00;
	vm0 =	vmor vm12, vm13  }
0x142: {  	vm12 =	veq.s32 v50, $0x3;
	vm13 =	veq.s32 v27, $0x3;
	v49 =	vmul.f32 $1.442695020e+00, v9  }
0x143: {  	v45 =	vnsel vm11, $0x0, v62;
	vm2 =	vmor vm15, vm14;
	vm14 =	vlt.f32 v48, $0.0e+00  }
0x144: {  	vm15 =	vgt.f32 v48, $0.0e+00;
	vm12 =	vmor vm12, vm13;
	vm11 =	vgt.f32 v8, v10  }
0x145: {  	v55 =	vld [tilespmem:$0x160];
	vm0 =	vmand vm2, vm0;
	vm13 =	vmor vm15, vm14;
	vm14 =	veq.s32 v50, $0x4  }
0x146: {  	v11 =	vpop (erf);
	vm15 =	veq.s32 v27, $0x4;
	(erf) = vpow2.f32 v49;
	v54 =	vsel vm11, v8, v10  }
0x147: {  	v18 =	vsel vm11, $0x1, v23;
	vm11 =	vgt.f32 v10, $-Inf;
	v48 =	vnsel vm0, $0x0, v11  }
0x148: {  	v56 =	vld [tilespmem:$0x1E0];
	vm0 =	vmand vm13, vm12;
	vm12 =	vlt.f32 v6, $0.0e+00;
	vm13 =	vgt.f32 v6, $0.0e+00;
	v13 =	vpop (erf)  }
0x149: {  	vm2 =	vmor vm14, vm15;
	vm14 =	vmor vm13, vm12;
	v49 =	vnsel vm0, $0x0, v13  }
0x14a: {  	v6 =	vld [tilespmem:$0x260];
	vm12 =	vgt.f32 v5, $0.0e+00;
	vm0 =	vmand vm14, vm2;
	vm2 =	vgt.f32 v55, v54  }
0x14b: {  	v21 =	vadd.f32 v45, v46;
	vm15 =	vmor vm12, vm10;
	v15 =	vsel vm2, v55, v54  }
0x14c: {  	v58 =	vld [tilespmem:$0x2E0];
	v16 =	vpop (erf);
	vm12 =	vmand vm15, vm8;
	vm8 =	vlt.f32 v0, $0.0e+00;
	v0 =	vsub.f32 v0, v53  }
0x14d: {  	vm10 =	vlt.f32 v10, $-Inf;
	v50 =	vnsel vm0, $0x0, v16;
	vm13 =	vgt.f32 v56, v15  }
0x14e: {  	v60 =	vld [tilespmem:$0x360];
	v5 =	vsel vm2, $0x2, v18;
	v17 =	vsel vm13, v56, v15;
	v0 =	vmul.f32 $1.442695020e+00, v0  }
0x14f: {  	v53 =	vsub.f32 v52, v53;
	vm10 =	vmor vm11, vm10;
	vm14 =	vgt.f32 v6, v17  }
0x150: {  	v59 =	vld [tilespmem:$0x3E0];
	v51 =	vsel vm14, v6, v17;
	(erf) = vpow2.f32 v0;
	v0 =	vadd.f32 v21, v48  }
0x151: {  	v5 =	vsel vm13, $0x3, v5;
	v53 =	vmul.f32 $1.442695020e+00, v53;
	vm15 =	vgt.f32 v58, v51  }
0x152: {  	v5 =	vsel vm14, $0x4, v5;
	v19 =	vpop (erf);
	v57 =	vsel vm15, v58, v51;
	v0 =	vadd.f32 v0, v49  }
0x153: {  	(erf) = vpow2.f32 v53;
	v51 =	vnsel vm12, $0x0, v19;
	vm0 =	vgt.f32 v60, v57  }
0x154: {  	v5 =	vsel vm15, $0x5, v5;
	v20 =	vsel vm0, v60, v57;
	v0 =	vadd.f32 v0, v50  }
0x155: {  	vm15 =	vmor vm9, vm8;
	v5 =	vsel vm0, $0x6, v5;
	vm2 =	vgt.f32 v59, v20  }
0x156: {  	v5 =	vsel vm2, $0x7, v5;
	v0 =	vadd.f32 v0, v51;
	v61 =	vsel vm2, v59, v20  }
0x157: {  	vm12 =	vne.s32 v5, $0x0;
	v62 =	vsub.f32 v10, v61;
	v13 =	vsub.f32 v8, v61  }
0x158: {  	vm13 =	vne.s32 v5, $0x1;
	v16 =	vsub.f32 v55, v61;
	v18 =	vsub.f32 v56, v61  }
0x159: {  	v21 =	vsub.f32 v6, v61;
	vm11 =	vmand vm10, vm12;
	vm12 =	vmneg vm7  }
0x15a: {  	vm10 =	vne.s32 v5, $0x5;
	v22 =	vnsel vm11, $0xFF800000, v10;
	vm6 =	vmand vm12, vm6  }
0x15b: {  	vm12 =	vne.s32 v5, $0x2;
	vm14 =	vgt.f32 v8, v22;
	vm4 =	vmor vm4, vm6  }
0x15c: {  	v7 =	vmul.f32 $1.442695020e+00, v62;
	vm3 =	vmand vm13, vm14;
	vm4 =	vmand vm15, vm4  }
0x15d: {  	vm14 =	vlt.f32 v52, $0.0e+00;
	vm15 =	vgt.f32 v52, $0.0e+00;
	v53 =	vsel vm3, v8, v22  }
0x15e: {  	v24 =	vpop (erf);
	v19 =	vmul.f32 $1.442695020e+00, v18;
	vm6 =	vmor vm15, vm14;
	vm13 =	vgt.f32 v55, v53  }
0x15f: {  	v52 =	vnsel vm4, $0x0, v24;
	vm15 =	vne.s32 v5, $0x4;
	vm5 =	vmand vm12, vm13  }
0x160: {  	v9 =	vsel vm3, $0x1, v23;
	v24 =	vmul.f32 $1.442695020e+00, v21;
	v53 =	vsel vm5, v55, v53  }
0x161: {  	v21 =	vmul.f32 v14, v2;
	vm12 =	vne.s32 v5, $0x3;
	vm13 =	vgt.f32 v56, v53  }
0x162: {  	vm1 =	vmand vm6, vm1;
	v0 =	vadd.f32 v0, v52;
	vm14 =	vmand vm12, vm13  }
0x163: {  	[tilespmem:$0x400] =	vst v21;
	v21 =	vld [tilespmem:$0x1FF60];
	v57 =	vsel vm5, $0x2, v9;
	vm5 =	vmneg vm2;
	v25 =	vsel vm14, v56, v53  }
0x164: {  	v26 =	vpop (erf);
	vm0 =	vmand vm5, vm0;
	vm12 =	vne.s32 v5, $0x6;
	vm9 =	vgt.f32 v6, v25  }
0x165: {  	v53 =	vnsel vm1, $0x0, v26;
	v11 =	vsel vm14, $0x3, v57;
	vm4 =	vmand vm15, vm9  }
0x166: {  	v57 =	vmul.f32 $1.442695020e+00, v13;
	vm14 =	vlt.f32 v10, $0.0e+00;
	v27 =	vsel vm4, v6, v25  }
0x167: {  	v26 =	vsub.f32 v60, v61;
	v0 =	vadd.f32 v0, v53;
	vm11 =	vgt.f32 v58, v27  }
0x168: {  	v21 =	vmul.f32 v12, v21;
	vm15 =	vgt.f32 v10, $0.0e+00;
	vm6 =	vmand vm10, vm11  }
0x169: {  	(erf) = vrcp.f32 v0;
	v54 =	vsel vm4, $0x4, v11;
	v63 =	vsel vm6, v58, v27  }
0x16a: {  	v25 =	vsub.f32 v58, v61;
	(erf) = vpow2.f32 v7;
	vm13 =	vgt.f32 v60, v63  }
0x16b: {  	(erf) = vpow2.f32 v57;
	vm11 =	vgt.f32 v56, $0.0e+00;
	vm1 =	vmand vm12, vm13  }
0x16c: {  	v15 =	vsel vm6, $0x5, v54;
	v54 =	vmul.f32 $1.442695020e+00, v16;
	v0 =	vsel vm1, v60, v63  }
0x16d: {  	vm6 =	vmor vm15, vm14;
	vm14 =	veq.s32 v5, $0x1;
	vm3 =	vgt.f32 v59, v0  }
0x16e: {  	v27 =	vmul.f32 $1.442695020e+00, v25;
	v0 =	vsel vm1, $0x6, v15;
	vm4 =	vmand vm3, vm5  }
0x16f: {  	vm12 =	veq.s32 v5, $0x0;
	(erf) = vpow2.f32 v54;
	v0 =	vsel vm4, $0x7, v0  }
0x170: {  	vm2 =	vmor vm2, vm3;
	vm4 =	vmneg vm4;
	vm13 =	veq.s32 v0, $0x0  }
0x171: {  	vm15 =	veq.s32 v0, $0x1;
	vm10 =	veq.s32 v0, $0x4;
	vm1 =	vmand vm4, vm1  }
0x172: {  	v54 =	vpop (erf);
	vm8 =	vmor vm12, vm13;
	vm7 =	vmor vm14, vm15;
	vm12 =	vlt.f32 v8, $0.0e+00  }
0x173: {  	v17 =	vpop (erf);
	vm13 =	vgt.f32 v8, $0.0e+00;
	vm14 =	vlt.f32 v55, $0.0e+00;
	vm15 =	vgt.f32 v55, $0.0e+00  }
0x174: {  	v20 =	vpop (erf);
	(erf) = vpow2.f32 v19;
	vm6 =	vmand vm6, vm8;
	vm8 =	vmor vm13, vm12  }
0x175: {  	vm12 =	veq.s32 v5, $0x2;
	vm13 =	veq.s32 v0, $0x2;
	vm9 =	vmor vm15, vm14  }
0x176: {  	vm14 =	veq.s32 v5, $0x5;
	vm15 =	veq.s32 v0, $0x5;
	v55 =	vnsel vm6, $0x0, v17  }
0x177: {  	vm6 =	vmand vm8, vm7;
	vm7 =	vmor vm12, vm13;
	vm8 =	vlt.f32 v56, $0.0e+00  }
0x178: {  	vm12 =	vlt.f32 v6, $0.0e+00;
	vm13 =	vgt.f32 v6, $0.0e+00;
	vm14 =	vmor vm14, vm15  }
0x179: {  	vm7 =	vmand vm9, vm7;
	v57 =	vnsel vm6, $0x0, v20;
	vm6 =	veq.s32 v5, $0x3  }
0x17a: {  	v10 =	vld [tilespmem:$0x70];
	v22 =	vpop (erf);
	vm9 =	veq.s32 v5, $0x4;
	(erf) = vpow2.f32 v24;
	vm12 =	vmor vm13, vm12  }
0x17b: {  	v6 =	vld [tilespmem:$0xF0];
	v56 =	vnsel vm7, $0x0, v22;
	vm7 =	veq.s32 v0, $0x3;
	v0 =	vmul.f32 $1.442695020e+00, v26  }
0x17c: {  	(erf) = vpow2.f32 v27;
	v22 =	vmul.f32 v14, v4;
	v20 =	vadd.f32 v57, v55  }
0x17d: {  	v5 =	vld [tilespmem:$0x170];
	vm6 =	vmor vm6, vm7;
	vm7 =	vmor vm11, vm8;
	vm8 =	vlt.f32 v58, $0.0e+00  }
0x17e: {  	vm11 =	vgt.f32 v58, $0.0e+00;
	vm6 =	vmand vm7, vm6;
	vm7 =	vmor vm9, vm10  }
0x17f: {  	v9 =	vld [tilespmem:$0x1F0];
	vm9 =	vlt.f32 v60, $0.0e+00;
	vm10 =	vgt.f32 v60, $0.0e+00;
	(erf) = vpow2.f32 v0  }
0x180: {  	v0 =	vsub.f32 v59, v61;
	vm8 =	vmor vm11, vm8;
	vm13 =	vgt.f32 v6, v10  }
0x181: {  	v63 =	vld [tilespmem:$0x270];
	vm12 =	vmand vm12, vm7;
	vm7 =	vgt.f32 v59, $0.0e+00;
	v1 =	vsel vm13, v6, v10  }
0x182: {  	vm8 =	vmand vm8, vm14;
	v60 =	vmul.f32 $1.442695020e+00, v0;
	vm15 =	vgt.f32 v5, v1  }
0x183: {  	v15 =	vsel vm13, $0x1, v23;
	vm13 =	vlt.f32 v10, $-Inf;
	v58 =	vpop (erf);
	v8 =	vsel vm15, v5, v1  }
0x184: {  	v62 =	vld [tilespmem:$0x2F0];
	v58 =	vnsel vm6, $0x0, v58;
	vm6 =	vlt.f32 v59, $0.0e+00;
	vm11 =	vgt.f32 v9, v8  }
0x185: {  	v27 =	vld [tilespmem:$0x1FEC0];
	(erf) = vpow2.f32 v60;
	v16 =	vsel vm15, $0x2, v15;
	v8 =	vsel vm11, v9, v8  }
0x186: {  	v61 =	vld [tilespmem:$0x370];
	v13 =	vpop (erf);
	v11 =	vsel vm11, $0x3, v16;
	vm11 =	vmor vm0, vm1;
	vm14 =	vgt.f32 v63, v8  }
0x187: {  	v25 =	vld [tilespmem:$0x1FEB0];
	v59 =	vnsel vm12, $0x0, v13;
	vm12 =	vmor vm10, vm9;
	v8 =	vsel vm14, v63, v8  }
0x188: {  	v60 =	vld [tilespmem:$0x3F0];
	v26 =	vpop (erf);
	v18 =	vsel vm14, $0x4, v11;
	vm14 =	vgt.f32 v10, $-Inf;
	vm5 =	vmand vm12, vm11  }
0x189: {  	v24 =	vld [tilespmem:$0x1FEA0];
	v26 =	vnsel vm8, $0x0, v26;
	vm11 =	vmor vm7, vm6;
	vm15 =	vgt.f32 v62, v8  }
0x18a: {  	vm4 =	vmor vm14, vm13;
	v7 =	vpop (erf);
	v17 =	vsel vm15, v62, v8;
	v8 =	vsel vm15, $0x5, v18  }
0x18b: {  	v18 =	vmul.f32 v14, v27;
	v27 =	vnsel vm5, $0x0, v7;
	vm1 =	vgt.f32 v61, v17  }
0x18c: {  	v7 =	vld [tilespmem:$0x1FED0];
	v2 =	vsel vm1, v61, v17;
	v19 =	vsel vm1, $0x6, v8;
	v17 =	vmul.f32 v14, v3  }
0x18d: {  	v8 =	vadd.f32 v20, v56;
	v20 =	vmul.f32 v14, v25;
	[tilespmem:$0x680] =	vst v18;
	v18 =	vld [tilespmem:$0x1FF90];
	vm0 =	vgt.f32 v60, v2  }
0x18e: {  	vm2 =	vmand vm11, vm2;
	v16 =	vpop (erf);
	v4 =	vsel vm0, $0x7, v19;
	v19 =	vmul.f32 v14, v24;
	[tilespmem:$0x500] =	vst v17;
	v17 =	vld [tilespmem:$0x1FF80]  }
0x18f: {  	v8 =	vadd.f32 v8, v58;
	v25 =	vnsel vm2, $0x0, v16;
	[tilespmem:$0x600] =	vst v20;
	v20 =	vld [tilespmem:$0x1FFB0];
	vm15 =	vne.s32 v4, $0x0  }
0x190: {  	vm12 =	vne.s32 v4, $0x1;
	vm14 =	vne.s32 v4, $0x2;
	vm4 =	vmand vm4, vm15  }
0x191: {  	v11 =	vld [tilespmem:$0x1FEE0];
	v7 =	vmul.f32 v14, v7;
	v8 =	vadd.f32 v8, v59;
	v0 =	vnsel vm4, $0xFF800000, v10  }
0x192: {  	vm10 =	vne.s32 v4, $0x5;
	v18 =	vmul.f32 v29, v18;
	vm13 =	vgt.f32 v6, v0  }
0x193: {  	[tilespmem:$0x580] =	vst v19;
	v19 =	vld [tilespmem:$0x1FFA0];
	v8 =	vadd.f32 v8, v26;
	vm4 =	vmand vm12, vm13;
	vm12 =	vne.s32 v4, $0x3  }
0x194: {  	v17 =	vmul.f32 v29, v17;
	v20 =	vmul.f32 v29, v20;
	v0 =	vsel vm4, v6, v0  }
0x195: {  	[tilespmem:$0x480] =	vst v22;
	v22 =	vld [tilespmem:$0x1FFC0];
	v15 =	vadd.f32 v8, v27;
	v8 =	vsel vm0, v60, v2;
	vm15 =	vgt.f32 v5, v0  }
0x196: {  	v2 =	vmul.f32 v14, v11;
	v23 =	vsel vm4, $0x1, v23;
	vm5 =	vmand vm14, vm15  }
0x197: {  	v13 =	vld [tilespmem:$0x1FEF0];
	vm4 =	vmneg vm0;
	v24 =	vsub.f32 v10, v8;
	v0 =	vsel vm5, v5, v0  }
0x198: {  	v14 =	vld [tilespmem:$0x1FF00];
	v19 =	vmul.f32 v29, v19;
	vm1 =	vmand vm4, vm1;
	vm13 =	vgt.f32 v9, v0  }
0x199: {  	v3 =	vadd.f32 v15, v25;
	vm15 =	vne.s32 v4, $0x4;
	vm14 =	vmand vm12, vm13  }
0x19a: {  	v15 =	vld [tilespmem:$0x1FF10];
	[tilespmem:$0x780] =	vst v2;
	v2 =	vmul.f32 v29, v22;
	v1 =	vmul.f32 $1.442695020e+00, v24;
	v0 =	vsel vm14, v9, v0  }
0x19b: {  	v16 =	vld [tilespmem:$0x1FF20];
	v23 =	vsel vm5, $0x2, v23;
	(erf) = vrcp.f32 v3;
	vm9 =	vgt.f32 v63, v0  }
0x19c: {  	v24 =	vld [tilespmem:$0x1FF30];
	v3 =	vmul.f32 v12, v13;
	(erf) = vpow2.f32 v1;
	vm6 =	vmand vm15, vm9  }
0x19d: {  	v11 =	vmul.f32 v12, v14;
	vm12 =	vne.s32 v4, $0x6;
	v0 =	vsel vm6, v63, v0  }
0x19e: {  	v1 =	vsub.f32 v6, v8;
	v23 =	vsel vm14, $0x3, v23;
	vm11 =	vgt.f32 v62, v0  }
0x19f: {  	vm14 =	vlt.f32 v10, $0.0e+00;
	v13 =	vmul.f32 v12, v15;
	vm7 =	vmand vm10, vm11  }
0x1a0: {  	v15 =	vmul.f32 v12, v16;
	v1 =	vmul.f32 $1.442695020e+00, v1;
	v0 =	vsel vm7, v62, v0  }
0x1a1: {  	[tilespmem:$0x490] =	vst v11;
	v11 =	vmul.f32 v38, v28;
	v16 =	vmul.f32 v12, v24;
	v24 =	vld [tilespmem:$0x1FF50];
	vm13 =	vgt.f32 v61, v0  }
0x1a2: {  	v14 =	vld [tilespmem:$0x1FF40];
	v28 =	vmul.f32 v38, v32;
	v32 =	vmul.f32 v38, v35;
	vm3 =	vmand vm12, vm13  }
0x1a3: {  	vm15 =	vgt.f32 v10, $0.0e+00;
	v23 =	vsel vm6, $0x4, v23;
	v0 =	vsel vm3, v61, v0  }
0x1a4: {  	(erf) = vpow2.f32 v1;
	vm2 =	vgt.f32 v60, v0;
	v0 =	vsel vm7, $0x5, v23;
	v23 =	vld [tilespmem:$0x1FFD0]  }
0x1a5: {  	vm6 =	vmor vm15, vm14;
	vm14 =	vlt.f32 v6, $0.0e+00;
	[tilespmem:$0x630] =	vst v28;
	v28 =	vmul.f32 v47, v40  }
0x1a6: {  	vm15 =	vgt.f32 v6, $0.0e+00;
	v40 =	vmul.f32 v54, v46;
	v24 =	vmul.f32 v12, v24  }
0x1a7: {  	[tilespmem:$0x700] =	vst v7;
	v46 =	vmul.f32 v54, v50;
	v14 =	vmul.f32 v12, v14;
	vm10 =	veq.s32 v4, $0x4  }
0x1a8: {  	v12 =	vld [tilespmem:$0x1FF70];
	v7 =	vpop (erf);
	[tilespmem:$0x710] =	vst v24;
	v24 =	vmul.f32 v38, v31;
	v31 =	vmul.f32 v38, v34;
	v34 =	vsub.f32 v62, v8  }
0x1a9: {  	[tilespmem:$0x4A0] =	vst v17;
	vm12 =	veq.s32 v4, $0x0;
	v50 =	vmul.f32 v7, v55;
	v22 =	vmul.f32 v29, v23;
	v23 =	vld [tilespmem:$0x1FFE0]  }
0x1aa: {  	v55 =	vmul.f32 v7, v26;
	v0 =	vsel vm3, $0x6, v0;
	v17 =	vmul.f32 $1.442695020e+00, v34;
	[tilespmem:$0x5B0] =	vst v24  }
0x1ab: {  	vm5 =	vmand vm2, vm4;
	v24 =	vmul.f32 v47, v39;
	[tilespmem:$0x730] =	vst v31;
	v31 =	vmul.f32 v47, v43  }
0x1ac: {  	v34 =	vmul.f32 v47, v44;
	vm0 =	vmor vm0, vm2;
	v1 =	vsel vm5, $0x7, v0  }
0x1ad: {  	v10 =	vmul.f32 v29, v12;
	vm5 =	vmneg vm5;
	vm13 =	veq.s32 v1, $0x0  }
0x1ae: {  	[tilespmem:$0x410] =	vst v3;
	vm11 =	veq.s32 v1, $0x4;
	v3 =	vmul.f32 v29, v23;
	v29 =	vsub.f32 v5, v8  }
0x1af: {  	[tilespmem:$0x790] =	vst v21;
	vm3 =	vmand vm5, vm3;
	vm8 =	vmor vm12, vm13;
	vm12 =	veq.s32 v4, $0x1  }
0x1b0: {  	[tilespmem:$0x510] =	vst v13;
	vm13 =	veq.s32 v1, $0x1;
	vm1 =	vmor vm1, vm3;
	v13 =	vmul.f32 $1.442695020e+00, v29  }
0x1b1: {  	[tilespmem:$0x520] =	vst v18;
	v12 =	vpop (erf);
	vm6 =	vmand vm6, vm8;
	vm8 =	vmor vm12, vm13;
	vm12 =	veq.s32 v4, $0x2  }
0x1b2: {  	[tilespmem:$0x620] =	vst v20;
	v0 =	vnsel vm6, $0x0, v12;
	v12 =	vsub.f32 v9, v8;
	(erf) = vpow2.f32 v13  }
0x1b3: {  	[tilespmem:$0x5A0] =	vst v19;
	vm13 =	veq.s32 v1, $0x2;
	vm6 =	vmor vm15, vm14;
	vm14 =	vlt.f32 v5, $0.0e+00  }
0x1b4: {  	v21 =	vld [tilespmem:$0x1FFF0];
	[tilespmem:$0x6A0] =	vst v2;
	vm15 =	vgt.f32 v5, $0.0e+00;
	vm6 =	vmand vm6, vm8;
	v6 =	vmul.f32 $1.442695020e+00, v12  }
0x1b5: {  	[tilespmem:$0x610] =	vst v16;
	vm7 =	vmor vm15, vm14;
	vm14 =	veq.s32 v4, $0x3;
	v29 =	vsub.f32 v63, v8  }
0x1b6: {  	v16 =	vpop (erf);
	vm15 =	veq.s32 v1, $0x3;
	[tilespmem:$0x720] =	vst v22;
	v22 =	vmul.f32 v47, v37;
	(erf) = vpow2.f32 v6  }
0x1b7: {  	[tilespmem:$0x690] =	vst v14;
	v5 =	vnsel vm6, $0x0, v16;
	vm6 =	vmor vm12, vm13;
	v14 =	vmul.f32 $1.442695020e+00, v29  }
0x1b8: {  	[tilespmem:$0x590] =	vst v15;
	v23 =	vmul.f32 v38, v30;
	vm12 =	vlt.f32 v9, $0.0e+00;
	v30 =	vmul.f32 v38, v33  }
0x1b9: {  	[tilespmem:$0x430] =	vst v11;
	v6 =	vmul.f32 v38, v21;
	v38 =	vsub.f32 v61, v8;
	(erf) = vpow2.f32 v14  }
0x1ba: {  	[tilespmem:$0x7B0] =	vst v32;
	vm13 =	vgt.f32 v9, $0.0e+00;
	vm6 =	vmand vm7, vm6;
	vm7 =	vmor vm14, vm15  }
0x1bb: {  	[tilespmem:$0x530] =	vst v23;
	v23 =	vsub.f32 v60, v8;
	v20 =	vmul.f32 $1.442695020e+00, v38;
	v33 =	vpop (erf);
	(erf) = vpow2.f32 v17  }
0x1bc: {  	[tilespmem:$0x5C0] =	vst v28;
	vm8 =	vmor vm13, vm12;
	vm14 =	vlt.f32 v63, $0.0e+00;
	vm15 =	vgt.f32 v63, $0.0e+00  }
0x1bd: {  	vm12 =	veq.s32 v4, $0x5;
	[tilespmem:$0x4B0] =	vst v6;
	v6 =	vmul.f32 $1.442695020e+00, v23;
	(erf) = vpow2.f32 v20  }
0x1be: {  	vm13 =	veq.s32 v1, $0x5;
	vm7 =	vmand vm8, vm7;
	[tilespmem:$0x6B0] =	vst v30;
	v30 =	vadd.f32 v5, v0  }
0x1bf: {  	[tilespmem:$0x450] =	vst v40;
	vm8 =	vmor vm15, vm14;
	v35 =	vpop (erf);
	v2 =	vnsel vm6, $0x0, v33;
	(erf) = vpow2.f32 v6  }
0x1c0: {  	[tilespmem:$0x650] =	vst v46;
	vm14 =	vlt.f32 v62, $0.0e+00;
	vm15 =	vgt.f32 v62, $0.0e+00;
	v11 =	vadd.f32 v30, v2  }
0x1c1: {  	[tilespmem:$0x460] =	vst v50;
	v21 =	vmul.f32 v47, v36;
	vm6 =	vmor vm10, vm11;
	v63 =	vnsel vm7, $0x0, v35  }
0x1c2: {  	[tilespmem:$0x6E0] =	vst v55;
	vm11 =	vlt.f32 v61, $0.0e+00;
	vm6 =	vmand vm8, vm6;
	v32 =	vpop (erf);
	v36 =	vadd.f32 v11, v63  }
0x1c3: {  	[tilespmem:$0x540] =	vst v24;
	vm7 =	vmor vm12, vm13;
	vm8 =	vmor vm15, vm14;
	v35 =	vnsel vm6, $0x0, v32  }
0x1c4: {  	[tilespmem:$0x6C0] =	vst v31;
	vm12 =	vgt.f32 v61, $0.0e+00;
	vm10 =	vmand vm8, vm7;
	v6 =	vadd.f32 v36, v35;
	v37 =	vpop (erf)  }
0x1c5: {  	[tilespmem:$0x7C0] =	vst v34;
	vm13 =	vlt.f32 v60, $0.0e+00;
	vm3 =	vmor vm12, vm11;
	v8 =	vnsel vm10, $0x0, v37  }
0x1c6: {  	[tilespmem:$0x420] =	vst v10;
	vm14 =	vgt.f32 v60, $0.0e+00;
	vm1 =	vmand vm3, vm1;
	v38 =	vpop (erf);
	v6 =	vadd.f32 v6, v8  }
0x1c7: {  	[tilespmem:$0x4C0] =	vst v22;
	v29 =	vmul.f32 v47, v41;
	vm15 =	vmor vm14, vm13;
	v39 =	vnsel vm1, $0x0, v38  }
0x1c8: {  	[tilespmem:$0x7A0] =	vst v3;
	v41 =	vmul.f32 v54, v45;
	vm0 =	vmand vm15, vm0;
	v43 =	vpop (erf);
	v6 =	vadd.f32 v6, v39  }
0x1c9: {  	v45 =	vmul.f32 v54, v49;
	[tilespmem:$0x640] =	vst v29;
	v44 =	vnsel vm0, $0x0, v43  }
0x1ca: {  	v49 =	vmul.f32 v54, v53;
	[tilespmem:$0x4D0] =	vst v41;
	v6 =	vadd.f32 v6, v44  }
0x1cb: {  	v53 =	vmul.f32 v7, v58;
	[tilespmem:$0x5D0] =	vst v45  }
0x1cc: {  	[tilespmem:$0x7D0] =	vst v49;
	(erf) = vrcp.f32 v6  }
0x1cd: {  	[tilespmem:$0x5E0] =	vst v53;
	v33 =	vmul.f32 v47, v42  }
0x1ce: {  	[tilespmem:$0x440] =	vst v21;
	v42 =	vmul.f32 v54, v48  }
0x1cf: {  	v47 =	vmul.f32 v54, v51;
	[tilespmem:$0x740] =	vst v33  }
0x1d0: {  	v48 =	vmul.f32 v54, v52;
	[tilespmem:$0x550] =	vst v42  }
0x1d1: {  	v51 =	vmul.f32 v7, v57;
	[tilespmem:$0x6D0] =	vst v47  }
0x1d2: {  	v52 =	vmul.f32 v7, v56;
	[tilespmem:$0x750] =	vst v48  }
0x1d3: {  	v54 =	vmul.f32 v7, v59;
	[tilespmem:$0x4E0] =	vst v51  }
0x1d4: {  	v56 =	vmul.f32 v7, v27;
	[tilespmem:$0x560] =	vst v52  }
0x1d5: {  	v7 =	vmul.f32 v7, v25;
	[tilespmem:$0x660] =	vst v54;
	v57 =	vpop (erf)  }
0x1d6: {  	[tilespmem:$0x760] =	vst v56;
	v0 =	vmul.f32 v57, v0  }
0x1d7: {  	[tilespmem:$0x7E0] =	vst v7;
	v5 =	vmul.f32 v57, v5  }
0x1d8: {  	v58 =	vmul.f32 v57, v2;
	[tilespmem:$0x470] =	vst v0  }
0x1d9: {  	v59 =	vmul.f32 v57, v63;
	[tilespmem:$0x4F0] =	vst v5  }
0x1da: {  	v60 =	vmul.f32 v57, v35;
	[tilespmem:$0x570] =	vst v58  }
0x1db: {  	v61 =	vmul.f32 v57, v8;
	[tilespmem:$0x5F0] =	vst v59  }
0x1dc: {  	v62 =	vmul.f32 v57, v39;
	[tilespmem:$0x670] =	vst v60  }
0x1dd: {  	v63 =	vmul.f32 v57, v44;
	[tilespmem:$0x6F0] =	vst v61  }
0x1de: {  	p0 =	sne.s32 s5, $0x1;
	[tilespmem:$0x770] =	vst v62  }
.Ltmp0:
0x1df: {  	[tilespmem:$0x7F0] =	vst v63;
	(pc) =	sbr.rel @p0 .LBB2_1-.Ltmp0, $4  }
0x1e0: {  	[hbm4b:s4+s2] =	stream.linear.scatter [tilespmem:s7], [sflag:$0x1], $0x400, $0x38;
	[tilespmem:$0x800] =	vst v63  }
0x1e1: {  	_ =	swait.ge [sflag:s6], $0x400  }
0x1e2: {  	[sflag:s6] =	ssyncset.done $0x0  }
0x1e3: {  	s5 =	sadd.s32 $0xFFFFFFFF, s5;
	[sflag:s6] =	ssyncadd.s32 $0xFFFFFC00  }
0x1e4: {  	_ =	sfence.sel $0x180000  }
0x1e5: {  	[bflag:$0x0] =	sbarrier.arrive $0xFFFF  }
0x1e6: {  	p0 =	sne.s32 s1, $0x0;
	_ =	strace $0x90000047  }
0x1e7: {  	s0 =	sadd.s32 @!p0 $0x100000, s0;
	[bflag:$0x2] =	sbarrier.arrive $0xFFFF  }
0x1e8: {  	[sflag:s0] =	ssyncadd.tile.s32 @!p0 $0x1;
	_ =	shalt  }
.Lfunc_end2:
_tile_overlayer_lowered:
.L_overlay_start_2:
0x1e9: {  	(tag) =	ssettag $0x2  }
0x1ea: {  	s0 =	rddreg [dreg:$0x0];
	s2 =	stileid.u32  }
0x1eb: {  	s1 =	rddreg [dreg:$0x1];
	p0 =	sne.s32 s2, $0x0  }
0x1ec: {  	s3 =	rddreg [dreg:$0x2];
	[bflag:$0x3] =	sbarrier.arrive $0xFFFF;
	s2 =	simm.s32 @!p0 $0x1C01  }
0x1ed: {  	[timem:s3], [sflag:s2] =	dma.local @!p0 [hbm:s0], s1  }
0x1ee: {  	s0 =	simm.s32 @!p0 $0x1  }
0x1ef: {  	_ =	swait.ge @!p0 [sflag:s0], s1  }
0x1f0: {  	s1 =	ssub.s32 @!p0 $0x0, s1;
	[sflag:s0] =	ssyncset.done @!p0 $0x0  }
0x1f1: {  	[sflag:s0] =	ssyncadd.s32 @!p0 s1  }
0x1f2: {  	[bflag:$0x3] =	sbarrier.arrive $0xFFFF  }
0x1f3: {  	_ =	shalt  }

</sc_bundles>
